<compile_context>
chip_gen: v7x
topology: tpu7x:2x2x1
jax: 0.10.2.dev20260603
libtpu: 0.0.44.dev20260713+nightly
codegen_flags: <defaults>
</compile_context>

<pallas_src>
import functools

import jax
import jax.numpy as jnp
import numpy as np
from jax import lax
from jax.experimental import pallas as pl
from jax.experimental.pallas import tpu as pltpu
from jax.experimental.pallas import tpu_sc as plsc

_S = 9
_C = 128
_H = 8
_D = 16
_SD = _S * _D
_SDP = 256
_N = 512
_E = 2048
_M = 2048
_B = 8
_EPS = 1e-7
_DEG = [0, 1, 1, 1, 2, 2, 2, 2, 2]
_OFF = [0, 1, 4, 9]
_SCALE = float(np.sqrt(_D / 3.0) / _D)


def _proj_kernel(x_ref, w_ref, b_ref, o_ref):
    s = pl.program_id(1)
    y = jnp.dot(x_ref[0, 0], w_ref[0, 0], preferred_element_type=jnp.float32)
    y = jnp.where(s == 0, y + b_ref[0, 0], y)
    o_ref[0, 0] = y


def _attn_kernel(q_ref, k_ref, v_ref, bias_ref, env_ref, bidx_ref, o_ref):
    q = q_ref[0] * _SCALE
    a = jax.lax.dot_general(q, k_ref[0], (((1,), (1,)), ((), ())),
                            preferred_element_type=jnp.float32)
    a = a + bias_ref[...]
    mx = jnp.max(a, axis=1, keepdims=True)
    env = env_ref[...]
    p = jnp.exp(a - mx) * env
    bidx = bidx_ref[...]
    oht = (jax.lax.broadcasted_iota(jnp.int32, (_B, _E), 0) == bidx)
    oht = oht.astype(jnp.float32)
    p_hi = p.astype(jnp.bfloat16).astype(jnp.float32)
    p_lo = p - p_hi
    ds = (((1,), (1,)), ((), ()))
    sums = (jax.lax.dot_general(p_hi, oht, ds,
                                preferred_element_type=jnp.float32)
            + jax.lax.dot_general(p_lo, oht, ds,
                                  preferred_element_type=jnp.float32))
    rn = 1.0 / (sums + 1e-16)
    rn_hi = rn.astype(jnp.bfloat16).astype(jnp.float32)
    rn_lo = rn - rn_hi
    dn = (((1,), (0,)), ((), ()))
    rnb = (jax.lax.dot_general(rn_hi, oht, dn,
                               preferred_element_type=jnp.float32)
           + jax.lax.dot_general(rn_lo, oht, dn,
                                 preferred_element_type=jnp.float32))
    attw = p * env * rnb
    o_ref[0] = jnp.dot(attw, v_ref[0], preferred_element_type=jnp.float32)


def _out_kernel(y_ref, wp_ref, bp_ref, w0_ref, b0_ref, wl_ref, o_ref):
    x0 = y_ref[0]
    mu = jnp.mean(x0, -1, keepdims=True)
    xc = x0 - mu
    var = jnp.mean(xc * xc, -1, keepdims=True)
    ln0 = xc * jax.lax.rsqrt(var + _EPS) * w0_ref[0] + b0_ref[0]
    o_ref[0] = jnp.dot(ln0, wp_ref[0],
                       preferred_element_type=jnp.float32) + bp_ref[0]
    for l in (1, 2):
        rows = [y_ref[s] for s in range(_OFF[l], _OFF[l + 1])]
        nrm = jnp.mean(sum(r * r for r in rows), -1, keepdims=True)
        scale = jax.lax.rsqrt(nrm + _EPS) * wl_ref[l - 1]
        for s in range(_OFF[l], _OFF[l + 1]):
            o_ref[s] = jnp.dot(y_ref[s] * scale, wp_ref[s],
                               preferred_element_type=jnp.float32)


_NW = 32
_RPW = _N // _NW
_RG = 2
_EPW = _E // _NW


def _sc_gather_body(env_hbm, bias_hbm, emt_hbm, kt_hbm, vt_hbm, ai_hbm,
                    be_out, kh_out, vh_out,
                    env_t, b_t0, b_t1, b_t2, b_t3, b_t4, b_t5, b_t6, b_t7,
                    ib0, ib1, rb0, rb1, ai_v, hidx, row_b0, row_b1,
                    sg0, sg1, sc0, sc1, si0, si1, so0, so1):
    bias_ts = (b_t0, b_t1, b_t2, b_t3, b_t4, b_t5, b_t6, b_t7)
    wid = lax.axis_index("s") * 2 + lax.axis_index("c")
    e0 = wid * _EPW
    n_base = wid * _RPW

    pltpu.sync_copy(ai_hbm.at[pl.ds(e0, _EPW)], ai_v)
    for h in range(_H):
        for c in range(_EPW // 16):
            hidx[h, pl.ds(c * 16, 16)] = ai_v[pl.ds(c * 16, 16)] + h * _N

    kvbufs = (row_b0, row_b1)
    semg = (sg0, sg1)
    semc = (sc0, sc1)
    gh = [None, None]
    ch = [None, None]

    def fire(j):
        b = j % 2
        if ch[b] is not None:
            ch[b].wait()
            ch[b] = None
        src = kt_hbm if j % 2 == 0 else vt_hbm
        gh[b] = pltpu.async_copy(src.at[hidx.at[j // 2]], kvbufs[b], semg[b])

    def service(j):
        b = j % 2
        gh[b].wait()
        dst = kh_out if j % 2 == 0 else vh_out
        ch[b] = pltpu.async_copy(kvbufs[b], dst.at[j // 2, pl.ds(e0, _EPW)],
                                 semc[b])

    fire(0)
    fire(1)

    pltpu.sync_copy(env_hbm, env_t)
    for h in range(_H):
        pltpu.sync_copy(bias_hbm.at[pl.ds(h * _M, _M)], bias_ts[h])

    ibs = (ib0, ib1)
    rbs = (rb0, rb1)
    si = (si0, si1)
    so = (so0, so1)
    ih = [None, None]
    oh = [None, None]

    def prefetch(r):
        b = r % 2
        ih[b] = pltpu.async_copy(emt_hbm.at[n_base + r], ibs[b], si[b])

    prefetch(0)
    for r in range(_RPW):
        b = r % 2
        ih[b].wait()
        if r + 1 < _RPW:
            prefetch(r + 1)
        if oh[b] is not None:
            oh[b].wait()

        def chunk(c, carry, b=b):
            o = c * 16
            idx = ibs[b][pl.ds(o, 16)]
            rbs[b][pl.ds(8 * _E + o, 16)] = plsc.load_gather(env_t, [idx])
            for h in range(_H):
                rbs[b][pl.ds(h * _E + o, 16)] = plsc.load_gather(
                    bias_ts[h], [idx])
            return carry

        lax.fori_loop(0, _E // 16, chunk, 0)
        oh[b] = pltpu.async_copy(rbs[b], be_out.at[n_base + r], so[b])
        service(r)
        if r + 2 < 2 * _H:
            fire(r + 2)
    oh[0].wait()
    oh[1].wait()
    ch[0].wait()
    ch[1].wait()


_sc_gather = functools.partial(
    pl.kernel,
    mesh=plsc.VectorSubcoreMesh(core_axis_name="c", subcore_axis_name="s"),
    out_type=[
        jax.ShapeDtypeStruct((_N, (_H + 1) * _E), jnp.float32),
        jax.ShapeDtypeStruct((_H, _E, _SDP), jnp.float32),
        jax.ShapeDtypeStruct((_H, _E, _SDP), jnp.float32),
    ],
    scratch_types=[pltpu.VMEM((_M,), jnp.float32)] * 9 + [
        pltpu.VMEM((_E,), jnp.int32),
        pltpu.VMEM((_E,), jnp.int32),
        pltpu.VMEM(((_H + 1) * _E,), jnp.float32),
        pltpu.VMEM(((_H + 1) * _E,), jnp.float32),
        pltpu.VMEM((_EPW,), jnp.int32),
        pltpu.VMEM((_H, _EPW), jnp.int32),
        pltpu.VMEM((_EPW, _SDP), jnp.float32),
        pltpu.VMEM((_EPW, _SDP), jnp.float32),
    ] + [pltpu.SemaphoreType.DMA] * 8,
    compiler_params=pltpu.CompilerParams(needs_layout_passes=False),
)(_sc_gather_body)


def _to_heads(xp):
    n = xp.shape[1]
    return xp.reshape(_S, n, _H, _D).transpose(2, 1, 0, 3).reshape(_H, n, _SD)


def kernel(q, k, v, envelope, attn_bias, atom_index, batch_index, edge_map_tab,
           Wq, bq, Wk, bk, Wv, bv, ln_w0, ln_b0, ln_wl, Wp, bp):
    deg = jnp.asarray(_DEG)
    X = jnp.stack([q, k, v]).transpose(0, 2, 1, 3)
    W = jnp.stack([Wq[deg], Wk[deg], Wv[deg]])
    bqkv = jnp.stack([bq, bk, bv]).reshape(3, 1, _C)

    proj = pl.pallas_call(
        _proj_kernel,
        grid=(3, _S),
        in_specs=[
            pl.BlockSpec((1, 1, _N, _C), lambda i, s: (i, s, 0, 0)),
            pl.BlockSpec((1, 1, _C, _C), lambda i, s: (i, s, 0, 0)),
            pl.BlockSpec((1, 1, _C), lambda i, s: (i, 0, 0)),
        ],
        out_specs=pl.BlockSpec((1, 1, _N, _C), lambda i, s: (i, s, 0, 0)),
        out_shape=jax.ShapeDtypeStruct((3, _S, _N, _C), jnp.float32),
    )(X, W, bqkv)

    pad = lambda x: jnp.pad(x, ((0, 0), (0, 0), (0, _SDP - _SD)))
    qh = pad(_to_heads(proj[0]))
    khN = pad(_to_heads(proj[1]))
    vhN = pad(_to_heads(proj[2]))
    be, kh, vh = _sc_gather(
        envelope, attn_bias.reshape(_H * _M), edge_map_tab.astype(jnp.int32),
        khN.reshape(_H * _N, _SDP), vhN.reshape(_H * _N, _SDP),
        atom_index.astype(jnp.int32))
    bidx2 = batch_index.reshape(1, _E).astype(jnp.int32)

    BN = 512
    NB = _N // BN
    attn = pl.pallas_call(
        _attn_kernel,
        grid=(NB, _H),
        in_specs=[
            pl.BlockSpec((1, BN, _SDP), lambda nb, h: (h, nb, 0)),
            pl.BlockSpec((1, _E, _SDP), lambda nb, h: (h, 0, 0)),
            pl.BlockSpec((1, _E, _SDP), lambda nb, h: (h, 0, 0)),
            pl.BlockSpec((BN, _E), lambda nb, h: (nb, h)),
            pl.BlockSpec((BN, _E), lambda nb, h: (nb, _H)),
            pl.BlockSpec((1, _E), lambda nb, h: (0, 0)),
        ],
        out_specs=pl.BlockSpec((1, BN, _SDP), lambda nb, h: (h, nb, 0)),
        out_shape=jax.ShapeDtypeStruct((_H, _N, _SDP), jnp.float32),
    )(qh, kh, vh, be, be, bidx2)[..., :_SD]

    y = attn.reshape(_H, _N, _S, _D).transpose(2, 1, 0, 3).reshape(_S, _N, _C)

    out = pl.pallas_call(
        _out_kernel,
        out_shape=jax.ShapeDtypeStruct((_S, _N, _C), jnp.float32),
    )(y, Wp[deg], bp.reshape(1, _C), ln_w0.reshape(1, _C),
      ln_b0.reshape(1, _C), ln_wl)

    return out.transpose(1, 0, 2)

# --- scband reference (transcript-rebuilt; emitter-appended) ---
"""Pipeline reference for scband-equ-attention-11948599018113 (READ-ONLY COPY).

The authoritative reference and input builder live on the scoring server;
editing this copy changes nothing except your own understanding.
"""

import jax, jax.numpy as jnp
import numpy as np

LMAX = 2
S = (LMAX + 1) ** 2
C_IN = 128
C_H = 128
H = 8
D = C_H // H
N = 512
E = 2048
M = 2048
B = 8
EPS = 1e-7
DEG = jnp.asarray(np.repeat(np.arange(LMAX + 1), 2 * np.arange(LMAX + 1) + 1))
OFFSETS = [0, 1, 4, 9]
SCALE = float(np.sqrt(D / 3.0) / D)

def so3_linear(x, W, b):
    # per-degree linear: W[l] applied to all m of degree l; bias only on l=0
    out = jnp.einsum('nsi,sio->nso', x, W[DEG])
    return out.at[:, 0, :].add(b)

def equiv_layernorm(x, w0, b0, wl):
    # x: [B0, N, S, C]; standard LN on l=0, RMS over (m, mean-over-C) for l>0
    x0 = x[..., 0:1, :]
    mu = jnp.mean(x0, axis=-1, keepdims=True)
    var = jnp.var(x0, axis=-1, keepdims=True)
    outs = [(x0 - mu) / jnp.sqrt(var + EPS) * w0 + b0]
    for l in range(1, LMAX + 1):
        xl = x[..., OFFSETS[l]:OFFSETS[l + 1], :]
        nrm = jnp.mean(jnp.sum(xl * xl, axis=-2, keepdims=True), axis=-1, keepdims=True)
        outs.append(xl * jax.lax.rsqrt(nrm + EPS) * wl[l - 1])
    return jnp.concatenate(outs, axis=-2)

def smooth_scatter_softmax(src, index, envelope):
    # src: [H, N, E], index: [E] (batch ids), envelope: [N, E]
    srcT = jnp.moveaxis(src, -1, 0)
    seg_max = jax.ops.segment_max(srcT, index, num_segments=B)
    max_per = jax.lax.stop_gradient(jnp.moveaxis(seg_max[index], 0, -1))
    rec_exp = jnp.exp(src - max_per) * envelope[None]
    seg_sum = jax.ops.segment_sum(jnp.moveaxis(rec_exp, -1, 0), index, num_segments=B)
    norm = jnp.moveaxis(seg_sum[index], 0, -1)
    return rec_exp / (norm + 1e-16)

def setup_inputs(seed: int = 0):
    key = jax.random.key(seed)
    ks = [jax.random.fold_in(key, i) for i in range(20)]
    inp = {}
    inp['q'] = jax.random.normal(ks[0], (N, S, C_IN), dtype=jnp.float32)
    inp['k'] = jax.random.normal(ks[1], (N, S, C_IN), dtype=jnp.float32)
    inp['v'] = jax.random.normal(ks[2], (N, S, C_IN), dtype=jnp.float32)
    inp['envelope'] = jax.random.uniform(ks[3], (M,), dtype=jnp.float32)
    inp['attn_bias'] = jax.random.normal(ks[4], (H, M), dtype=jnp.float32)
    inp['atom_index'] = jax.random.randint(ks[5], (E,), 0, N)
    inp['batch_index'] = jnp.sort(jax.random.randint(ks[6], (E,), 0, B))
    inp['edge_map_tab'] = jax.random.randint(ks[7], (N, E), 0, M)
    s_in = 1.0 / np.sqrt(C_IN)
    s_h = 1.0 / np.sqrt(C_H)
    inp['Wq'] = jax.random.normal(ks[8], (LMAX + 1, C_IN, C_H), dtype=jnp.float32) * s_in
    inp['bq'] = jnp.zeros((C_H,), dtype=jnp.float32)
    inp['Wk'] = jax.random.normal(ks[9], (LMAX + 1, C_IN, C_H), dtype=jnp.float32) * s_in
    inp['bk'] = jnp.zeros((C_H,), dtype=jnp.float32)
    inp['Wv'] = jax.random.normal(ks[10], (LMAX + 1, C_IN, C_H), dtype=jnp.float32) * s_in
    inp['bv'] = jnp.zeros((C_H,), dtype=jnp.float32)
    inp['ln_w0'] = jnp.ones((C_H,), dtype=jnp.float32)
    inp['ln_b0'] = jnp.zeros((C_H,), dtype=jnp.float32)
    inp['ln_wl'] = jnp.ones((LMAX, C_H), dtype=jnp.float32)
    inp['Wp'] = jax.random.normal(ks[11], (LMAX + 1, C_H, C_IN), dtype=jnp.float32) * s_h
    inp['bp'] = jnp.zeros((C_IN,), dtype=jnp.float32)
    return inp

def reference(q, k, v, envelope, attn_bias, atom_index, batch_index, edge_map_tab, Wq, bq, Wk, bk, Wv, bv, ln_w0, ln_b0, ln_wl, Wp, bp):
    q = so3_linear(q, Wq, bq)
    k = so3_linear(k, Wk, bk)
    v = so3_linear(v, Wv, bv)
    k = k[atom_index]
    v = v[atom_index]
    qh = jnp.swapaxes(q.reshape(N, S, H, D).transpose(0, 2, 1, 3).reshape(N, H, S * D), 0, 1)
    kh = jnp.swapaxes(k.reshape(E, S, H, D).transpose(0, 2, 1, 3).reshape(E, H, S * D), 0, 1)
    vh = jnp.swapaxes(v.reshape(E, S, H, D).transpose(0, 2, 1, 3).reshape(E, H, S * D), 0, 1)
    attw = jnp.matmul(qh * SCALE, jnp.swapaxes(kh, -1, -2))
    attw = attw + attn_bias[:, edge_map_tab]
    env_e = envelope[edge_map_tab]
    attw = smooth_scatter_softmax(attw, batch_index, env_e)
    attw = attw * env_e[None]
    out = jnp.matmul(attw, vh)
    out = jnp.swapaxes(out, 0, 1).reshape(N, H, S, D).transpose(0, 2, 1, 3).reshape(N, S, C_H)
    out = equiv_layernorm(out[None], ln_w0, ln_b0, ln_wl)[0]
    out = so3_linear(out, Wp, bp)
    return out

if __name__ == "__main__":
    import jax
    _d = setup_inputs()
    print(jax.jit(kernel)(*tuple(_d.values())))

</pallas_src>

<mosaic_0001>
#map = affine_map<(d0, d1) -> (0)>
#map1 = affine_map<(d0, d1) -> (0, 0)>
#map2 = affine_map<(d0, d1) -> (0, 0, 0)>
module attributes {stable_mosaic.version = 14 : i64} {
  func.func @_sc_gather_body(%arg0: i32, %arg1: i32, %arg2: memref<2048xf32, #tpu.memory_space<hbm>>, %arg3: memref<16384xf32, #tpu.memory_space<hbm>>, %arg4: memref<512x2048xi32, #tpu.memory_space<hbm>>, %arg5: memref<4096x256xf32, #tpu.memory_space<hbm>>, %arg6: memref<4096x256xf32, #tpu.memory_space<hbm>>, %arg7: memref<2048xi32, #tpu.memory_space<hbm>>, %arg8: memref<512x18432xf32, #tpu.memory_space<hbm>>, %arg9: memref<8x2048x256xf32, #tpu.memory_space<hbm>>, %arg10: memref<8x2048x256xf32, #tpu.memory_space<hbm>>, %arg11: memref<2048xf32, #tpu.memory_space<vmem>>, %arg12: memref<2048xf32, #tpu.memory_space<vmem>>, %arg13: memref<2048xf32, #tpu.memory_space<vmem>>, %arg14: memref<2048xf32, #tpu.memory_space<vmem>>, %arg15: memref<2048xf32, #tpu.memory_space<vmem>>, %arg16: memref<2048xf32, #tpu.memory_space<vmem>>, %arg17: memref<2048xf32, #tpu.memory_space<vmem>>, %arg18: memref<2048xf32, #tpu.memory_space<vmem>>, %arg19: memref<2048xf32, #tpu.memory_space<vmem>>, %arg20: memref<2048xi32, #tpu.memory_space<vmem>>, %arg21: memref<2048xi32, #tpu.memory_space<vmem>>, %arg22: memref<18432xf32, #tpu.memory_space<vmem>>, %arg23: memref<18432xf32, #tpu.memory_space<vmem>>, %arg24: memref<64xi32, #tpu.memory_space<vmem>>, %arg25: memref<8x64xi32, #tpu.memory_space<vmem>>, %arg26: memref<64x256xf32, #tpu.memory_space<vmem>>, %arg27: memref<64x256xf32, #tpu.memory_space<vmem>>, %arg28: memref<!tpu.dma_semaphore, #tpu.memory_space<semaphore_mem>>, %arg29: memref<!tpu.dma_semaphore, #tpu.memory_space<semaphore_mem>>, %arg30: memref<!tpu.dma_semaphore, #tpu.memory_space<semaphore_mem>>, %arg31: memref<!tpu.dma_semaphore, #tpu.memory_space<semaphore_mem>>, %arg32: memref<!tpu.dma_semaphore, #tpu.memory_space<semaphore_mem>>, %arg33: memref<!tpu.dma_semaphore, #tpu.memory_space<semaphore_mem>>, %arg34: memref<!tpu.dma_semaphore, #tpu.memory_space<semaphore_mem>>, %arg35: memref<!tpu.dma_semaphore, #tpu.memory_space<semaphore_mem>>) attributes {dimension_semantics = [#tpu.dimension_semantics<core_parallel>, #tpu.dimension_semantics<subcore_parallel>], iteration_bounds = array<i64: 2, 16>, scalar_prefetch = 0 : i64, scratch_operands = 25 : i64, tpu.core_type = #tpu.core_type<sc_vector_subcore>, window_params = [{transform_indices = #map}, {transform_indices = #map}, {transform_indices = #map1}, {transform_indices = #map1}, {transform_indices = #map1}, {transform_indices = #map}, {transform_indices = #map1}, {transform_indices = #map2}, {transform_indices = #map2}]} {
    %mul3A = arith.constant 2 : i32
    %mul3A_0 = arith.muli %arg1, %mul3A : i32
    %add3A = arith.addi %mul3A_0, %arg0 : i32
    %mul3A_1 = arith.constant 64 : i32
    %mul3A_2 = arith.muli %add3A, %mul3A_1 : i32
    %mul3A_3 = arith.constant 16 : i32
    %mul3A_4 = arith.muli %add3A, %mul3A_3 : i32
    "tpu.region"() ({
      %run_scoped3A = tpu.sem_alloc : memref<!tpu.dma_semaphore, #tpu.memory_space<semaphore_mem>>
      %dma_start3A_1280 = tpu.memref_slice %arg7[%mul3A_2] : memref<2048xi32, #tpu.memory_space<hbm>> -> memref<64xi32, #tpu.memory_space<hbm>>
      %dma_start3A_1281 = tpu.memref_slice %arg7[%mul3A_2] : memref<2048xi32, #tpu.memory_space<hbm>> -> memref<64xi32, #tpu.memory_space<hbm>>
      tpu.enqueue_dma source(%dma_start3A_1281 : memref<64xi32, #tpu.memory_space<hbm>>) target(%arg24 : memref<64xi32, #tpu.memory_space<vmem>>) target_semaphore(%run_scoped3A : memref<!tpu.dma_semaphore, #tpu.memory_space<semaphore_mem>>)
      %dma_wait3A_1282 = tpu.memref_slice %arg7[%mul3A_2] : memref<2048xi32, #tpu.memory_space<hbm>> -> memref<64xi32, #tpu.memory_space<hbm>>
      %dma_wait3A_1283 = tpu.memref_slice %arg7[%mul3A_2] : memref<2048xi32, #tpu.memory_space<hbm>> -> memref<64xi32, #tpu.memory_space<hbm>>
      tpu.wait_dma2 semaphore(%run_scoped3A : memref<!tpu.dma_semaphore, #tpu.memory_space<semaphore_mem>>) src(%dma_wait3A_1283 : memref<64xi32, #tpu.memory_space<hbm>>) dst(%arg24 : memref<64xi32, #tpu.memory_space<vmem>>)
      tpu.yield
    }) : () -> ()
    %get3A = arith.constant 0 : index
    %get3A_5 = tpu.vector_load %arg24[%get3A] {strides = array<i32>} : memref<64xi32, #tpu.memory_space<vmem>>, vector<16xi32>,
    %add3A_6 = arith.constant 0 : i32
    %add3A_7 = vector.broadcast %add3A_6 : i32 to vector<16xi32>
    %add3A_8 = arith.addi %get3A_5, %add3A_7 : vector<16xi32>
    %swap3A = arith.constant 0 : i32
    %swap3A_9 = arith.index_cast %swap3A : i32 to index
    %swap3A_10 = arith.constant 0 : index
    %swap3A_11 = tpu.vector_load %arg25[%swap3A_9, %swap3A_10] {strides = array<i32>} : memref<8x64xi32, #tpu.memory_space<vmem>>, vector<16xi32>,
    tpu.vector_store %arg25[%swap3A_9, %swap3A_10], %add3A_8 {strides = array<i32>} : memref<8x64xi32, #tpu.memory_space<vmem>>, vector<16xi32>,
    %get3A_12 = arith.constant 16 : index
    %get3A_13 = tpu.vector_load %arg24[%get3A_12] {strides = array<i32>} : memref<64xi32, #tpu.memory_space<vmem>>, vector<16xi32>,
    %add3A_14 = arith.constant 0 : i32
    %add3A_15 = vector.broadcast %add3A_14 : i32 to vector<16xi32>
    %add3A_16 = arith.addi %get3A_13, %add3A_15 : vector<16xi32>
    %swap3A_17 = arith.constant 0 : i32
    %swap3A_18 = arith.index_cast %swap3A_17 : i32 to index
    %swap3A_19 = arith.constant 16 : index
    %swap3A_20 = tpu.vector_load %arg25[%swap3A_18, %swap3A_19] {strides = array<i32>} : memref<8x64xi32, #tpu.memory_space<vmem>>, vector<16xi32>,
    tpu.vector_store %arg25[%swap3A_18, %swap3A_19], %add3A_16 {strides = array<i32>} : memref<8x64xi32, #tpu.memory_space<vmem>>, vector<16xi32>,
    %get3A_21 = arith.constant 32 : index
    %get3A_22 = tpu.vector_load %arg24[%get3A_21] {strides = array<i32>} : memref<64xi32, #tpu.memory_space<vmem>>, vector<16xi32>,
    %add3A_23 = arith.constant 0 : i32
    %add3A_24 = vector.broadcast %add3A_23 : i32 to vector<16xi32>
    %add3A_25 = arith.addi %get3A_22, %add3A_24 : vector<16xi32>
    %swap3A_26 = arith.constant 0 : i32
    %swap3A_27 = arith.index_cast %swap3A_26 : i32 to index
    %swap3A_28 = arith.constant 32 : index
    %swap3A_29 = tpu.vector_load %arg25[%swap3A_27, %swap3A_28] {strides = array<i32>} : memref<8x64xi32, #tpu.memory_space<vmem>>, vector<16xi32>,
    tpu.vector_store %arg25[%swap3A_27, %swap3A_28], %add3A_25 {strides = array<i32>} : memref<8x64xi32, #tpu.memory_space<vmem>>, vector<16xi32>,
    %get3A_30 = arith.constant 48 : index
    %get3A_31 = tpu.vector_load %arg24[%get3A_30] {strides = array<i32>} : memref<64xi32, #tpu.memory_space<vmem>>, vector<16xi32>,
    %add3A_32 = arith.constant 0 : i32
    %add3A_33 = vector.broadcast %add3A_32 : i32 to vector<16xi32>
    %add3A_34 = arith.addi %get3A_31, %add3A_33 : vector<16xi32>
    %swap3A_35 = arith.constant 0 : i32
    %swap3A_36 = arith.index_cast %swap3A_35 : i32 to index
    %swap3A_37 = arith.constant 48 : index
    %swap3A_38 = tpu.vector_load %arg25[%swap3A_36, %swap3A_37] {strides = array<i32>} : memref<8x64xi32, #tpu.memory_space<vmem>>, vector<16xi32>,
    tpu.vector_store %arg25[%swap3A_36, %swap3A_37], %add3A_34 {strides = array<i32>} : memref<8x64xi32, #tpu.memory_space<vmem>>, vector<16xi32>,
    %get3A_39 = arith.constant 0 : index
    %get3A_40 = tpu.vector_load %arg24[%get3A_39] {strides = array<i32>} : memref<64xi32, #tpu.memory_space<vmem>>, vector<16xi32>,
    %add3A_41 = arith.constant 512 : i32
    %add3A_42 = vector.broadcast %add3A_41 : i32 to vector<16xi32>
    %add3A_43 = arith.addi %get3A_40, %add3A_42 : vector<16xi32>
    %swap3A_44 = arith.constant 1 : i32
    %swap3A_45 = arith.index_cast %swap3A_44 : i32 to index
    %swap3A_46 = arith.constant 0 : index
    %swap3A_47 = tpu.vector_load %arg25[%swap3A_45, %swap3A_46] {strides = array<i32>} : memref<8x64xi32, #tpu.memory_space<vmem>>, vector<16xi32>,
    tpu.vector_store %arg25[%swap3A_45, %swap3A_46], %add3A_43 {strides = array<i32>} : memref<8x64xi32, #tpu.memory_space<vmem>>, vector<16xi32>,
    %get3A_48 = arith.constant 16 : index
    %get3A_49 = tpu.vector_load %arg24[%get3A_48] {strides = array<i32>} : memref<64xi32, #tpu.memory_space<vmem>>, vector<16xi32>,
    %add3A_50 = arith.constant 512 : i32
    %add3A_51 = vector.broadcast %add3A_50 : i32 to vector<16xi32>
    %add3A_52 = arith.addi %get3A_49, %add3A_51 : vector<16xi32>
    %swap3A_53 = arith.constant 1 : i32
    %swap3A_54 = arith.index_cast %swap3A_53 : i32 to index
    %swap3A_55 = arith.constant 16 : index
    %swap3A_56 = tpu.vector_load %arg25[%swap3A_54, %swap3A_55] {strides = array<i32>} : memref<8x64xi32, #tpu.memory_space<vmem>>, vector<16xi32>,
    tpu.vector_store %arg25[%swap3A_54, %swap3A_55], %add3A_52 {strides = array<i32>} : memref<8x64xi32, #tpu.memory_space<vmem>>, vector<16xi32>,
    %get3A_57 = arith.constant 32 : index
    %get3A_58 = tpu.vector_load %arg24[%get3A_57] {strides = array<i32>} : memref<64xi32, #tpu.memory_space<vmem>>, vector<16xi32>,
    %add3A_59 = arith.constant 512 : i32
    %add3A_60 = vector.broadcast %add3A_59 : i32 to vector<16xi32>
    %add3A_61 = arith.addi %get3A_58, %add3A_60 : vector<16xi32>
    %swap3A_62 = arith.constant 1 : i32
    %swap3A_63 = arith.index_cast %swap3A_62 : i32 to index
    %swap3A_64 = arith.constant 32 : index
    %swap3A_65 = tpu.vector_load %arg25[%swap3A_63, %swap3A_64] {strides = array<i32>} : memref<8x64xi32, #tpu.memory_space<vmem>>, vector<16xi32>,
    tpu.vector_store %arg25[%swap3A_63, %swap3A_64], %add3A_61 {strides = array<i32>} : memref<8x64xi32, #tpu.memory_space<vmem>>, vector<16xi32>,
    %get3A_66 = arith.constant 48 : index
    %get3A_67 = tpu.vector_load %arg24[%get3A_66] {strides = array<i32>} : memref<64xi32, #tpu.memory_space<vmem>>, vector<16xi32>,
    %add3A_68 = arith.constant 512 : i32
    %add3A_69 = vector.broadcast %add3A_68 : i32 to vector<16xi32>
    %add3A_70 = arith.addi %get3A_67, %add3A_69 : vector<16xi32>
    %swap3A_71 = arith.constant 1 : i32
    %swap3A_72 = arith.index_cast %swap3A_71 : i32 to index
    %swap3A_73 = arith.constant 48 : index
    %swap3A_74 = tpu.vector_load %arg25[%swap3A_72, %swap3A_73] {strides = array<i32>} : memref<8x64xi32, #tpu.memory_space<vmem>>, vector<16xi32>,
    tpu.vector_store %arg25[%swap3A_72, %swap3A_73], %add3A_70 {strides = array<i32>} : memref<8x64xi32, #tpu.memory_space<vmem>>, vector<16xi32>,
    %get3A_75 = arith.constant 0 : index
    %get3A_76 = tpu.vector_load %arg24[%get3A_75] {strides = array<i32>} : memref<64xi32, #tpu.memory_space<vmem>>, vector<16xi32>,
    %add3A_77 = arith.constant 1024 : i32
    %add3A_78 = vector.broadcast %add3A_77 : i32 to vector<16xi32>
    %add3A_79 = arith.addi %get3A_76, %add3A_78 : vector<16xi32>
    %swap3A_80 = arith.constant 2 : i32
    %swap3A_81 = arith.index_cast %swap3A_80 : i32 to index
    %swap3A_82 = arith.constant 0 : index
    %swap3A_83 = tpu.vector_load %arg25[%swap3A_81, %swap3A_82] {strides = array<i32>} : memref<8x64xi32, #tpu.memory_space<vmem>>, vector<16xi32>,
    tpu.vector_store %arg25[%swap3A_81, %swap3A_82], %add3A_79 {strides = array<i32>} : memref<8x64xi32, #tpu.memory_space<vmem>>, vector<16xi32>,
    %get3A_84 = arith.constant 16 : index
    %get3A_85 = tpu.vector_load %arg24[%get3A_84] {strides = array<i32>} : memref<64xi32, #tpu.memory_space<vmem>>, vector<16xi32>,
    %add3A_86 = arith.constant 1024 : i32
    %add3A_87 = vector.broadcast %add3A_86 : i32 to vector<16xi32>
    %add3A_88 = arith.addi %get3A_85, %add3A_87 : vector<16xi32>
    %swap3A_89 = arith.constant 2 : i32
    %swap3A_90 = arith.index_cast %swap3A_89 : i32 to index
    %swap3A_91 = arith.constant 16 : index
    %swap3A_92 = tpu.vector_load %arg25[%swap3A_90, %swap3A_91] {strides = array<i32>} : memref<8x64xi32, #tpu.memory_space<vmem>>, vector<16xi32>,
    tpu.vector_store %arg25[%swap3A_90, %swap3A_91], %add3A_88 {strides = array<i32>} : memref<8x64xi32, #tpu.memory_space<vmem>>, vector<16xi32>,
    %get3A_93 = arith.constant 32 : index
    %get3A_94 = tpu.vector_load %arg24[%get3A_93] {strides = array<i32>} : memref<64xi32, #tpu.memory_space<vmem>>, vector<16xi32>,
    %add3A_95 = arith.constant 1024 : i32
    %add3A_96 = vector.broadcast %add3A_95 : i32 to vector<16xi32>
    %add3A_97 = arith.addi %get3A_94, %add3A_96 : vector<16xi32>
    %swap3A_98 = arith.constant 2 : i32
    %swap3A_99 = arith.index_cast %swap3A_98 : i32 to index
    %swap3A_100 = arith.constant 32 : index
    %swap3A_101 = tpu.vector_load %arg25[%swap3A_99, %swap3A_100] {strides = array<i32>} : memref<8x64xi32, #tpu.memory_space<vmem>>, vector<16xi32>,
    tpu.vector_store %arg25[%swap3A_99, %swap3A_100], %add3A_97 {strides = array<i32>} : memref<8x64xi32, #tpu.memory_space<vmem>>, vector<16xi32>,
    %get3A_102 = arith.constant 48 : index
    %get3A_103 = tpu.vector_load %arg24[%get3A_102] {strides = array<i32>} : memref<64xi32, #tpu.memory_space<vmem>>, vector<16xi32>,
    %add3A_104 = arith.constant 1024 : i32
    %add3A_105 = vector.broadcast %add3A_104 : i32 to vector<16xi32>
    %add3A_106 = arith.addi %get3A_103, %add3A_105 : vector<16xi32>
    %swap3A_107 = arith.constant 2 : i32
    %swap3A_108 = arith.index_cast %swap3A_107 : i32 to index
    %swap3A_109 = arith.constant 48 : index
    %swap3A_110 = tpu.vector_load %arg25[%swap3A_108, %swap3A_109] {strides = array<i32>} : memref<8x64xi32, #tpu.memory_space<vmem>>, vector<16xi32>,
    tpu.vector_store %arg25[%swap3A_108, %swap3A_109], %add3A_106 {strides = array<i32>} : memref<8x64xi32, #tpu.memory_space<vmem>>, vector<16xi32>,
    %get3A_111 = arith.constant 0 : index
    %get3A_112 = tpu.vector_load %arg24[%get3A_111] {strides = array<i32>} : memref<64xi32, #tpu.memory_space<vmem>>, vector<16xi32>,
    %add3A_113 = arith.constant 1536 : i32
    %add3A_114 = vector.broadcast %add3A_113 : i32 to vector<16xi32>
    %add3A_115 = arith.addi %get3A_112, %add3A_114 : vector<16xi32>
    %swap3A_116 = arith.constant 3 : i32
    %swap3A_117 = arith.index_cast %swap3A_116 : i32 to index
    %swap3A_118 = arith.constant 0 : index
    %swap3A_119 = tpu.vector_load %arg25[%swap3A_117, %swap3A_118] {strides = array<i32>} : memref<8x64xi32, #tpu.memory_space<vmem>>, vector<16xi32>,
    tpu.vector_store %arg25[%swap3A_117, %swap3A_118], %add3A_115 {strides = array<i32>} : memref<8x64xi32, #tpu.memory_space<vmem>>, vector<16xi32>,
    %get3A_120 = arith.constant 16 : index
    %get3A_121 = tpu.vector_load %arg24[%get3A_120] {strides = array<i32>} : memref<64xi32, #tpu.memory_space<vmem>>, vector<16xi32>,
    %add3A_122 = arith.constant 1536 : i32
    %add3A_123 = vector.broadcast %add3A_122 : i32 to vector<16xi32>
    %add3A_124 = arith.addi %get3A_121, %add3A_123 : vector<16xi32>
    %swap3A_125 = arith.constant 3 : i32
    %swap3A_126 = arith.index_cast %swap3A_125 : i32 to index
    %swap3A_127 = arith.constant 16 : index
    %swap3A_128 = tpu.vector_load %arg25[%swap3A_126, %swap3A_127] {strides = array<i32>} : memref<8x64xi32, #tpu.memory_space<vmem>>, vector<16xi32>,
    tpu.vector_store %arg25[%swap3A_126, %swap3A_127], %add3A_124 {strides = array<i32>} : memref<8x64xi32, #tpu.memory_space<vmem>>, vector<16xi32>,
    %get3A_129 = arith.constant 32 : index
    %get3A_130 = tpu.vector_load %arg24[%get3A_129] {strides = array<i32>} : memref<64xi32, #tpu.memory_space<vmem>>, vector<16xi32>,
    %add3A_131 = arith.constant 1536 : i32
    %add3A_132 = vector.broadcast %add3A_131 : i32 to vector<16xi32>
    %add3A_133 = arith.addi %get3A_130, %add3A_132 : vector<16xi32>
    %swap3A_134 = arith.constant 3 : i32
    %swap3A_135 = arith.index_cast %swap3A_134 : i32 to index
    %swap3A_136 = arith.constant 32 : index
    %swap3A_137 = tpu.vector_load %arg25[%swap3A_135, %swap3A_136] {strides = array<i32>} : memref<8x64xi32, #tpu.memory_space<vmem>>, vector<16xi32>,
    tpu.vector_store %arg25[%swap3A_135, %swap3A_136], %add3A_133 {strides = array<i32>} : memref<8x64xi32, #tpu.memory_space<vmem>>, vector<16xi32>,
    %get3A_138 = arith.constant 48 : index
    %get3A_139 = tpu.vector_load %arg24[%get3A_138] {strides = array<i32>} : memref<64xi32, #tpu.memory_space<vmem>>, vector<16xi32>,
    %add3A_140 = arith.constant 1536 : i32
    %add3A_141 = vector.broadcast %add3A_140 : i32 to vector<16xi32>
    %add3A_142 = arith.addi %get3A_139, %add3A_141 : vector<16xi32>
    %swap3A_143 = arith.constant 3 : i32
    %swap3A_144 = arith.index_cast %swap3A_143 : i32 to index
    %swap3A_145 = arith.constant 48 : index
    %swap3A_146 = tpu.vector_load %arg25[%swap3A_144, %swap3A_145] {strides = array<i32>} : memref<8x64xi32, #tpu.memory_space<vmem>>, vector<16xi32>,
    tpu.vector_store %arg25[%swap3A_144, %swap3A_145], %add3A_142 {strides = array<i32>} : memref<8x64xi32, #tpu.memory_space<vmem>>, vector<16xi32>,
    %get3A_147 = arith.constant 0 : index
    %get3A_148 = tpu.vector_load %arg24[%get3A_147] {strides = array<i32>} : memref<64xi32, #tpu.memory_space<vmem>>, vector<16xi32>,
    %add3A_149 = arith.constant 2048 : i32
    %add3A_150 = vector.broadcast %add3A_149 : i32 to vector<16xi32>
    %add3A_151 = arith.addi %get3A_148, %add3A_150 : vector<16xi32>
    %swap3A_152 = arith.constant 4 : i32
    %swap3A_153 = arith.index_cast %swap3A_152 : i32 to index
    %swap3A_154 = arith.constant 0 : index
    %swap3A_155 = tpu.vector_load %arg25[%swap3A_153, %swap3A_154] {strides = array<i32>} : memref<8x64xi32, #tpu.memory_space<vmem>>, vector<16xi32>,
    tpu.vector_store %arg25[%swap3A_153, %swap3A_154], %add3A_151 {strides = array<i32>} : memref<8x64xi32, #tpu.memory_space<vmem>>, vector<16xi32>,
    %get3A_156 = arith.constant 16 : index
    %get3A_157 = tpu.vector_load %arg24[%get3A_156] {strides = array<i32>} : memref<64xi32, #tpu.memory_space<vmem>>, vector<16xi32>,
    %add3A_158 = arith.constant 2048 : i32
    %add3A_159 = vector.broadcast %add3A_158 : i32 to vector<16xi32>
    %add3A_160 = arith.addi %get3A_157, %add3A_159 : vector<16xi32>
    %swap3A_161 = arith.constant 4 : i32
    %swap3A_162 = arith.index_cast %swap3A_161 : i32 to index
    %swap3A_163 = arith.constant 16 : index
    %swap3A_164 = tpu.vector_load %arg25[%swap3A_162, %swap3A_163] {strides = array<i32>} : memref<8x64xi32, #tpu.memory_space<vmem>>, vector<16xi32>,
    tpu.vector_store %arg25[%swap3A_162, %swap3A_163], %add3A_160 {strides = array<i32>} : memref<8x64xi32, #tpu.memory_space<vmem>>, vector<16xi32>,
    %get3A_165 = arith.constant 32 : index
    %get3A_166 = tpu.vector_load %arg24[%get3A_165] {strides = array<i32>} : memref<64xi32, #tpu.memory_space<vmem>>, vector<16xi32>,
    %add3A_167 = arith.constant 2048 : i32
    %add3A_168 = vector.broadcast %add3A_167 : i32 to vector<16xi32>
    %add3A_169 = arith.addi %get3A_166, %add3A_168 : vector<16xi32>
    %swap3A_170 = arith.constant 4 : i32
    %swap3A_171 = arith.index_cast %swap3A_170 : i32 to index
    %swap3A_172 = arith.constant 32 : index
    %swap3A_173 = tpu.vector_load %arg25[%swap3A_171, %swap3A_172] {strides = array<i32>} : memref<8x64xi32, #tpu.memory_space<vmem>>, vector<16xi32>,
    tpu.vector_store %arg25[%swap3A_171, %swap3A_172], %add3A_169 {strides = array<i32>} : memref<8x64xi32, #tpu.memory_space<vmem>>, vector<16xi32>,
    %get3A_174 = arith.constant 48 : index
    %get3A_175 = tpu.vector_load %arg24[%get3A_174] {strides = array<i32>} : memref<64xi32, #tpu.memory_space<vmem>>, vector<16xi32>,
    %add3A_176 = arith.constant 2048 : i32
    %add3A_177 = vector.broadcast %add3A_176 : i32 to vector<16xi32>
    %add3A_178 = arith.addi %get3A_175, %add3A_177 : vector<16xi32>
    %swap3A_179 = arith.constant 4 : i32
    %swap3A_180 = arith.index_cast %swap3A_179 : i32 to index
    %swap3A_181 = arith.constant 48 : index
    %swap3A_182 = tpu.vector_load %arg25[%swap3A_180, %swap3A_181] {strides = array<i32>} : memref<8x64xi32, #tpu.memory_space<vmem>>, vector<16xi32>,
    tpu.vector_store %arg25[%swap3A_180, %swap3A_181], %add3A_178 {strides = array<i32>} : memref<8x64xi32, #tpu.memory_space<vmem>>, vector<16xi32>,
    %get3A_183 = arith.constant 0 : index
    %get3A_184 = tpu.vector_load %arg24[%get3A_183] {strides = array<i32>} : memref<64xi32, #tpu.memory_space<vmem>>, vector<16xi32>,
    %add3A_185 = arith.constant 2560 : i32
    %add3A_186 = vector.broadcast %add3A_185 : i32 to vector<16xi32>
    %add3A_187 = arith.addi %get3A_184, %add3A_186 : vector<16xi32>
    %swap3A_188 = arith.constant 5 : i32
    %swap3A_189 = arith.index_cast %swap3A_188 : i32 to index
    %swap3A_190 = arith.constant 0 : index
    %swap3A_191 = tpu.vector_load %arg25[%swap3A_189, %swap3A_190] {strides = array<i32>} : memref<8x64xi32, #tpu.memory_space<vmem>>, vector<16xi32>,
    tpu.vector_store %arg25[%swap3A_189, %swap3A_190], %add3A_187 {strides = array<i32>} : memref<8x64xi32, #tpu.memory_space<vmem>>, vector<16xi32>,
    %get3A_192 = arith.constant 16 : index
    %get3A_193 = tpu.vector_load %arg24[%get3A_192] {strides = array<i32>} : memref<64xi32, #tpu.memory_space<vmem>>, vector<16xi32>,
    %add3A_194 = arith.constant 2560 : i32
    %add3A_195 = vector.broadcast %add3A_194 : i32 to vector<16xi32>
    %add3A_196 = arith.addi %get3A_193, %add3A_195 : vector<16xi32>
    %swap3A_197 = arith.constant 5 : i32
    %swap3A_198 = arith.index_cast %swap3A_197 : i32 to index
    %swap3A_199 = arith.constant 16 : index
    %swap3A_200 = tpu.vector_load %arg25[%swap3A_198, %swap3A_199] {strides = array<i32>} : memref<8x64xi32, #tpu.memory_space<vmem>>, vector<16xi32>,
    tpu.vector_store %arg25[%swap3A_198, %swap3A_199], %add3A_196 {strides = array<i32>} : memref<8x64xi32, #tpu.memory_space<vmem>>, vector<16xi32>,
    %get3A_201 = arith.constant 32 : index
    %get3A_202 = tpu.vector_load %arg24[%get3A_201] {strides = array<i32>} : memref<64xi32, #tpu.memory_space<vmem>>, vector<16xi32>,
    %add3A_203 = arith.constant 2560 : i32
    %add3A_204 = vector.broadcast %add3A_203 : i32 to vector<16xi32>
    %add3A_205 = arith.addi %get3A_202, %add3A_204 : vector<16xi32>
    %swap3A_206 = arith.constant 5 : i32
    %swap3A_207 = arith.index_cast %swap3A_206 : i32 to index
    %swap3A_208 = arith.constant 32 : index
    %swap3A_209 = tpu.vector_load %arg25[%swap3A_207, %swap3A_208] {strides = array<i32>} : memref<8x64xi32, #tpu.memory_space<vmem>>, vector<16xi32>,
    tpu.vector_store %arg25[%swap3A_207, %swap3A_208], %add3A_205 {strides = array<i32>} : memref<8x64xi32, #tpu.memory_space<vmem>>, vector<16xi32>,
    %get3A_210 = arith.constant 48 : index
    %get3A_211 = tpu.vector_load %arg24[%get3A_210] {strides = array<i32>} : memref<64xi32, #tpu.memory_space<vmem>>, vector<16xi32>,
    %add3A_212 = arith.constant 2560 : i32
    %add3A_213 = vector.broadcast %add3A_212 : i32 to vector<16xi32>
    %add3A_214 = arith.addi %get3A_211, %add3A_213 : vector<16xi32>
    %swap3A_215 = arith.constant 5 : i32
    %swap3A_216 = arith.index_cast %swap3A_215 : i32 to index
    %swap3A_217 = arith.constant 48 : index
    %swap3A_218 = tpu.vector_load %arg25[%swap3A_216, %swap3A_217] {strides = array<i32>} : memref<8x64xi32, #tpu.memory_space<vmem>>, vector<16xi32>,
    tpu.vector_store %arg25[%swap3A_216, %swap3A_217], %add3A_214 {strides = array<i32>} : memref<8x64xi32, #tpu.memory_space<vmem>>, vector<16xi32>,
    %get3A_219 = arith.constant 0 : index
    %get3A_220 = tpu.vector_load %arg24[%get3A_219] {strides = array<i32>} : memref<64xi32, #tpu.memory_space<vmem>>, vector<16xi32>,
    %add3A_221 = arith.constant 3072 : i32
    %add3A_222 = vector.broadcast %add3A_221 : i32 to vector<16xi32>
    %add3A_223 = arith.addi %get3A_220, %add3A_222 : vector<16xi32>
    %swap3A_224 = arith.constant 6 : i32
    %swap3A_225 = arith.index_cast %swap3A_224 : i32 to index
    %swap3A_226 = arith.constant 0 : index
    %swap3A_227 = tpu.vector_load %arg25[%swap3A_225, %swap3A_226] {strides = array<i32>} : memref<8x64xi32, #tpu.memory_space<vmem>>, vector<16xi32>,
    tpu.vector_store %arg25[%swap3A_225, %swap3A_226], %add3A_223 {strides = array<i32>} : memref<8x64xi32, #tpu.memory_space<vmem>>, vector<16xi32>,
    %get3A_228 = arith.constant 16 : index
    %get3A_229 = tpu.vector_load %arg24[%get3A_228] {strides = array<i32>} : memref<64xi32, #tpu.memory_space<vmem>>, vector<16xi32>,
    %add3A_230 = arith.constant 3072 : i32
    %add3A_231 = vector.broadcast %add3A_230 : i32 to vector<16xi32>
    %add3A_232 = arith.addi %get3A_229, %add3A_231 : vector<16xi32>
    %swap3A_233 = arith.constant 6 : i32
    %swap3A_234 = arith.index_cast %swap3A_233 : i32 to index
    %swap3A_235 = arith.constant 16 : index
    %swap3A_236 = tpu.vector_load %arg25[%swap3A_234, %swap3A_235] {strides = array<i32>} : memref<8x64xi32, #tpu.memory_space<vmem>>, vector<16xi32>,
    tpu.vector_store %arg25[%swap3A_234, %swap3A_235], %add3A_232 {strides = array<i32>} : memref<8x64xi32, #tpu.memory_space<vmem>>, vector<16xi32>,
    %get3A_237 = arith.constant 32 : index
    %get3A_238 = tpu.vector_load %arg24[%get3A_237] {strides = array<i32>} : memref<64xi32, #tpu.memory_space<vmem>>, vector<16xi32>,
    %add3A_239 = arith.constant 3072 : i32
    %add3A_240 = vector.broadcast %add3A_239 : i32 to vector<16xi32>
    %add3A_241 = arith.addi %get3A_238, %add3A_240 : vector<16xi32>
    %swap3A_242 = arith.constant 6 : i32
    %swap3A_243 = arith.index_cast %swap3A_242 : i32 to index
    %swap3A_244 = arith.constant 32 : index
    %swap3A_245 = tpu.vector_load %arg25[%swap3A_243, %swap3A_244] {strides = array<i32>} : memref<8x64xi32, #tpu.memory_space<vmem>>, vector<16xi32>,
    tpu.vector_store %arg25[%swap3A_243, %swap3A_244], %add3A_241 {strides = array<i32>} : memref<8x64xi32, #tpu.memory_space<vmem>>, vector<16xi32>,
    %get3A_246 = arith.constant 48 : index
    %get3A_247 = tpu.vector_load %arg24[%get3A_246] {strides = array<i32>} : memref<64xi32, #tpu.memory_space<vmem>>, vector<16xi32>,
    %add3A_248 = arith.constant 3072 : i32
    %add3A_249 = vector.broadcast %add3A_248 : i32 to vector<16xi32>
    %add3A_250 = arith.addi %get3A_247, %add3A_249 : vector<16xi32>
    %swap3A_251 = arith.constant 6 : i32
    %swap3A_252 = arith.index_cast %swap3A_251 : i32 to index
    %swap3A_253 = arith.constant 48 : index
    %swap3A_254 = tpu.vector_load %arg25[%swap3A_252, %swap3A_253] {strides = array<i32>} : memref<8x64xi32, #tpu.memory_space<vmem>>, vector<16xi32>,
    tpu.vector_store %arg25[%swap3A_252, %swap3A_253], %add3A_250 {strides = array<i32>} : memref<8x64xi32, #tpu.memory_space<vmem>>, vector<16xi32>,
    %get3A_255 = arith.constant 0 : index
    %get3A_256 = tpu.vector_load %arg24[%get3A_255] {strides = array<i32>} : memref<64xi32, #tpu.memory_space<vmem>>, vector<16xi32>,
    %add3A_257 = arith.constant 3584 : i32
    %add3A_258 = vector.broadcast %add3A_257 : i32 to vector<16xi32>
    %add3A_259 = arith.addi %get3A_256, %add3A_258 : vector<16xi32>
    %swap3A_260 = arith.constant 7 : i32
    %swap3A_261 = arith.index_cast %swap3A_260 : i32 to index
    %swap3A_262 = arith.constant 0 : index
    %swap3A_263 = tpu.vector_load %arg25[%swap3A_261, %swap3A_262] {strides = array<i32>} : memref<8x64xi32, #tpu.memory_space<vmem>>, vector<16xi32>,
    tpu.vector_store %arg25[%swap3A_261, %swap3A_262], %add3A_259 {strides = array<i32>} : memref<8x64xi32, #tpu.memory_space<vmem>>, vector<16xi32>,
    %get3A_264 = arith.constant 16 : index
    %get3A_265 = tpu.vector_load %arg24[%get3A_264] {strides = array<i32>} : memref<64xi32, #tpu.memory_space<vmem>>, vector<16xi32>,
    %add3A_266 = arith.constant 3584 : i32
    %add3A_267 = vector.broadcast %add3A_266 : i32 to vector<16xi32>
    %add3A_268 = arith.addi %get3A_265, %add3A_267 : vector<16xi32>
    %swap3A_269 = arith.constant 7 : i32
    %swap3A_270 = arith.index_cast %swap3A_269 : i32 to index
    %swap3A_271 = arith.constant 16 : index
    %swap3A_272 = tpu.vector_load %arg25[%swap3A_270, %swap3A_271] {strides = array<i32>} : memref<8x64xi32, #tpu.memory_space<vmem>>, vector<16xi32>,
    tpu.vector_store %arg25[%swap3A_270, %swap3A_271], %add3A_268 {strides = array<i32>} : memref<8x64xi32, #tpu.memory_space<vmem>>, vector<16xi32>,
    %get3A_273 = arith.constant 32 : index
    %get3A_274 = tpu.vector_load %arg24[%get3A_273] {strides = array<i32>} : memref<64xi32, #tpu.memory_space<vmem>>, vector<16xi32>,
    %add3A_275 = arith.constant 3584 : i32
    %add3A_276 = vector.broadcast %add3A_275 : i32 to vector<16xi32>
    %add3A_277 = arith.addi %get3A_274, %add3A_276 : vector<16xi32>
    %swap3A_278 = arith.constant 7 : i32
    %swap3A_279 = arith.index_cast %swap3A_278 : i32 to index
    %swap3A_280 = arith.constant 32 : index
    %swap3A_281 = tpu.vector_load %arg25[%swap3A_279, %swap3A_280] {strides = array<i32>} : memref<8x64xi32, #tpu.memory_space<vmem>>, vector<16xi32>,
    tpu.vector_store %arg25[%swap3A_279, %swap3A_280], %add3A_277 {strides = array<i32>} : memref<8x64xi32, #tpu.memory_space<vmem>>, vector<16xi32>,
    %get3A_282 = arith.constant 48 : index
    %get3A_283 = tpu.vector_load %arg24[%get3A_282] {strides = array<i32>} : memref<64xi32, #tpu.memory_space<vmem>>, vector<16xi32>,
    %add3A_284 = arith.constant 3584 : i32
    %add3A_285 = vector.broadcast %add3A_284 : i32 to vector<16xi32>
    %add3A_286 = arith.addi %get3A_283, %add3A_285 : vector<16xi32>
    %swap3A_287 = arith.constant 7 : i32
    %swap3A_288 = arith.index_cast %swap3A_287 : i32 to index
    %swap3A_289 = arith.constant 48 : index
    %swap3A_290 = tpu.vector_load %arg25[%swap3A_288, %swap3A_289] {strides = array<i32>} : memref<8x64xi32, #tpu.memory_space<vmem>>, vector<16xi32>,
    tpu.vector_store %arg25[%swap3A_288, %swap3A_289], %add3A_286 {strides = array<i32>} : memref<8x64xi32, #tpu.memory_space<vmem>>, vector<16xi32>,
    %dma_start3A = arith.constant 0 : i32
    %dma_start3A_291 = arith.constant 0 : i32
    %dma_start3A_292 = tpu.memref_slice %arg25[%dma_start3A, %dma_start3A_291] : memref<8x64xi32, #tpu.memory_space<vmem>> -> memref<1x64xi32, #tpu.memory_space<vmem>>
    %dma_start3A_293 = tpu.memref_squeeze %dma_start3A_292 : memref<1x64xi32, #tpu.memory_space<vmem>> -> memref<64xi32, #tpu.memory_space<vmem>>
    %dma_start3A_294 = arith.constant 0 : i32
    %dma_start3A_295 = arith.constant 0 : i32
    %dma_start3A_296 = tpu.memref_slice %arg5[%dma_start3A_294, %dma_start3A_295] : memref<4096x256xf32, #tpu.memory_space<hbm>> -> memref<4096x256xf32, #tpu.memory_space<hbm>>
    tpu.enqueue_indirect_dma source(%dma_start3A_296 : memref<4096x256xf32, #tpu.memory_space<hbm>>) target(%arg26 : memref<64x256xf32, #tpu.memory_space<vmem>>) offsets(%dma_start3A_293 : memref<64xi32, #tpu.memory_space<vmem>>) semaphore(%arg28 : memref<!tpu.dma_semaphore, #tpu.memory_space<semaphore_mem>>)
    %dma_start3A_297 = arith.constant 0 : i32
    %dma_start3A_298 = arith.constant 0 : i32
    %dma_start3A_299 = tpu.memref_slice %arg25[%dma_start3A_297, %dma_start3A_298] : memref<8x64xi32, #tpu.memory_space<vmem>> -> memref<1x64xi32, #tpu.memory_space<vmem>>
    %dma_start3A_300 = tpu.memref_squeeze %dma_start3A_299 : memref<1x64xi32, #tpu.memory_space<vmem>> -> memref<64xi32, #tpu.memory_space<vmem>>
    %dma_start3A_301 = arith.constant 0 : i32
    %dma_start3A_302 = arith.constant 0 : i32
    %dma_start3A_303 = tpu.memref_slice %arg6[%dma_start3A_301, %dma_start3A_302] : memref<4096x256xf32, #tpu.memory_space<hbm>> -> memref<4096x256xf32, #tpu.memory_space<hbm>>
    tpu.enqueue_indirect_dma source(%dma_start3A_303 : memref<4096x256xf32, #tpu.memory_space<hbm>>) target(%arg27 : memref<64x256xf32, #tpu.memory_space<vmem>>) offsets(%dma_start3A_300 : memref<64xi32, #tpu.memory_space<vmem>>) semaphore(%arg29 : memref<!tpu.dma_semaphore, #tpu.memory_space<semaphore_mem>>)
    "tpu.region"() ({
      %run_scoped3A = tpu.sem_alloc : memref<!tpu.dma_semaphore, #tpu.memory_space<semaphore_mem>>
      tpu.enqueue_dma source(%arg2 : memref<2048xf32, #tpu.memory_space<hbm>>) target(%arg11 : memref<2048xf32, #tpu.memory_space<vmem>>) target_semaphore(%run_scoped3A : memref<!tpu.dma_semaphore, #tpu.memory_space<semaphore_mem>>)
      tpu.wait_dma2 semaphore(%run_scoped3A : memref<!tpu.dma_semaphore, #tpu.memory_space<semaphore_mem>>) src(%arg2 : memref<2048xf32, #tpu.memory_space<hbm>>) dst(%arg11 : memref<2048xf32, #tpu.memory_space<vmem>>)
      tpu.yield
    }) : () -> ()
    "tpu.region"() ({
      %run_scoped3A = tpu.sem_alloc : memref<!tpu.dma_semaphore, #tpu.memory_space<semaphore_mem>>
      %dma_start3A_1280 = arith.constant 0 : i32
      %dma_start3A_1281 = tpu.memref_slice %arg3[%dma_start3A_1280] : memref<16384xf32, #tpu.memory_space<hbm>> -> memref<2048xf32, #tpu.memory_space<hbm>>
      %dma_start3A_1282 = arith.constant 0 : i32
      %dma_start3A_1283 = tpu.memref_slice %arg3[%dma_start3A_1282] : memref<16384xf32, #tpu.memory_space<hbm>> -> memref<2048xf32, #tpu.memory_space<hbm>>
      tpu.enqueue_dma source(%dma_start3A_1283 : memref<2048xf32, #tpu.memory_space<hbm>>) target(%arg12 : memref<2048xf32, #tpu.memory_space<vmem>>) target_semaphore(%run_scoped3A : memref<!tpu.dma_semaphore, #tpu.memory_space<semaphore_mem>>)
      %dma_wait3A_1284 = arith.constant 0 : i32
      %dma_wait3A_1285 = tpu.memref_slice %arg3[%dma_wait3A_1284] : memref<16384xf32, #tpu.memory_space<hbm>> -> memref<2048xf32, #tpu.memory_space<hbm>>
      %dma_wait3A_1286 = arith.constant 0 : i32
      %dma_wait3A_1287 = tpu.memref_slice %arg3[%dma_wait3A_1286] : memref<16384xf32, #tpu.memory_space<hbm>> -> memref<2048xf32, #tpu.memory_space<hbm>>
      tpu.wait_dma2 semaphore(%run_scoped3A : memref<!tpu.dma_semaphore, #tpu.memory_space<semaphore_mem>>) src(%dma_wait3A_1287 : memref<2048xf32, #tpu.memory_space<hbm>>) dst(%arg12 : memref<2048xf32, #tpu.memory_space<vmem>>)
      tpu.yield
    }) : () -> ()
    "tpu.region"() ({
      %run_scoped3A = tpu.sem_alloc : memref<!tpu.dma_semaphore, #tpu.memory_space<semaphore_mem>>
      %dma_start3A_1280 = arith.constant 2048 : i32
      %dma_start3A_1281 = tpu.memref_slice %arg3[%dma_start3A_1280] : memref<16384xf32, #tpu.memory_space<hbm>> -> memref<2048xf32, #tpu.memory_space<hbm>>
      %dma_start3A_1282 = arith.constant 2048 : i32
      %dma_start3A_1283 = tpu.memref_slice %arg3[%dma_start3A_1282] : memref<16384xf32, #tpu.memory_space<hbm>> -> memref<2048xf32, #tpu.memory_space<hbm>>
      tpu.enqueue_dma source(%dma_start3A_1283 : memref<2048xf32, #tpu.memory_space<hbm>>) target(%arg13 : memref<2048xf32, #tpu.memory_space<vmem>>) target_semaphore(%run_scoped3A : memref<!tpu.dma_semaphore, #tpu.memory_space<semaphore_mem>>)
      %dma_wait3A_1284 = arith.constant 2048 : i32
      %dma_wait3A_1285 = tpu.memref_slice %arg3[%dma_wait3A_1284] : memref<16384xf32, #tpu.memory_space<hbm>> -> memref<2048xf32, #tpu.memory_space<hbm>>
      %dma_wait3A_1286 = arith.constant 2048 : i32
      %dma_wait3A_1287 = tpu.memref_slice %arg3[%dma_wait3A_1286] : memref<16384xf32, #tpu.memory_space<hbm>> -> memref<2048xf32, #tpu.memory_space<hbm>>
      tpu.wait_dma2 semaphore(%run_scoped3A : memref<!tpu.dma_semaphore, #tpu.memory_space<semaphore_mem>>) src(%dma_wait3A_1287 : memref<2048xf32, #tpu.memory_space<hbm>>) dst(%arg13 : memref<2048xf32, #tpu.memory_space<vmem>>)
      tpu.yield
    }) : () -> ()
    "tpu.region"() ({
      %run_scoped3A = tpu.sem_alloc : memref<!tpu.dma_semaphore, #tpu.memory_space<semaphore_mem>>
      %dma_start3A_1280 = arith.constant 4096 : i32
      %dma_start3A_1281 = tpu.memref_slice %arg3[%dma_start3A_1280] : memref<16384xf32, #tpu.memory_space<hbm>> -> memref<2048xf32, #tpu.memory_space<hbm>>
      %dma_start3A_1282 = arith.constant 4096 : i32
      %dma_start3A_1283 = tpu.memref_slice %arg3[%dma_start3A_1282] : memref<16384xf32, #tpu.memory_space<hbm>> -> memref<2048xf32, #tpu.memory_space<hbm>>
      tpu.enqueue_dma source(%dma_start3A_1283 : memref<2048xf32, #tpu.memory_space<hbm>>) target(%arg14 : memref<2048xf32, #tpu.memory_space<vmem>>) target_semaphore(%run_scoped3A : memref<!tpu.dma_semaphore, #tpu.memory_space<semaphore_mem>>)
      %dma_wait3A_1284 = arith.constant 4096 : i32
      %dma_wait3A_1285 = tpu.memref_slice %arg3[%dma_wait3A_1284] : memref<16384xf32, #tpu.memory_space<hbm>> -> memref<2048xf32, #tpu.memory_space<hbm>>
      %dma_wait3A_1286 = arith.constant 4096 : i32
      %dma_wait3A_1287 = tpu.memref_slice %arg3[%dma_wait3A_1286] : memref<16384xf32, #tpu.memory_space<hbm>> -> memref<2048xf32, #tpu.memory_space<hbm>>
      tpu.wait_dma2 semaphore(%run_scoped3A : memref<!tpu.dma_semaphore, #tpu.memory_space<semaphore_mem>>) src(%dma_wait3A_1287 : memref<2048xf32, #tpu.memory_space<hbm>>) dst(%arg14 : memref<2048xf32, #tpu.memory_space<vmem>>)
      tpu.yield
    }) : () -> ()
    "tpu.region"() ({
      %run_scoped3A = tpu.sem_alloc : memref<!tpu.dma_semaphore, #tpu.memory_space<semaphore_mem>>
      %dma_start3A_1280 = arith.constant 6144 : i32
      %dma_start3A_1281 = tpu.memref_slice %arg3[%dma_start3A_1280] : memref<16384xf32, #tpu.memory_space<hbm>> -> memref<2048xf32, #tpu.memory_space<hbm>>
      %dma_start3A_1282 = arith.constant 6144 : i32
      %dma_start3A_1283 = tpu.memref_slice %arg3[%dma_start3A_1282] : memref<16384xf32, #tpu.memory_space<hbm>> -> memref<2048xf32, #tpu.memory_space<hbm>>
      tpu.enqueue_dma source(%dma_start3A_1283 : memref<2048xf32, #tpu.memory_space<hbm>>) target(%arg15 : memref<2048xf32, #tpu.memory_space<vmem>>) target_semaphore(%run_scoped3A : memref<!tpu.dma_semaphore, #tpu.memory_space<semaphore_mem>>)
      %dma_wait3A_1284 = arith.constant 6144 : i32
      %dma_wait3A_1285 = tpu.memref_slice %arg3[%dma_wait3A_1284] : memref<16384xf32, #tpu.memory_space<hbm>> -> memref<2048xf32, #tpu.memory_space<hbm>>
      %dma_wait3A_1286 = arith.constant 6144 : i32
      %dma_wait3A_1287 = tpu.memref_slice %arg3[%dma_wait3A_1286] : memref<16384xf32, #tpu.memory_space<hbm>> -> memref<2048xf32, #tpu.memory_space<hbm>>
      tpu.wait_dma2 semaphore(%run_scoped3A : memref<!tpu.dma_semaphore, #tpu.memory_space<semaphore_mem>>) src(%dma_wait3A_1287 : memref<2048xf32, #tpu.memory_space<hbm>>) dst(%arg15 : memref<2048xf32, #tpu.memory_space<vmem>>)
      tpu.yield
    }) : () -> ()
    "tpu.region"() ({
      %run_scoped3A = tpu.sem_alloc : memref<!tpu.dma_semaphore, #tpu.memory_space<semaphore_mem>>
      %dma_start3A_1280 = arith.constant 8192 : i32
      %dma_start3A_1281 = tpu.memref_slice %arg3[%dma_start3A_1280] : memref<16384xf32, #tpu.memory_space<hbm>> -> memref<2048xf32, #tpu.memory_space<hbm>>
      %dma_start3A_1282 = arith.constant 8192 : i32
      %dma_start3A_1283 = tpu.memref_slice %arg3[%dma_start3A_1282] : memref<16384xf32, #tpu.memory_space<hbm>> -> memref<2048xf32, #tpu.memory_space<hbm>>
      tpu.enqueue_dma source(%dma_start3A_1283 : memref<2048xf32, #tpu.memory_space<hbm>>) target(%arg16 : memref<2048xf32, #tpu.memory_space<vmem>>) target_semaphore(%run_scoped3A : memref<!tpu.dma_semaphore, #tpu.memory_space<semaphore_mem>>)
      %dma_wait3A_1284 = arith.constant 8192 : i32
      %dma_wait3A_1285 = tpu.memref_slice %arg3[%dma_wait3A_1284] : memref<16384xf32, #tpu.memory_space<hbm>> -> memref<2048xf32, #tpu.memory_space<hbm>>
      %dma_wait3A_1286 = arith.constant 8192 : i32
      %dma_wait3A_1287 = tpu.memref_slice %arg3[%dma_wait3A_1286] : memref<16384xf32, #tpu.memory_space<hbm>> -> memref<2048xf32, #tpu.memory_space<hbm>>
      tpu.wait_dma2 semaphore(%run_scoped3A : memref<!tpu.dma_semaphore, #tpu.memory_space<semaphore_mem>>) src(%dma_wait3A_1287 : memref<2048xf32, #tpu.memory_space<hbm>>) dst(%arg16 : memref<2048xf32, #tpu.memory_space<vmem>>)
      tpu.yield
    }) : () -> ()
    "tpu.region"() ({
      %run_scoped3A = tpu.sem_alloc : memref<!tpu.dma_semaphore, #tpu.memory_space<semaphore_mem>>
      %dma_start3A_1280 = arith.constant 10240 : i32
      %dma_start3A_1281 = tpu.memref_slice %arg3[%dma_start3A_1280] : memref<16384xf32, #tpu.memory_space<hbm>> -> memref<2048xf32, #tpu.memory_space<hbm>>
      %dma_start3A_1282 = arith.constant 10240 : i32
      %dma_start3A_1283 = tpu.memref_slice %arg3[%dma_start3A_1282] : memref<16384xf32, #tpu.memory_space<hbm>> -> memref<2048xf32, #tpu.memory_space<hbm>>
      tpu.enqueue_dma source(%dma_start3A_1283 : memref<2048xf32, #tpu.memory_space<hbm>>) target(%arg17 : memref<2048xf32, #tpu.memory_space<vmem>>) target_semaphore(%run_scoped3A : memref<!tpu.dma_semaphore, #tpu.memory_space<semaphore_mem>>)
      %dma_wait3A_1284 = arith.constant 10240 : i32
      %dma_wait3A_1285 = tpu.memref_slice %arg3[%dma_wait3A_1284] : memref<16384xf32, #tpu.memory_space<hbm>> -> memref<2048xf32, #tpu.memory_space<hbm>>
      %dma_wait3A_1286 = arith.constant 10240 : i32
      %dma_wait3A_1287 = tpu.memref_slice %arg3[%dma_wait3A_1286] : memref<16384xf32, #tpu.memory_space<hbm>> -> memref<2048xf32, #tpu.memory_space<hbm>>
      tpu.wait_dma2 semaphore(%run_scoped3A : memref<!tpu.dma_semaphore, #tpu.memory_space<semaphore_mem>>) src(%dma_wait3A_1287 : memref<2048xf32, #tpu.memory_space<hbm>>) dst(%arg17 : memref<2048xf32, #tpu.memory_space<vmem>>)
      tpu.yield
    }) : () -> ()
    "tpu.region"() ({
      %run_scoped3A = tpu.sem_alloc : memref<!tpu.dma_semaphore, #tpu.memory_space<semaphore_mem>>
      %dma_start3A_1280 = arith.constant 12288 : i32
      %dma_start3A_1281 = tpu.memref_slice %arg3[%dma_start3A_1280] : memref<16384xf32, #tpu.memory_space<hbm>> -> memref<2048xf32, #tpu.memory_space<hbm>>
      %dma_start3A_1282 = arith.constant 12288 : i32
      %dma_start3A_1283 = tpu.memref_slice %arg3[%dma_start3A_1282] : memref<16384xf32, #tpu.memory_space<hbm>> -> memref<2048xf32, #tpu.memory_space<hbm>>
      tpu.enqueue_dma source(%dma_start3A_1283 : memref<2048xf32, #tpu.memory_space<hbm>>) target(%arg18 : memref<2048xf32, #tpu.memory_space<vmem>>) target_semaphore(%run_scoped3A : memref<!tpu.dma_semaphore, #tpu.memory_space<semaphore_mem>>)
      %dma_wait3A_1284 = arith.constant 12288 : i32
      %dma_wait3A_1285 = tpu.memref_slice %arg3[%dma_wait3A_1284] : memref<16384xf32, #tpu.memory_space<hbm>> -> memref<2048xf32, #tpu.memory_space<hbm>>
      %dma_wait3A_1286 = arith.constant 12288 : i32
      %dma_wait3A_1287 = tpu.memref_slice %arg3[%dma_wait3A_1286] : memref<16384xf32, #tpu.memory_space<hbm>> -> memref<2048xf32, #tpu.memory_space<hbm>>
      tpu.wait_dma2 semaphore(%run_scoped3A : memref<!tpu.dma_semaphore, #tpu.memory_space<semaphore_mem>>) src(%dma_wait3A_1287 : memref<2048xf32, #tpu.memory_space<hbm>>) dst(%arg18 : memref<2048xf32, #tpu.memory_space<vmem>>)
      tpu.yield
    }) : () -> ()
    "tpu.region"() ({
      %run_scoped3A = tpu.sem_alloc : memref<!tpu.dma_semaphore, #tpu.memory_space<semaphore_mem>>
      %dma_start3A_1280 = arith.constant 14336 : i32
      %dma_start3A_1281 = tpu.memref_slice %arg3[%dma_start3A_1280] : memref<16384xf32, #tpu.memory_space<hbm>> -> memref<2048xf32, #tpu.memory_space<hbm>>
      %dma_start3A_1282 = arith.constant 14336 : i32
      %dma_start3A_1283 = tpu.memref_slice %arg3[%dma_start3A_1282] : memref<16384xf32, #tpu.memory_space<hbm>> -> memref<2048xf32, #tpu.memory_space<hbm>>
      tpu.enqueue_dma source(%dma_start3A_1283 : memref<2048xf32, #tpu.memory_space<hbm>>) target(%arg19 : memref<2048xf32, #tpu.memory_space<vmem>>) target_semaphore(%run_scoped3A : memref<!tpu.dma_semaphore, #tpu.memory_space<semaphore_mem>>)
      %dma_wait3A_1284 = arith.constant 14336 : i32
      %dma_wait3A_1285 = tpu.memref_slice %arg3[%dma_wait3A_1284] : memref<16384xf32, #tpu.memory_space<hbm>> -> memref<2048xf32, #tpu.memory_space<hbm>>
      %dma_wait3A_1286 = arith.constant 14336 : i32
      %dma_wait3A_1287 = tpu.memref_slice %arg3[%dma_wait3A_1286] : memref<16384xf32, #tpu.memory_space<hbm>> -> memref<2048xf32, #tpu.memory_space<hbm>>
      tpu.wait_dma2 semaphore(%run_scoped3A : memref<!tpu.dma_semaphore, #tpu.memory_space<semaphore_mem>>) src(%dma_wait3A_1287 : memref<2048xf32, #tpu.memory_space<hbm>>) dst(%arg19 : memref<2048xf32, #tpu.memory_space<vmem>>)
      tpu.yield
    }) : () -> ()
    %add3A_304 = arith.constant 0 : i32
    %add3A_305 = arith.addi %mul3A_4, %add3A_304 : i32
    %dma_start3A_306 = arith.constant 0 : i32
    %dma_start3A_307 = tpu.memref_slice %arg4[%add3A_305, %dma_start3A_306] : memref<512x2048xi32, #tpu.memory_space<hbm>> -> memref<1x2048xi32, #tpu.memory_space<hbm>>
    %dma_start3A_308 = tpu.memref_squeeze %dma_start3A_307 : memref<1x2048xi32, #tpu.memory_space<hbm>> -> memref<2048xi32, #tpu.memory_space<hbm>>
    %dma_start3A_309 = arith.constant 0 : i32
    %dma_start3A_310 = tpu.memref_slice %arg4[%add3A_305, %dma_start3A_309] : memref<512x2048xi32, #tpu.memory_space<hbm>> -> memref<1x2048xi32, #tpu.memory_space<hbm>>
    %dma_start3A_311 = tpu.memref_squeeze %dma_start3A_310 : memref<1x2048xi32, #tpu.memory_space<hbm>> -> memref<2048xi32, #tpu.memory_space<hbm>>
    tpu.enqueue_dma source(%dma_start3A_311 : memref<2048xi32, #tpu.memory_space<hbm>>) target(%arg20 : memref<2048xi32, #tpu.memory_space<vmem>>) target_semaphore(%arg32 : memref<!tpu.dma_semaphore, #tpu.memory_space<semaphore_mem>>)
    %dma_wait3A = arith.constant 0 : i32
    %dma_wait3A_312 = tpu.memref_slice %arg4[%add3A_305, %dma_wait3A] : memref<512x2048xi32, #tpu.memory_space<hbm>> -> memref<1x2048xi32, #tpu.memory_space<hbm>>
    %dma_wait3A_313 = tpu.memref_squeeze %dma_wait3A_312 : memref<1x2048xi32, #tpu.memory_space<hbm>> -> memref<2048xi32, #tpu.memory_space<hbm>>
    %dma_wait3A_314 = arith.constant 0 : i32
    %dma_wait3A_315 = tpu.memref_slice %arg4[%add3A_305, %dma_wait3A_314] : memref<512x2048xi32, #tpu.memory_space<hbm>> -> memref<1x2048xi32, #tpu.memory_space<hbm>>
    %dma_wait3A_316 = tpu.memref_squeeze %dma_wait3A_315 : memref<1x2048xi32, #tpu.memory_space<hbm>> -> memref<2048xi32, #tpu.memory_space<hbm>>
    tpu.wait_dma2 semaphore(%arg32 : memref<!tpu.dma_semaphore, #tpu.memory_space<semaphore_mem>>) src(%dma_wait3A_316 : memref<2048xi32, #tpu.memory_space<hbm>>) dst(%arg20 : memref<2048xi32, #tpu.memory_space<vmem>>)
    %add3A_317 = arith.constant 1 : i32
    %add3A_318 = arith.addi %mul3A_4, %add3A_317 : i32
    %dma_start3A_319 = arith.constant 0 : i32
    %dma_start3A_320 = tpu.memref_slice %arg4[%add3A_318, %dma_start3A_319] : memref<512x2048xi32, #tpu.memory_space<hbm>> -> memref<1x2048xi32, #tpu.memory_space<hbm>>
    %dma_start3A_321 = tpu.memref_squeeze %dma_start3A_320 : memref<1x2048xi32, #tpu.memory_space<hbm>> -> memref<2048xi32, #tpu.memory_space<hbm>>
    %dma_start3A_322 = arith.constant 0 : i32
    %dma_start3A_323 = tpu.memref_slice %arg4[%add3A_318, %dma_start3A_322] : memref<512x2048xi32, #tpu.memory_space<hbm>> -> memref<1x2048xi32, #tpu.memory_space<hbm>>
    %dma_start3A_324 = tpu.memref_squeeze %dma_start3A_323 : memref<1x2048xi32, #tpu.memory_space<hbm>> -> memref<2048xi32, #tpu.memory_space<hbm>>
    tpu.enqueue_dma source(%dma_start3A_324 : memref<2048xi32, #tpu.memory_space<hbm>>) target(%arg21 : memref<2048xi32, #tpu.memory_space<vmem>>) target_semaphore(%arg33 : memref<!tpu.dma_semaphore, #tpu.memory_space<semaphore_mem>>)
    %scan3A = arith.constant 0 : i32
    %scan3A_325 = arith.constant 0 : i32
    %scan3A_326 = arith.constant 128 : i32
    %scan3A_327 = arith.addi %scan3A_325, %scan3A_326 : i32
    %scan3A_328 = arith.constant 1 : i32
    scf.for %scan3A_1280 = %scan3A_325 to %scan3A_327 step %scan3A_328  : i32 {
      %mul3A_1281 = arith.constant 16 : i32
      %mul3A_1282 = arith.muli %scan3A_1280, %mul3A_1281 : i32
      %get3A_1283 = arith.index_cast %mul3A_1282 : i32 to index
      %get3A_1284 = tpu.vector_load %arg20[%get3A_1283] {strides = array<i32>} : memref<2048xi32, #tpu.memory_space<vmem>>, vector<16xi32>,
      %gather3A = tpu.vector_load_idx %arg11[%get3A_1284] : memref<2048xf32, #tpu.memory_space<vmem>>[vector<16xi32>], vector<16xf32>,
      %add3A_1285 = arith.constant 16384 : i32
      %add3A_1286 = arith.addi %add3A_1285, %mul3A_1282 : i32
      %swap3A_1287 = arith.index_cast %add3A_1286 : i32 to index
      %swap3A_1288 = tpu.vector_load %arg22[%swap3A_1287] {strides = array<i32>} : memref<18432xf32, #tpu.memory_space<vmem>>, vector<16xf32>,
      tpu.vector_store %arg22[%swap3A_1287], %gather3A {strides = array<i32>} : memref<18432xf32, #tpu.memory_space<vmem>>, vector<16xf32>,
      %gather3A_1289 = tpu.vector_load_idx %arg12[%get3A_1284] : memref<2048xf32, #tpu.memory_space<vmem>>[vector<16xi32>], vector<16xf32>,
      %add3A_1290 = arith.constant 0 : i32
      %add3A_1291 = arith.addi %add3A_1290, %mul3A_1282 : i32
      %swap3A_1292 = arith.index_cast %add3A_1291 : i32 to index
      %swap3A_1293 = tpu.vector_load %arg22[%swap3A_1292] {strides = array<i32>} : memref<18432xf32, #tpu.memory_space<vmem>>, vector<16xf32>,
      tpu.vector_store %arg22[%swap3A_1292], %gather3A_1289 {strides = array<i32>} : memref<18432xf32, #tpu.memory_space<vmem>>, vector<16xf32>,
      %gather3A_1294 = tpu.vector_load_idx %arg13[%get3A_1284] : memref<2048xf32, #tpu.memory_space<vmem>>[vector<16xi32>], vector<16xf32>,
      %add3A_1295 = arith.constant 2048 : i32
      %add3A_1296 = arith.addi %add3A_1295, %mul3A_1282 : i32
      %swap3A_1297 = arith.index_cast %add3A_1296 : i32 to index
      %swap3A_1298 = tpu.vector_load %arg22[%swap3A_1297] {strides = array<i32>} : memref<18432xf32, #tpu.memory_space<vmem>>, vector<16xf32>,
      tpu.vector_store %arg22[%swap3A_1297], %gather3A_1294 {strides = array<i32>} : memref<18432xf32, #tpu.memory_space<vmem>>, vector<16xf32>,
      %gather3A_1299 = tpu.vector_load_idx %arg14[%get3A_1284] : memref<2048xf32, #tpu.memory_space<vmem>>[vector<16xi32>], vector<16xf32>,
      %add3A_1300 = arith.constant 4096 : i32
      %add3A_1301 = arith.addi %add3A_1300, %mul3A_1282 : i32
      %swap3A_1302 = arith.index_cast %add3A_1301 : i32 to index
      %swap3A_1303 = tpu.vector_load %arg22[%swap3A_1302] {strides = array<i32>} : memref<18432xf32, #tpu.memory_space<vmem>>, vector<16xf32>,
      tpu.vector_store %arg22[%swap3A_1302], %gather3A_1299 {strides = array<i32>} : memref<18432xf32, #tpu.memory_space<vmem>>, vector<16xf32>,
      %gather3A_1304 = tpu.vector_load_idx %arg15[%get3A_1284] : memref<2048xf32, #tpu.memory_space<vmem>>[vector<16xi32>], vector<16xf32>,
      %add3A_1305 = arith.constant 6144 : i32
      %add3A_1306 = arith.addi %add3A_1305, %mul3A_1282 : i32
      %swap3A_1307 = arith.index_cast %add3A_1306 : i32 to index
      %swap3A_1308 = tpu.vector_load %arg22[%swap3A_1307] {strides = array<i32>} : memref<18432xf32, #tpu.memory_space<vmem>>, vector<16xf32>,
      tpu.vector_store %arg22[%swap3A_1307], %gather3A_1304 {strides = array<i32>} : memref<18432xf32, #tpu.memory_space<vmem>>, vector<16xf32>,
      %gather3A_1309 = tpu.vector_load_idx %arg16[%get3A_1284] : memref<2048xf32, #tpu.memory_space<vmem>>[vector<16xi32>], vector<16xf32>,
      %add3A_1310 = arith.constant 8192 : i32
      %add3A_1311 = arith.addi %add3A_1310, %mul3A_1282 : i32
      %swap3A_1312 = arith.index_cast %add3A_1311 : i32 to index
      %swap3A_1313 = tpu.vector_load %arg22[%swap3A_1312] {strides = array<i32>} : memref<18432xf32, #tpu.memory_space<vmem>>, vector<16xf32>,
      tpu.vector_store %arg22[%swap3A_1312], %gather3A_1309 {strides = array<i32>} : memref<18432xf32, #tpu.memory_space<vmem>>, vector<16xf32>,
      %gather3A_1314 = tpu.vector_load_idx %arg17[%get3A_1284] : memref<2048xf32, #tpu.memory_space<vmem>>[vector<16xi32>], vector<16xf32>,
      %add3A_1315 = arith.constant 10240 : i32
      %add3A_1316 = arith.addi %add3A_1315, %mul3A_1282 : i32
      %swap3A_1317 = arith.index_cast %add3A_1316 : i32 to index
      %swap3A_1318 = tpu.vector_load %arg22[%swap3A_1317] {strides = array<i32>} : memref<18432xf32, #tpu.memory_space<vmem>>, vector<16xf32>,
      tpu.vector_store %arg22[%swap3A_1317], %gather3A_1314 {strides = array<i32>} : memref<18432xf32, #tpu.memory_space<vmem>>, vector<16xf32>,
      %gather3A_1319 = tpu.vector_load_idx %arg18[%get3A_1284] : memref<2048xf32, #tpu.memory_space<vmem>>[vector<16xi32>], vector<16xf32>,
      %add3A_1320 = arith.constant 12288 : i32
      %add3A_1321 = arith.addi %add3A_1320, %mul3A_1282 : i32
      %swap3A_1322 = arith.index_cast %add3A_1321 : i32 to index
      %swap3A_1323 = tpu.vector_load %arg22[%swap3A_1322] {strides = array<i32>} : memref<18432xf32, #tpu.memory_space<vmem>>, vector<16xf32>,
      tpu.vector_store %arg22[%swap3A_1322], %gather3A_1319 {strides = array<i32>} : memref<18432xf32, #tpu.memory_space<vmem>>, vector<16xf32>,
      %gather3A_1324 = tpu.vector_load_idx %arg19[%get3A_1284] : memref<2048xf32, #tpu.memory_space<vmem>>[vector<16xi32>], vector<16xf32>,
      %add3A_1325 = arith.constant 14336 : i32
      %add3A_1326 = arith.addi %add3A_1325, %mul3A_1282 : i32
      %swap3A_1327 = arith.index_cast %add3A_1326 : i32 to index
      %swap3A_1328 = tpu.vector_load %arg22[%swap3A_1327] {strides = array<i32>} : memref<18432xf32, #tpu.memory_space<vmem>>, vector<16xf32>,
      tpu.vector_store %arg22[%swap3A_1327], %gather3A_1324 {strides = array<i32>} : memref<18432xf32, #tpu.memory_space<vmem>>, vector<16xf32>,
    }
    %scan3A_329 = arith.constant 128 : i32
    %add3A_330 = arith.constant 0 : i32
    %add3A_331 = arith.addi %mul3A_4, %add3A_330 : i32
    %dma_start3A_332 = arith.constant 0 : i32
    %dma_start3A_333 = tpu.memref_slice %arg8[%add3A_331, %dma_start3A_332] : memref<512x18432xf32, #tpu.memory_space<hbm>> -> memref<1x18432xf32, #tpu.memory_space<hbm>>
    %dma_start3A_334 = tpu.memref_squeeze %dma_start3A_333 : memref<1x18432xf32, #tpu.memory_space<hbm>> -> memref<18432xf32, #tpu.memory_space<hbm>>
    %dma_start3A_335 = arith.constant 0 : i32
    %dma_start3A_336 = tpu.memref_slice %arg8[%add3A_331, %dma_start3A_335] : memref<512x18432xf32, #tpu.memory_space<hbm>> -> memref<1x18432xf32, #tpu.memory_space<hbm>>
    %dma_start3A_337 = tpu.memref_squeeze %dma_start3A_336 : memref<1x18432xf32, #tpu.memory_space<hbm>> -> memref<18432xf32, #tpu.memory_space<hbm>>
    tpu.enqueue_dma source(%arg22 : memref<18432xf32, #tpu.memory_space<vmem>>) target(%dma_start3A_337 : memref<18432xf32, #tpu.memory_space<hbm>>) target_semaphore(%arg34 : memref<!tpu.dma_semaphore, #tpu.memory_space<semaphore_mem>>)
    %dma_wait3A_338 = arith.constant 0 : i32
    %dma_wait3A_339 = arith.constant 0 : i32
    %dma_wait3A_340 = tpu.memref_slice %arg25[%dma_wait3A_338, %dma_wait3A_339] : memref<8x64xi32, #tpu.memory_space<vmem>> -> memref<1x64xi32, #tpu.memory_space<vmem>>
    %dma_wait3A_341 = tpu.memref_squeeze %dma_wait3A_340 : memref<1x64xi32, #tpu.memory_space<vmem>> -> memref<64xi32, #tpu.memory_space<vmem>>
    %dma_wait3A_342 = arith.constant 0 : i32
    %dma_wait3A_343 = arith.constant 0 : i32
    %dma_wait3A_344 = tpu.memref_slice %arg5[%dma_wait3A_342, %dma_wait3A_343] : memref<4096x256xf32, #tpu.memory_space<hbm>> -> memref<4096x256xf32, #tpu.memory_space<hbm>>
    tpu.wait_indirect_dma semaphore(%arg28 : memref<!tpu.dma_semaphore, #tpu.memory_space<semaphore_mem>>) src(%dma_wait3A_344 : memref<4096x256xf32, #tpu.memory_space<hbm>>) dst(%arg26 : memref<64x256xf32, #tpu.memory_space<vmem>>)
    %dma_start3A_345 = arith.constant 0 : i32
    %dma_start3A_346 = arith.constant 0 : i32
    %dma_start3A_347 = tpu.memref_slice %arg9[%dma_start3A_345, %mul3A_2, %dma_start3A_346] : memref<8x2048x256xf32, #tpu.memory_space<hbm>> -> memref<1x64x256xf32, #tpu.memory_space<hbm>>
    %dma_start3A_348 = tpu.memref_squeeze %dma_start3A_347 : memref<1x64x256xf32, #tpu.memory_space<hbm>> -> memref<64x256xf32, #tpu.memory_space<hbm>>
    %dma_start3A_349 = arith.constant 0 : i32
    %dma_start3A_350 = tpu.memref_slice %arg9[%dma_start3A_345, %mul3A_2, %dma_start3A_349] : memref<8x2048x256xf32, #tpu.memory_space<hbm>> -> memref<1x64x256xf32, #tpu.memory_space<hbm>>
    %dma_start3A_351 = tpu.memref_squeeze %dma_start3A_350 : memref<1x64x256xf32, #tpu.memory_space<hbm>> -> memref<64x256xf32, #tpu.memory_space<hbm>>
    tpu.enqueue_dma source(%arg26 : memref<64x256xf32, #tpu.memory_space<vmem>>) target(%dma_start3A_351 : memref<64x256xf32, #tpu.memory_space<hbm>>) target_semaphore(%arg30 : memref<!tpu.dma_semaphore, #tpu.memory_space<semaphore_mem>>)
    %dma_wait3A_352 = arith.constant 0 : i32
    %dma_wait3A_353 = arith.constant 0 : i32
    %dma_wait3A_354 = tpu.memref_slice %arg9[%dma_wait3A_352, %mul3A_2, %dma_wait3A_353] : memref<8x2048x256xf32, #tpu.memory_space<hbm>> -> memref<1x64x256xf32, #tpu.memory_space<hbm>>
    %dma_wait3A_355 = tpu.memref_squeeze %dma_wait3A_354 : memref<1x64x256xf32, #tpu.memory_space<hbm>> -> memref<64x256xf32, #tpu.memory_space<hbm>>
    %dma_wait3A_356 = arith.constant 0 : i32
    %dma_wait3A_357 = tpu.memref_slice %arg9[%dma_wait3A_352, %mul3A_2, %dma_wait3A_356] : memref<8x2048x256xf32, #tpu.memory_space<hbm>> -> memref<1x64x256xf32, #tpu.memory_space<hbm>>
    %dma_wait3A_358 = tpu.memref_squeeze %dma_wait3A_357 : memref<1x64x256xf32, #tpu.memory_space<hbm>> -> memref<64x256xf32, #tpu.memory_space<hbm>>
    tpu.wait_dma2 semaphore(%arg30 : memref<!tpu.dma_semaphore, #tpu.memory_space<semaphore_mem>>) src(%arg26 : memref<64x256xf32, #tpu.memory_space<vmem>>) dst(%dma_wait3A_358 : memref<64x256xf32, #tpu.memory_space<hbm>>)
    %dma_start3A_359 = arith.constant 1 : i32
    %dma_start3A_360 = arith.constant 0 : i32
    %dma_start3A_361 = tpu.memref_slice %arg25[%dma_start3A_359, %dma_start3A_360] : memref<8x64xi32, #tpu.memory_space<vmem>> -> memref<1x64xi32, #tpu.memory_space<vmem>>
    %dma_start3A_362 = tpu.memref_squeeze %dma_start3A_361 : memref<1x64xi32, #tpu.memory_space<vmem>> -> memref<64xi32, #tpu.memory_space<vmem>>
    %dma_start3A_363 = arith.constant 0 : i32
    %dma_start3A_364 = arith.constant 0 : i32
    %dma_start3A_365 = tpu.memref_slice %arg5[%dma_start3A_363, %dma_start3A_364] : memref<4096x256xf32, #tpu.memory_space<hbm>> -> memref<4096x256xf32, #tpu.memory_space<hbm>>
    tpu.enqueue_indirect_dma source(%dma_start3A_365 : memref<4096x256xf32, #tpu.memory_space<hbm>>) target(%arg26 : memref<64x256xf32, #tpu.memory_space<vmem>>) offsets(%dma_start3A_362 : memref<64xi32, #tpu.memory_space<vmem>>) semaphore(%arg28 : memref<!tpu.dma_semaphore, #tpu.memory_space<semaphore_mem>>)
    %dma_wait3A_366 = arith.constant 0 : i32
    %dma_wait3A_367 = tpu.memref_slice %arg4[%add3A_318, %dma_wait3A_366] : memref<512x2048xi32, #tpu.memory_space<hbm>> -> memref<1x2048xi32, #tpu.memory_space<hbm>>
    %dma_wait3A_368 = tpu.memref_squeeze %dma_wait3A_367 : memref<1x2048xi32, #tpu.memory_space<hbm>> -> memref<2048xi32, #tpu.memory_space<hbm>>
    %dma_wait3A_369 = arith.constant 0 : i32
    %dma_wait3A_370 = tpu.memref_slice %arg4[%add3A_318, %dma_wait3A_369] : memref<512x2048xi32, #tpu.memory_space<hbm>> -> memref<1x2048xi32, #tpu.memory_space<hbm>>
    %dma_wait3A_371 = tpu.memref_squeeze %dma_wait3A_370 : memref<1x2048xi32, #tpu.memory_space<hbm>> -> memref<2048xi32, #tpu.memory_space<hbm>>
    tpu.wait_dma2 semaphore(%arg33 : memref<!tpu.dma_semaphore, #tpu.memory_space<semaphore_mem>>) src(%dma_wait3A_371 : memref<2048xi32, #tpu.memory_space<hbm>>) dst(%arg21 : memref<2048xi32, #tpu.memory_space<vmem>>)
    %add3A_372 = arith.constant 2 : i32
    %add3A_373 = arith.addi %mul3A_4, %add3A_372 : i32
    %dma_start3A_374 = arith.constant 0 : i32
    %dma_start3A_375 = tpu.memref_slice %arg4[%add3A_373, %dma_start3A_374] : memref<512x2048xi32, #tpu.memory_space<hbm>> -> memref<1x2048xi32, #tpu.memory_space<hbm>>
    %dma_start3A_376 = tpu.memref_squeeze %dma_start3A_375 : memref<1x2048xi32, #tpu.memory_space<hbm>> -> memref<2048xi32, #tpu.memory_space<hbm>>
    %dma_start3A_377 = arith.constant 0 : i32
    %dma_start3A_378 = tpu.memref_slice %arg4[%add3A_373, %dma_start3A_377] : memref<512x2048xi32, #tpu.memory_space<hbm>> -> memref<1x2048xi32, #tpu.memory_space<hbm>>
    %dma_start3A_379 = tpu.memref_squeeze %dma_start3A_378 : memref<1x2048xi32, #tpu.memory_space<hbm>> -> memref<2048xi32, #tpu.memory_space<hbm>>
    tpu.enqueue_dma source(%dma_start3A_379 : memref<2048xi32, #tpu.memory_space<hbm>>) target(%arg20 : memref<2048xi32, #tpu.memory_space<vmem>>) target_semaphore(%arg32 : memref<!tpu.dma_semaphore, #tpu.memory_space<semaphore_mem>>)
    %scan3A_380 = arith.constant 0 : i32
    %scan3A_381 = arith.constant 0 : i32
    %scan3A_382 = arith.constant 128 : i32
    %scan3A_383 = arith.addi %scan3A_381, %scan3A_382 : i32
    %scan3A_384 = arith.constant 1 : i32
    scf.for %scan3A_1280 = %scan3A_381 to %scan3A_383 step %scan3A_384  : i32 {
      %mul3A_1281 = arith.constant 16 : i32
      %mul3A_1282 = arith.muli %scan3A_1280, %mul3A_1281 : i32
      %get3A_1283 = arith.index_cast %mul3A_1282 : i32 to index
      %get3A_1284 = tpu.vector_load %arg21[%get3A_1283] {strides = array<i32>} : memref<2048xi32, #tpu.memory_space<vmem>>, vector<16xi32>,
      %gather3A = tpu.vector_load_idx %arg11[%get3A_1284] : memref<2048xf32, #tpu.memory_space<vmem>>[vector<16xi32>], vector<16xf32>,
      %add3A_1285 = arith.constant 16384 : i32
      %add3A_1286 = arith.addi %add3A_1285, %mul3A_1282 : i32
      %swap3A_1287 = arith.index_cast %add3A_1286 : i32 to index
      %swap3A_1288 = tpu.vector_load %arg23[%swap3A_1287] {strides = array<i32>} : memref<18432xf32, #tpu.memory_space<vmem>>, vector<16xf32>,
      tpu.vector_store %arg23[%swap3A_1287], %gather3A {strides = array<i32>} : memref<18432xf32, #tpu.memory_space<vmem>>, vector<16xf32>,
      %gather3A_1289 = tpu.vector_load_idx %arg12[%get3A_1284] : memref<2048xf32, #tpu.memory_space<vmem>>[vector<16xi32>], vector<16xf32>,
      %add3A_1290 = arith.constant 0 : i32
      %add3A_1291 = arith.addi %add3A_1290, %mul3A_1282 : i32
      %swap3A_1292 = arith.index_cast %add3A_1291 : i32 to index
      %swap3A_1293 = tpu.vector_load %arg23[%swap3A_1292] {strides = array<i32>} : memref<18432xf32, #tpu.memory_space<vmem>>, vector<16xf32>,
      tpu.vector_store %arg23[%swap3A_1292], %gather3A_1289 {strides = array<i32>} : memref<18432xf32, #tpu.memory_space<vmem>>, vector<16xf32>,
      %gather3A_1294 = tpu.vector_load_idx %arg13[%get3A_1284] : memref<2048xf32, #tpu.memory_space<vmem>>[vector<16xi32>], vector<16xf32>,
      %add3A_1295 = arith.constant 2048 : i32
      %add3A_1296 = arith.addi %add3A_1295, %mul3A_1282 : i32
      %swap3A_1297 = arith.index_cast %add3A_1296 : i32 to index
      %swap3A_1298 = tpu.vector_load %arg23[%swap3A_1297] {strides = array<i32>} : memref<18432xf32, #tpu.memory_space<vmem>>, vector<16xf32>,
      tpu.vector_store %arg23[%swap3A_1297], %gather3A_1294 {strides = array<i32>} : memref<18432xf32, #tpu.memory_space<vmem>>, vector<16xf32>,
      %gather3A_1299 = tpu.vector_load_idx %arg14[%get3A_1284] : memref<2048xf32, #tpu.memory_space<vmem>>[vector<16xi32>], vector<16xf32>,
      %add3A_1300 = arith.constant 4096 : i32
      %add3A_1301 = arith.addi %add3A_1300, %mul3A_1282 : i32
      %swap3A_1302 = arith.index_cast %add3A_1301 : i32 to index
      %swap3A_1303 = tpu.vector_load %arg23[%swap3A_1302] {strides = array<i32>} : memref<18432xf32, #tpu.memory_space<vmem>>, vector<16xf32>,
      tpu.vector_store %arg23[%swap3A_1302], %gather3A_1299 {strides = array<i32>} : memref<18432xf32, #tpu.memory_space<vmem>>, vector<16xf32>,
      %gather3A_1304 = tpu.vector_load_idx %arg15[%get3A_1284] : memref<2048xf32, #tpu.memory_space<vmem>>[vector<16xi32>], vector<16xf32>,
      %add3A_1305 = arith.constant 6144 : i32
      %add3A_1306 = arith.addi %add3A_1305, %mul3A_1282 : i32
      %swap3A_1307 = arith.index_cast %add3A_1306 : i32 to index
      %swap3A_1308 = tpu.vector_load %arg23[%swap3A_1307] {strides = array<i32>} : memref<18432xf32, #tpu.memory_space<vmem>>, vector<16xf32>,
      tpu.vector_store %arg23[%swap3A_1307], %gather3A_1304 {strides = array<i32>} : memref<18432xf32, #tpu.memory_space<vmem>>, vector<16xf32>,
      %gather3A_1309 = tpu.vector_load_idx %arg16[%get3A_1284] : memref<2048xf32, #tpu.memory_space<vmem>>[vector<16xi32>], vector<16xf32>,
      %add3A_1310 = arith.constant 8192 : i32
      %add3A_1311 = arith.addi %add3A_1310, %mul3A_1282 : i32
      %swap3A_1312 = arith.index_cast %add3A_1311 : i32 to index
      %swap3A_1313 = tpu.vector_load %arg23[%swap3A_1312] {strides = array<i32>} : memref<18432xf32, #tpu.memory_space<vmem>>, vector<16xf32>,
      tpu.vector_store %arg23[%swap3A_1312], %gather3A_1309 {strides = array<i32>} : memref<18432xf32, #tpu.memory_space<vmem>>, vector<16xf32>,
      %gather3A_1314 = tpu.vector_load_idx %arg17[%get3A_1284] : memref<2048xf32, #tpu.memory_space<vmem>>[vector<16xi32>], vector<16xf32>,
      %add3A_1315 = arith.constant 10240 : i32
      %add3A_1316 = arith.addi %add3A_1315, %mul3A_1282 : i32
      %swap3A_1317 = arith.index_cast %add3A_1316 : i32 to index
      %swap3A_1318 = tpu.vector_load %arg23[%swap3A_1317] {strides = array<i32>} : memref<18432xf32, #tpu.memory_space<vmem>>, vector<16xf32>,
      tpu.vector_store %arg23[%swap3A_1317], %gather3A_1314 {strides = array<i32>} : memref<18432xf32, #tpu.memory_space<vmem>>, vector<16xf32>,
      %gather3A_1319 = tpu.vector_load_idx %arg18[%get3A_1284] : memref<2048xf32, #tpu.memory_space<vmem>>[vector<16xi32>], vector<16xf32>,
      %add3A_1320 = arith.constant 12288 : i32
      %add3A_1321 = arith.addi %add3A_1320, %mul3A_1282 : i32
      %swap3A_1322 = arith.index_cast %add3A_1321 : i32 to index
      %swap3A_1323 = tpu.vector_load %arg23[%swap3A_1322] {strides = array<i32>} : memref<18432xf32, #tpu.memory_space<vmem>>, vector<16xf32>,
      tpu.vector_store %arg23[%swap3A_1322], %gather3A_1319 {strides = array<i32>} : memref<18432xf32, #tpu.memory_space<vmem>>, vector<16xf32>,
      %gather3A_1324 = tpu.vector_load_idx %arg19[%get3A_1284] : memref<2048xf32, #tpu.memory_space<vmem>>[vector<16xi32>], vector<16xf32>,
      %add3A_1325 = arith.constant 14336 : i32
      %add3A_1326 = arith.addi %add3A_1325, %mul3A_1282 : i32
      %swap3A_1327 = arith.index_cast %add3A_1326 : i32 to index
      %swap3A_1328 = tpu.vector_load %arg23[%swap3A_1327] {strides = array<i32>} : memref<18432xf32, #tpu.memory_space<vmem>>, vector<16xf32>,
      tpu.vector_store %arg23[%swap3A_1327], %gather3A_1324 {strides = array<i32>} : memref<18432xf32, #tpu.memory_space<vmem>>, vector<16xf32>,
    }
    %scan3A_385 = arith.constant 128 : i32
    %add3A_386 = arith.constant 1 : i32
    %add3A_387 = arith.addi %mul3A_4, %add3A_386 : i32
    %dma_start3A_388 = arith.constant 0 : i32
    %dma_start3A_389 = tpu.memref_slice %arg8[%add3A_387, %dma_start3A_388] : memref<512x18432xf32, #tpu.memory_space<hbm>> -> memref<1x18432xf32, #tpu.memory_space<hbm>>
    %dma_start3A_390 = tpu.memref_squeeze %dma_start3A_389 : memref<1x18432xf32, #tpu.memory_space<hbm>> -> memref<18432xf32, #tpu.memory_space<hbm>>
    %dma_start3A_391 = arith.constant 0 : i32
    %dma_start3A_392 = tpu.memref_slice %arg8[%add3A_387, %dma_start3A_391] : memref<512x18432xf32, #tpu.memory_space<hbm>> -> memref<1x18432xf32, #tpu.memory_space<hbm>>
    %dma_start3A_393 = tpu.memref_squeeze %dma_start3A_392 : memref<1x18432xf32, #tpu.memory_space<hbm>> -> memref<18432xf32, #tpu.memory_space<hbm>>
    tpu.enqueue_dma source(%arg23 : memref<18432xf32, #tpu.memory_space<vmem>>) target(%dma_start3A_393 : memref<18432xf32, #tpu.memory_space<hbm>>) target_semaphore(%arg35 : memref<!tpu.dma_semaphore, #tpu.memory_space<semaphore_mem>>)
    %dma_wait3A_394 = arith.constant 0 : i32
    %dma_wait3A_395 = arith.constant 0 : i32
    %dma_wait3A_396 = tpu.memref_slice %arg25[%dma_wait3A_394, %dma_wait3A_395] : memref<8x64xi32, #tpu.memory_space<vmem>> -> memref<1x64xi32, #tpu.memory_space<vmem>>
    %dma_wait3A_397 = tpu.memref_squeeze %dma_wait3A_396 : memref<1x64xi32, #tpu.memory_space<vmem>> -> memref<64xi32, #tpu.memory_space<vmem>>
    %dma_wait3A_398 = arith.constant 0 : i32
    %dma_wait3A_399 = arith.constant 0 : i32
    %dma_wait3A_400 = tpu.memref_slice %arg6[%dma_wait3A_398, %dma_wait3A_399] : memref<4096x256xf32, #tpu.memory_space<hbm>> -> memref<4096x256xf32, #tpu.memory_space<hbm>>
    tpu.wait_indirect_dma semaphore(%arg29 : memref<!tpu.dma_semaphore, #tpu.memory_space<semaphore_mem>>) src(%dma_wait3A_400 : memref<4096x256xf32, #tpu.memory_space<hbm>>) dst(%arg27 : memref<64x256xf32, #tpu.memory_space<vmem>>)
    %dma_start3A_401 = arith.constant 0 : i32
    %dma_start3A_402 = arith.constant 0 : i32
    %dma_start3A_403 = tpu.memref_slice %arg10[%dma_start3A_401, %mul3A_2, %dma_start3A_402] : memref<8x2048x256xf32, #tpu.memory_space<hbm>> -> memref<1x64x256xf32, #tpu.memory_space<hbm>>
    %dma_start3A_404 = tpu.memref_squeeze %dma_start3A_403 : memref<1x64x256xf32, #tpu.memory_space<hbm>> -> memref<64x256xf32, #tpu.memory_space<hbm>>
    %dma_start3A_405 = arith.constant 0 : i32
    %dma_start3A_406 = tpu.memref_slice %arg10[%dma_start3A_401, %mul3A_2, %dma_start3A_405] : memref<8x2048x256xf32, #tpu.memory_space<hbm>> -> memref<1x64x256xf32, #tpu.memory_space<hbm>>
    %dma_start3A_407 = tpu.memref_squeeze %dma_start3A_406 : memref<1x64x256xf32, #tpu.memory_space<hbm>> -> memref<64x256xf32, #tpu.memory_space<hbm>>
    tpu.enqueue_dma source(%arg27 : memref<64x256xf32, #tpu.memory_space<vmem>>) target(%dma_start3A_407 : memref<64x256xf32, #tpu.memory_space<hbm>>) target_semaphore(%arg31 : memref<!tpu.dma_semaphore, #tpu.memory_space<semaphore_mem>>)
    %dma_wait3A_408 = arith.constant 0 : i32
    %dma_wait3A_409 = arith.constant 0 : i32
    %dma_wait3A_410 = tpu.memref_slice %arg10[%dma_wait3A_408, %mul3A_2, %dma_wait3A_409] : memref<8x2048x256xf32, #tpu.memory_space<hbm>> -> memref<1x64x256xf32, #tpu.memory_space<hbm>>
    %dma_wait3A_411 = tpu.memref_squeeze %dma_wait3A_410 : memref<1x64x256xf32, #tpu.memory_space<hbm>> -> memref<64x256xf32, #tpu.memory_space<hbm>>
    %dma_wait3A_412 = arith.constant 0 : i32
    %dma_wait3A_413 = tpu.memref_slice %arg10[%dma_wait3A_408, %mul3A_2, %dma_wait3A_412] : memref<8x2048x256xf32, #tpu.memory_space<hbm>> -> memref<1x64x256xf32, #tpu.memory_space<hbm>>
    %dma_wait3A_414 = tpu.memref_squeeze %dma_wait3A_413 : memref<1x64x256xf32, #tpu.memory_space<hbm>> -> memref<64x256xf32, #tpu.memory_space<hbm>>
    tpu.wait_dma2 semaphore(%arg31 : memref<!tpu.dma_semaphore, #tpu.memory_space<semaphore_mem>>) src(%arg27 : memref<64x256xf32, #tpu.memory_space<vmem>>) dst(%dma_wait3A_414 : memref<64x256xf32, #tpu.memory_space<hbm>>)
    %dma_start3A_415 = arith.constant 1 : i32
    %dma_start3A_416 = arith.constant 0 : i32
    %dma_start3A_417 = tpu.memref_slice %arg25[%dma_start3A_415, %dma_start3A_416] : memref<8x64xi32, #tpu.memory_space<vmem>> -> memref<1x64xi32, #tpu.memory_space<vmem>>
    %dma_start3A_418 = tpu.memref_squeeze %dma_start3A_417 : memref<1x64xi32, #tpu.memory_space<vmem>> -> memref<64xi32, #tpu.memory_space<vmem>>
    %dma_start3A_419 = arith.constant 0 : i32
    %dma_start3A_420 = arith.constant 0 : i32
    %dma_start3A_421 = tpu.memref_slice %arg6[%dma_start3A_419, %dma_start3A_420] : memref<4096x256xf32, #tpu.memory_space<hbm>> -> memref<4096x256xf32, #tpu.memory_space<hbm>>
    tpu.enqueue_indirect_dma source(%dma_start3A_421 : memref<4096x256xf32, #tpu.memory_space<hbm>>) target(%arg27 : memref<64x256xf32, #tpu.memory_space<vmem>>) offsets(%dma_start3A_418 : memref<64xi32, #tpu.memory_space<vmem>>) semaphore(%arg29 : memref<!tpu.dma_semaphore, #tpu.memory_space<semaphore_mem>>)
    %dma_wait3A_422 = arith.constant 0 : i32
    %dma_wait3A_423 = tpu.memref_slice %arg4[%add3A_373, %dma_wait3A_422] : memref<512x2048xi32, #tpu.memory_space<hbm>> -> memref<1x2048xi32, #tpu.memory_space<hbm>>
    %dma_wait3A_424 = tpu.memref_squeeze %dma_wait3A_423 : memref<1x2048xi32, #tpu.memory_space<hbm>> -> memref<2048xi32, #tpu.memory_space<hbm>>
    %dma_wait3A_425 = arith.constant 0 : i32
    %dma_wait3A_426 = tpu.memref_slice %arg4[%add3A_373, %dma_wait3A_425] : memref<512x2048xi32, #tpu.memory_space<hbm>> -> memref<1x2048xi32, #tpu.memory_space<hbm>>
    %dma_wait3A_427 = tpu.memref_squeeze %dma_wait3A_426 : memref<1x2048xi32, #tpu.memory_space<hbm>> -> memref<2048xi32, #tpu.memory_space<hbm>>
    tpu.wait_dma2 semaphore(%arg32 : memref<!tpu.dma_semaphore, #tpu.memory_space<semaphore_mem>>) src(%dma_wait3A_427 : memref<2048xi32, #tpu.memory_space<hbm>>) dst(%arg20 : memref<2048xi32, #tpu.memory_space<vmem>>)
    %add3A_428 = arith.constant 3 : i32
    %add3A_429 = arith.addi %mul3A_4, %add3A_428 : i32
    %dma_start3A_430 = arith.constant 0 : i32
    %dma_start3A_431 = tpu.memref_slice %arg4[%add3A_429, %dma_start3A_430] : memref<512x2048xi32, #tpu.memory_space<hbm>> -> memref<1x2048xi32, #tpu.memory_space<hbm>>
    %dma_start3A_432 = tpu.memref_squeeze %dma_start3A_431 : memref<1x2048xi32, #tpu.memory_space<hbm>> -> memref<2048xi32, #tpu.memory_space<hbm>>
    %dma_start3A_433 = arith.constant 0 : i32
    %dma_start3A_434 = tpu.memref_slice %arg4[%add3A_429, %dma_start3A_433] : memref<512x2048xi32, #tpu.memory_space<hbm>> -> memref<1x2048xi32, #tpu.memory_space<hbm>>
    %dma_start3A_435 = tpu.memref_squeeze %dma_start3A_434 : memref<1x2048xi32, #tpu.memory_space<hbm>> -> memref<2048xi32, #tpu.memory_space<hbm>>
    tpu.enqueue_dma source(%dma_start3A_435 : memref<2048xi32, #tpu.memory_space<hbm>>) target(%arg21 : memref<2048xi32, #tpu.memory_space<vmem>>) target_semaphore(%arg33 : memref<!tpu.dma_semaphore, #tpu.memory_space<semaphore_mem>>)
    %dma_wait3A_436 = arith.constant 0 : i32
    %dma_wait3A_437 = tpu.memref_slice %arg8[%add3A_331, %dma_wait3A_436] : memref<512x18432xf32, #tpu.memory_space<hbm>> -> memref<1x18432xf32, #tpu.memory_space<hbm>>
    %dma_wait3A_438 = tpu.memref_squeeze %dma_wait3A_437 : memref<1x18432xf32, #tpu.memory_space<hbm>> -> memref<18432xf32, #tpu.memory_space<hbm>>
    %dma_wait3A_439 = arith.constant 0 : i32
    %dma_wait3A_440 = tpu.memref_slice %arg8[%add3A_331, %dma_wait3A_439] : memref<512x18432xf32, #tpu.memory_space<hbm>> -> memref<1x18432xf32, #tpu.memory_space<hbm>>
    %dma_wait3A_441 = tpu.memref_squeeze %dma_wait3A_440 : memref<1x18432xf32, #tpu.memory_space<hbm>> -> memref<18432xf32, #tpu.memory_space<hbm>>
    tpu.wait_dma2 semaphore(%arg34 : memref<!tpu.dma_semaphore, #tpu.memory_space<semaphore_mem>>) src(%arg22 : memref<18432xf32, #tpu.memory_space<vmem>>) dst(%dma_wait3A_441 : memref<18432xf32, #tpu.memory_space<hbm>>)
    %scan3A_442 = arith.constant 0 : i32
    %scan3A_443 = arith.constant 0 : i32
    %scan3A_444 = arith.constant 128 : i32
    %scan3A_445 = arith.addi %scan3A_443, %scan3A_444 : i32
    %scan3A_446 = arith.constant 1 : i32
    scf.for %scan3A_1280 = %scan3A_443 to %scan3A_445 step %scan3A_446  : i32 {
      %mul3A_1281 = arith.constant 16 : i32
      %mul3A_1282 = arith.muli %scan3A_1280, %mul3A_1281 : i32
      %get3A_1283 = arith.index_cast %mul3A_1282 : i32 to index
      %get3A_1284 = tpu.vector_load %arg20[%get3A_1283] {strides = array<i32>} : memref<2048xi32, #tpu.memory_space<vmem>>, vector<16xi32>,
      %gather3A = tpu.vector_load_idx %arg11[%get3A_1284] : memref<2048xf32, #tpu.memory_space<vmem>>[vector<16xi32>], vector<16xf32>,
      %add3A_1285 = arith.constant 16384 : i32
      %add3A_1286 = arith.addi %add3A_1285, %mul3A_1282 : i32
      %swap3A_1287 = arith.index_cast %add3A_1286 : i32 to index
      %swap3A_1288 = tpu.vector_load %arg22[%swap3A_1287] {strides = array<i32>} : memref<18432xf32, #tpu.memory_space<vmem>>, vector<16xf32>,
      tpu.vector_store %arg22[%swap3A_1287], %gather3A {strides = array<i32>} : memref<18432xf32, #tpu.memory_space<vmem>>, vector<16xf32>,
      %gather3A_1289 = tpu.vector_load_idx %arg12[%get3A_1284] : memref<2048xf32, #tpu.memory_space<vmem>>[vector<16xi32>], vector<16xf32>,
      %add3A_1290 = arith.constant 0 : i32
      %add3A_1291 = arith.addi %add3A_1290, %mul3A_1282 : i32
      %swap3A_1292 = arith.index_cast %add3A_1291 : i32 to index
      %swap3A_1293 = tpu.vector_load %arg22[%swap3A_1292] {strides = array<i32>} : memref<18432xf32, #tpu.memory_space<vmem>>, vector<16xf32>,
      tpu.vector_store %arg22[%swap3A_1292], %gather3A_1289 {strides = array<i32>} : memref<18432xf32, #tpu.memory_space<vmem>>, vector<16xf32>,
      %gather3A_1294 = tpu.vector_load_idx %arg13[%get3A_1284] : memref<2048xf32, #tpu.memory_space<vmem>>[vector<16xi32>], vector<16xf32>,
      %add3A_1295 = arith.constant 2048 : i32
      %add3A_1296 = arith.addi %add3A_1295, %mul3A_1282 : i32
      %swap3A_1297 = arith.index_cast %add3A_1296 : i32 to index
      %swap3A_1298 = tpu.vector_load %arg22[%swap3A_1297] {strides = array<i32>} : memref<18432xf32, #tpu.memory_space<vmem>>, vector<16xf32>,
      tpu.vector_store %arg22[%swap3A_1297], %gather3A_1294 {strides = array<i32>} : memref<18432xf32, #tpu.memory_space<vmem>>, vector<16xf32>,
      %gather3A_1299 = tpu.vector_load_idx %arg14[%get3A_1284] : memref<2048xf32, #tpu.memory_space<vmem>>[vector<16xi32>], vector<16xf32>,
      %add3A_1300 = arith.constant 4096 : i32
      %add3A_1301 = arith.addi %add3A_1300, %mul3A_1282 : i32
      %swap3A_1302 = arith.index_cast %add3A_1301 : i32 to index
      %swap3A_1303 = tpu.vector_load %arg22[%swap3A_1302] {strides = array<i32>} : memref<18432xf32, #tpu.memory_space<vmem>>, vector<16xf32>,
      tpu.vector_store %arg22[%swap3A_1302], %gather3A_1299 {strides = array<i32>} : memref<18432xf32, #tpu.memory_space<vmem>>, vector<16xf32>,
      %gather3A_1304 = tpu.vector_load_idx %arg15[%get3A_1284] : memref<2048xf32, #tpu.memory_space<vmem>>[vector<16xi32>], vector<16xf32>,
      %add3A_1305 = arith.constant 6144 : i32
      %add3A_1306 = arith.addi %add3A_1305, %mul3A_1282 : i32
      %swap3A_1307 = arith.index_cast %add3A_1306 : i32 to index
      %swap3A_1308 = tpu.vector_load %arg22[%swap3A_1307] {strides = array<i32>} : memref<18432xf32, #tpu.memory_space<vmem>>, vector<16xf32>,
      tpu.vector_store %arg22[%swap3A_1307], %gather3A_1304 {strides = array<i32>} : memref<18432xf32, #tpu.memory_space<vmem>>, vector<16xf32>,
      %gather3A_1309 = tpu.vector_load_idx %arg16[%get3A_1284] : memref<2048xf32, #tpu.memory_space<vmem>>[vector<16xi32>], vector<16xf32>,
      %add3A_1310 = arith.constant 8192 : i32
      %add3A_1311 = arith.addi %add3A_1310, %mul3A_1282 : i32
      %swap3A_1312 = arith.index_cast %add3A_1311 : i32 to index
      %swap3A_1313 = tpu.vector_load %arg22[%swap3A_1312] {strides = array<i32>} : memref<18432xf32, #tpu.memory_space<vmem>>, vector<16xf32>,
      tpu.vector_store %arg22[%swap3A_1312], %gather3A_1309 {strides = array<i32>} : memref<18432xf32, #tpu.memory_space<vmem>>, vector<16xf32>,
      %gather3A_1314 = tpu.vector_load_idx %arg17[%get3A_1284] : memref<2048xf32, #tpu.memory_space<vmem>>[vector<16xi32>], vector<16xf32>,
      %add3A_1315 = arith.constant 10240 : i32
      %add3A_1316 = arith.addi %add3A_1315, %mul3A_1282 : i32
      %swap3A_1317 = arith.index_cast %add3A_1316 : i32 to index
      %swap3A_1318 = tpu.vector_load %arg22[%swap3A_1317] {strides = array<i32>} : memref<18432xf32, #tpu.memory_space<vmem>>, vector<16xf32>,
      tpu.vector_store %arg22[%swap3A_1317], %gather3A_1314 {strides = array<i32>} : memref<18432xf32, #tpu.memory_space<vmem>>, vector<16xf32>,
      %gather3A_1319 = tpu.vector_load_idx %arg18[%get3A_1284] : memref<2048xf32, #tpu.memory_space<vmem>>[vector<16xi32>], vector<16xf32>,
      %add3A_1320 = arith.constant 12288 : i32
      %add3A_1321 = arith.addi %add3A_1320, %mul3A_1282 : i32
      %swap3A_1322 = arith.index_cast %add3A_1321 : i32 to index
      %swap3A_1323 = tpu.vector_load %arg22[%swap3A_1322] {strides = array<i32>} : memref<18432xf32, #tpu.memory_space<vmem>>, vector<16xf32>,
      tpu.vector_store %arg22[%swap3A_1322], %gather3A_1319 {strides = array<i32>} : memref<18432xf32, #tpu.memory_space<vmem>>, vector<16xf32>,
      %gather3A_1324 = tpu.vector_load_idx %arg19[%get3A_1284] : memref<2048xf32, #tpu.memory_space<vmem>>[vector<16xi32>], vector<16xf32>,
      %add3A_1325 = arith.constant 14336 : i32
      %add3A_1326 = arith.addi %add3A_1325, %mul3A_1282 : i32
      %swap3A_1327 = arith.index_cast %add3A_1326 : i32 to index
      %swap3A_1328 = tpu.vector_load %arg22[%swap3A_1327] {strides = array<i32>} : memref<18432xf32, #tpu.memory_space<vmem>>, vector<16xf32>,
      tpu.vector_store %arg22[%swap3A_1327], %gather3A_1324 {strides = array<i32>} : memref<18432xf32, #tpu.memory_space<vmem>>, vector<16xf32>,
    }
    %scan3A_447 = arith.constant 128 : i32
    %add3A_448 = arith.constant 2 : i32
    %add3A_449 = arith.addi %mul3A_4, %add3A_448 : i32
    %dma_start3A_450 = arith.constant 0 : i32
    %dma_start3A_451 = tpu.memref_slice %arg8[%add3A_449, %dma_start3A_450] : memref<512x18432xf32, #tpu.memory_space<hbm>> -> memref<1x18432xf32, #tpu.memory_space<hbm>>
    %dma_start3A_452 = tpu.memref_squeeze %dma_start3A_451 : memref<1x18432xf32, #tpu.memory_space<hbm>> -> memref<18432xf32, #tpu.memory_space<hbm>>
    %dma_start3A_453 = arith.constant 0 : i32
    %dma_start3A_454 = tpu.memref_slice %arg8[%add3A_449, %dma_start3A_453] : memref<512x18432xf32, #tpu.memory_space<hbm>> -> memref<1x18432xf32, #tpu.memory_space<hbm>>
    %dma_start3A_455 = tpu.memref_squeeze %dma_start3A_454 : memref<1x18432xf32, #tpu.memory_space<hbm>> -> memref<18432xf32, #tpu.memory_space<hbm>>
    tpu.enqueue_dma source(%arg22 : memref<18432xf32, #tpu.memory_space<vmem>>) target(%dma_start3A_455 : memref<18432xf32, #tpu.memory_space<hbm>>) target_semaphore(%arg34 : memref<!tpu.dma_semaphore, #tpu.memory_space<semaphore_mem>>)
    %dma_wait3A_456 = arith.constant 1 : i32
    %dma_wait3A_457 = arith.constant 0 : i32
    %dma_wait3A_458 = tpu.memref_slice %arg25[%dma_wait3A_456, %dma_wait3A_457] : memref<8x64xi32, #tpu.memory_space<vmem>> -> memref<1x64xi32, #tpu.memory_space<vmem>>
    %dma_wait3A_459 = tpu.memref_squeeze %dma_wait3A_458 : memref<1x64xi32, #tpu.memory_space<vmem>> -> memref<64xi32, #tpu.memory_space<vmem>>
    %dma_wait3A_460 = arith.constant 0 : i32
    %dma_wait3A_461 = arith.constant 0 : i32
    %dma_wait3A_462 = tpu.memref_slice %arg5[%dma_wait3A_460, %dma_wait3A_461] : memref<4096x256xf32, #tpu.memory_space<hbm>> -> memref<4096x256xf32, #tpu.memory_space<hbm>>
    tpu.wait_indirect_dma semaphore(%arg28 : memref<!tpu.dma_semaphore, #tpu.memory_space<semaphore_mem>>) src(%dma_wait3A_462 : memref<4096x256xf32, #tpu.memory_space<hbm>>) dst(%arg26 : memref<64x256xf32, #tpu.memory_space<vmem>>)
    %dma_start3A_463 = arith.constant 1 : i32
    %dma_start3A_464 = arith.constant 0 : i32
    %dma_start3A_465 = tpu.memref_slice %arg9[%dma_start3A_463, %mul3A_2, %dma_start3A_464] : memref<8x2048x256xf32, #tpu.memory_space<hbm>> -> memref<1x64x256xf32, #tpu.memory_space<hbm>>
    %dma_start3A_466 = tpu.memref_squeeze %dma_start3A_465 : memref<1x64x256xf32, #tpu.memory_space<hbm>> -> memref<64x256xf32, #tpu.memory_space<hbm>>
    %dma_start3A_467 = arith.constant 0 : i32
    %dma_start3A_468 = tpu.memref_slice %arg9[%dma_start3A_463, %mul3A_2, %dma_start3A_467] : memref<8x2048x256xf32, #tpu.memory_space<hbm>> -> memref<1x64x256xf32, #tpu.memory_space<hbm>>
    %dma_start3A_469 = tpu.memref_squeeze %dma_start3A_468 : memref<1x64x256xf32, #tpu.memory_space<hbm>> -> memref<64x256xf32, #tpu.memory_space<hbm>>
    tpu.enqueue_dma source(%arg26 : memref<64x256xf32, #tpu.memory_space<vmem>>) target(%dma_start3A_469 : memref<64x256xf32, #tpu.memory_space<hbm>>) target_semaphore(%arg30 : memref<!tpu.dma_semaphore, #tpu.memory_space<semaphore_mem>>)
    %dma_wait3A_470 = arith.constant 1 : i32
    %dma_wait3A_471 = arith.constant 0 : i32
    %dma_wait3A_472 = tpu.memref_slice %arg9[%dma_wait3A_470, %mul3A_2, %dma_wait3A_471] : memref<8x2048x256xf32, #tpu.memory_space<hbm>> -> memref<1x64x256xf32, #tpu.memory_space<hbm>>
    %dma_wait3A_473 = tpu.memref_squeeze %dma_wait3A_472 : memref<1x64x256xf32, #tpu.memory_space<hbm>> -> memref<64x256xf32, #tpu.memory_space<hbm>>
    %dma_wait3A_474 = arith.constant 0 : i32
    %dma_wait3A_475 = tpu.memref_slice %arg9[%dma_wait3A_470, %mul3A_2, %dma_wait3A_474] : memref<8x2048x256xf32, #tpu.memory_space<hbm>> -> memref<1x64x256xf32, #tpu.memory_space<hbm>>
    %dma_wait3A_476 = tpu.memref_squeeze %dma_wait3A_475 : memref<1x64x256xf32, #tpu.memory_space<hbm>> -> memref<64x256xf32, #tpu.memory_space<hbm>>
    tpu.wait_dma2 semaphore(%arg30 : memref<!tpu.dma_semaphore, #tpu.memory_space<semaphore_mem>>) src(%arg26 : memref<64x256xf32, #tpu.memory_space<vmem>>) dst(%dma_wait3A_476 : memref<64x256xf32, #tpu.memory_space<hbm>>)
    %dma_start3A_477 = arith.constant 2 : i32
    %dma_start3A_478 = arith.constant 0 : i32
    %dma_start3A_479 = tpu.memref_slice %arg25[%dma_start3A_477, %dma_start3A_478] : memref<8x64xi32, #tpu.memory_space<vmem>> -> memref<1x64xi32, #tpu.memory_space<vmem>>
    %dma_start3A_480 = tpu.memref_squeeze %dma_start3A_479 : memref<1x64xi32, #tpu.memory_space<vmem>> -> memref<64xi32, #tpu.memory_space<vmem>>
    %dma_start3A_481 = arith.constant 0 : i32
    %dma_start3A_482 = arith.constant 0 : i32
    %dma_start3A_483 = tpu.memref_slice %arg5[%dma_start3A_481, %dma_start3A_482] : memref<4096x256xf32, #tpu.memory_space<hbm>> -> memref<4096x256xf32, #tpu.memory_space<hbm>>
    tpu.enqueue_indirect_dma source(%dma_start3A_483 : memref<4096x256xf32, #tpu.memory_space<hbm>>) target(%arg26 : memref<64x256xf32, #tpu.memory_space<vmem>>) offsets(%dma_start3A_480 : memref<64xi32, #tpu.memory_space<vmem>>) semaphore(%arg28 : memref<!tpu.dma_semaphore, #tpu.memory_space<semaphore_mem>>)
    %dma_wait3A_484 = arith.constant 0 : i32
    %dma_wait3A_485 = tpu.memref_slice %arg4[%add3A_429, %dma_wait3A_484] : memref<512x2048xi32, #tpu.memory_space<hbm>> -> memref<1x2048xi32, #tpu.memory_space<hbm>>
    %dma_wait3A_486 = tpu.memref_squeeze %dma_wait3A_485 : memref<1x2048xi32, #tpu.memory_space<hbm>> -> memref<2048xi32, #tpu.memory_space<hbm>>
    %dma_wait3A_487 = arith.constant 0 : i32
    %dma_wait3A_488 = tpu.memref_slice %arg4[%add3A_429, %dma_wait3A_487] : memref<512x2048xi32, #tpu.memory_space<hbm>> -> memref<1x2048xi32, #tpu.memory_space<hbm>>
    %dma_wait3A_489 = tpu.memref_squeeze %dma_wait3A_488 : memref<1x2048xi32, #tpu.memory_space<hbm>> -> memref<2048xi32, #tpu.memory_space<hbm>>
    tpu.wait_dma2 semaphore(%arg33 : memref<!tpu.dma_semaphore, #tpu.memory_space<semaphore_mem>>) src(%dma_wait3A_489 : memref<2048xi32, #tpu.memory_space<hbm>>) dst(%arg21 : memref<2048xi32, #tpu.memory_space<vmem>>)
    %add3A_490 = arith.constant 4 : i32
    %add3A_491 = arith.addi %mul3A_4, %add3A_490 : i32
    %dma_start3A_492 = arith.constant 0 : i32
    %dma_start3A_493 = tpu.memref_slice %arg4[%add3A_491, %dma_start3A_492] : memref<512x2048xi32, #tpu.memory_space<hbm>> -> memref<1x2048xi32, #tpu.memory_space<hbm>>
    %dma_start3A_494 = tpu.memref_squeeze %dma_start3A_493 : memref<1x2048xi32, #tpu.memory_space<hbm>> -> memref<2048xi32, #tpu.memory_space<hbm>>
    %dma_start3A_495 = arith.constant 0 : i32
    %dma_start3A_496 = tpu.memref_slice %arg4[%add3A_491, %dma_start3A_495] : memref<512x2048xi32, #tpu.memory_space<hbm>> -> memref<1x2048xi32, #tpu.memory_space<hbm>>
    %dma_start3A_497 = tpu.memref_squeeze %dma_start3A_496 : memref<1x2048xi32, #tpu.memory_space<hbm>> -> memref<2048xi32, #tpu.memory_space<hbm>>
    tpu.enqueue_dma source(%dma_start3A_497 : memref<2048xi32, #tpu.memory_space<hbm>>) target(%arg20 : memref<2048xi32, #tpu.memory_space<vmem>>) target_semaphore(%arg32 : memref<!tpu.dma_semaphore, #tpu.memory_space<semaphore_mem>>)
    %dma_wait3A_498 = arith.constant 0 : i32
    %dma_wait3A_499 = tpu.memref_slice %arg8[%add3A_387, %dma_wait3A_498] : memref<512x18432xf32, #tpu.memory_space<hbm>> -> memref<1x18432xf32, #tpu.memory_space<hbm>>
    %dma_wait3A_500 = tpu.memref_squeeze %dma_wait3A_499 : memref<1x18432xf32, #tpu.memory_space<hbm>> -> memref<18432xf32, #tpu.memory_space<hbm>>
    %dma_wait3A_501 = arith.constant 0 : i32
    %dma_wait3A_502 = tpu.memref_slice %arg8[%add3A_387, %dma_wait3A_501] : memref<512x18432xf32, #tpu.memory_space<hbm>> -> memref<1x18432xf32, #tpu.memory_space<hbm>>
    %dma_wait3A_503 = tpu.memref_squeeze %dma_wait3A_502 : memref<1x18432xf32, #tpu.memory_space<hbm>> -> memref<18432xf32, #tpu.memory_space<hbm>>
    tpu.wait_dma2 semaphore(%arg35 : memref<!tpu.dma_semaphore, #tpu.memory_space<semaphore_mem>>) src(%arg23 : memref<18432xf32, #tpu.memory_space<vmem>>) dst(%dma_wait3A_503 : memref<18432xf32, #tpu.memory_space<hbm>>)
    %scan3A_504 = arith.constant 0 : i32
    %scan3A_505 = arith.constant 0 : i32
    %scan3A_506 = arith.constant 128 : i32
    %scan3A_507 = arith.addi %scan3A_505, %scan3A_506 : i32
    %scan3A_508 = arith.constant 1 : i32
    scf.for %scan3A_1280 = %scan3A_505 to %scan3A_507 step %scan3A_508  : i32 {
      %mul3A_1281 = arith.constant 16 : i32
      %mul3A_1282 = arith.muli %scan3A_1280, %mul3A_1281 : i32
      %get3A_1283 = arith.index_cast %mul3A_1282 : i32 to index
      %get3A_1284 = tpu.vector_load %arg21[%get3A_1283] {strides = array<i32>} : memref<2048xi32, #tpu.memory_space<vmem>>, vector<16xi32>,
      %gather3A = tpu.vector_load_idx %arg11[%get3A_1284] : memref<2048xf32, #tpu.memory_space<vmem>>[vector<16xi32>], vector<16xf32>,
      %add3A_1285 = arith.constant 16384 : i32
      %add3A_1286 = arith.addi %add3A_1285, %mul3A_1282 : i32
      %swap3A_1287 = arith.index_cast %add3A_1286 : i32 to index
      %swap3A_1288 = tpu.vector_load %arg23[%swap3A_1287] {strides = array<i32>} : memref<18432xf32, #tpu.memory_space<vmem>>, vector<16xf32>,
      tpu.vector_store %arg23[%swap3A_1287], %gather3A {strides = array<i32>} : memref<18432xf32, #tpu.memory_space<vmem>>, vector<16xf32>,
      %gather3A_1289 = tpu.vector_load_idx %arg12[%get3A_1284] : memref<2048xf32, #tpu.memory_space<vmem>>[vector<16xi32>], vector<16xf32>,
      %add3A_1290 = arith.constant 0 : i32
      %add3A_1291 = arith.addi %add3A_1290, %mul3A_1282 : i32
      %swap3A_1292 = arith.index_cast %add3A_1291 : i32 to index
      %swap3A_1293 = tpu.vector_load %arg23[%swap3A_1292] {strides = array<i32>} : memref<18432xf32, #tpu.memory_space<vmem>>, vector<16xf32>,
      tpu.vector_store %arg23[%swap3A_1292], %gather3A_1289 {strides = array<i32>} : memref<18432xf32, #tpu.memory_space<vmem>>, vector<16xf32>,
      %gather3A_1294 = tpu.vector_load_idx %arg13[%get3A_1284] : memref<2048xf32, #tpu.memory_space<vmem>>[vector<16xi32>], vector<16xf32>,
      %add3A_1295 = arith.constant 2048 : i32
      %add3A_1296 = arith.addi %add3A_1295, %mul3A_1282 : i32
      %swap3A_1297 = arith.index_cast %add3A_1296 : i32 to index
      %swap3A_1298 = tpu.vector_load %arg23[%swap3A_1297] {strides = array<i32>} : memref<18432xf32, #tpu.memory_space<vmem>>, vector<16xf32>,
      tpu.vector_store %arg23[%swap3A_1297], %gather3A_1294 {strides = array<i32>} : memref<18432xf32, #tpu.memory_space<vmem>>, vector<16xf32>,
      %gather3A_1299 = tpu.vector_load_idx %arg14[%get3A_1284] : memref<2048xf32, #tpu.memory_space<vmem>>[vector<16xi32>], vector<16xf32>,
      %add3A_1300 = arith.constant 4096 : i32
      %add3A_1301 = arith.addi %add3A_1300, %mul3A_1282 : i32
      %swap3A_1302 = arith.index_cast %add3A_1301 : i32 to index
      %swap3A_1303 = tpu.vector_load %arg23[%swap3A_1302] {strides = array<i32>} : memref<18432xf32, #tpu.memory_space<vmem>>, vector<16xf32>,
      tpu.vector_store %arg23[%swap3A_1302], %gather3A_1299 {strides = array<i32>} : memref<18432xf32, #tpu.memory_space<vmem>>, vector<16xf32>,
      %gather3A_1304 = tpu.vector_load_idx %arg15[%get3A_1284] : memref<2048xf32, #tpu.memory_space<vmem>>[vector<16xi32>], vector<16xf32>,
      %add3A_1305 = arith.constant 6144 : i32
      %add3A_1306 = arith.addi %add3A_1305, %mul3A_1282 : i32
      %swap3A_1307 = arith.index_cast %add3A_1306 : i32 to index
      %swap3A_1308 = tpu.vector_load %arg23[%swap3A_1307] {strides = array<i32>} : memref<18432xf32, #tpu.memory_space<vmem>>, vector<16xf32>,
      tpu.vector_store %arg23[%swap3A_1307], %gather3A_1304 {strides = array<i32>} : memref<18432xf32, #tpu.memory_space<vmem>>, vector<16xf32>,
      %gather3A_1309 = tpu.vector_load_idx %arg16[%get3A_1284] : memref<2048xf32, #tpu.memory_space<vmem>>[vector<16xi32>], vector<16xf32>,
      %add3A_1310 = arith.constant 8192 : i32
      %add3A_1311 = arith.addi %add3A_1310, %mul3A_1282 : i32
      %swap3A_1312 = arith.index_cast %add3A_1311 : i32 to index
      %swap3A_1313 = tpu.vector_load %arg23[%swap3A_1312] {strides = array<i32>} : memref<18432xf32, #tpu.memory_space<vmem>>, vector<16xf32>,
      tpu.vector_store %arg23[%swap3A_1312], %gather3A_1309 {strides = array<i32>} : memref<18432xf32, #tpu.memory_space<vmem>>, vector<16xf32>,
      %gather3A_1314 = tpu.vector_load_idx %arg17[%get3A_1284] : memref<2048xf32, #tpu.memory_space<vmem>>[vector<16xi32>], vector<16xf32>,
      %add3A_1315 = arith.constant 10240 : i32
      %add3A_1316 = arith.addi %add3A_1315, %mul3A_1282 : i32
      %swap3A_1317 = arith.index_cast %add3A_1316 : i32 to index
      %swap3A_1318 = tpu.vector_load %arg23[%swap3A_1317] {strides = array<i32>} : memref<18432xf32, #tpu.memory_space<vmem>>, vector<16xf32>,
      tpu.vector_store %arg23[%swap3A_1317], %gather3A_1314 {strides = array<i32>} : memref<18432xf32, #tpu.memory_space<vmem>>, vector<16xf32>,
      %gather3A_1319 = tpu.vector_load_idx %arg18[%get3A_1284] : memref<2048xf32, #tpu.memory_space<vmem>>[vector<16xi32>], vector<16xf32>,
      %add3A_1320 = arith.constant 12288 : i32
      %add3A_1321 = arith.addi %add3A_1320, %mul3A_1282 : i32
      %swap3A_1322 = arith.index_cast %add3A_1321 : i32 to index
      %swap3A_1323 = tpu.vector_load %arg23[%swap3A_1322] {strides = array<i32>} : memref<18432xf32, #tpu.memory_space<vmem>>, vector<16xf32>,
      tpu.vector_store %arg23[%swap3A_1322], %gather3A_1319 {strides = array<i32>} : memref<18432xf32, #tpu.memory_space<vmem>>, vector<16xf32>,
      %gather3A_1324 = tpu.vector_load_idx %arg19[%get3A_1284] : memref<2048xf32, #tpu.memory_space<vmem>>[vector<16xi32>], vector<16xf32>,
      %add3A_1325 = arith.constant 14336 : i32
      %add3A_1326 = arith.addi %add3A_1325, %mul3A_1282 : i32
      %swap3A_1327 = arith.index_cast %add3A_1326 : i32 to index
      %swap3A_1328 = tpu.vector_load %arg23[%swap3A_1327] {strides = array<i32>} : memref<18432xf32, #tpu.memory_space<vmem>>, vector<16xf32>,
      tpu.vector_store %arg23[%swap3A_1327], %gather3A_1324 {strides = array<i32>} : memref<18432xf32, #tpu.memory_space<vmem>>, vector<16xf32>,
    }
    %scan3A_509 = arith.constant 128 : i32
    %add3A_510 = arith.constant 3 : i32
    %add3A_511 = arith.addi %mul3A_4, %add3A_510 : i32
    %dma_start3A_512 = arith.constant 0 : i32
    %dma_start3A_513 = tpu.memref_slice %arg8[%add3A_511, %dma_start3A_512] : memref<512x18432xf32, #tpu.memory_space<hbm>> -> memref<1x18432xf32, #tpu.memory_space<hbm>>
    %dma_start3A_514 = tpu.memref_squeeze %dma_start3A_513 : memref<1x18432xf32, #tpu.memory_space<hbm>> -> memref<18432xf32, #tpu.memory_space<hbm>>
    %dma_start3A_515 = arith.constant 0 : i32
    %dma_start3A_516 = tpu.memref_slice %arg8[%add3A_511, %dma_start3A_515] : memref<512x18432xf32, #tpu.memory_space<hbm>> -> memref<1x18432xf32, #tpu.memory_space<hbm>>
    %dma_start3A_517 = tpu.memref_squeeze %dma_start3A_516 : memref<1x18432xf32, #tpu.memory_space<hbm>> -> memref<18432xf32, #tpu.memory_space<hbm>>
    tpu.enqueue_dma source(%arg23 : memref<18432xf32, #tpu.memory_space<vmem>>) target(%dma_start3A_517 : memref<18432xf32, #tpu.memory_space<hbm>>) target_semaphore(%arg35 : memref<!tpu.dma_semaphore, #tpu.memory_space<semaphore_mem>>)
    %dma_wait3A_518 = arith.constant 1 : i32
    %dma_wait3A_519 = arith.constant 0 : i32
    %dma_wait3A_520 = tpu.memref_slice %arg25[%dma_wait3A_518, %dma_wait3A_519] : memref<8x64xi32, #tpu.memory_space<vmem>> -> memref<1x64xi32, #tpu.memory_space<vmem>>
    %dma_wait3A_521 = tpu.memref_squeeze %dma_wait3A_520 : memref<1x64xi32, #tpu.memory_space<vmem>> -> memref<64xi32, #tpu.memory_space<vmem>>
    %dma_wait3A_522 = arith.constant 0 : i32
    %dma_wait3A_523 = arith.constant 0 : i32
    %dma_wait3A_524 = tpu.memref_slice %arg6[%dma_wait3A_522, %dma_wait3A_523] : memref<4096x256xf32, #tpu.memory_space<hbm>> -> memref<4096x256xf32, #tpu.memory_space<hbm>>
    tpu.wait_indirect_dma semaphore(%arg29 : memref<!tpu.dma_semaphore, #tpu.memory_space<semaphore_mem>>) src(%dma_wait3A_524 : memref<4096x256xf32, #tpu.memory_space<hbm>>) dst(%arg27 : memref<64x256xf32, #tpu.memory_space<vmem>>)
    %dma_start3A_525 = arith.constant 1 : i32
    %dma_start3A_526 = arith.constant 0 : i32
    %dma_start3A_527 = tpu.memref_slice %arg10[%dma_start3A_525, %mul3A_2, %dma_start3A_526] : memref<8x2048x256xf32, #tpu.memory_space<hbm>> -> memref<1x64x256xf32, #tpu.memory_space<hbm>>
    %dma_start3A_528 = tpu.memref_squeeze %dma_start3A_527 : memref<1x64x256xf32, #tpu.memory_space<hbm>> -> memref<64x256xf32, #tpu.memory_space<hbm>>
    %dma_start3A_529 = arith.constant 0 : i32
    %dma_start3A_530 = tpu.memref_slice %arg10[%dma_start3A_525, %mul3A_2, %dma_start3A_529] : memref<8x2048x256xf32, #tpu.memory_space<hbm>> -> memref<1x64x256xf32, #tpu.memory_space<hbm>>
    %dma_start3A_531 = tpu.memref_squeeze %dma_start3A_530 : memref<1x64x256xf32, #tpu.memory_space<hbm>> -> memref<64x256xf32, #tpu.memory_space<hbm>>
    tpu.enqueue_dma source(%arg27 : memref<64x256xf32, #tpu.memory_space<vmem>>) target(%dma_start3A_531 : memref<64x256xf32, #tpu.memory_space<hbm>>) target_semaphore(%arg31 : memref<!tpu.dma_semaphore, #tpu.memory_space<semaphore_mem>>)
    %dma_wait3A_532 = arith.constant 1 : i32
    %dma_wait3A_533 = arith.constant 0 : i32
    %dma_wait3A_534 = tpu.memref_slice %arg10[%dma_wait3A_532, %mul3A_2, %dma_wait3A_533] : memref<8x2048x256xf32, #tpu.memory_space<hbm>> -> memref<1x64x256xf32, #tpu.memory_space<hbm>>
    %dma_wait3A_535 = tpu.memref_squeeze %dma_wait3A_534 : memref<1x64x256xf32, #tpu.memory_space<hbm>> -> memref<64x256xf32, #tpu.memory_space<hbm>>
    %dma_wait3A_536 = arith.constant 0 : i32
    %dma_wait3A_537 = tpu.memref_slice %arg10[%dma_wait3A_532, %mul3A_2, %dma_wait3A_536] : memref<8x2048x256xf32, #tpu.memory_space<hbm>> -> memref<1x64x256xf32, #tpu.memory_space<hbm>>
    %dma_wait3A_538 = tpu.memref_squeeze %dma_wait3A_537 : memref<1x64x256xf32, #tpu.memory_space<hbm>> -> memref<64x256xf32, #tpu.memory_space<hbm>>
    tpu.wait_dma2 semaphore(%arg31 : memref<!tpu.dma_semaphore, #tpu.memory_space<semaphore_mem>>) src(%arg27 : memref<64x256xf32, #tpu.memory_space<vmem>>) dst(%dma_wait3A_538 : memref<64x256xf32, #tpu.memory_space<hbm>>)
    %dma_start3A_539 = arith.constant 2 : i32
    %dma_start3A_540 = arith.constant 0 : i32
    %dma_start3A_541 = tpu.memref_slice %arg25[%dma_start3A_539, %dma_start3A_540] : memref<8x64xi32, #tpu.memory_space<vmem>> -> memref<1x64xi32, #tpu.memory_space<vmem>>
    %dma_start3A_542 = tpu.memref_squeeze %dma_start3A_541 : memref<1x64xi32, #tpu.memory_space<vmem>> -> memref<64xi32, #tpu.memory_space<vmem>>
    %dma_start3A_543 = arith.constant 0 : i32
    %dma_start3A_544 = arith.constant 0 : i32
    %dma_start3A_545 = tpu.memref_slice %arg6[%dma_start3A_543, %dma_start3A_544] : memref<4096x256xf32, #tpu.memory_space<hbm>> -> memref<4096x256xf32, #tpu.memory_space<hbm>>
    tpu.enqueue_indirect_dma source(%dma_start3A_545 : memref<4096x256xf32, #tpu.memory_space<hbm>>) target(%arg27 : memref<64x256xf32, #tpu.memory_space<vmem>>) offsets(%dma_start3A_542 : memref<64xi32, #tpu.memory_space<vmem>>) semaphore(%arg29 : memref<!tpu.dma_semaphore, #tpu.memory_space<semaphore_mem>>)
    %dma_wait3A_546 = arith.constant 0 : i32
    %dma_wait3A_547 = tpu.memref_slice %arg4[%add3A_491, %dma_wait3A_546] : memref<512x2048xi32, #tpu.memory_space<hbm>> -> memref<1x2048xi32, #tpu.memory_space<hbm>>
    %dma_wait3A_548 = tpu.memref_squeeze %dma_wait3A_547 : memref<1x2048xi32, #tpu.memory_space<hbm>> -> memref<2048xi32, #tpu.memory_space<hbm>>
    %dma_wait3A_549 = arith.constant 0 : i32
    %dma_wait3A_550 = tpu.memref_slice %arg4[%add3A_491, %dma_wait3A_549] : memref<512x2048xi32, #tpu.memory_space<hbm>> -> memref<1x2048xi32, #tpu.memory_space<hbm>>
    %dma_wait3A_551 = tpu.memref_squeeze %dma_wait3A_550 : memref<1x2048xi32, #tpu.memory_space<hbm>> -> memref<2048xi32, #tpu.memory_space<hbm>>
    tpu.wait_dma2 semaphore(%arg32 : memref<!tpu.dma_semaphore, #tpu.memory_space<semaphore_mem>>) src(%dma_wait3A_551 : memref<2048xi32, #tpu.memory_space<hbm>>) dst(%arg20 : memref<2048xi32, #tpu.memory_space<vmem>>)
    %add3A_552 = arith.constant 5 : i32
    %add3A_553 = arith.addi %mul3A_4, %add3A_552 : i32
    %dma_start3A_554 = arith.constant 0 : i32
    %dma_start3A_555 = tpu.memref_slice %arg4[%add3A_553, %dma_start3A_554] : memref<512x2048xi32, #tpu.memory_space<hbm>> -> memref<1x2048xi32, #tpu.memory_space<hbm>>
    %dma_start3A_556 = tpu.memref_squeeze %dma_start3A_555 : memref<1x2048xi32, #tpu.memory_space<hbm>> -> memref<2048xi32, #tpu.memory_space<hbm>>
    %dma_start3A_557 = arith.constant 0 : i32
    %dma_start3A_558 = tpu.memref_slice %arg4[%add3A_553, %dma_start3A_557] : memref<512x2048xi32, #tpu.memory_space<hbm>> -> memref<1x2048xi32, #tpu.memory_space<hbm>>
    %dma_start3A_559 = tpu.memref_squeeze %dma_start3A_558 : memref<1x2048xi32, #tpu.memory_space<hbm>> -> memref<2048xi32, #tpu.memory_space<hbm>>
    tpu.enqueue_dma source(%dma_start3A_559 : memref<2048xi32, #tpu.memory_space<hbm>>) target(%arg21 : memref<2048xi32, #tpu.memory_space<vmem>>) target_semaphore(%arg33 : memref<!tpu.dma_semaphore, #tpu.memory_space<semaphore_mem>>)
    %dma_wait3A_560 = arith.constant 0 : i32
    %dma_wait3A_561 = tpu.memref_slice %arg8[%add3A_449, %dma_wait3A_560] : memref<512x18432xf32, #tpu.memory_space<hbm>> -> memref<1x18432xf32, #tpu.memory_space<hbm>>
    %dma_wait3A_562 = tpu.memref_squeeze %dma_wait3A_561 : memref<1x18432xf32, #tpu.memory_space<hbm>> -> memref<18432xf32, #tpu.memory_space<hbm>>
    %dma_wait3A_563 = arith.constant 0 : i32
    %dma_wait3A_564 = tpu.memref_slice %arg8[%add3A_449, %dma_wait3A_563] : memref<512x18432xf32, #tpu.memory_space<hbm>> -> memref<1x18432xf32, #tpu.memory_space<hbm>>
    %dma_wait3A_565 = tpu.memref_squeeze %dma_wait3A_564 : memref<1x18432xf32, #tpu.memory_space<hbm>> -> memref<18432xf32, #tpu.memory_space<hbm>>
    tpu.wait_dma2 semaphore(%arg34 : memref<!tpu.dma_semaphore, #tpu.memory_space<semaphore_mem>>) src(%arg22 : memref<18432xf32, #tpu.memory_space<vmem>>) dst(%dma_wait3A_565 : memref<18432xf32, #tpu.memory_space<hbm>>)
    %scan3A_566 = arith.constant 0 : i32
    %scan3A_567 = arith.constant 0 : i32
    %scan3A_568 = arith.constant 128 : i32
    %scan3A_569 = arith.addi %scan3A_567, %scan3A_568 : i32
    %scan3A_570 = arith.constant 1 : i32
    scf.for %scan3A_1280 = %scan3A_567 to %scan3A_569 step %scan3A_570  : i32 {
      %mul3A_1281 = arith.constant 16 : i32
      %mul3A_1282 = arith.muli %scan3A_1280, %mul3A_1281 : i32
      %get3A_1283 = arith.index_cast %mul3A_1282 : i32 to index
      %get3A_1284 = tpu.vector_load %arg20[%get3A_1283] {strides = array<i32>} : memref<2048xi32, #tpu.memory_space<vmem>>, vector<16xi32>,
      %gather3A = tpu.vector_load_idx %arg11[%get3A_1284] : memref<2048xf32, #tpu.memory_space<vmem>>[vector<16xi32>], vector<16xf32>,
      %add3A_1285 = arith.constant 16384 : i32
      %add3A_1286 = arith.addi %add3A_1285, %mul3A_1282 : i32
      %swap3A_1287 = arith.index_cast %add3A_1286 : i32 to index
      %swap3A_1288 = tpu.vector_load %arg22[%swap3A_1287] {strides = array<i32>} : memref<18432xf32, #tpu.memory_space<vmem>>, vector<16xf32>,
      tpu.vector_store %arg22[%swap3A_1287], %gather3A {strides = array<i32>} : memref<18432xf32, #tpu.memory_space<vmem>>, vector<16xf32>,
      %gather3A_1289 = tpu.vector_load_idx %arg12[%get3A_1284] : memref<2048xf32, #tpu.memory_space<vmem>>[vector<16xi32>], vector<16xf32>,
      %add3A_1290 = arith.constant 0 : i32
      %add3A_1291 = arith.addi %add3A_1290, %mul3A_1282 : i32
      %swap3A_1292 = arith.index_cast %add3A_1291 : i32 to index
      %swap3A_1293 = tpu.vector_load %arg22[%swap3A_1292] {strides = array<i32>} : memref<18432xf32, #tpu.memory_space<vmem>>, vector<16xf32>,
      tpu.vector_store %arg22[%swap3A_1292], %gather3A_1289 {strides = array<i32>} : memref<18432xf32, #tpu.memory_space<vmem>>, vector<16xf32>,
      %gather3A_1294 = tpu.vector_load_idx %arg13[%get3A_1284] : memref<2048xf32, #tpu.memory_space<vmem>>[vector<16xi32>], vector<16xf32>,
      %add3A_1295 = arith.constant 2048 : i32
      %add3A_1296 = arith.addi %add3A_1295, %mul3A_1282 : i32
      %swap3A_1297 = arith.index_cast %add3A_1296 : i32 to index
      %swap3A_1298 = tpu.vector_load %arg22[%swap3A_1297] {strides = array<i32>} : memref<18432xf32, #tpu.memory_space<vmem>>, vector<16xf32>,
      tpu.vector_store %arg22[%swap3A_1297], %gather3A_1294 {strides = array<i32>} : memref<18432xf32, #tpu.memory_space<vmem>>, vector<16xf32>,
      %gather3A_1299 = tpu.vector_load_idx %arg14[%get3A_1284] : memref<2048xf32, #tpu.memory_space<vmem>>[vector<16xi32>], vector<16xf32>,
      %add3A_1300 = arith.constant 4096 : i32
      %add3A_1301 = arith.addi %add3A_1300, %mul3A_1282 : i32
      %swap3A_1302 = arith.index_cast %add3A_1301 : i32 to index
      %swap3A_1303 = tpu.vector_load %arg22[%swap3A_1302] {strides = array<i32>} : memref<18432xf32, #tpu.memory_space<vmem>>, vector<16xf32>,
      tpu.vector_store %arg22[%swap3A_1302], %gather3A_1299 {strides = array<i32>} : memref<18432xf32, #tpu.memory_space<vmem>>, vector<16xf32>,
      %gather3A_1304 = tpu.vector_load_idx %arg15[%get3A_1284] : memref<2048xf32, #tpu.memory_space<vmem>>[vector<16xi32>], vector<16xf32>,
      %add3A_1305 = arith.constant 6144 : i32
      %add3A_1306 = arith.addi %add3A_1305, %mul3A_1282 : i32
      %swap3A_1307 = arith.index_cast %add3A_1306 : i32 to index
      %swap3A_1308 = tpu.vector_load %arg22[%swap3A_1307] {strides = array<i32>} : memref<18432xf32, #tpu.memory_space<vmem>>, vector<16xf32>,
      tpu.vector_store %arg22[%swap3A_1307], %gather3A_1304 {strides = array<i32>} : memref<18432xf32, #tpu.memory_space<vmem>>, vector<16xf32>,
      %gather3A_1309 = tpu.vector_load_idx %arg16[%get3A_1284] : memref<2048xf32, #tpu.memory_space<vmem>>[vector<16xi32>], vector<16xf32>,
      %add3A_1310 = arith.constant 8192 : i32
      %add3A_1311 = arith.addi %add3A_1310, %mul3A_1282 : i32
      %swap3A_1312 = arith.index_cast %add3A_1311 : i32 to index
      %swap3A_1313 = tpu.vector_load %arg22[%swap3A_1312] {strides = array<i32>} : memref<18432xf32, #tpu.memory_space<vmem>>, vector<16xf32>,
      tpu.vector_store %arg22[%swap3A_1312], %gather3A_1309 {strides = array<i32>} : memref<18432xf32, #tpu.memory_space<vmem>>, vector<16xf32>,
      %gather3A_1314 = tpu.vector_load_idx %arg17[%get3A_1284] : memref<2048xf32, #tpu.memory_space<vmem>>[vector<16xi32>], vector<16xf32>,
      %add3A_1315 = arith.constant 10240 : i32
      %add3A_1316 = arith.addi %add3A_1315, %mul3A_1282 : i32
      %swap3A_1317 = arith.index_cast %add3A_1316 : i32 to index
      %swap3A_1318 = tpu.vector_load %arg22[%swap3A_1317] {strides = array<i32>} : memref<18432xf32, #tpu.memory_space<vmem>>, vector<16xf32>,
      tpu.vector_store %arg22[%swap3A_1317], %gather3A_1314 {strides = array<i32>} : memref<18432xf32, #tpu.memory_space<vmem>>, vector<16xf32>,
      %gather3A_1319 = tpu.vector_load_idx %arg18[%get3A_1284] : memref<2048xf32, #tpu.memory_space<vmem>>[vector<16xi32>], vector<16xf32>,
      %add3A_1320 = arith.constant 12288 : i32
      %add3A_1321 = arith.addi %add3A_1320, %mul3A_1282 : i32
      %swap3A_1322 = arith.index_cast %add3A_1321 : i32 to index
      %swap3A_1323 = tpu.vector_load %arg22[%swap3A_1322] {strides = array<i32>} : memref<18432xf32, #tpu.memory_space<vmem>>, vector<16xf32>,
      tpu.vector_store %arg22[%swap3A_1322], %gather3A_1319 {strides = array<i32>} : memref<18432xf32, #tpu.memory_space<vmem>>, vector<16xf32>,
      %gather3A_1324 = tpu.vector_load_idx %arg19[%get3A_1284] : memref<2048xf32, #tpu.memory_space<vmem>>[vector<16xi32>], vector<16xf32>,
      %add3A_1325 = arith.constant 14336 : i32
      %add3A_1326 = arith.addi %add3A_1325, %mul3A_1282 : i32
      %swap3A_1327 = arith.index_cast %add3A_1326 : i32 to index
      %swap3A_1328 = tpu.vector_load %arg22[%swap3A_1327] {strides = array<i32>} : memref<18432xf32, #tpu.memory_space<vmem>>, vector<16xf32>,
      tpu.vector_store %arg22[%swap3A_1327], %gather3A_1324 {strides = array<i32>} : memref<18432xf32, #tpu.memory_space<vmem>>, vector<16xf32>,
    }
    %scan3A_571 = arith.constant 128 : i32
    %add3A_572 = arith.constant 4 : i32
    %add3A_573 = arith.addi %mul3A_4, %add3A_572 : i32
    %dma_start3A_574 = arith.constant 0 : i32
    %dma_start3A_575 = tpu.memref_slice %arg8[%add3A_573, %dma_start3A_574] : memref<512x18432xf32, #tpu.memory_space<hbm>> -> memref<1x18432xf32, #tpu.memory_space<hbm>>
    %dma_start3A_576 = tpu.memref_squeeze %dma_start3A_575 : memref<1x18432xf32, #tpu.memory_space<hbm>> -> memref<18432xf32, #tpu.memory_space<hbm>>
    %dma_start3A_577 = arith.constant 0 : i32
    %dma_start3A_578 = tpu.memref_slice %arg8[%add3A_573, %dma_start3A_577] : memref<512x18432xf32, #tpu.memory_space<hbm>> -> memref<1x18432xf32, #tpu.memory_space<hbm>>
    %dma_start3A_579 = tpu.memref_squeeze %dma_start3A_578 : memref<1x18432xf32, #tpu.memory_space<hbm>> -> memref<18432xf32, #tpu.memory_space<hbm>>
    tpu.enqueue_dma source(%arg22 : memref<18432xf32, #tpu.memory_space<vmem>>) target(%dma_start3A_579 : memref<18432xf32, #tpu.memory_space<hbm>>) target_semaphore(%arg34 : memref<!tpu.dma_semaphore, #tpu.memory_space<semaphore_mem>>)
    %dma_wait3A_580 = arith.constant 2 : i32
    %dma_wait3A_581 = arith.constant 0 : i32
    %dma_wait3A_582 = tpu.memref_slice %arg25[%dma_wait3A_580, %dma_wait3A_581] : memref<8x64xi32, #tpu.memory_space<vmem>> -> memref<1x64xi32, #tpu.memory_space<vmem>>
    %dma_wait3A_583 = tpu.memref_squeeze %dma_wait3A_582 : memref<1x64xi32, #tpu.memory_space<vmem>> -> memref<64xi32, #tpu.memory_space<vmem>>
    %dma_wait3A_584 = arith.constant 0 : i32
    %dma_wait3A_585 = arith.constant 0 : i32
    %dma_wait3A_586 = tpu.memref_slice %arg5[%dma_wait3A_584, %dma_wait3A_585] : memref<4096x256xf32, #tpu.memory_space<hbm>> -> memref<4096x256xf32, #tpu.memory_space<hbm>>
    tpu.wait_indirect_dma semaphore(%arg28 : memref<!tpu.dma_semaphore, #tpu.memory_space<semaphore_mem>>) src(%dma_wait3A_586 : memref<4096x256xf32, #tpu.memory_space<hbm>>) dst(%arg26 : memref<64x256xf32, #tpu.memory_space<vmem>>)
    %dma_start3A_587 = arith.constant 2 : i32
    %dma_start3A_588 = arith.constant 0 : i32
    %dma_start3A_589 = tpu.memref_slice %arg9[%dma_start3A_587, %mul3A_2, %dma_start3A_588] : memref<8x2048x256xf32, #tpu.memory_space<hbm>> -> memref<1x64x256xf32, #tpu.memory_space<hbm>>
    %dma_start3A_590 = tpu.memref_squeeze %dma_start3A_589 : memref<1x64x256xf32, #tpu.memory_space<hbm>> -> memref<64x256xf32, #tpu.memory_space<hbm>>
    %dma_start3A_591 = arith.constant 0 : i32
    %dma_start3A_592 = tpu.memref_slice %arg9[%dma_start3A_587, %mul3A_2, %dma_start3A_591] : memref<8x2048x256xf32, #tpu.memory_space<hbm>> -> memref<1x64x256xf32, #tpu.memory_space<hbm>>
    %dma_start3A_593 = tpu.memref_squeeze %dma_start3A_592 : memref<1x64x256xf32, #tpu.memory_space<hbm>> -> memref<64x256xf32, #tpu.memory_space<hbm>>
    tpu.enqueue_dma source(%arg26 : memref<64x256xf32, #tpu.memory_space<vmem>>) target(%dma_start3A_593 : memref<64x256xf32, #tpu.memory_space<hbm>>) target_semaphore(%arg30 : memref<!tpu.dma_semaphore, #tpu.memory_space<semaphore_mem>>)
    %dma_wait3A_594 = arith.constant 2 : i32
    %dma_wait3A_595 = arith.constant 0 : i32
    %dma_wait3A_596 = tpu.memref_slice %arg9[%dma_wait3A_594, %mul3A_2, %dma_wait3A_595] : memref<8x2048x256xf32, #tpu.memory_space<hbm>> -> memref<1x64x256xf32, #tpu.memory_space<hbm>>
    %dma_wait3A_597 = tpu.memref_squeeze %dma_wait3A_596 : memref<1x64x256xf32, #tpu.memory_space<hbm>> -> memref<64x256xf32, #tpu.memory_space<hbm>>
    %dma_wait3A_598 = arith.constant 0 : i32
    %dma_wait3A_599 = tpu.memref_slice %arg9[%dma_wait3A_594, %mul3A_2, %dma_wait3A_598] : memref<8x2048x256xf32, #tpu.memory_space<hbm>> -> memref<1x64x256xf32, #tpu.memory_space<hbm>>
    %dma_wait3A_600 = tpu.memref_squeeze %dma_wait3A_599 : memref<1x64x256xf32, #tpu.memory_space<hbm>> -> memref<64x256xf32, #tpu.memory_space<hbm>>
    tpu.wait_dma2 semaphore(%arg30 : memref<!tpu.dma_semaphore, #tpu.memory_space<semaphore_mem>>) src(%arg26 : memref<64x256xf32, #tpu.memory_space<vmem>>) dst(%dma_wait3A_600 : memref<64x256xf32, #tpu.memory_space<hbm>>)
    %dma_start3A_601 = arith.constant 3 : i32
    %dma_start3A_602 = arith.constant 0 : i32
    %dma_start3A_603 = tpu.memref_slice %arg25[%dma_start3A_601, %dma_start3A_602] : memref<8x64xi32, #tpu.memory_space<vmem>> -> memref<1x64xi32, #tpu.memory_space<vmem>>
    %dma_start3A_604 = tpu.memref_squeeze %dma_start3A_603 : memref<1x64xi32, #tpu.memory_space<vmem>> -> memref<64xi32, #tpu.memory_space<vmem>>
    %dma_start3A_605 = arith.constant 0 : i32
    %dma_start3A_606 = arith.constant 0 : i32
    %dma_start3A_607 = tpu.memref_slice %arg5[%dma_start3A_605, %dma_start3A_606] : memref<4096x256xf32, #tpu.memory_space<hbm>> -> memref<4096x256xf32, #tpu.memory_space<hbm>>
    tpu.enqueue_indirect_dma source(%dma_start3A_607 : memref<4096x256xf32, #tpu.memory_space<hbm>>) target(%arg26 : memref<64x256xf32, #tpu.memory_space<vmem>>) offsets(%dma_start3A_604 : memref<64xi32, #tpu.memory_space<vmem>>) semaphore(%arg28 : memref<!tpu.dma_semaphore, #tpu.memory_space<semaphore_mem>>)
    %dma_wait3A_608 = arith.constant 0 : i32
    %dma_wait3A_609 = tpu.memref_slice %arg4[%add3A_553, %dma_wait3A_608] : memref<512x2048xi32, #tpu.memory_space<hbm>> -> memref<1x2048xi32, #tpu.memory_space<hbm>>
    %dma_wait3A_610 = tpu.memref_squeeze %dma_wait3A_609 : memref<1x2048xi32, #tpu.memory_space<hbm>> -> memref<2048xi32, #tpu.memory_space<hbm>>
    %dma_wait3A_611 = arith.constant 0 : i32
    %dma_wait3A_612 = tpu.memref_slice %arg4[%add3A_553, %dma_wait3A_611] : memref<512x2048xi32, #tpu.memory_space<hbm>> -> memref<1x2048xi32, #tpu.memory_space<hbm>>
    %dma_wait3A_613 = tpu.memref_squeeze %dma_wait3A_612 : memref<1x2048xi32, #tpu.memory_space<hbm>> -> memref<2048xi32, #tpu.memory_space<hbm>>
    tpu.wait_dma2 semaphore(%arg33 : memref<!tpu.dma_semaphore, #tpu.memory_space<semaphore_mem>>) src(%dma_wait3A_613 : memref<2048xi32, #tpu.memory_space<hbm>>) dst(%arg21 : memref<2048xi32, #tpu.memory_space<vmem>>)
    %add3A_614 = arith.constant 6 : i32
    %add3A_615 = arith.addi %mul3A_4, %add3A_614 : i32
    %dma_start3A_616 = arith.constant 0 : i32
    %dma_start3A_617 = tpu.memref_slice %arg4[%add3A_615, %dma_start3A_616] : memref<512x2048xi32, #tpu.memory_space<hbm>> -> memref<1x2048xi32, #tpu.memory_space<hbm>>
    %dma_start3A_618 = tpu.memref_squeeze %dma_start3A_617 : memref<1x2048xi32, #tpu.memory_space<hbm>> -> memref<2048xi32, #tpu.memory_space<hbm>>
    %dma_start3A_619 = arith.constant 0 : i32
    %dma_start3A_620 = tpu.memref_slice %arg4[%add3A_615, %dma_start3A_619] : memref<512x2048xi32, #tpu.memory_space<hbm>> -> memref<1x2048xi32, #tpu.memory_space<hbm>>
    %dma_start3A_621 = tpu.memref_squeeze %dma_start3A_620 : memref<1x2048xi32, #tpu.memory_space<hbm>> -> memref<2048xi32, #tpu.memory_space<hbm>>
    tpu.enqueue_dma source(%dma_start3A_621 : memref<2048xi32, #tpu.memory_space<hbm>>) target(%arg20 : memref<2048xi32, #tpu.memory_space<vmem>>) target_semaphore(%arg32 : memref<!tpu.dma_semaphore, #tpu.memory_space<semaphore_mem>>)
    %dma_wait3A_622 = arith.constant 0 : i32
    %dma_wait3A_623 = tpu.memref_slice %arg8[%add3A_511, %dma_wait3A_622] : memref<512x18432xf32, #tpu.memory_space<hbm>> -> memref<1x18432xf32, #tpu.memory_space<hbm>>
    %dma_wait3A_624 = tpu.memref_squeeze %dma_wait3A_623 : memref<1x18432xf32, #tpu.memory_space<hbm>> -> memref<18432xf32, #tpu.memory_space<hbm>>
    %dma_wait3A_625 = arith.constant 0 : i32
    %dma_wait3A_626 = tpu.memref_slice %arg8[%add3A_511, %dma_wait3A_625] : memref<512x18432xf32, #tpu.memory_space<hbm>> -> memref<1x18432xf32, #tpu.memory_space<hbm>>
    %dma_wait3A_627 = tpu.memref_squeeze %dma_wait3A_626 : memref<1x18432xf32, #tpu.memory_space<hbm>> -> memref<18432xf32, #tpu.memory_space<hbm>>
    tpu.wait_dma2 semaphore(%arg35 : memref<!tpu.dma_semaphore, #tpu.memory_space<semaphore_mem>>) src(%arg23 : memref<18432xf32, #tpu.memory_space<vmem>>) dst(%dma_wait3A_627 : memref<18432xf32, #tpu.memory_space<hbm>>)
    %scan3A_628 = arith.constant 0 : i32
    %scan3A_629 = arith.constant 0 : i32
    %scan3A_630 = arith.constant 128 : i32
    %scan3A_631 = arith.addi %scan3A_629, %scan3A_630 : i32
    %scan3A_632 = arith.constant 1 : i32
    scf.for %scan3A_1280 = %scan3A_629 to %scan3A_631 step %scan3A_632  : i32 {
      %mul3A_1281 = arith.constant 16 : i32
      %mul3A_1282 = arith.muli %scan3A_1280, %mul3A_1281 : i32
      %get3A_1283 = arith.index_cast %mul3A_1282 : i32 to index
      %get3A_1284 = tpu.vector_load %arg21[%get3A_1283] {strides = array<i32>} : memref<2048xi32, #tpu.memory_space<vmem>>, vector<16xi32>,
      %gather3A = tpu.vector_load_idx %arg11[%get3A_1284] : memref<2048xf32, #tpu.memory_space<vmem>>[vector<16xi32>], vector<16xf32>,
      %add3A_1285 = arith.constant 16384 : i32
      %add3A_1286 = arith.addi %add3A_1285, %mul3A_1282 : i32
      %swap3A_1287 = arith.index_cast %add3A_1286 : i32 to index
      %swap3A_1288 = tpu.vector_load %arg23[%swap3A_1287] {strides = array<i32>} : memref<18432xf32, #tpu.memory_space<vmem>>, vector<16xf32>,
      tpu.vector_store %arg23[%swap3A_1287], %gather3A {strides = array<i32>} : memref<18432xf32, #tpu.memory_space<vmem>>, vector<16xf32>,
      %gather3A_1289 = tpu.vector_load_idx %arg12[%get3A_1284] : memref<2048xf32, #tpu.memory_space<vmem>>[vector<16xi32>], vector<16xf32>,
      %add3A_1290 = arith.constant 0 : i32
      %add3A_1291 = arith.addi %add3A_1290, %mul3A_1282 : i32
      %swap3A_1292 = arith.index_cast %add3A_1291 : i32 to index
      %swap3A_1293 = tpu.vector_load %arg23[%swap3A_1292] {strides = array<i32>} : memref<18432xf32, #tpu.memory_space<vmem>>, vector<16xf32>,
      tpu.vector_store %arg23[%swap3A_1292], %gather3A_1289 {strides = array<i32>} : memref<18432xf32, #tpu.memory_space<vmem>>, vector<16xf32>,
      %gather3A_1294 = tpu.vector_load_idx %arg13[%get3A_1284] : memref<2048xf32, #tpu.memory_space<vmem>>[vector<16xi32>], vector<16xf32>,
      %add3A_1295 = arith.constant 2048 : i32
      %add3A_1296 = arith.addi %add3A_1295, %mul3A_1282 : i32
      %swap3A_1297 = arith.index_cast %add3A_1296 : i32 to index
      %swap3A_1298 = tpu.vector_load %arg23[%swap3A_1297] {strides = array<i32>} : memref<18432xf32, #tpu.memory_space<vmem>>, vector<16xf32>,
      tpu.vector_store %arg23[%swap3A_1297], %gather3A_1294 {strides = array<i32>} : memref<18432xf32, #tpu.memory_space<vmem>>, vector<16xf32>,
      %gather3A_1299 = tpu.vector_load_idx %arg14[%get3A_1284] : memref<2048xf32, #tpu.memory_space<vmem>>[vector<16xi32>], vector<16xf32>,
      %add3A_1300 = arith.constant 4096 : i32
      %add3A_1301 = arith.addi %add3A_1300, %mul3A_1282 : i32
      %swap3A_1302 = arith.index_cast %add3A_1301 : i32 to index
      %swap3A_1303 = tpu.vector_load %arg23[%swap3A_1302] {strides = array<i32>} : memref<18432xf32, #tpu.memory_space<vmem>>, vector<16xf32>,
      tpu.vector_store %arg23[%swap3A_1302], %gather3A_1299 {strides = array<i32>} : memref<18432xf32, #tpu.memory_space<vmem>>, vector<16xf32>,
      %gather3A_1304 = tpu.vector_load_idx %arg15[%get3A_1284] : memref<2048xf32, #tpu.memory_space<vmem>>[vector<16xi32>], vector<16xf32>,
      %add3A_1305 = arith.constant 6144 : i32
      %add3A_1306 = arith.addi %add3A_1305, %mul3A_1282 : i32
      %swap3A_1307 = arith.index_cast %add3A_1306 : i32 to index
      %swap3A_1308 = tpu.vector_load %arg23[%swap3A_1307] {strides = array<i32>} : memref<18432xf32, #tpu.memory_space<vmem>>, vector<16xf32>,
      tpu.vector_store %arg23[%swap3A_1307], %gather3A_1304 {strides = array<i32>} : memref<18432xf32, #tpu.memory_space<vmem>>, vector<16xf32>,
      %gather3A_1309 = tpu.vector_load_idx %arg16[%get3A_1284] : memref<2048xf32, #tpu.memory_space<vmem>>[vector<16xi32>], vector<16xf32>,
      %add3A_1310 = arith.constant 8192 : i32
      %add3A_1311 = arith.addi %add3A_1310, %mul3A_1282 : i32
      %swap3A_1312 = arith.index_cast %add3A_1311 : i32 to index
      %swap3A_1313 = tpu.vector_load %arg23[%swap3A_1312] {strides = array<i32>} : memref<18432xf32, #tpu.memory_space<vmem>>, vector<16xf32>,
      tpu.vector_store %arg23[%swap3A_1312], %gather3A_1309 {strides = array<i32>} : memref<18432xf32, #tpu.memory_space<vmem>>, vector<16xf32>,
      %gather3A_1314 = tpu.vector_load_idx %arg17[%get3A_1284] : memref<2048xf32, #tpu.memory_space<vmem>>[vector<16xi32>], vector<16xf32>,
      %add3A_1315 = arith.constant 10240 : i32
      %add3A_1316 = arith.addi %add3A_1315, %mul3A_1282 : i32
      %swap3A_1317 = arith.index_cast %add3A_1316 : i32 to index
      %swap3A_1318 = tpu.vector_load %arg23[%swap3A_1317] {strides = array<i32>} : memref<18432xf32, #tpu.memory_space<vmem>>, vector<16xf32>,
      tpu.vector_store %arg23[%swap3A_1317], %gather3A_1314 {strides = array<i32>} : memref<18432xf32, #tpu.memory_space<vmem>>, vector<16xf32>,
      %gather3A_1319 = tpu.vector_load_idx %arg18[%get3A_1284] : memref<2048xf32, #tpu.memory_space<vmem>>[vector<16xi32>], vector<16xf32>,
      %add3A_1320 = arith.constant 12288 : i32
      %add3A_1321 = arith.addi %add3A_1320, %mul3A_1282 : i32
      %swap3A_1322 = arith.index_cast %add3A_1321 : i32 to index
      %swap3A_1323 = tpu.vector_load %arg23[%swap3A_1322] {strides = array<i32>} : memref<18432xf32, #tpu.memory_space<vmem>>, vector<16xf32>,
      tpu.vector_store %arg23[%swap3A_1322], %gather3A_1319 {strides = array<i32>} : memref<18432xf32, #tpu.memory_space<vmem>>, vector<16xf32>,
      %gather3A_1324 = tpu.vector_load_idx %arg19[%get3A_1284] : memref<2048xf32, #tpu.memory_space<vmem>>[vector<16xi32>], vector<16xf32>,
      %add3A_1325 = arith.constant 14336 : i32
      %add3A_1326 = arith.addi %add3A_1325, %mul3A_1282 : i32
      %swap3A_1327 = arith.index_cast %add3A_1326 : i32 to index
      %swap3A_1328 = tpu.vector_load %arg23[%swap3A_1327] {strides = array<i32>} : memref<18432xf32, #tpu.memory_space<vmem>>, vector<16xf32>,
      tpu.vector_store %arg23[%swap3A_1327], %gather3A_1324 {strides = array<i32>} : memref<18432xf32, #tpu.memory_space<vmem>>, vector<16xf32>,
    }
    %scan3A_633 = arith.constant 128 : i32
    %add3A_634 = arith.constant 5 : i32
    %add3A_635 = arith.addi %mul3A_4, %add3A_634 : i32
    %dma_start3A_636 = arith.constant 0 : i32
    %dma_start3A_637 = tpu.memref_slice %arg8[%add3A_635, %dma_start3A_636] : memref<512x18432xf32, #tpu.memory_space<hbm>> -> memref<1x18432xf32, #tpu.memory_space<hbm>>
    %dma_start3A_638 = tpu.memref_squeeze %dma_start3A_637 : memref<1x18432xf32, #tpu.memory_space<hbm>> -> memref<18432xf32, #tpu.memory_space<hbm>>
    %dma_start3A_639 = arith.constant 0 : i32
    %dma_start3A_640 = tpu.memref_slice %arg8[%add3A_635, %dma_start3A_639] : memref<512x18432xf32, #tpu.memory_space<hbm>> -> memref<1x18432xf32, #tpu.memory_space<hbm>>
    %dma_start3A_641 = tpu.memref_squeeze %dma_start3A_640 : memref<1x18432xf32, #tpu.memory_space<hbm>> -> memref<18432xf32, #tpu.memory_space<hbm>>
    tpu.enqueue_dma source(%arg23 : memref<18432xf32, #tpu.memory_space<vmem>>) target(%dma_start3A_641 : memref<18432xf32, #tpu.memory_space<hbm>>) target_semaphore(%arg35 : memref<!tpu.dma_semaphore, #tpu.memory_space<semaphore_mem>>)
    %dma_wait3A_642 = arith.constant 2 : i32
    %dma_wait3A_643 = arith.constant 0 : i32
    %dma_wait3A_644 = tpu.memref_slice %arg25[%dma_wait3A_642, %dma_wait3A_643] : memref<8x64xi32, #tpu.memory_space<vmem>> -> memref<1x64xi32, #tpu.memory_space<vmem>>
    %dma_wait3A_645 = tpu.memref_squeeze %dma_wait3A_644 : memref<1x64xi32, #tpu.memory_space<vmem>> -> memref<64xi32, #tpu.memory_space<vmem>>
    %dma_wait3A_646 = arith.constant 0 : i32
    %dma_wait3A_647 = arith.constant 0 : i32
    %dma_wait3A_648 = tpu.memref_slice %arg6[%dma_wait3A_646, %dma_wait3A_647] : memref<4096x256xf32, #tpu.memory_space<hbm>> -> memref<4096x256xf32, #tpu.memory_space<hbm>>
    tpu.wait_indirect_dma semaphore(%arg29 : memref<!tpu.dma_semaphore, #tpu.memory_space<semaphore_mem>>) src(%dma_wait3A_648 : memref<4096x256xf32, #tpu.memory_space<hbm>>) dst(%arg27 : memref<64x256xf32, #tpu.memory_space<vmem>>)
    %dma_start3A_649 = arith.constant 2 : i32
    %dma_start3A_650 = arith.constant 0 : i32
    %dma_start3A_651 = tpu.memref_slice %arg10[%dma_start3A_649, %mul3A_2, %dma_start3A_650] : memref<8x2048x256xf32, #tpu.memory_space<hbm>> -> memref<1x64x256xf32, #tpu.memory_space<hbm>>
    %dma_start3A_652 = tpu.memref_squeeze %dma_start3A_651 : memref<1x64x256xf32, #tpu.memory_space<hbm>> -> memref<64x256xf32, #tpu.memory_space<hbm>>
    %dma_start3A_653 = arith.constant 0 : i32
    %dma_start3A_654 = tpu.memref_slice %arg10[%dma_start3A_649, %mul3A_2, %dma_start3A_653] : memref<8x2048x256xf32, #tpu.memory_space<hbm>> -> memref<1x64x256xf32, #tpu.memory_space<hbm>>
    %dma_start3A_655 = tpu.memref_squeeze %dma_start3A_654 : memref<1x64x256xf32, #tpu.memory_space<hbm>> -> memref<64x256xf32, #tpu.memory_space<hbm>>
    tpu.enqueue_dma source(%arg27 : memref<64x256xf32, #tpu.memory_space<vmem>>) target(%dma_start3A_655 : memref<64x256xf32, #tpu.memory_space<hbm>>) target_semaphore(%arg31 : memref<!tpu.dma_semaphore, #tpu.memory_space<semaphore_mem>>)
    %dma_wait3A_656 = arith.constant 2 : i32
    %dma_wait3A_657 = arith.constant 0 : i32
    %dma_wait3A_658 = tpu.memref_slice %arg10[%dma_wait3A_656, %mul3A_2, %dma_wait3A_657] : memref<8x2048x256xf32, #tpu.memory_space<hbm>> -> memref<1x64x256xf32, #tpu.memory_space<hbm>>
    %dma_wait3A_659 = tpu.memref_squeeze %dma_wait3A_658 : memref<1x64x256xf32, #tpu.memory_space<hbm>> -> memref<64x256xf32, #tpu.memory_space<hbm>>
    %dma_wait3A_660 = arith.constant 0 : i32
    %dma_wait3A_661 = tpu.memref_slice %arg10[%dma_wait3A_656, %mul3A_2, %dma_wait3A_660] : memref<8x2048x256xf32, #tpu.memory_space<hbm>> -> memref<1x64x256xf32, #tpu.memory_space<hbm>>
    %dma_wait3A_662 = tpu.memref_squeeze %dma_wait3A_661 : memref<1x64x256xf32, #tpu.memory_space<hbm>> -> memref<64x256xf32, #tpu.memory_space<hbm>>
    tpu.wait_dma2 semaphore(%arg31 : memref<!tpu.dma_semaphore, #tpu.memory_space<semaphore_mem>>) src(%arg27 : memref<64x256xf32, #tpu.memory_space<vmem>>) dst(%dma_wait3A_662 : memref<64x256xf32, #tpu.memory_space<hbm>>)
    %dma_start3A_663 = arith.constant 3 : i32
    %dma_start3A_664 = arith.constant 0 : i32
    %dma_start3A_665 = tpu.memref_slice %arg25[%dma_start3A_663, %dma_start3A_664] : memref<8x64xi32, #tpu.memory_space<vmem>> -> memref<1x64xi32, #tpu.memory_space<vmem>>
    %dma_start3A_666 = tpu.memref_squeeze %dma_start3A_665 : memref<1x64xi32, #tpu.memory_space<vmem>> -> memref<64xi32, #tpu.memory_space<vmem>>
    %dma_start3A_667 = arith.constant 0 : i32
    %dma_start3A_668 = arith.constant 0 : i32
    %dma_start3A_669 = tpu.memref_slice %arg6[%dma_start3A_667, %dma_start3A_668] : memref<4096x256xf32, #tpu.memory_space<hbm>> -> memref<4096x256xf32, #tpu.memory_space<hbm>>
    tpu.enqueue_indirect_dma source(%dma_start3A_669 : memref<4096x256xf32, #tpu.memory_space<hbm>>) target(%arg27 : memref<64x256xf32, #tpu.memory_space<vmem>>) offsets(%dma_start3A_666 : memref<64xi32, #tpu.memory_space<vmem>>) semaphore(%arg29 : memref<!tpu.dma_semaphore, #tpu.memory_space<semaphore_mem>>)
    %dma_wait3A_670 = arith.constant 0 : i32
    %dma_wait3A_671 = tpu.memref_slice %arg4[%add3A_615, %dma_wait3A_670] : memref<512x2048xi32, #tpu.memory_space<hbm>> -> memref<1x2048xi32, #tpu.memory_space<hbm>>
    %dma_wait3A_672 = tpu.memref_squeeze %dma_wait3A_671 : memref<1x2048xi32, #tpu.memory_space<hbm>> -> memref<2048xi32, #tpu.memory_space<hbm>>
    %dma_wait3A_673 = arith.constant 0 : i32
    %dma_wait3A_674 = tpu.memref_slice %arg4[%add3A_615, %dma_wait3A_673] : memref<512x2048xi32, #tpu.memory_space<hbm>> -> memref<1x2048xi32, #tpu.memory_space<hbm>>
    %dma_wait3A_675 = tpu.memref_squeeze %dma_wait3A_674 : memref<1x2048xi32, #tpu.memory_space<hbm>> -> memref<2048xi32, #tpu.memory_space<hbm>>
    tpu.wait_dma2 semaphore(%arg32 : memref<!tpu.dma_semaphore, #tpu.memory_space<semaphore_mem>>) src(%dma_wait3A_675 : memref<2048xi32, #tpu.memory_space<hbm>>) dst(%arg20 : memref<2048xi32, #tpu.memory_space<vmem>>)
    %add3A_676 = arith.constant 7 : i32
    %add3A_677 = arith.addi %mul3A_4, %add3A_676 : i32
    %dma_start3A_678 = arith.constant 0 : i32
    %dma_start3A_679 = tpu.memref_slice %arg4[%add3A_677, %dma_start3A_678] : memref<512x2048xi32, #tpu.memory_space<hbm>> -> memref<1x2048xi32, #tpu.memory_space<hbm>>
    %dma_start3A_680 = tpu.memref_squeeze %dma_start3A_679 : memref<1x2048xi32, #tpu.memory_space<hbm>> -> memref<2048xi32, #tpu.memory_space<hbm>>
    %dma_start3A_681 = arith.constant 0 : i32
    %dma_start3A_682 = tpu.memref_slice %arg4[%add3A_677, %dma_start3A_681] : memref<512x2048xi32, #tpu.memory_space<hbm>> -> memref<1x2048xi32, #tpu.memory_space<hbm>>
    %dma_start3A_683 = tpu.memref_squeeze %dma_start3A_682 : memref<1x2048xi32, #tpu.memory_space<hbm>> -> memref<2048xi32, #tpu.memory_space<hbm>>
    tpu.enqueue_dma source(%dma_start3A_683 : memref<2048xi32, #tpu.memory_space<hbm>>) target(%arg21 : memref<2048xi32, #tpu.memory_space<vmem>>) target_semaphore(%arg33 : memref<!tpu.dma_semaphore, #tpu.memory_space<semaphore_mem>>)
    %dma_wait3A_684 = arith.constant 0 : i32
    %dma_wait3A_685 = tpu.memref_slice %arg8[%add3A_573, %dma_wait3A_684] : memref<512x18432xf32, #tpu.memory_space<hbm>> -> memref<1x18432xf32, #tpu.memory_space<hbm>>
    %dma_wait3A_686 = tpu.memref_squeeze %dma_wait3A_685 : memref<1x18432xf32, #tpu.memory_space<hbm>> -> memref<18432xf32, #tpu.memory_space<hbm>>
    %dma_wait3A_687 = arith.constant 0 : i32
    %dma_wait3A_688 = tpu.memref_slice %arg8[%add3A_573, %dma_wait3A_687] : memref<512x18432xf32, #tpu.memory_space<hbm>> -> memref<1x18432xf32, #tpu.memory_space<hbm>>
    %dma_wait3A_689 = tpu.memref_squeeze %dma_wait3A_688 : memref<1x18432xf32, #tpu.memory_space<hbm>> -> memref<18432xf32, #tpu.memory_space<hbm>>
    tpu.wait_dma2 semaphore(%arg34 : memref<!tpu.dma_semaphore, #tpu.memory_space<semaphore_mem>>) src(%arg22 : memref<18432xf32, #tpu.memory_space<vmem>>) dst(%dma_wait3A_689 : memref<18432xf32, #tpu.memory_space<hbm>>)
    %scan3A_690 = arith.constant 0 : i32
    %scan3A_691 = arith.constant 0 : i32
    %scan3A_692 = arith.constant 128 : i32
    %scan3A_693 = arith.addi %scan3A_691, %scan3A_692 : i32
    %scan3A_694 = arith.constant 1 : i32
    scf.for %scan3A_1280 = %scan3A_691 to %scan3A_693 step %scan3A_694  : i32 {
      %mul3A_1281 = arith.constant 16 : i32
      %mul3A_1282 = arith.muli %scan3A_1280, %mul3A_1281 : i32
      %get3A_1283 = arith.index_cast %mul3A_1282 : i32 to index
      %get3A_1284 = tpu.vector_load %arg20[%get3A_1283] {strides = array<i32>} : memref<2048xi32, #tpu.memory_space<vmem>>, vector<16xi32>,
      %gather3A = tpu.vector_load_idx %arg11[%get3A_1284] : memref<2048xf32, #tpu.memory_space<vmem>>[vector<16xi32>], vector<16xf32>,
      %add3A_1285 = arith.constant 16384 : i32
      %add3A_1286 = arith.addi %add3A_1285, %mul3A_1282 : i32
      %swap3A_1287 = arith.index_cast %add3A_1286 : i32 to index
      %swap3A_1288 = tpu.vector_load %arg22[%swap3A_1287] {strides = array<i32>} : memref<18432xf32, #tpu.memory_space<vmem>>, vector<16xf32>,
      tpu.vector_store %arg22[%swap3A_1287], %gather3A {strides = array<i32>} : memref<18432xf32, #tpu.memory_space<vmem>>, vector<16xf32>,
      %gather3A_1289 = tpu.vector_load_idx %arg12[%get3A_1284] : memref<2048xf32, #tpu.memory_space<vmem>>[vector<16xi32>], vector<16xf32>,
      %add3A_1290 = arith.constant 0 : i32
      %add3A_1291 = arith.addi %add3A_1290, %mul3A_1282 : i32
      %swap3A_1292 = arith.index_cast %add3A_1291 : i32 to index
      %swap3A_1293 = tpu.vector_load %arg22[%swap3A_1292] {strides = array<i32>} : memref<18432xf32, #tpu.memory_space<vmem>>, vector<16xf32>,
      tpu.vector_store %arg22[%swap3A_1292], %gather3A_1289 {strides = array<i32>} : memref<18432xf32, #tpu.memory_space<vmem>>, vector<16xf32>,
      %gather3A_1294 = tpu.vector_load_idx %arg13[%get3A_1284] : memref<2048xf32, #tpu.memory_space<vmem>>[vector<16xi32>], vector<16xf32>,
      %add3A_1295 = arith.constant 2048 : i32
      %add3A_1296 = arith.addi %add3A_1295, %mul3A_1282 : i32
      %swap3A_1297 = arith.index_cast %add3A_1296 : i32 to index
      %swap3A_1298 = tpu.vector_load %arg22[%swap3A_1297] {strides = array<i32>} : memref<18432xf32, #tpu.memory_space<vmem>>, vector<16xf32>,
      tpu.vector_store %arg22[%swap3A_1297], %gather3A_1294 {strides = array<i32>} : memref<18432xf32, #tpu.memory_space<vmem>>, vector<16xf32>,
      %gather3A_1299 = tpu.vector_load_idx %arg14[%get3A_1284] : memref<2048xf32, #tpu.memory_space<vmem>>[vector<16xi32>], vector<16xf32>,
      %add3A_1300 = arith.constant 4096 : i32
      %add3A_1301 = arith.addi %add3A_1300, %mul3A_1282 : i32
      %swap3A_1302 = arith.index_cast %add3A_1301 : i32 to index
      %swap3A_1303 = tpu.vector_load %arg22[%swap3A_1302] {strides = array<i32>} : memref<18432xf32, #tpu.memory_space<vmem>>, vector<16xf32>,
      tpu.vector_store %arg22[%swap3A_1302], %gather3A_1299 {strides = array<i32>} : memref<18432xf32, #tpu.memory_space<vmem>>, vector<16xf32>,
      %gather3A_1304 = tpu.vector_load_idx %arg15[%get3A_1284] : memref<2048xf32, #tpu.memory_space<vmem>>[vector<16xi32>], vector<16xf32>,
      %add3A_1305 = arith.constant 6144 : i32
      %add3A_1306 = arith.addi %add3A_1305, %mul3A_1282 : i32
      %swap3A_1307 = arith.index_cast %add3A_1306 : i32 to index
      %swap3A_1308 = tpu.vector_load %arg22[%swap3A_1307] {strides = array<i32>} : memref<18432xf32, #tpu.memory_space<vmem>>, vector<16xf32>,
      tpu.vector_store %arg22[%swap3A_1307], %gather3A_1304 {strides = array<i32>} : memref<18432xf32, #tpu.memory_space<vmem>>, vector<16xf32>,
      %gather3A_1309 = tpu.vector_load_idx %arg16[%get3A_1284] : memref<2048xf32, #tpu.memory_space<vmem>>[vector<16xi32>], vector<16xf32>,
      %add3A_1310 = arith.constant 8192 : i32
      %add3A_1311 = arith.addi %add3A_1310, %mul3A_1282 : i32
      %swap3A_1312 = arith.index_cast %add3A_1311 : i32 to index
      %swap3A_1313 = tpu.vector_load %arg22[%swap3A_1312] {strides = array<i32>} : memref<18432xf32, #tpu.memory_space<vmem>>, vector<16xf32>,
      tpu.vector_store %arg22[%swap3A_1312], %gather3A_1309 {strides = array<i32>} : memref<18432xf32, #tpu.memory_space<vmem>>, vector<16xf32>,
      %gather3A_1314 = tpu.vector_load_idx %arg17[%get3A_1284] : memref<2048xf32, #tpu.memory_space<vmem>>[vector<16xi32>], vector<16xf32>,
      %add3A_1315 = arith.constant 10240 : i32
      %add3A_1316 = arith.addi %add3A_1315, %mul3A_1282 : i32
      %swap3A_1317 = arith.index_cast %add3A_1316 : i32 to index
      %swap3A_1318 = tpu.vector_load %arg22[%swap3A_1317] {strides = array<i32>} : memref<18432xf32, #tpu.memory_space<vmem>>, vector<16xf32>,
      tpu.vector_store %arg22[%swap3A_1317], %gather3A_1314 {strides = array<i32>} : memref<18432xf32, #tpu.memory_space<vmem>>, vector<16xf32>,
      %gather3A_1319 = tpu.vector_load_idx %arg18[%get3A_1284] : memref<2048xf32, #tpu.memory_space<vmem>>[vector<16xi32>], vector<16xf32>,
      %add3A_1320 = arith.constant 12288 : i32
      %add3A_1321 = arith.addi %add3A_1320, %mul3A_1282 : i32
      %swap3A_1322 = arith.index_cast %add3A_1321 : i32 to index
      %swap3A_1323 = tpu.vector_load %arg22[%swap3A_1322] {strides = array<i32>} : memref<18432xf32, #tpu.memory_space<vmem>>, vector<16xf32>,
      tpu.vector_store %arg22[%swap3A_1322], %gather3A_1319 {strides = array<i32>} : memref<18432xf32, #tpu.memory_space<vmem>>, vector<16xf32>,
      %gather3A_1324 = tpu.vector_load_idx %arg19[%get3A_1284] : memref<2048xf32, #tpu.memory_space<vmem>>[vector<16xi32>], vector<16xf32>,
      %add3A_1325 = arith.constant 14336 : i32
      %add3A_1326 = arith.addi %add3A_1325, %mul3A_1282 : i32
      %swap3A_1327 = arith.index_cast %add3A_1326 : i32 to index
      %swap3A_1328 = tpu.vector_load %arg22[%swap3A_1327] {strides = array<i32>} : memref<18432xf32, #tpu.memory_space<vmem>>, vector<16xf32>,
      tpu.vector_store %arg22[%swap3A_1327], %gather3A_1324 {strides = array<i32>} : memref<18432xf32, #tpu.memory_space<vmem>>, vector<16xf32>,
    }
    %scan3A_695 = arith.constant 128 : i32
    %add3A_696 = arith.constant 6 : i32
    %add3A_697 = arith.addi %mul3A_4, %add3A_696 : i32
    %dma_start3A_698 = arith.constant 0 : i32
    %dma_start3A_699 = tpu.memref_slice %arg8[%add3A_697, %dma_start3A_698] : memref<512x18432xf32, #tpu.memory_space<hbm>> -> memref<1x18432xf32, #tpu.memory_space<hbm>>
    %dma_start3A_700 = tpu.memref_squeeze %dma_start3A_699 : memref<1x18432xf32, #tpu.memory_space<hbm>> -> memref<18432xf32, #tpu.memory_space<hbm>>
    %dma_start3A_701 = arith.constant 0 : i32
    %dma_start3A_702 = tpu.memref_slice %arg8[%add3A_697, %dma_start3A_701] : memref<512x18432xf32, #tpu.memory_space<hbm>> -> memref<1x18432xf32, #tpu.memory_space<hbm>>
    %dma_start3A_703 = tpu.memref_squeeze %dma_start3A_702 : memref<1x18432xf32, #tpu.memory_space<hbm>> -> memref<18432xf32, #tpu.memory_space<hbm>>
    tpu.enqueue_dma source(%arg22 : memref<18432xf32, #tpu.memory_space<vmem>>) target(%dma_start3A_703 : memref<18432xf32, #tpu.memory_space<hbm>>) target_semaphore(%arg34 : memref<!tpu.dma_semaphore, #tpu.memory_space<semaphore_mem>>)
    %dma_wait3A_704 = arith.constant 3 : i32
    %dma_wait3A_705 = arith.constant 0 : i32
    %dma_wait3A_706 = tpu.memref_slice %arg25[%dma_wait3A_704, %dma_wait3A_705] : memref<8x64xi32, #tpu.memory_space<vmem>> -> memref<1x64xi32, #tpu.memory_space<vmem>>
    %dma_wait3A_707 = tpu.memref_squeeze %dma_wait3A_706 : memref<1x64xi32, #tpu.memory_space<vmem>> -> memref<64xi32, #tpu.memory_space<vmem>>
    %dma_wait3A_708 = arith.constant 0 : i32
    %dma_wait3A_709 = arith.constant 0 : i32
    %dma_wait3A_710 = tpu.memref_slice %arg5[%dma_wait3A_708, %dma_wait3A_709] : memref<4096x256xf32, #tpu.memory_space<hbm>> -> memref<4096x256xf32, #tpu.memory_space<hbm>>
    tpu.wait_indirect_dma semaphore(%arg28 : memref<!tpu.dma_semaphore, #tpu.memory_space<semaphore_mem>>) src(%dma_wait3A_710 : memref<4096x256xf32, #tpu.memory_space<hbm>>) dst(%arg26 : memref<64x256xf32, #tpu.memory_space<vmem>>)
    %dma_start3A_711 = arith.constant 3 : i32
    %dma_start3A_712 = arith.constant 0 : i32
    %dma_start3A_713 = tpu.memref_slice %arg9[%dma_start3A_711, %mul3A_2, %dma_start3A_712] : memref<8x2048x256xf32, #tpu.memory_space<hbm>> -> memref<1x64x256xf32, #tpu.memory_space<hbm>>
    %dma_start3A_714 = tpu.memref_squeeze %dma_start3A_713 : memref<1x64x256xf32, #tpu.memory_space<hbm>> -> memref<64x256xf32, #tpu.memory_space<hbm>>
    %dma_start3A_715 = arith.constant 0 : i32
    %dma_start3A_716 = tpu.memref_slice %arg9[%dma_start3A_711, %mul3A_2, %dma_start3A_715] : memref<8x2048x256xf32, #tpu.memory_space<hbm>> -> memref<1x64x256xf32, #tpu.memory_space<hbm>>
    %dma_start3A_717 = tpu.memref_squeeze %dma_start3A_716 : memref<1x64x256xf32, #tpu.memory_space<hbm>> -> memref<64x256xf32, #tpu.memory_space<hbm>>
    tpu.enqueue_dma source(%arg26 : memref<64x256xf32, #tpu.memory_space<vmem>>) target(%dma_start3A_717 : memref<64x256xf32, #tpu.memory_space<hbm>>) target_semaphore(%arg30 : memref<!tpu.dma_semaphore, #tpu.memory_space<semaphore_mem>>)
    %dma_wait3A_718 = arith.constant 3 : i32
    %dma_wait3A_719 = arith.constant 0 : i32
    %dma_wait3A_720 = tpu.memref_slice %arg9[%dma_wait3A_718, %mul3A_2, %dma_wait3A_719] : memref<8x2048x256xf32, #tpu.memory_space<hbm>> -> memref<1x64x256xf32, #tpu.memory_space<hbm>>
    %dma_wait3A_721 = tpu.memref_squeeze %dma_wait3A_720 : memref<1x64x256xf32, #tpu.memory_space<hbm>> -> memref<64x256xf32, #tpu.memory_space<hbm>>
    %dma_wait3A_722 = arith.constant 0 : i32
    %dma_wait3A_723 = tpu.memref_slice %arg9[%dma_wait3A_718, %mul3A_2, %dma_wait3A_722] : memref<8x2048x256xf32, #tpu.memory_space<hbm>> -> memref<1x64x256xf32, #tpu.memory_space<hbm>>
    %dma_wait3A_724 = tpu.memref_squeeze %dma_wait3A_723 : memref<1x64x256xf32, #tpu.memory_space<hbm>> -> memref<64x256xf32, #tpu.memory_space<hbm>>
    tpu.wait_dma2 semaphore(%arg30 : memref<!tpu.dma_semaphore, #tpu.memory_space<semaphore_mem>>) src(%arg26 : memref<64x256xf32, #tpu.memory_space<vmem>>) dst(%dma_wait3A_724 : memref<64x256xf32, #tpu.memory_space<hbm>>)
    %dma_start3A_725 = arith.constant 4 : i32
    %dma_start3A_726 = arith.constant 0 : i32
    %dma_start3A_727 = tpu.memref_slice %arg25[%dma_start3A_725, %dma_start3A_726] : memref<8x64xi32, #tpu.memory_space<vmem>> -> memref<1x64xi32, #tpu.memory_space<vmem>>
    %dma_start3A_728 = tpu.memref_squeeze %dma_start3A_727 : memref<1x64xi32, #tpu.memory_space<vmem>> -> memref<64xi32, #tpu.memory_space<vmem>>
    %dma_start3A_729 = arith.constant 0 : i32
    %dma_start3A_730 = arith.constant 0 : i32
    %dma_start3A_731 = tpu.memref_slice %arg5[%dma_start3A_729, %dma_start3A_730] : memref<4096x256xf32, #tpu.memory_space<hbm>> -> memref<4096x256xf32, #tpu.memory_space<hbm>>
    tpu.enqueue_indirect_dma source(%dma_start3A_731 : memref<4096x256xf32, #tpu.memory_space<hbm>>) target(%arg26 : memref<64x256xf32, #tpu.memory_space<vmem>>) offsets(%dma_start3A_728 : memref<64xi32, #tpu.memory_space<vmem>>) semaphore(%arg28 : memref<!tpu.dma_semaphore, #tpu.memory_space<semaphore_mem>>)
    %dma_wait3A_732 = arith.constant 0 : i32
    %dma_wait3A_733 = tpu.memref_slice %arg4[%add3A_677, %dma_wait3A_732] : memref<512x2048xi32, #tpu.memory_space<hbm>> -> memref<1x2048xi32, #tpu.memory_space<hbm>>
    %dma_wait3A_734 = tpu.memref_squeeze %dma_wait3A_733 : memref<1x2048xi32, #tpu.memory_space<hbm>> -> memref<2048xi32, #tpu.memory_space<hbm>>
    %dma_wait3A_735 = arith.constant 0 : i32
    %dma_wait3A_736 = tpu.memref_slice %arg4[%add3A_677, %dma_wait3A_735] : memref<512x2048xi32, #tpu.memory_space<hbm>> -> memref<1x2048xi32, #tpu.memory_space<hbm>>
    %dma_wait3A_737 = tpu.memref_squeeze %dma_wait3A_736 : memref<1x2048xi32, #tpu.memory_space<hbm>> -> memref<2048xi32, #tpu.memory_space<hbm>>
    tpu.wait_dma2 semaphore(%arg33 : memref<!tpu.dma_semaphore, #tpu.memory_space<semaphore_mem>>) src(%dma_wait3A_737 : memref<2048xi32, #tpu.memory_space<hbm>>) dst(%arg21 : memref<2048xi32, #tpu.memory_space<vmem>>)
    %add3A_738 = arith.constant 8 : i32
    %add3A_739 = arith.addi %mul3A_4, %add3A_738 : i32
    %dma_start3A_740 = arith.constant 0 : i32
    %dma_start3A_741 = tpu.memref_slice %arg4[%add3A_739, %dma_start3A_740] : memref<512x2048xi32, #tpu.memory_space<hbm>> -> memref<1x2048xi32, #tpu.memory_space<hbm>>
    %dma_start3A_742 = tpu.memref_squeeze %dma_start3A_741 : memref<1x2048xi32, #tpu.memory_space<hbm>> -> memref<2048xi32, #tpu.memory_space<hbm>>
    %dma_start3A_743 = arith.constant 0 : i32
    %dma_start3A_744 = tpu.memref_slice %arg4[%add3A_739, %dma_start3A_743] : memref<512x2048xi32, #tpu.memory_space<hbm>> -> memref<1x2048xi32, #tpu.memory_space<hbm>>
    %dma_start3A_745 = tpu.memref_squeeze %dma_start3A_744 : memref<1x2048xi32, #tpu.memory_space<hbm>> -> memref<2048xi32, #tpu.memory_space<hbm>>
    tpu.enqueue_dma source(%dma_start3A_745 : memref<2048xi32, #tpu.memory_space<hbm>>) target(%arg20 : memref<2048xi32, #tpu.memory_space<vmem>>) target_semaphore(%arg32 : memref<!tpu.dma_semaphore, #tpu.memory_space<semaphore_mem>>)
    %dma_wait3A_746 = arith.constant 0 : i32
    %dma_wait3A_747 = tpu.memref_slice %arg8[%add3A_635, %dma_wait3A_746] : memref<512x18432xf32, #tpu.memory_space<hbm>> -> memref<1x18432xf32, #tpu.memory_space<hbm>>
    %dma_wait3A_748 = tpu.memref_squeeze %dma_wait3A_747 : memref<1x18432xf32, #tpu.memory_space<hbm>> -> memref<18432xf32, #tpu.memory_space<hbm>>
    %dma_wait3A_749 = arith.constant 0 : i32
    %dma_wait3A_750 = tpu.memref_slice %arg8[%add3A_635, %dma_wait3A_749] : memref<512x18432xf32, #tpu.memory_space<hbm>> -> memref<1x18432xf32, #tpu.memory_space<hbm>>
    %dma_wait3A_751 = tpu.memref_squeeze %dma_wait3A_750 : memref<1x18432xf32, #tpu.memory_space<hbm>> -> memref<18432xf32, #tpu.memory_space<hbm>>
    tpu.wait_dma2 semaphore(%arg35 : memref<!tpu.dma_semaphore, #tpu.memory_space<semaphore_mem>>) src(%arg23 : memref<18432xf32, #tpu.memory_space<vmem>>) dst(%dma_wait3A_751 : memref<18432xf32, #tpu.memory_space<hbm>>)
    %scan3A_752 = arith.constant 0 : i32
    %scan3A_753 = arith.constant 0 : i32
    %scan3A_754 = arith.constant 128 : i32
    %scan3A_755 = arith.addi %scan3A_753, %scan3A_754 : i32
    %scan3A_756 = arith.constant 1 : i32
    scf.for %scan3A_1280 = %scan3A_753 to %scan3A_755 step %scan3A_756  : i32 {
      %mul3A_1281 = arith.constant 16 : i32
      %mul3A_1282 = arith.muli %scan3A_1280, %mul3A_1281 : i32
      %get3A_1283 = arith.index_cast %mul3A_1282 : i32 to index
      %get3A_1284 = tpu.vector_load %arg21[%get3A_1283] {strides = array<i32>} : memref<2048xi32, #tpu.memory_space<vmem>>, vector<16xi32>,
      %gather3A = tpu.vector_load_idx %arg11[%get3A_1284] : memref<2048xf32, #tpu.memory_space<vmem>>[vector<16xi32>], vector<16xf32>,
      %add3A_1285 = arith.constant 16384 : i32
      %add3A_1286 = arith.addi %add3A_1285, %mul3A_1282 : i32
      %swap3A_1287 = arith.index_cast %add3A_1286 : i32 to index
      %swap3A_1288 = tpu.vector_load %arg23[%swap3A_1287] {strides = array<i32>} : memref<18432xf32, #tpu.memory_space<vmem>>, vector<16xf32>,
      tpu.vector_store %arg23[%swap3A_1287], %gather3A {strides = array<i32>} : memref<18432xf32, #tpu.memory_space<vmem>>, vector<16xf32>,
      %gather3A_1289 = tpu.vector_load_idx %arg12[%get3A_1284] : memref<2048xf32, #tpu.memory_space<vmem>>[vector<16xi32>], vector<16xf32>,
      %add3A_1290 = arith.constant 0 : i32
      %add3A_1291 = arith.addi %add3A_1290, %mul3A_1282 : i32
      %swap3A_1292 = arith.index_cast %add3A_1291 : i32 to index
      %swap3A_1293 = tpu.vector_load %arg23[%swap3A_1292] {strides = array<i32>} : memref<18432xf32, #tpu.memory_space<vmem>>, vector<16xf32>,
      tpu.vector_store %arg23[%swap3A_1292], %gather3A_1289 {strides = array<i32>} : memref<18432xf32, #tpu.memory_space<vmem>>, vector<16xf32>,
      %gather3A_1294 = tpu.vector_load_idx %arg13[%get3A_1284] : memref<2048xf32, #tpu.memory_space<vmem>>[vector<16xi32>], vector<16xf32>,
      %add3A_1295 = arith.constant 2048 : i32
      %add3A_1296 = arith.addi %add3A_1295, %mul3A_1282 : i32
      %swap3A_1297 = arith.index_cast %add3A_1296 : i32 to index
      %swap3A_1298 = tpu.vector_load %arg23[%swap3A_1297] {strides = array<i32>} : memref<18432xf32, #tpu.memory_space<vmem>>, vector<16xf32>,
      tpu.vector_store %arg23[%swap3A_1297], %gather3A_1294 {strides = array<i32>} : memref<18432xf32, #tpu.memory_space<vmem>>, vector<16xf32>,
      %gather3A_1299 = tpu.vector_load_idx %arg14[%get3A_1284] : memref<2048xf32, #tpu.memory_space<vmem>>[vector<16xi32>], vector<16xf32>,
      %add3A_1300 = arith.constant 4096 : i32
      %add3A_1301 = arith.addi %add3A_1300, %mul3A_1282 : i32
      %swap3A_1302 = arith.index_cast %add3A_1301 : i32 to index
      %swap3A_1303 = tpu.vector_load %arg23[%swap3A_1302] {strides = array<i32>} : memref<18432xf32, #tpu.memory_space<vmem>>, vector<16xf32>,
      tpu.vector_store %arg23[%swap3A_1302], %gather3A_1299 {strides = array<i32>} : memref<18432xf32, #tpu.memory_space<vmem>>, vector<16xf32>,
      %gather3A_1304 = tpu.vector_load_idx %arg15[%get3A_1284] : memref<2048xf32, #tpu.memory_space<vmem>>[vector<16xi32>], vector<16xf32>,
      %add3A_1305 = arith.constant 6144 : i32
      %add3A_1306 = arith.addi %add3A_1305, %mul3A_1282 : i32
      %swap3A_1307 = arith.index_cast %add3A_1306 : i32 to index
      %swap3A_1308 = tpu.vector_load %arg23[%swap3A_1307] {strides = array<i32>} : memref<18432xf32, #tpu.memory_space<vmem>>, vector<16xf32>,
      tpu.vector_store %arg23[%swap3A_1307], %gather3A_1304 {strides = array<i32>} : memref<18432xf32, #tpu.memory_space<vmem>>, vector<16xf32>,
      %gather3A_1309 = tpu.vector_load_idx %arg16[%get3A_1284] : memref<2048xf32, #tpu.memory_space<vmem>>[vector<16xi32>], vector<16xf32>,
      %add3A_1310 = arith.constant 8192 : i32
      %add3A_1311 = arith.addi %add3A_1310, %mul3A_1282 : i32
      %swap3A_1312 = arith.index_cast %add3A_1311 : i32 to index
      %swap3A_1313 = tpu.vector_load %arg23[%swap3A_1312] {strides = array<i32>} : memref<18432xf32, #tpu.memory_space<vmem>>, vector<16xf32>,
      tpu.vector_store %arg23[%swap3A_1312], %gather3A_1309 {strides = array<i32>} : memref<18432xf32, #tpu.memory_space<vmem>>, vector<16xf32>,
      %gather3A_1314 = tpu.vector_load_idx %arg17[%get3A_1284] : memref<2048xf32, #tpu.memory_space<vmem>>[vector<16xi32>], vector<16xf32>,
      %add3A_1315 = arith.constant 10240 : i32
      %add3A_1316 = arith.addi %add3A_1315, %mul3A_1282 : i32
      %swap3A_1317 = arith.index_cast %add3A_1316 : i32 to index
      %swap3A_1318 = tpu.vector_load %arg23[%swap3A_1317] {strides = array<i32>} : memref<18432xf32, #tpu.memory_space<vmem>>, vector<16xf32>,
      tpu.vector_store %arg23[%swap3A_1317], %gather3A_1314 {strides = array<i32>} : memref<18432xf32, #tpu.memory_space<vmem>>, vector<16xf32>,
      %gather3A_1319 = tpu.vector_load_idx %arg18[%get3A_1284] : memref<2048xf32, #tpu.memory_space<vmem>>[vector<16xi32>], vector<16xf32>,
      %add3A_1320 = arith.constant 12288 : i32
      %add3A_1321 = arith.addi %add3A_1320, %mul3A_1282 : i32
      %swap3A_1322 = arith.index_cast %add3A_1321 : i32 to index
      %swap3A_1323 = tpu.vector_load %arg23[%swap3A_1322] {strides = array<i32>} : memref<18432xf32, #tpu.memory_space<vmem>>, vector<16xf32>,
      tpu.vector_store %arg23[%swap3A_1322], %gather3A_1319 {strides = array<i32>} : memref<18432xf32, #tpu.memory_space<vmem>>, vector<16xf32>,
      %gather3A_1324 = tpu.vector_load_idx %arg19[%get3A_1284] : memref<2048xf32, #tpu.memory_space<vmem>>[vector<16xi32>], vector<16xf32>,
      %add3A_1325 = arith.constant 14336 : i32
      %add3A_1326 = arith.addi %add3A_1325, %mul3A_1282 : i32
      %swap3A_1327 = arith.index_cast %add3A_1326 : i32 to index
      %swap3A_1328 = tpu.vector_load %arg23[%swap3A_1327] {strides = array<i32>} : memref<18432xf32, #tpu.memory_space<vmem>>, vector<16xf32>,
      tpu.vector_store %arg23[%swap3A_1327], %gather3A_1324 {strides = array<i32>} : memref<18432xf32, #tpu.memory_space<vmem>>, vector<16xf32>,
    }
    %scan3A_757 = arith.constant 128 : i32
    %add3A_758 = arith.constant 7 : i32
    %add3A_759 = arith.addi %mul3A_4, %add3A_758 : i32
    %dma_start3A_760 = arith.constant 0 : i32
    %dma_start3A_761 = tpu.memref_slice %arg8[%add3A_759, %dma_start3A_760] : memref<512x18432xf32, #tpu.memory_space<hbm>> -> memref<1x18432xf32, #tpu.memory_space<hbm>>
    %dma_start3A_762 = tpu.memref_squeeze %dma_start3A_761 : memref<1x18432xf32, #tpu.memory_space<hbm>> -> memref<18432xf32, #tpu.memory_space<hbm>>
    %dma_start3A_763 = arith.constant 0 : i32
    %dma_start3A_764 = tpu.memref_slice %arg8[%add3A_759, %dma_start3A_763] : memref<512x18432xf32, #tpu.memory_space<hbm>> -> memref<1x18432xf32, #tpu.memory_space<hbm>>
    %dma_start3A_765 = tpu.memref_squeeze %dma_start3A_764 : memref<1x18432xf32, #tpu.memory_space<hbm>> -> memref<18432xf32, #tpu.memory_space<hbm>>
    tpu.enqueue_dma source(%arg23 : memref<18432xf32, #tpu.memory_space<vmem>>) target(%dma_start3A_765 : memref<18432xf32, #tpu.memory_space<hbm>>) target_semaphore(%arg35 : memref<!tpu.dma_semaphore, #tpu.memory_space<semaphore_mem>>)
    %dma_wait3A_766 = arith.constant 3 : i32
    %dma_wait3A_767 = arith.constant 0 : i32
    %dma_wait3A_768 = tpu.memref_slice %arg25[%dma_wait3A_766, %dma_wait3A_767] : memref<8x64xi32, #tpu.memory_space<vmem>> -> memref<1x64xi32, #tpu.memory_space<vmem>>
    %dma_wait3A_769 = tpu.memref_squeeze %dma_wait3A_768 : memref<1x64xi32, #tpu.memory_space<vmem>> -> memref<64xi32, #tpu.memory_space<vmem>>
    %dma_wait3A_770 = arith.constant 0 : i32
    %dma_wait3A_771 = arith.constant 0 : i32
    %dma_wait3A_772 = tpu.memref_slice %arg6[%dma_wait3A_770, %dma_wait3A_771] : memref<4096x256xf32, #tpu.memory_space<hbm>> -> memref<4096x256xf32, #tpu.memory_space<hbm>>
    tpu.wait_indirect_dma semaphore(%arg29 : memref<!tpu.dma_semaphore, #tpu.memory_space<semaphore_mem>>) src(%dma_wait3A_772 : memref<4096x256xf32, #tpu.memory_space<hbm>>) dst(%arg27 : memref<64x256xf32, #tpu.memory_space<vmem>>)
    %dma_start3A_773 = arith.constant 3 : i32
    %dma_start3A_774 = arith.constant 0 : i32
    %dma_start3A_775 = tpu.memref_slice %arg10[%dma_start3A_773, %mul3A_2, %dma_start3A_774] : memref<8x2048x256xf32, #tpu.memory_space<hbm>> -> memref<1x64x256xf32, #tpu.memory_space<hbm>>
    %dma_start3A_776 = tpu.memref_squeeze %dma_start3A_775 : memref<1x64x256xf32, #tpu.memory_space<hbm>> -> memref<64x256xf32, #tpu.memory_space<hbm>>
    %dma_start3A_777 = arith.constant 0 : i32
    %dma_start3A_778 = tpu.memref_slice %arg10[%dma_start3A_773, %mul3A_2, %dma_start3A_777] : memref<8x2048x256xf32, #tpu.memory_space<hbm>> -> memref<1x64x256xf32, #tpu.memory_space<hbm>>
    %dma_start3A_779 = tpu.memref_squeeze %dma_start3A_778 : memref<1x64x256xf32, #tpu.memory_space<hbm>> -> memref<64x256xf32, #tpu.memory_space<hbm>>
    tpu.enqueue_dma source(%arg27 : memref<64x256xf32, #tpu.memory_space<vmem>>) target(%dma_start3A_779 : memref<64x256xf32, #tpu.memory_space<hbm>>) target_semaphore(%arg31 : memref<!tpu.dma_semaphore, #tpu.memory_space<semaphore_mem>>)
    %dma_wait3A_780 = arith.constant 3 : i32
    %dma_wait3A_781 = arith.constant 0 : i32
    %dma_wait3A_782 = tpu.memref_slice %arg10[%dma_wait3A_780, %mul3A_2, %dma_wait3A_781] : memref<8x2048x256xf32, #tpu.memory_space<hbm>> -> memref<1x64x256xf32, #tpu.memory_space<hbm>>
    %dma_wait3A_783 = tpu.memref_squeeze %dma_wait3A_782 : memref<1x64x256xf32, #tpu.memory_space<hbm>> -> memref<64x256xf32, #tpu.memory_space<hbm>>
    %dma_wait3A_784 = arith.constant 0 : i32
    %dma_wait3A_785 = tpu.memref_slice %arg10[%dma_wait3A_780, %mul3A_2, %dma_wait3A_784] : memref<8x2048x256xf32, #tpu.memory_space<hbm>> -> memref<1x64x256xf32, #tpu.memory_space<hbm>>
    %dma_wait3A_786 = tpu.memref_squeeze %dma_wait3A_785 : memref<1x64x256xf32, #tpu.memory_space<hbm>> -> memref<64x256xf32, #tpu.memory_space<hbm>>
    tpu.wait_dma2 semaphore(%arg31 : memref<!tpu.dma_semaphore, #tpu.memory_space<semaphore_mem>>) src(%arg27 : memref<64x256xf32, #tpu.memory_space<vmem>>) dst(%dma_wait3A_786 : memref<64x256xf32, #tpu.memory_space<hbm>>)
    %dma_start3A_787 = arith.constant 4 : i32
    %dma_start3A_788 = arith.constant 0 : i32
    %dma_start3A_789 = tpu.memref_slice %arg25[%dma_start3A_787, %dma_start3A_788] : memref<8x64xi32, #tpu.memory_space<vmem>> -> memref<1x64xi32, #tpu.memory_space<vmem>>
    %dma_start3A_790 = tpu.memref_squeeze %dma_start3A_789 : memref<1x64xi32, #tpu.memory_space<vmem>> -> memref<64xi32, #tpu.memory_space<vmem>>
    %dma_start3A_791 = arith.constant 0 : i32
    %dma_start3A_792 = arith.constant 0 : i32
    %dma_start3A_793 = tpu.memref_slice %arg6[%dma_start3A_791, %dma_start3A_792] : memref<4096x256xf32, #tpu.memory_space<hbm>> -> memref<4096x256xf32, #tpu.memory_space<hbm>>
    tpu.enqueue_indirect_dma source(%dma_start3A_793 : memref<4096x256xf32, #tpu.memory_space<hbm>>) target(%arg27 : memref<64x256xf32, #tpu.memory_space<vmem>>) offsets(%dma_start3A_790 : memref<64xi32, #tpu.memory_space<vmem>>) semaphore(%arg29 : memref<!tpu.dma_semaphore, #tpu.memory_space<semaphore_mem>>)
    %dma_wait3A_794 = arith.constant 0 : i32
    %dma_wait3A_795 = tpu.memref_slice %arg4[%add3A_739, %dma_wait3A_794] : memref<512x2048xi32, #tpu.memory_space<hbm>> -> memref<1x2048xi32, #tpu.memory_space<hbm>>
    %dma_wait3A_796 = tpu.memref_squeeze %dma_wait3A_795 : memref<1x2048xi32, #tpu.memory_space<hbm>> -> memref<2048xi32, #tpu.memory_space<hbm>>
    %dma_wait3A_797 = arith.constant 0 : i32
    %dma_wait3A_798 = tpu.memref_slice %arg4[%add3A_739, %dma_wait3A_797] : memref<512x2048xi32, #tpu.memory_space<hbm>> -> memref<1x2048xi32, #tpu.memory_space<hbm>>
    %dma_wait3A_799 = tpu.memref_squeeze %dma_wait3A_798 : memref<1x2048xi32, #tpu.memory_space<hbm>> -> memref<2048xi32, #tpu.memory_space<hbm>>
    tpu.wait_dma2 semaphore(%arg32 : memref<!tpu.dma_semaphore, #tpu.memory_space<semaphore_mem>>) src(%dma_wait3A_799 : memref<2048xi32, #tpu.memory_space<hbm>>) dst(%arg20 : memref<2048xi32, #tpu.memory_space<vmem>>)
    %add3A_800 = arith.constant 9 : i32
    %add3A_801 = arith.addi %mul3A_4, %add3A_800 : i32
    %dma_start3A_802 = arith.constant 0 : i32
    %dma_start3A_803 = tpu.memref_slice %arg4[%add3A_801, %dma_start3A_802] : memref<512x2048xi32, #tpu.memory_space<hbm>> -> memref<1x2048xi32, #tpu.memory_space<hbm>>
    %dma_start3A_804 = tpu.memref_squeeze %dma_start3A_803 : memref<1x2048xi32, #tpu.memory_space<hbm>> -> memref<2048xi32, #tpu.memory_space<hbm>>
    %dma_start3A_805 = arith.constant 0 : i32
    %dma_start3A_806 = tpu.memref_slice %arg4[%add3A_801, %dma_start3A_805] : memref<512x2048xi32, #tpu.memory_space<hbm>> -> memref<1x2048xi32, #tpu.memory_space<hbm>>
    %dma_start3A_807 = tpu.memref_squeeze %dma_start3A_806 : memref<1x2048xi32, #tpu.memory_space<hbm>> -> memref<2048xi32, #tpu.memory_space<hbm>>
    tpu.enqueue_dma source(%dma_start3A_807 : memref<2048xi32, #tpu.memory_space<hbm>>) target(%arg21 : memref<2048xi32, #tpu.memory_space<vmem>>) target_semaphore(%arg33 : memref<!tpu.dma_semaphore, #tpu.memory_space<semaphore_mem>>)
    %dma_wait3A_808 = arith.constant 0 : i32
    %dma_wait3A_809 = tpu.memref_slice %arg8[%add3A_697, %dma_wait3A_808] : memref<512x18432xf32, #tpu.memory_space<hbm>> -> memref<1x18432xf32, #tpu.memory_space<hbm>>
    %dma_wait3A_810 = tpu.memref_squeeze %dma_wait3A_809 : memref<1x18432xf32, #tpu.memory_space<hbm>> -> memref<18432xf32, #tpu.memory_space<hbm>>
    %dma_wait3A_811 = arith.constant 0 : i32
    %dma_wait3A_812 = tpu.memref_slice %arg8[%add3A_697, %dma_wait3A_811] : memref<512x18432xf32, #tpu.memory_space<hbm>> -> memref<1x18432xf32, #tpu.memory_space<hbm>>
    %dma_wait3A_813 = tpu.memref_squeeze %dma_wait3A_812 : memref<1x18432xf32, #tpu.memory_space<hbm>> -> memref<18432xf32, #tpu.memory_space<hbm>>
    tpu.wait_dma2 semaphore(%arg34 : memref<!tpu.dma_semaphore, #tpu.memory_space<semaphore_mem>>) src(%arg22 : memref<18432xf32, #tpu.memory_space<vmem>>) dst(%dma_wait3A_813 : memref<18432xf32, #tpu.memory_space<hbm>>)
    %scan3A_814 = arith.constant 0 : i32
    %scan3A_815 = arith.constant 0 : i32
    %scan3A_816 = arith.constant 128 : i32
    %scan3A_817 = arith.addi %scan3A_815, %scan3A_816 : i32
    %scan3A_818 = arith.constant 1 : i32
    scf.for %scan3A_1280 = %scan3A_815 to %scan3A_817 step %scan3A_818  : i32 {
      %mul3A_1281 = arith.constant 16 : i32
      %mul3A_1282 = arith.muli %scan3A_1280, %mul3A_1281 : i32
      %get3A_1283 = arith.index_cast %mul3A_1282 : i32 to index
      %get3A_1284 = tpu.vector_load %arg20[%get3A_1283] {strides = array<i32>} : memref<2048xi32, #tpu.memory_space<vmem>>, vector<16xi32>,
      %gather3A = tpu.vector_load_idx %arg11[%get3A_1284] : memref<2048xf32, #tpu.memory_space<vmem>>[vector<16xi32>], vector<16xf32>,
      %add3A_1285 = arith.constant 16384 : i32
      %add3A_1286 = arith.addi %add3A_1285, %mul3A_1282 : i32
      %swap3A_1287 = arith.index_cast %add3A_1286 : i32 to index
      %swap3A_1288 = tpu.vector_load %arg22[%swap3A_1287] {strides = array<i32>} : memref<18432xf32, #tpu.memory_space<vmem>>, vector<16xf32>,
      tpu.vector_store %arg22[%swap3A_1287], %gather3A {strides = array<i32>} : memref<18432xf32, #tpu.memory_space<vmem>>, vector<16xf32>,
      %gather3A_1289 = tpu.vector_load_idx %arg12[%get3A_1284] : memref<2048xf32, #tpu.memory_space<vmem>>[vector<16xi32>], vector<16xf32>,
      %add3A_1290 = arith.constant 0 : i32
      %add3A_1291 = arith.addi %add3A_1290, %mul3A_1282 : i32
      %swap3A_1292 = arith.index_cast %add3A_1291 : i32 to index
      %swap3A_1293 = tpu.vector_load %arg22[%swap3A_1292] {strides = array<i32>} : memref<18432xf32, #tpu.memory_space<vmem>>, vector<16xf32>,
      tpu.vector_store %arg22[%swap3A_1292], %gather3A_1289 {strides = array<i32>} : memref<18432xf32, #tpu.memory_space<vmem>>, vector<16xf32>,
      %gather3A_1294 = tpu.vector_load_idx %arg13[%get3A_1284] : memref<2048xf32, #tpu.memory_space<vmem>>[vector<16xi32>], vector<16xf32>,
      %add3A_1295 = arith.constant 2048 : i32
      %add3A_1296 = arith.addi %add3A_1295, %mul3A_1282 : i32
      %swap3A_1297 = arith.index_cast %add3A_1296 : i32 to index
      %swap3A_1298 = tpu.vector_load %arg22[%swap3A_1297] {strides = array<i32>} : memref<18432xf32, #tpu.memory_space<vmem>>, vector<16xf32>,
      tpu.vector_store %arg22[%swap3A_1297], %gather3A_1294 {strides = array<i32>} : memref<18432xf32, #tpu.memory_space<vmem>>, vector<16xf32>,
      %gather3A_1299 = tpu.vector_load_idx %arg14[%get3A_1284] : memref<2048xf32, #tpu.memory_space<vmem>>[vector<16xi32>], vector<16xf32>,
      %add3A_1300 = arith.constant 4096 : i32
      %add3A_1301 = arith.addi %add3A_1300, %mul3A_1282 : i32
      %swap3A_1302 = arith.index_cast %add3A_1301 : i32 to index
      %swap3A_1303 = tpu.vector_load %arg22[%swap3A_1302] {strides = array<i32>} : memref<18432xf32, #tpu.memory_space<vmem>>, vector<16xf32>,
      tpu.vector_store %arg22[%swap3A_1302], %gather3A_1299 {strides = array<i32>} : memref<18432xf32, #tpu.memory_space<vmem>>, vector<16xf32>,
      %gather3A_1304 = tpu.vector_load_idx %arg15[%get3A_1284] : memref<2048xf32, #tpu.memory_space<vmem>>[vector<16xi32>], vector<16xf32>,
      %add3A_1305 = arith.constant 6144 : i32
      %add3A_1306 = arith.addi %add3A_1305, %mul3A_1282 : i32
      %swap3A_1307 = arith.index_cast %add3A_1306 : i32 to index
      %swap3A_1308 = tpu.vector_load %arg22[%swap3A_1307] {strides = array<i32>} : memref<18432xf32, #tpu.memory_space<vmem>>, vector<16xf32>,
      tpu.vector_store %arg22[%swap3A_1307], %gather3A_1304 {strides = array<i32>} : memref<18432xf32, #tpu.memory_space<vmem>>, vector<16xf32>,
      %gather3A_1309 = tpu.vector_load_idx %arg16[%get3A_1284] : memref<2048xf32, #tpu.memory_space<vmem>>[vector<16xi32>], vector<16xf32>,
      %add3A_1310 = arith.constant 8192 : i32
      %add3A_1311 = arith.addi %add3A_1310, %mul3A_1282 : i32
      %swap3A_1312 = arith.index_cast %add3A_1311 : i32 to index
      %swap3A_1313 = tpu.vector_load %arg22[%swap3A_1312] {strides = array<i32>} : memref<18432xf32, #tpu.memory_space<vmem>>, vector<16xf32>,
      tpu.vector_store %arg22[%swap3A_1312], %gather3A_1309 {strides = array<i32>} : memref<18432xf32, #tpu.memory_space<vmem>>, vector<16xf32>,
      %gather3A_1314 = tpu.vector_load_idx %arg17[%get3A_1284] : memref<2048xf32, #tpu.memory_space<vmem>>[vector<16xi32>], vector<16xf32>,
      %add3A_1315 = arith.constant 10240 : i32
      %add3A_1316 = arith.addi %add3A_1315, %mul3A_1282 : i32
      %swap3A_1317 = arith.index_cast %add3A_1316 : i32 to index
      %swap3A_1318 = tpu.vector_load %arg22[%swap3A_1317] {strides = array<i32>} : memref<18432xf32, #tpu.memory_space<vmem>>, vector<16xf32>,
      tpu.vector_store %arg22[%swap3A_1317], %gather3A_1314 {strides = array<i32>} : memref<18432xf32, #tpu.memory_space<vmem>>, vector<16xf32>,
      %gather3A_1319 = tpu.vector_load_idx %arg18[%get3A_1284] : memref<2048xf32, #tpu.memory_space<vmem>>[vector<16xi32>], vector<16xf32>,
      %add3A_1320 = arith.constant 12288 : i32
      %add3A_1321 = arith.addi %add3A_1320, %mul3A_1282 : i32
      %swap3A_1322 = arith.index_cast %add3A_1321 : i32 to index
      %swap3A_1323 = tpu.vector_load %arg22[%swap3A_1322] {strides = array<i32>} : memref<18432xf32, #tpu.memory_space<vmem>>, vector<16xf32>,
      tpu.vector_store %arg22[%swap3A_1322], %gather3A_1319 {strides = array<i32>} : memref<18432xf32, #tpu.memory_space<vmem>>, vector<16xf32>,
      %gather3A_1324 = tpu.vector_load_idx %arg19[%get3A_1284] : memref<2048xf32, #tpu.memory_space<vmem>>[vector<16xi32>], vector<16xf32>,
      %add3A_1325 = arith.constant 14336 : i32
      %add3A_1326 = arith.addi %add3A_1325, %mul3A_1282 : i32
      %swap3A_1327 = arith.index_cast %add3A_1326 : i32 to index
      %swap3A_1328 = tpu.vector_load %arg22[%swap3A_1327] {strides = array<i32>} : memref<18432xf32, #tpu.memory_space<vmem>>, vector<16xf32>,
      tpu.vector_store %arg22[%swap3A_1327], %gather3A_1324 {strides = array<i32>} : memref<18432xf32, #tpu.memory_space<vmem>>, vector<16xf32>,
    }
    %scan3A_819 = arith.constant 128 : i32
    %add3A_820 = arith.constant 8 : i32
    %add3A_821 = arith.addi %mul3A_4, %add3A_820 : i32
    %dma_start3A_822 = arith.constant 0 : i32
    %dma_start3A_823 = tpu.memref_slice %arg8[%add3A_821, %dma_start3A_822] : memref<512x18432xf32, #tpu.memory_space<hbm>> -> memref<1x18432xf32, #tpu.memory_space<hbm>>
    %dma_start3A_824 = tpu.memref_squeeze %dma_start3A_823 : memref<1x18432xf32, #tpu.memory_space<hbm>> -> memref<18432xf32, #tpu.memory_space<hbm>>
    %dma_start3A_825 = arith.constant 0 : i32
    %dma_start3A_826 = tpu.memref_slice %arg8[%add3A_821, %dma_start3A_825] : memref<512x18432xf32, #tpu.memory_space<hbm>> -> memref<1x18432xf32, #tpu.memory_space<hbm>>
    %dma_start3A_827 = tpu.memref_squeeze %dma_start3A_826 : memref<1x18432xf32, #tpu.memory_space<hbm>> -> memref<18432xf32, #tpu.memory_space<hbm>>
    tpu.enqueue_dma source(%arg22 : memref<18432xf32, #tpu.memory_space<vmem>>) target(%dma_start3A_827 : memref<18432xf32, #tpu.memory_space<hbm>>) target_semaphore(%arg34 : memref<!tpu.dma_semaphore, #tpu.memory_space<semaphore_mem>>)
    %dma_wait3A_828 = arith.constant 4 : i32
    %dma_wait3A_829 = arith.constant 0 : i32
    %dma_wait3A_830 = tpu.memref_slice %arg25[%dma_wait3A_828, %dma_wait3A_829] : memref<8x64xi32, #tpu.memory_space<vmem>> -> memref<1x64xi32, #tpu.memory_space<vmem>>
    %dma_wait3A_831 = tpu.memref_squeeze %dma_wait3A_830 : memref<1x64xi32, #tpu.memory_space<vmem>> -> memref<64xi32, #tpu.memory_space<vmem>>
    %dma_wait3A_832 = arith.constant 0 : i32
    %dma_wait3A_833 = arith.constant 0 : i32
    %dma_wait3A_834 = tpu.memref_slice %arg5[%dma_wait3A_832, %dma_wait3A_833] : memref<4096x256xf32, #tpu.memory_space<hbm>> -> memref<4096x256xf32, #tpu.memory_space<hbm>>
    tpu.wait_indirect_dma semaphore(%arg28 : memref<!tpu.dma_semaphore, #tpu.memory_space<semaphore_mem>>) src(%dma_wait3A_834 : memref<4096x256xf32, #tpu.memory_space<hbm>>) dst(%arg26 : memref<64x256xf32, #tpu.memory_space<vmem>>)
    %dma_start3A_835 = arith.constant 4 : i32
    %dma_start3A_836 = arith.constant 0 : i32
    %dma_start3A_837 = tpu.memref_slice %arg9[%dma_start3A_835, %mul3A_2, %dma_start3A_836] : memref<8x2048x256xf32, #tpu.memory_space<hbm>> -> memref<1x64x256xf32, #tpu.memory_space<hbm>>
    %dma_start3A_838 = tpu.memref_squeeze %dma_start3A_837 : memref<1x64x256xf32, #tpu.memory_space<hbm>> -> memref<64x256xf32, #tpu.memory_space<hbm>>
    %dma_start3A_839 = arith.constant 0 : i32
    %dma_start3A_840 = tpu.memref_slice %arg9[%dma_start3A_835, %mul3A_2, %dma_start3A_839] : memref<8x2048x256xf32, #tpu.memory_space<hbm>> -> memref<1x64x256xf32, #tpu.memory_space<hbm>>
    %dma_start3A_841 = tpu.memref_squeeze %dma_start3A_840 : memref<1x64x256xf32, #tpu.memory_space<hbm>> -> memref<64x256xf32, #tpu.memory_space<hbm>>
    tpu.enqueue_dma source(%arg26 : memref<64x256xf32, #tpu.memory_space<vmem>>) target(%dma_start3A_841 : memref<64x256xf32, #tpu.memory_space<hbm>>) target_semaphore(%arg30 : memref<!tpu.dma_semaphore, #tpu.memory_space<semaphore_mem>>)
    %dma_wait3A_842 = arith.constant 4 : i32
    %dma_wait3A_843 = arith.constant 0 : i32
    %dma_wait3A_844 = tpu.memref_slice %arg9[%dma_wait3A_842, %mul3A_2, %dma_wait3A_843] : memref<8x2048x256xf32, #tpu.memory_space<hbm>> -> memref<1x64x256xf32, #tpu.memory_space<hbm>>
    %dma_wait3A_845 = tpu.memref_squeeze %dma_wait3A_844 : memref<1x64x256xf32, #tpu.memory_space<hbm>> -> memref<64x256xf32, #tpu.memory_space<hbm>>
    %dma_wait3A_846 = arith.constant 0 : i32
    %dma_wait3A_847 = tpu.memref_slice %arg9[%dma_wait3A_842, %mul3A_2, %dma_wait3A_846] : memref<8x2048x256xf32, #tpu.memory_space<hbm>> -> memref<1x64x256xf32, #tpu.memory_space<hbm>>
    %dma_wait3A_848 = tpu.memref_squeeze %dma_wait3A_847 : memref<1x64x256xf32, #tpu.memory_space<hbm>> -> memref<64x256xf32, #tpu.memory_space<hbm>>
    tpu.wait_dma2 semaphore(%arg30 : memref<!tpu.dma_semaphore, #tpu.memory_space<semaphore_mem>>) src(%arg26 : memref<64x256xf32, #tpu.memory_space<vmem>>) dst(%dma_wait3A_848 : memref<64x256xf32, #tpu.memory_space<hbm>>)
    %dma_start3A_849 = arith.constant 5 : i32
    %dma_start3A_850 = arith.constant 0 : i32
    %dma_start3A_851 = tpu.memref_slice %arg25[%dma_start3A_849, %dma_start3A_850] : memref<8x64xi32, #tpu.memory_space<vmem>> -> memref<1x64xi32, #tpu.memory_space<vmem>>
    %dma_start3A_852 = tpu.memref_squeeze %dma_start3A_851 : memref<1x64xi32, #tpu.memory_space<vmem>> -> memref<64xi32, #tpu.memory_space<vmem>>
    %dma_start3A_853 = arith.constant 0 : i32
    %dma_start3A_854 = arith.constant 0 : i32
    %dma_start3A_855 = tpu.memref_slice %arg5[%dma_start3A_853, %dma_start3A_854] : memref<4096x256xf32, #tpu.memory_space<hbm>> -> memref<4096x256xf32, #tpu.memory_space<hbm>>
    tpu.enqueue_indirect_dma source(%dma_start3A_855 : memref<4096x256xf32, #tpu.memory_space<hbm>>) target(%arg26 : memref<64x256xf32, #tpu.memory_space<vmem>>) offsets(%dma_start3A_852 : memref<64xi32, #tpu.memory_space<vmem>>) semaphore(%arg28 : memref<!tpu.dma_semaphore, #tpu.memory_space<semaphore_mem>>)
    %dma_wait3A_856 = arith.constant 0 : i32
    %dma_wait3A_857 = tpu.memref_slice %arg4[%add3A_801, %dma_wait3A_856] : memref<512x2048xi32, #tpu.memory_space<hbm>> -> memref<1x2048xi32, #tpu.memory_space<hbm>>
    %dma_wait3A_858 = tpu.memref_squeeze %dma_wait3A_857 : memref<1x2048xi32, #tpu.memory_space<hbm>> -> memref<2048xi32, #tpu.memory_space<hbm>>
    %dma_wait3A_859 = arith.constant 0 : i32
    %dma_wait3A_860 = tpu.memref_slice %arg4[%add3A_801, %dma_wait3A_859] : memref<512x2048xi32, #tpu.memory_space<hbm>> -> memref<1x2048xi32, #tpu.memory_space<hbm>>
    %dma_wait3A_861 = tpu.memref_squeeze %dma_wait3A_860 : memref<1x2048xi32, #tpu.memory_space<hbm>> -> memref<2048xi32, #tpu.memory_space<hbm>>
    tpu.wait_dma2 semaphore(%arg33 : memref<!tpu.dma_semaphore, #tpu.memory_space<semaphore_mem>>) src(%dma_wait3A_861 : memref<2048xi32, #tpu.memory_space<hbm>>) dst(%arg21 : memref<2048xi32, #tpu.memory_space<vmem>>)
    %add3A_862 = arith.constant 10 : i32
    %add3A_863 = arith.addi %mul3A_4, %add3A_862 : i32
    %dma_start3A_864 = arith.constant 0 : i32
    %dma_start3A_865 = tpu.memref_slice %arg4[%add3A_863, %dma_start3A_864] : memref<512x2048xi32, #tpu.memory_space<hbm>> -> memref<1x2048xi32, #tpu.memory_space<hbm>>
    %dma_start3A_866 = tpu.memref_squeeze %dma_start3A_865 : memref<1x2048xi32, #tpu.memory_space<hbm>> -> memref<2048xi32, #tpu.memory_space<hbm>>
    %dma_start3A_867 = arith.constant 0 : i32
    %dma_start3A_868 = tpu.memref_slice %arg4[%add3A_863, %dma_start3A_867] : memref<512x2048xi32, #tpu.memory_space<hbm>> -> memref<1x2048xi32, #tpu.memory_space<hbm>>
    %dma_start3A_869 = tpu.memref_squeeze %dma_start3A_868 : memref<1x2048xi32, #tpu.memory_space<hbm>> -> memref<2048xi32, #tpu.memory_space<hbm>>
    tpu.enqueue_dma source(%dma_start3A_869 : memref<2048xi32, #tpu.memory_space<hbm>>) target(%arg20 : memref<2048xi32, #tpu.memory_space<vmem>>) target_semaphore(%arg32 : memref<!tpu.dma_semaphore, #tpu.memory_space<semaphore_mem>>)
    %dma_wait3A_870 = arith.constant 0 : i32
    %dma_wait3A_871 = tpu.memref_slice %arg8[%add3A_759, %dma_wait3A_870] : memref<512x18432xf32, #tpu.memory_space<hbm>> -> memref<1x18432xf32, #tpu.memory_space<hbm>>
    %dma_wait3A_872 = tpu.memref_squeeze %dma_wait3A_871 : memref<1x18432xf32, #tpu.memory_space<hbm>> -> memref<18432xf32, #tpu.memory_space<hbm>>
    %dma_wait3A_873 = arith.constant 0 : i32
    %dma_wait3A_874 = tpu.memref_slice %arg8[%add3A_759, %dma_wait3A_873] : memref<512x18432xf32, #tpu.memory_space<hbm>> -> memref<1x18432xf32, #tpu.memory_space<hbm>>
    %dma_wait3A_875 = tpu.memref_squeeze %dma_wait3A_874 : memref<1x18432xf32, #tpu.memory_space<hbm>> -> memref<18432xf32, #tpu.memory_space<hbm>>
    tpu.wait_dma2 semaphore(%arg35 : memref<!tpu.dma_semaphore, #tpu.memory_space<semaphore_mem>>) src(%arg23 : memref<18432xf32, #tpu.memory_space<vmem>>) dst(%dma_wait3A_875 : memref<18432xf32, #tpu.memory_space<hbm>>)
    %scan3A_876 = arith.constant 0 : i32
    %scan3A_877 = arith.constant 0 : i32
    %scan3A_878 = arith.constant 128 : i32
    %scan3A_879 = arith.addi %scan3A_877, %scan3A_878 : i32
    %scan3A_880 = arith.constant 1 : i32
    scf.for %scan3A_1280 = %scan3A_877 to %scan3A_879 step %scan3A_880  : i32 {
      %mul3A_1281 = arith.constant 16 : i32
      %mul3A_1282 = arith.muli %scan3A_1280, %mul3A_1281 : i32
      %get3A_1283 = arith.index_cast %mul3A_1282 : i32 to index
      %get3A_1284 = tpu.vector_load %arg21[%get3A_1283] {strides = array<i32>} : memref<2048xi32, #tpu.memory_space<vmem>>, vector<16xi32>,
      %gather3A = tpu.vector_load_idx %arg11[%get3A_1284] : memref<2048xf32, #tpu.memory_space<vmem>>[vector<16xi32>], vector<16xf32>,
      %add3A_1285 = arith.constant 16384 : i32
      %add3A_1286 = arith.addi %add3A_1285, %mul3A_1282 : i32
      %swap3A_1287 = arith.index_cast %add3A_1286 : i32 to index
      %swap3A_1288 = tpu.vector_load %arg23[%swap3A_1287] {strides = array<i32>} : memref<18432xf32, #tpu.memory_space<vmem>>, vector<16xf32>,
      tpu.vector_store %arg23[%swap3A_1287], %gather3A {strides = array<i32>} : memref<18432xf32, #tpu.memory_space<vmem>>, vector<16xf32>,
      %gather3A_1289 = tpu.vector_load_idx %arg12[%get3A_1284] : memref<2048xf32, #tpu.memory_space<vmem>>[vector<16xi32>], vector<16xf32>,
      %add3A_1290 = arith.constant 0 : i32
      %add3A_1291 = arith.addi %add3A_1290, %mul3A_1282 : i32
      %swap3A_1292 = arith.index_cast %add3A_1291 : i32 to index
      %swap3A_1293 = tpu.vector_load %arg23[%swap3A_1292] {strides = array<i32>} : memref<18432xf32, #tpu.memory_space<vmem>>, vector<16xf32>,
      tpu.vector_store %arg23[%swap3A_1292], %gather3A_1289 {strides = array<i32>} : memref<18432xf32, #tpu.memory_space<vmem>>, vector<16xf32>,
      %gather3A_1294 = tpu.vector_load_idx %arg13[%get3A_1284] : memref<2048xf32, #tpu.memory_space<vmem>>[vector<16xi32>], vector<16xf32>,
      %add3A_1295 = arith.constant 2048 : i32
      %add3A_1296 = arith.addi %add3A_1295, %mul3A_1282 : i32
      %swap3A_1297 = arith.index_cast %add3A_1296 : i32 to index
      %swap3A_1298 = tpu.vector_load %arg23[%swap3A_1297] {strides = array<i32>} : memref<18432xf32, #tpu.memory_space<vmem>>, vector<16xf32>,
      tpu.vector_store %arg23[%swap3A_1297], %gather3A_1294 {strides = array<i32>} : memref<18432xf32, #tpu.memory_space<vmem>>, vector<16xf32>,
      %gather3A_1299 = tpu.vector_load_idx %arg14[%get3A_1284] : memref<2048xf32, #tpu.memory_space<vmem>>[vector<16xi32>], vector<16xf32>,
      %add3A_1300 = arith.constant 4096 : i32
      %add3A_1301 = arith.addi %add3A_1300, %mul3A_1282 : i32
      %swap3A_1302 = arith.index_cast %add3A_1301 : i32 to index
      %swap3A_1303 = tpu.vector_load %arg23[%swap3A_1302] {strides = array<i32>} : memref<18432xf32, #tpu.memory_space<vmem>>, vector<16xf32>,
      tpu.vector_store %arg23[%swap3A_1302], %gather3A_1299 {strides = array<i32>} : memref<18432xf32, #tpu.memory_space<vmem>>, vector<16xf32>,
      %gather3A_1304 = tpu.vector_load_idx %arg15[%get3A_1284] : memref<2048xf32, #tpu.memory_space<vmem>>[vector<16xi32>], vector<16xf32>,
      %add3A_1305 = arith.constant 6144 : i32
      %add3A_1306 = arith.addi %add3A_1305, %mul3A_1282 : i32
      %swap3A_1307 = arith.index_cast %add3A_1306 : i32 to index
      %swap3A_1308 = tpu.vector_load %arg23[%swap3A_1307] {strides = array<i32>} : memref<18432xf32, #tpu.memory_space<vmem>>, vector<16xf32>,
      tpu.vector_store %arg23[%swap3A_1307], %gather3A_1304 {strides = array<i32>} : memref<18432xf32, #tpu.memory_space<vmem>>, vector<16xf32>,
      %gather3A_1309 = tpu.vector_load_idx %arg16[%get3A_1284] : memref<2048xf32, #tpu.memory_space<vmem>>[vector<16xi32>], vector<16xf32>,
      %add3A_1310 = arith.constant 8192 : i32
      %add3A_1311 = arith.addi %add3A_1310, %mul3A_1282 : i32
      %swap3A_1312 = arith.index_cast %add3A_1311 : i32 to index
      %swap3A_1313 = tpu.vector_load %arg23[%swap3A_1312] {strides = array<i32>} : memref<18432xf32, #tpu.memory_space<vmem>>, vector<16xf32>,
      tpu.vector_store %arg23[%swap3A_1312], %gather3A_1309 {strides = array<i32>} : memref<18432xf32, #tpu.memory_space<vmem>>, vector<16xf32>,
      %gather3A_1314 = tpu.vector_load_idx %arg17[%get3A_1284] : memref<2048xf32, #tpu.memory_space<vmem>>[vector<16xi32>], vector<16xf32>,
      %add3A_1315 = arith.constant 10240 : i32
      %add3A_1316 = arith.addi %add3A_1315, %mul3A_1282 : i32
      %swap3A_1317 = arith.index_cast %add3A_1316 : i32 to index
      %swap3A_1318 = tpu.vector_load %arg23[%swap3A_1317] {strides = array<i32>} : memref<18432xf32, #tpu.memory_space<vmem>>, vector<16xf32>,
      tpu.vector_store %arg23[%swap3A_1317], %gather3A_1314 {strides = array<i32>} : memref<18432xf32, #tpu.memory_space<vmem>>, vector<16xf32>,
      %gather3A_1319 = tpu.vector_load_idx %arg18[%get3A_1284] : memref<2048xf32, #tpu.memory_space<vmem>>[vector<16xi32>], vector<16xf32>,
      %add3A_1320 = arith.constant 12288 : i32
      %add3A_1321 = arith.addi %add3A_1320, %mul3A_1282 : i32
      %swap3A_1322 = arith.index_cast %add3A_1321 : i32 to index
      %swap3A_1323 = tpu.vector_load %arg23[%swap3A_1322] {strides = array<i32>} : memref<18432xf32, #tpu.memory_space<vmem>>, vector<16xf32>,
      tpu.vector_store %arg23[%swap3A_1322], %gather3A_1319 {strides = array<i32>} : memref<18432xf32, #tpu.memory_space<vmem>>, vector<16xf32>,
      %gather3A_1324 = tpu.vector_load_idx %arg19[%get3A_1284] : memref<2048xf32, #tpu.memory_space<vmem>>[vector<16xi32>], vector<16xf32>,
      %add3A_1325 = arith.constant 14336 : i32
      %add3A_1326 = arith.addi %add3A_1325, %mul3A_1282 : i32
      %swap3A_1327 = arith.index_cast %add3A_1326 : i32 to index
      %swap3A_1328 = tpu.vector_load %arg23[%swap3A_1327] {strides = array<i32>} : memref<18432xf32, #tpu.memory_space<vmem>>, vector<16xf32>,
      tpu.vector_store %arg23[%swap3A_1327], %gather3A_1324 {strides = array<i32>} : memref<18432xf32, #tpu.memory_space<vmem>>, vector<16xf32>,
    }
    %scan3A_881 = arith.constant 128 : i32
    %add3A_882 = arith.constant 9 : i32
    %add3A_883 = arith.addi %mul3A_4, %add3A_882 : i32
    %dma_start3A_884 = arith.constant 0 : i32
    %dma_start3A_885 = tpu.memref_slice %arg8[%add3A_883, %dma_start3A_884] : memref<512x18432xf32, #tpu.memory_space<hbm>> -> memref<1x18432xf32, #tpu.memory_space<hbm>>
    %dma_start3A_886 = tpu.memref_squeeze %dma_start3A_885 : memref<1x18432xf32, #tpu.memory_space<hbm>> -> memref<18432xf32, #tpu.memory_space<hbm>>
    %dma_start3A_887 = arith.constant 0 : i32
    %dma_start3A_888 = tpu.memref_slice %arg8[%add3A_883, %dma_start3A_887] : memref<512x18432xf32, #tpu.memory_space<hbm>> -> memref<1x18432xf32, #tpu.memory_space<hbm>>
    %dma_start3A_889 = tpu.memref_squeeze %dma_start3A_888 : memref<1x18432xf32, #tpu.memory_space<hbm>> -> memref<18432xf32, #tpu.memory_space<hbm>>
    tpu.enqueue_dma source(%arg23 : memref<18432xf32, #tpu.memory_space<vmem>>) target(%dma_start3A_889 : memref<18432xf32, #tpu.memory_space<hbm>>) target_semaphore(%arg35 : memref<!tpu.dma_semaphore, #tpu.memory_space<semaphore_mem>>)
    %dma_wait3A_890 = arith.constant 4 : i32
    %dma_wait3A_891 = arith.constant 0 : i32
    %dma_wait3A_892 = tpu.memref_slice %arg25[%dma_wait3A_890, %dma_wait3A_891] : memref<8x64xi32, #tpu.memory_space<vmem>> -> memref<1x64xi32, #tpu.memory_space<vmem>>
    %dma_wait3A_893 = tpu.memref_squeeze %dma_wait3A_892 : memref<1x64xi32, #tpu.memory_space<vmem>> -> memref<64xi32, #tpu.memory_space<vmem>>
    %dma_wait3A_894 = arith.constant 0 : i32
    %dma_wait3A_895 = arith.constant 0 : i32
    %dma_wait3A_896 = tpu.memref_slice %arg6[%dma_wait3A_894, %dma_wait3A_895] : memref<4096x256xf32, #tpu.memory_space<hbm>> -> memref<4096x256xf32, #tpu.memory_space<hbm>>
    tpu.wait_indirect_dma semaphore(%arg29 : memref<!tpu.dma_semaphore, #tpu.memory_space<semaphore_mem>>) src(%dma_wait3A_896 : memref<4096x256xf32, #tpu.memory_space<hbm>>) dst(%arg27 : memref<64x256xf32, #tpu.memory_space<vmem>>)
    %dma_start3A_897 = arith.constant 4 : i32
    %dma_start3A_898 = arith.constant 0 : i32
    %dma_start3A_899 = tpu.memref_slice %arg10[%dma_start3A_897, %mul3A_2, %dma_start3A_898] : memref<8x2048x256xf32, #tpu.memory_space<hbm>> -> memref<1x64x256xf32, #tpu.memory_space<hbm>>
    %dma_start3A_900 = tpu.memref_squeeze %dma_start3A_899 : memref<1x64x256xf32, #tpu.memory_space<hbm>> -> memref<64x256xf32, #tpu.memory_space<hbm>>
    %dma_start3A_901 = arith.constant 0 : i32
    %dma_start3A_902 = tpu.memref_slice %arg10[%dma_start3A_897, %mul3A_2, %dma_start3A_901] : memref<8x2048x256xf32, #tpu.memory_space<hbm>> -> memref<1x64x256xf32, #tpu.memory_space<hbm>>
    %dma_start3A_903 = tpu.memref_squeeze %dma_start3A_902 : memref<1x64x256xf32, #tpu.memory_space<hbm>> -> memref<64x256xf32, #tpu.memory_space<hbm>>
    tpu.enqueue_dma source(%arg27 : memref<64x256xf32, #tpu.memory_space<vmem>>) target(%dma_start3A_903 : memref<64x256xf32, #tpu.memory_space<hbm>>) target_semaphore(%arg31 : memref<!tpu.dma_semaphore, #tpu.memory_space<semaphore_mem>>)
    %dma_wait3A_904 = arith.constant 4 : i32
    %dma_wait3A_905 = arith.constant 0 : i32
    %dma_wait3A_906 = tpu.memref_slice %arg10[%dma_wait3A_904, %mul3A_2, %dma_wait3A_905] : memref<8x2048x256xf32, #tpu.memory_space<hbm>> -> memref<1x64x256xf32, #tpu.memory_space<hbm>>
    %dma_wait3A_907 = tpu.memref_squeeze %dma_wait3A_906 : memref<1x64x256xf32, #tpu.memory_space<hbm>> -> memref<64x256xf32, #tpu.memory_space<hbm>>
    %dma_wait3A_908 = arith.constant 0 : i32
    %dma_wait3A_909 = tpu.memref_slice %arg10[%dma_wait3A_904, %mul3A_2, %dma_wait3A_908] : memref<8x2048x256xf32, #tpu.memory_space<hbm>> -> memref<1x64x256xf32, #tpu.memory_space<hbm>>
    %dma_wait3A_910 = tpu.memref_squeeze %dma_wait3A_909 : memref<1x64x256xf32, #tpu.memory_space<hbm>> -> memref<64x256xf32, #tpu.memory_space<hbm>>
    tpu.wait_dma2 semaphore(%arg31 : memref<!tpu.dma_semaphore, #tpu.memory_space<semaphore_mem>>) src(%arg27 : memref<64x256xf32, #tpu.memory_space<vmem>>) dst(%dma_wait3A_910 : memref<64x256xf32, #tpu.memory_space<hbm>>)
    %dma_start3A_911 = arith.constant 5 : i32
    %dma_start3A_912 = arith.constant 0 : i32
    %dma_start3A_913 = tpu.memref_slice %arg25[%dma_start3A_911, %dma_start3A_912] : memref<8x64xi32, #tpu.memory_space<vmem>> -> memref<1x64xi32, #tpu.memory_space<vmem>>
    %dma_start3A_914 = tpu.memref_squeeze %dma_start3A_913 : memref<1x64xi32, #tpu.memory_space<vmem>> -> memref<64xi32, #tpu.memory_space<vmem>>
    %dma_start3A_915 = arith.constant 0 : i32
    %dma_start3A_916 = arith.constant 0 : i32
    %dma_start3A_917 = tpu.memref_slice %arg6[%dma_start3A_915, %dma_start3A_916] : memref<4096x256xf32, #tpu.memory_space<hbm>> -> memref<4096x256xf32, #tpu.memory_space<hbm>>
    tpu.enqueue_indirect_dma source(%dma_start3A_917 : memref<4096x256xf32, #tpu.memory_space<hbm>>) target(%arg27 : memref<64x256xf32, #tpu.memory_space<vmem>>) offsets(%dma_start3A_914 : memref<64xi32, #tpu.memory_space<vmem>>) semaphore(%arg29 : memref<!tpu.dma_semaphore, #tpu.memory_space<semaphore_mem>>)
    %dma_wait3A_918 = arith.constant 0 : i32
    %dma_wait3A_919 = tpu.memref_slice %arg4[%add3A_863, %dma_wait3A_918] : memref<512x2048xi32, #tpu.memory_space<hbm>> -> memref<1x2048xi32, #tpu.memory_space<hbm>>
    %dma_wait3A_920 = tpu.memref_squeeze %dma_wait3A_919 : memref<1x2048xi32, #tpu.memory_space<hbm>> -> memref<2048xi32, #tpu.memory_space<hbm>>
    %dma_wait3A_921 = arith.constant 0 : i32
    %dma_wait3A_922 = tpu.memref_slice %arg4[%add3A_863, %dma_wait3A_921] : memref<512x2048xi32, #tpu.memory_space<hbm>> -> memref<1x2048xi32, #tpu.memory_space<hbm>>
    %dma_wait3A_923 = tpu.memref_squeeze %dma_wait3A_922 : memref<1x2048xi32, #tpu.memory_space<hbm>> -> memref<2048xi32, #tpu.memory_space<hbm>>
    tpu.wait_dma2 semaphore(%arg32 : memref<!tpu.dma_semaphore, #tpu.memory_space<semaphore_mem>>) src(%dma_wait3A_923 : memref<2048xi32, #tpu.memory_space<hbm>>) dst(%arg20 : memref<2048xi32, #tpu.memory_space<vmem>>)
    %add3A_924 = arith.constant 11 : i32
    %add3A_925 = arith.addi %mul3A_4, %add3A_924 : i32
    %dma_start3A_926 = arith.constant 0 : i32
    %dma_start3A_927 = tpu.memref_slice %arg4[%add3A_925, %dma_start3A_926] : memref<512x2048xi32, #tpu.memory_space<hbm>> -> memref<1x2048xi32, #tpu.memory_space<hbm>>
    %dma_start3A_928 = tpu.memref_squeeze %dma_start3A_927 : memref<1x2048xi32, #tpu.memory_space<hbm>> -> memref<2048xi32, #tpu.memory_space<hbm>>
    %dma_start3A_929 = arith.constant 0 : i32
    %dma_start3A_930 = tpu.memref_slice %arg4[%add3A_925, %dma_start3A_929] : memref<512x2048xi32, #tpu.memory_space<hbm>> -> memref<1x2048xi32, #tpu.memory_space<hbm>>
    %dma_start3A_931 = tpu.memref_squeeze %dma_start3A_930 : memref<1x2048xi32, #tpu.memory_space<hbm>> -> memref<2048xi32, #tpu.memory_space<hbm>>
    tpu.enqueue_dma source(%dma_start3A_931 : memref<2048xi32, #tpu.memory_space<hbm>>) target(%arg21 : memref<2048xi32, #tpu.memory_space<vmem>>) target_semaphore(%arg33 : memref<!tpu.dma_semaphore, #tpu.memory_space<semaphore_mem>>)
    %dma_wait3A_932 = arith.constant 0 : i32
    %dma_wait3A_933 = tpu.memref_slice %arg8[%add3A_821, %dma_wait3A_932] : memref<512x18432xf32, #tpu.memory_space<hbm>> -> memref<1x18432xf32, #tpu.memory_space<hbm>>
    %dma_wait3A_934 = tpu.memref_squeeze %dma_wait3A_933 : memref<1x18432xf32, #tpu.memory_space<hbm>> -> memref<18432xf32, #tpu.memory_space<hbm>>
    %dma_wait3A_935 = arith.constant 0 : i32
    %dma_wait3A_936 = tpu.memref_slice %arg8[%add3A_821, %dma_wait3A_935] : memref<512x18432xf32, #tpu.memory_space<hbm>> -> memref<1x18432xf32, #tpu.memory_space<hbm>>
    %dma_wait3A_937 = tpu.memref_squeeze %dma_wait3A_936 : memref<1x18432xf32, #tpu.memory_space<hbm>> -> memref<18432xf32, #tpu.memory_space<hbm>>
    tpu.wait_dma2 semaphore(%arg34 : memref<!tpu.dma_semaphore, #tpu.memory_space<semaphore_mem>>) src(%arg22 : memref<18432xf32, #tpu.memory_space<vmem>>) dst(%dma_wait3A_937 : memref<18432xf32, #tpu.memory_space<hbm>>)
    %scan3A_938 = arith.constant 0 : i32
    %scan3A_939 = arith.constant 0 : i32
    %scan3A_940 = arith.constant 128 : i32
    %scan3A_941 = arith.addi %scan3A_939, %scan3A_940 : i32
    %scan3A_942 = arith.constant 1 : i32
    scf.for %scan3A_1280 = %scan3A_939 to %scan3A_941 step %scan3A_942  : i32 {
      %mul3A_1281 = arith.constant 16 : i32
      %mul3A_1282 = arith.muli %scan3A_1280, %mul3A_1281 : i32
      %get3A_1283 = arith.index_cast %mul3A_1282 : i32 to index
      %get3A_1284 = tpu.vector_load %arg20[%get3A_1283] {strides = array<i32>} : memref<2048xi32, #tpu.memory_space<vmem>>, vector<16xi32>,
      %gather3A = tpu.vector_load_idx %arg11[%get3A_1284] : memref<2048xf32, #tpu.memory_space<vmem>>[vector<16xi32>], vector<16xf32>,
      %add3A_1285 = arith.constant 16384 : i32
      %add3A_1286 = arith.addi %add3A_1285, %mul3A_1282 : i32
      %swap3A_1287 = arith.index_cast %add3A_1286 : i32 to index
      %swap3A_1288 = tpu.vector_load %arg22[%swap3A_1287] {strides = array<i32>} : memref<18432xf32, #tpu.memory_space<vmem>>, vector<16xf32>,
      tpu.vector_store %arg22[%swap3A_1287], %gather3A {strides = array<i32>} : memref<18432xf32, #tpu.memory_space<vmem>>, vector<16xf32>,
      %gather3A_1289 = tpu.vector_load_idx %arg12[%get3A_1284] : memref<2048xf32, #tpu.memory_space<vmem>>[vector<16xi32>], vector<16xf32>,
      %add3A_1290 = arith.constant 0 : i32
      %add3A_1291 = arith.addi %add3A_1290, %mul3A_1282 : i32
      %swap3A_1292 = arith.index_cast %add3A_1291 : i32 to index
      %swap3A_1293 = tpu.vector_load %arg22[%swap3A_1292] {strides = array<i32>} : memref<18432xf32, #tpu.memory_space<vmem>>, vector<16xf32>,
      tpu.vector_store %arg22[%swap3A_1292], %gather3A_1289 {strides = array<i32>} : memref<18432xf32, #tpu.memory_space<vmem>>, vector<16xf32>,
      %gather3A_1294 = tpu.vector_load_idx %arg13[%get3A_1284] : memref<2048xf32, #tpu.memory_space<vmem>>[vector<16xi32>], vector<16xf32>,
      %add3A_1295 = arith.constant 2048 : i32
      %add3A_1296 = arith.addi %add3A_1295, %mul3A_1282 : i32
      %swap3A_1297 = arith.index_cast %add3A_1296 : i32 to index
      %swap3A_1298 = tpu.vector_load %arg22[%swap3A_1297] {strides = array<i32>} : memref<18432xf32, #tpu.memory_space<vmem>>, vector<16xf32>,
      tpu.vector_store %arg22[%swap3A_1297], %gather3A_1294 {strides = array<i32>} : memref<18432xf32, #tpu.memory_space<vmem>>, vector<16xf32>,
      %gather3A_1299 = tpu.vector_load_idx %arg14[%get3A_1284] : memref<2048xf32, #tpu.memory_space<vmem>>[vector<16xi32>], vector<16xf32>,
      %add3A_1300 = arith.constant 4096 : i32
      %add3A_1301 = arith.addi %add3A_1300, %mul3A_1282 : i32
      %swap3A_1302 = arith.index_cast %add3A_1301 : i32 to index
      %swap3A_1303 = tpu.vector_load %arg22[%swap3A_1302] {strides = array<i32>} : memref<18432xf32, #tpu.memory_space<vmem>>, vector<16xf32>,
      tpu.vector_store %arg22[%swap3A_1302], %gather3A_1299 {strides = array<i32>} : memref<18432xf32, #tpu.memory_space<vmem>>, vector<16xf32>,
      %gather3A_1304 = tpu.vector_load_idx %arg15[%get3A_1284] : memref<2048xf32, #tpu.memory_space<vmem>>[vector<16xi32>], vector<16xf32>,
      %add3A_1305 = arith.constant 6144 : i32
      %add3A_1306 = arith.addi %add3A_1305, %mul3A_1282 : i32
      %swap3A_1307 = arith.index_cast %add3A_1306 : i32 to index
      %swap3A_1308 = tpu.vector_load %arg22[%swap3A_1307] {strides = array<i32>} : memref<18432xf32, #tpu.memory_space<vmem>>, vector<16xf32>,
      tpu.vector_store %arg22[%swap3A_1307], %gather3A_1304 {strides = array<i32>} : memref<18432xf32, #tpu.memory_space<vmem>>, vector<16xf32>,
      %gather3A_1309 = tpu.vector_load_idx %arg16[%get3A_1284] : memref<2048xf32, #tpu.memory_space<vmem>>[vector<16xi32>], vector<16xf32>,
      %add3A_1310 = arith.constant 8192 : i32
      %add3A_1311 = arith.addi %add3A_1310, %mul3A_1282 : i32
      %swap3A_1312 = arith.index_cast %add3A_1311 : i32 to index
      %swap3A_1313 = tpu.vector_load %arg22[%swap3A_1312] {strides = array<i32>} : memref<18432xf32, #tpu.memory_space<vmem>>, vector<16xf32>,
      tpu.vector_store %arg22[%swap3A_1312], %gather3A_1309 {strides = array<i32>} : memref<18432xf32, #tpu.memory_space<vmem>>, vector<16xf32>,
      %gather3A_1314 = tpu.vector_load_idx %arg17[%get3A_1284] : memref<2048xf32, #tpu.memory_space<vmem>>[vector<16xi32>], vector<16xf32>,
      %add3A_1315 = arith.constant 10240 : i32
      %add3A_1316 = arith.addi %add3A_1315, %mul3A_1282 : i32
      %swap3A_1317 = arith.index_cast %add3A_1316 : i32 to index
      %swap3A_1318 = tpu.vector_load %arg22[%swap3A_1317] {strides = array<i32>} : memref<18432xf32, #tpu.memory_space<vmem>>, vector<16xf32>,
      tpu.vector_store %arg22[%swap3A_1317], %gather3A_1314 {strides = array<i32>} : memref<18432xf32, #tpu.memory_space<vmem>>, vector<16xf32>,
      %gather3A_1319 = tpu.vector_load_idx %arg18[%get3A_1284] : memref<2048xf32, #tpu.memory_space<vmem>>[vector<16xi32>], vector<16xf32>,
      %add3A_1320 = arith.constant 12288 : i32
      %add3A_1321 = arith.addi %add3A_1320, %mul3A_1282 : i32
      %swap3A_1322 = arith.index_cast %add3A_1321 : i32 to index
      %swap3A_1323 = tpu.vector_load %arg22[%swap3A_1322] {strides = array<i32>} : memref<18432xf32, #tpu.memory_space<vmem>>, vector<16xf32>,
      tpu.vector_store %arg22[%swap3A_1322], %gather3A_1319 {strides = array<i32>} : memref<18432xf32, #tpu.memory_space<vmem>>, vector<16xf32>,
      %gather3A_1324 = tpu.vector_load_idx %arg19[%get3A_1284] : memref<2048xf32, #tpu.memory_space<vmem>>[vector<16xi32>], vector<16xf32>,
      %add3A_1325 = arith.constant 14336 : i32
      %add3A_1326 = arith.addi %add3A_1325, %mul3A_1282 : i32
      %swap3A_1327 = arith.index_cast %add3A_1326 : i32 to index
      %swap3A_1328 = tpu.vector_load %arg22[%swap3A_1327] {strides = array<i32>} : memref<18432xf32, #tpu.memory_space<vmem>>, vector<16xf32>,
      tpu.vector_store %arg22[%swap3A_1327], %gather3A_1324 {strides = array<i32>} : memref<18432xf32, #tpu.memory_space<vmem>>, vector<16xf32>,
    }
    %scan3A_943 = arith.constant 128 : i32
    %add3A_944 = arith.constant 10 : i32
    %add3A_945 = arith.addi %mul3A_4, %add3A_944 : i32
    %dma_start3A_946 = arith.constant 0 : i32
    %dma_start3A_947 = tpu.memref_slice %arg8[%add3A_945, %dma_start3A_946] : memref<512x18432xf32, #tpu.memory_space<hbm>> -> memref<1x18432xf32, #tpu.memory_space<hbm>>
    %dma_start3A_948 = tpu.memref_squeeze %dma_start3A_947 : memref<1x18432xf32, #tpu.memory_space<hbm>> -> memref<18432xf32, #tpu.memory_space<hbm>>
    %dma_start3A_949 = arith.constant 0 : i32
    %dma_start3A_950 = tpu.memref_slice %arg8[%add3A_945, %dma_start3A_949] : memref<512x18432xf32, #tpu.memory_space<hbm>> -> memref<1x18432xf32, #tpu.memory_space<hbm>>
    %dma_start3A_951 = tpu.memref_squeeze %dma_start3A_950 : memref<1x18432xf32, #tpu.memory_space<hbm>> -> memref<18432xf32, #tpu.memory_space<hbm>>
    tpu.enqueue_dma source(%arg22 : memref<18432xf32, #tpu.memory_space<vmem>>) target(%dma_start3A_951 : memref<18432xf32, #tpu.memory_space<hbm>>) target_semaphore(%arg34 : memref<!tpu.dma_semaphore, #tpu.memory_space<semaphore_mem>>)
    %dma_wait3A_952 = arith.constant 5 : i32
    %dma_wait3A_953 = arith.constant 0 : i32
    %dma_wait3A_954 = tpu.memref_slice %arg25[%dma_wait3A_952, %dma_wait3A_953] : memref<8x64xi32, #tpu.memory_space<vmem>> -> memref<1x64xi32, #tpu.memory_space<vmem>>
    %dma_wait3A_955 = tpu.memref_squeeze %dma_wait3A_954 : memref<1x64xi32, #tpu.memory_space<vmem>> -> memref<64xi32, #tpu.memory_space<vmem>>
    %dma_wait3A_956 = arith.constant 0 : i32
    %dma_wait3A_957 = arith.constant 0 : i32
    %dma_wait3A_958 = tpu.memref_slice %arg5[%dma_wait3A_956, %dma_wait3A_957] : memref<4096x256xf32, #tpu.memory_space<hbm>> -> memref<4096x256xf32, #tpu.memory_space<hbm>>
    tpu.wait_indirect_dma semaphore(%arg28 : memref<!tpu.dma_semaphore, #tpu.memory_space<semaphore_mem>>) src(%dma_wait3A_958 : memref<4096x256xf32, #tpu.memory_space<hbm>>) dst(%arg26 : memref<64x256xf32, #tpu.memory_space<vmem>>)
    %dma_start3A_959 = arith.constant 5 : i32
    %dma_start3A_960 = arith.constant 0 : i32
    %dma_start3A_961 = tpu.memref_slice %arg9[%dma_start3A_959, %mul3A_2, %dma_start3A_960] : memref<8x2048x256xf32, #tpu.memory_space<hbm>> -> memref<1x64x256xf32, #tpu.memory_space<hbm>>
    %dma_start3A_962 = tpu.memref_squeeze %dma_start3A_961 : memref<1x64x256xf32, #tpu.memory_space<hbm>> -> memref<64x256xf32, #tpu.memory_space<hbm>>
    %dma_start3A_963 = arith.constant 0 : i32
    %dma_start3A_964 = tpu.memref_slice %arg9[%dma_start3A_959, %mul3A_2, %dma_start3A_963] : memref<8x2048x256xf32, #tpu.memory_space<hbm>> -> memref<1x64x256xf32, #tpu.memory_space<hbm>>
    %dma_start3A_965 = tpu.memref_squeeze %dma_start3A_964 : memref<1x64x256xf32, #tpu.memory_space<hbm>> -> memref<64x256xf32, #tpu.memory_space<hbm>>
    tpu.enqueue_dma source(%arg26 : memref<64x256xf32, #tpu.memory_space<vmem>>) target(%dma_start3A_965 : memref<64x256xf32, #tpu.memory_space<hbm>>) target_semaphore(%arg30 : memref<!tpu.dma_semaphore, #tpu.memory_space<semaphore_mem>>)
    %dma_wait3A_966 = arith.constant 5 : i32
    %dma_wait3A_967 = arith.constant 0 : i32
    %dma_wait3A_968 = tpu.memref_slice %arg9[%dma_wait3A_966, %mul3A_2, %dma_wait3A_967] : memref<8x2048x256xf32, #tpu.memory_space<hbm>> -> memref<1x64x256xf32, #tpu.memory_space<hbm>>
    %dma_wait3A_969 = tpu.memref_squeeze %dma_wait3A_968 : memref<1x64x256xf32, #tpu.memory_space<hbm>> -> memref<64x256xf32, #tpu.memory_space<hbm>>
    %dma_wait3A_970 = arith.constant 0 : i32
    %dma_wait3A_971 = tpu.memref_slice %arg9[%dma_wait3A_966, %mul3A_2, %dma_wait3A_970] : memref<8x2048x256xf32, #tpu.memory_space<hbm>> -> memref<1x64x256xf32, #tpu.memory_space<hbm>>
    %dma_wait3A_972 = tpu.memref_squeeze %dma_wait3A_971 : memref<1x64x256xf32, #tpu.memory_space<hbm>> -> memref<64x256xf32, #tpu.memory_space<hbm>>
    tpu.wait_dma2 semaphore(%arg30 : memref<!tpu.dma_semaphore, #tpu.memory_space<semaphore_mem>>) src(%arg26 : memref<64x256xf32, #tpu.memory_space<vmem>>) dst(%dma_wait3A_972 : memref<64x256xf32, #tpu.memory_space<hbm>>)
    %dma_start3A_973 = arith.constant 6 : i32
    %dma_start3A_974 = arith.constant 0 : i32
    %dma_start3A_975 = tpu.memref_slice %arg25[%dma_start3A_973, %dma_start3A_974] : memref<8x64xi32, #tpu.memory_space<vmem>> -> memref<1x64xi32, #tpu.memory_space<vmem>>
    %dma_start3A_976 = tpu.memref_squeeze %dma_start3A_975 : memref<1x64xi32, #tpu.memory_space<vmem>> -> memref<64xi32, #tpu.memory_space<vmem>>
    %dma_start3A_977 = arith.constant 0 : i32
    %dma_start3A_978 = arith.constant 0 : i32
    %dma_start3A_979 = tpu.memref_slice %arg5[%dma_start3A_977, %dma_start3A_978] : memref<4096x256xf32, #tpu.memory_space<hbm>> -> memref<4096x256xf32, #tpu.memory_space<hbm>>
    tpu.enqueue_indirect_dma source(%dma_start3A_979 : memref<4096x256xf32, #tpu.memory_space<hbm>>) target(%arg26 : memref<64x256xf32, #tpu.memory_space<vmem>>) offsets(%dma_start3A_976 : memref<64xi32, #tpu.memory_space<vmem>>) semaphore(%arg28 : memref<!tpu.dma_semaphore, #tpu.memory_space<semaphore_mem>>)
    %dma_wait3A_980 = arith.constant 0 : i32
    %dma_wait3A_981 = tpu.memref_slice %arg4[%add3A_925, %dma_wait3A_980] : memref<512x2048xi32, #tpu.memory_space<hbm>> -> memref<1x2048xi32, #tpu.memory_space<hbm>>
    %dma_wait3A_982 = tpu.memref_squeeze %dma_wait3A_981 : memref<1x2048xi32, #tpu.memory_space<hbm>> -> memref<2048xi32, #tpu.memory_space<hbm>>
    %dma_wait3A_983 = arith.constant 0 : i32
    %dma_wait3A_984 = tpu.memref_slice %arg4[%add3A_925, %dma_wait3A_983] : memref<512x2048xi32, #tpu.memory_space<hbm>> -> memref<1x2048xi32, #tpu.memory_space<hbm>>
    %dma_wait3A_985 = tpu.memref_squeeze %dma_wait3A_984 : memref<1x2048xi32, #tpu.memory_space<hbm>> -> memref<2048xi32, #tpu.memory_space<hbm>>
    tpu.wait_dma2 semaphore(%arg33 : memref<!tpu.dma_semaphore, #tpu.memory_space<semaphore_mem>>) src(%dma_wait3A_985 : memref<2048xi32, #tpu.memory_space<hbm>>) dst(%arg21 : memref<2048xi32, #tpu.memory_space<vmem>>)
    %add3A_986 = arith.constant 12 : i32
    %add3A_987 = arith.addi %mul3A_4, %add3A_986 : i32
    %dma_start3A_988 = arith.constant 0 : i32
    %dma_start3A_989 = tpu.memref_slice %arg4[%add3A_987, %dma_start3A_988] : memref<512x2048xi32, #tpu.memory_space<hbm>> -> memref<1x2048xi32, #tpu.memory_space<hbm>>
    %dma_start3A_990 = tpu.memref_squeeze %dma_start3A_989 : memref<1x2048xi32, #tpu.memory_space<hbm>> -> memref<2048xi32, #tpu.memory_space<hbm>>
    %dma_start3A_991 = arith.constant 0 : i32
    %dma_start3A_992 = tpu.memref_slice %arg4[%add3A_987, %dma_start3A_991] : memref<512x2048xi32, #tpu.memory_space<hbm>> -> memref<1x2048xi32, #tpu.memory_space<hbm>>
    %dma_start3A_993 = tpu.memref_squeeze %dma_start3A_992 : memref<1x2048xi32, #tpu.memory_space<hbm>> -> memref<2048xi32, #tpu.memory_space<hbm>>
    tpu.enqueue_dma source(%dma_start3A_993 : memref<2048xi32, #tpu.memory_space<hbm>>) target(%arg20 : memref<2048xi32, #tpu.memory_space<vmem>>) target_semaphore(%arg32 : memref<!tpu.dma_semaphore, #tpu.memory_space<semaphore_mem>>)
    %dma_wait3A_994 = arith.constant 0 : i32
    %dma_wait3A_995 = tpu.memref_slice %arg8[%add3A_883, %dma_wait3A_994] : memref<512x18432xf32, #tpu.memory_space<hbm>> -> memref<1x18432xf32, #tpu.memory_space<hbm>>
    %dma_wait3A_996 = tpu.memref_squeeze %dma_wait3A_995 : memref<1x18432xf32, #tpu.memory_space<hbm>> -> memref<18432xf32, #tpu.memory_space<hbm>>
    %dma_wait3A_997 = arith.constant 0 : i32
    %dma_wait3A_998 = tpu.memref_slice %arg8[%add3A_883, %dma_wait3A_997] : memref<512x18432xf32, #tpu.memory_space<hbm>> -> memref<1x18432xf32, #tpu.memory_space<hbm>>
    %dma_wait3A_999 = tpu.memref_squeeze %dma_wait3A_998 : memref<1x18432xf32, #tpu.memory_space<hbm>> -> memref<18432xf32, #tpu.memory_space<hbm>>
    tpu.wait_dma2 semaphore(%arg35 : memref<!tpu.dma_semaphore, #tpu.memory_space<semaphore_mem>>) src(%arg23 : memref<18432xf32, #tpu.memory_space<vmem>>) dst(%dma_wait3A_999 : memref<18432xf32, #tpu.memory_space<hbm>>)
    %scan3A_1000 = arith.constant 0 : i32
    %scan3A_1001 = arith.constant 0 : i32
    %scan3A_1002 = arith.constant 128 : i32
    %scan3A_1003 = arith.addi %scan3A_1001, %scan3A_1002 : i32
    %scan3A_1004 = arith.constant 1 : i32
    scf.for %scan3A_1280 = %scan3A_1001 to %scan3A_1003 step %scan3A_1004  : i32 {
      %mul3A_1281 = arith.constant 16 : i32
      %mul3A_1282 = arith.muli %scan3A_1280, %mul3A_1281 : i32
      %get3A_1283 = arith.index_cast %mul3A_1282 : i32 to index
      %get3A_1284 = tpu.vector_load %arg21[%get3A_1283] {strides = array<i32>} : memref<2048xi32, #tpu.memory_space<vmem>>, vector<16xi32>,
      %gather3A = tpu.vector_load_idx %arg11[%get3A_1284] : memref<2048xf32, #tpu.memory_space<vmem>>[vector<16xi32>], vector<16xf32>,
      %add3A_1285 = arith.constant 16384 : i32
      %add3A_1286 = arith.addi %add3A_1285, %mul3A_1282 : i32
      %swap3A_1287 = arith.index_cast %add3A_1286 : i32 to index
      %swap3A_1288 = tpu.vector_load %arg23[%swap3A_1287] {strides = array<i32>} : memref<18432xf32, #tpu.memory_space<vmem>>, vector<16xf32>,
      tpu.vector_store %arg23[%swap3A_1287], %gather3A {strides = array<i32>} : memref<18432xf32, #tpu.memory_space<vmem>>, vector<16xf32>,
      %gather3A_1289 = tpu.vector_load_idx %arg12[%get3A_1284] : memref<2048xf32, #tpu.memory_space<vmem>>[vector<16xi32>], vector<16xf32>,
      %add3A_1290 = arith.constant 0 : i32
      %add3A_1291 = arith.addi %add3A_1290, %mul3A_1282 : i32
      %swap3A_1292 = arith.index_cast %add3A_1291 : i32 to index
      %swap3A_1293 = tpu.vector_load %arg23[%swap3A_1292] {strides = array<i32>} : memref<18432xf32, #tpu.memory_space<vmem>>, vector<16xf32>,
      tpu.vector_store %arg23[%swap3A_1292], %gather3A_1289 {strides = array<i32>} : memref<18432xf32, #tpu.memory_space<vmem>>, vector<16xf32>,
      %gather3A_1294 = tpu.vector_load_idx %arg13[%get3A_1284] : memref<2048xf32, #tpu.memory_space<vmem>>[vector<16xi32>], vector<16xf32>,
      %add3A_1295 = arith.constant 2048 : i32
      %add3A_1296 = arith.addi %add3A_1295, %mul3A_1282 : i32
      %swap3A_1297 = arith.index_cast %add3A_1296 : i32 to index
      %swap3A_1298 = tpu.vector_load %arg23[%swap3A_1297] {strides = array<i32>} : memref<18432xf32, #tpu.memory_space<vmem>>, vector<16xf32>,
      tpu.vector_store %arg23[%swap3A_1297], %gather3A_1294 {strides = array<i32>} : memref<18432xf32, #tpu.memory_space<vmem>>, vector<16xf32>,
      %gather3A_1299 = tpu.vector_load_idx %arg14[%get3A_1284] : memref<2048xf32, #tpu.memory_space<vmem>>[vector<16xi32>], vector<16xf32>,
      %add3A_1300 = arith.constant 4096 : i32
      %add3A_1301 = arith.addi %add3A_1300, %mul3A_1282 : i32
      %swap3A_1302 = arith.index_cast %add3A_1301 : i32 to index
      %swap3A_1303 = tpu.vector_load %arg23[%swap3A_1302] {strides = array<i32>} : memref<18432xf32, #tpu.memory_space<vmem>>, vector<16xf32>,
      tpu.vector_store %arg23[%swap3A_1302], %gather3A_1299 {strides = array<i32>} : memref<18432xf32, #tpu.memory_space<vmem>>, vector<16xf32>,
      %gather3A_1304 = tpu.vector_load_idx %arg15[%get3A_1284] : memref<2048xf32, #tpu.memory_space<vmem>>[vector<16xi32>], vector<16xf32>,
      %add3A_1305 = arith.constant 6144 : i32
      %add3A_1306 = arith.addi %add3A_1305, %mul3A_1282 : i32
      %swap3A_1307 = arith.index_cast %add3A_1306 : i32 to index
      %swap3A_1308 = tpu.vector_load %arg23[%swap3A_1307] {strides = array<i32>} : memref<18432xf32, #tpu.memory_space<vmem>>, vector<16xf32>,
      tpu.vector_store %arg23[%swap3A_1307], %gather3A_1304 {strides = array<i32>} : memref<18432xf32, #tpu.memory_space<vmem>>, vector<16xf32>,
      %gather3A_1309 = tpu.vector_load_idx %arg16[%get3A_1284] : memref<2048xf32, #tpu.memory_space<vmem>>[vector<16xi32>], vector<16xf32>,
      %add3A_1310 = arith.constant 8192 : i32
      %add3A_1311 = arith.addi %add3A_1310, %mul3A_1282 : i32
      %swap3A_1312 = arith.index_cast %add3A_1311 : i32 to index
      %swap3A_1313 = tpu.vector_load %arg23[%swap3A_1312] {strides = array<i32>} : memref<18432xf32, #tpu.memory_space<vmem>>, vector<16xf32>,
      tpu.vector_store %arg23[%swap3A_1312], %gather3A_1309 {strides = array<i32>} : memref<18432xf32, #tpu.memory_space<vmem>>, vector<16xf32>,
      %gather3A_1314 = tpu.vector_load_idx %arg17[%get3A_1284] : memref<2048xf32, #tpu.memory_space<vmem>>[vector<16xi32>], vector<16xf32>,
      %add3A_1315 = arith.constant 10240 : i32
      %add3A_1316 = arith.addi %add3A_1315, %mul3A_1282 : i32
      %swap3A_1317 = arith.index_cast %add3A_1316 : i32 to index
      %swap3A_1318 = tpu.vector_load %arg23[%swap3A_1317] {strides = array<i32>} : memref<18432xf32, #tpu.memory_space<vmem>>, vector<16xf32>,
      tpu.vector_store %arg23[%swap3A_1317], %gather3A_1314 {strides = array<i32>} : memref<18432xf32, #tpu.memory_space<vmem>>, vector<16xf32>,
      %gather3A_1319 = tpu.vector_load_idx %arg18[%get3A_1284] : memref<2048xf32, #tpu.memory_space<vmem>>[vector<16xi32>], vector<16xf32>,
      %add3A_1320 = arith.constant 12288 : i32
      %add3A_1321 = arith.addi %add3A_1320, %mul3A_1282 : i32
      %swap3A_1322 = arith.index_cast %add3A_1321 : i32 to index
      %swap3A_1323 = tpu.vector_load %arg23[%swap3A_1322] {strides = array<i32>} : memref<18432xf32, #tpu.memory_space<vmem>>, vector<16xf32>,
      tpu.vector_store %arg23[%swap3A_1322], %gather3A_1319 {strides = array<i32>} : memref<18432xf32, #tpu.memory_space<vmem>>, vector<16xf32>,
      %gather3A_1324 = tpu.vector_load_idx %arg19[%get3A_1284] : memref<2048xf32, #tpu.memory_space<vmem>>[vector<16xi32>], vector<16xf32>,
      %add3A_1325 = arith.constant 14336 : i32
      %add3A_1326 = arith.addi %add3A_1325, %mul3A_1282 : i32
      %swap3A_1327 = arith.index_cast %add3A_1326 : i32 to index
      %swap3A_1328 = tpu.vector_load %arg23[%swap3A_1327] {strides = array<i32>} : memref<18432xf32, #tpu.memory_space<vmem>>, vector<16xf32>,
      tpu.vector_store %arg23[%swap3A_1327], %gather3A_1324 {strides = array<i32>} : memref<18432xf32, #tpu.memory_space<vmem>>, vector<16xf32>,
    }
    %scan3A_1005 = arith.constant 128 : i32
    %add3A_1006 = arith.constant 11 : i32
    %add3A_1007 = arith.addi %mul3A_4, %add3A_1006 : i32
    %dma_start3A_1008 = arith.constant 0 : i32
    %dma_start3A_1009 = tpu.memref_slice %arg8[%add3A_1007, %dma_start3A_1008] : memref<512x18432xf32, #tpu.memory_space<hbm>> -> memref<1x18432xf32, #tpu.memory_space<hbm>>
    %dma_start3A_1010 = tpu.memref_squeeze %dma_start3A_1009 : memref<1x18432xf32, #tpu.memory_space<hbm>> -> memref<18432xf32, #tpu.memory_space<hbm>>
    %dma_start3A_1011 = arith.constant 0 : i32
    %dma_start3A_1012 = tpu.memref_slice %arg8[%add3A_1007, %dma_start3A_1011] : memref<512x18432xf32, #tpu.memory_space<hbm>> -> memref<1x18432xf32, #tpu.memory_space<hbm>>
    %dma_start3A_1013 = tpu.memref_squeeze %dma_start3A_1012 : memref<1x18432xf32, #tpu.memory_space<hbm>> -> memref<18432xf32, #tpu.memory_space<hbm>>
    tpu.enqueue_dma source(%arg23 : memref<18432xf32, #tpu.memory_space<vmem>>) target(%dma_start3A_1013 : memref<18432xf32, #tpu.memory_space<hbm>>) target_semaphore(%arg35 : memref<!tpu.dma_semaphore, #tpu.memory_space<semaphore_mem>>)
    %dma_wait3A_1014 = arith.constant 5 : i32
    %dma_wait3A_1015 = arith.constant 0 : i32
    %dma_wait3A_1016 = tpu.memref_slice %arg25[%dma_wait3A_1014, %dma_wait3A_1015] : memref<8x64xi32, #tpu.memory_space<vmem>> -> memref<1x64xi32, #tpu.memory_space<vmem>>
    %dma_wait3A_1017 = tpu.memref_squeeze %dma_wait3A_1016 : memref<1x64xi32, #tpu.memory_space<vmem>> -> memref<64xi32, #tpu.memory_space<vmem>>
    %dma_wait3A_1018 = arith.constant 0 : i32
    %dma_wait3A_1019 = arith.constant 0 : i32
    %dma_wait3A_1020 = tpu.memref_slice %arg6[%dma_wait3A_1018, %dma_wait3A_1019] : memref<4096x256xf32, #tpu.memory_space<hbm>> -> memref<4096x256xf32, #tpu.memory_space<hbm>>
    tpu.wait_indirect_dma semaphore(%arg29 : memref<!tpu.dma_semaphore, #tpu.memory_space<semaphore_mem>>) src(%dma_wait3A_1020 : memref<4096x256xf32, #tpu.memory_space<hbm>>) dst(%arg27 : memref<64x256xf32, #tpu.memory_space<vmem>>)
    %dma_start3A_1021 = arith.constant 5 : i32
    %dma_start3A_1022 = arith.constant 0 : i32
    %dma_start3A_1023 = tpu.memref_slice %arg10[%dma_start3A_1021, %mul3A_2, %dma_start3A_1022] : memref<8x2048x256xf32, #tpu.memory_space<hbm>> -> memref<1x64x256xf32, #tpu.memory_space<hbm>>
    %dma_start3A_1024 = tpu.memref_squeeze %dma_start3A_1023 : memref<1x64x256xf32, #tpu.memory_space<hbm>> -> memref<64x256xf32, #tpu.memory_space<hbm>>
    %dma_start3A_1025 = arith.constant 0 : i32
    %dma_start3A_1026 = tpu.memref_slice %arg10[%dma_start3A_1021, %mul3A_2, %dma_start3A_1025] : memref<8x2048x256xf32, #tpu.memory_space<hbm>> -> memref<1x64x256xf32, #tpu.memory_space<hbm>>
    %dma_start3A_1027 = tpu.memref_squeeze %dma_start3A_1026 : memref<1x64x256xf32, #tpu.memory_space<hbm>> -> memref<64x256xf32, #tpu.memory_space<hbm>>
    tpu.enqueue_dma source(%arg27 : memref<64x256xf32, #tpu.memory_space<vmem>>) target(%dma_start3A_1027 : memref<64x256xf32, #tpu.memory_space<hbm>>) target_semaphore(%arg31 : memref<!tpu.dma_semaphore, #tpu.memory_space<semaphore_mem>>)
    %dma_wait3A_1028 = arith.constant 5 : i32
    %dma_wait3A_1029 = arith.constant 0 : i32
    %dma_wait3A_1030 = tpu.memref_slice %arg10[%dma_wait3A_1028, %mul3A_2, %dma_wait3A_1029] : memref<8x2048x256xf32, #tpu.memory_space<hbm>> -> memref<1x64x256xf32, #tpu.memory_space<hbm>>
    %dma_wait3A_1031 = tpu.memref_squeeze %dma_wait3A_1030 : memref<1x64x256xf32, #tpu.memory_space<hbm>> -> memref<64x256xf32, #tpu.memory_space<hbm>>
    %dma_wait3A_1032 = arith.constant 0 : i32
    %dma_wait3A_1033 = tpu.memref_slice %arg10[%dma_wait3A_1028, %mul3A_2, %dma_wait3A_1032] : memref<8x2048x256xf32, #tpu.memory_space<hbm>> -> memref<1x64x256xf32, #tpu.memory_space<hbm>>
    %dma_wait3A_1034 = tpu.memref_squeeze %dma_wait3A_1033 : memref<1x64x256xf32, #tpu.memory_space<hbm>> -> memref<64x256xf32, #tpu.memory_space<hbm>>
    tpu.wait_dma2 semaphore(%arg31 : memref<!tpu.dma_semaphore, #tpu.memory_space<semaphore_mem>>) src(%arg27 : memref<64x256xf32, #tpu.memory_space<vmem>>) dst(%dma_wait3A_1034 : memref<64x256xf32, #tpu.memory_space<hbm>>)
    %dma_start3A_1035 = arith.constant 6 : i32
    %dma_start3A_1036 = arith.constant 0 : i32
    %dma_start3A_1037 = tpu.memref_slice %arg25[%dma_start3A_1035, %dma_start3A_1036] : memref<8x64xi32, #tpu.memory_space<vmem>> -> memref<1x64xi32, #tpu.memory_space<vmem>>
    %dma_start3A_1038 = tpu.memref_squeeze %dma_start3A_1037 : memref<1x64xi32, #tpu.memory_space<vmem>> -> memref<64xi32, #tpu.memory_space<vmem>>
    %dma_start3A_1039 = arith.constant 0 : i32
    %dma_start3A_1040 = arith.constant 0 : i32
    %dma_start3A_1041 = tpu.memref_slice %arg6[%dma_start3A_1039, %dma_start3A_1040] : memref<4096x256xf32, #tpu.memory_space<hbm>> -> memref<4096x256xf32, #tpu.memory_space<hbm>>
    tpu.enqueue_indirect_dma source(%dma_start3A_1041 : memref<4096x256xf32, #tpu.memory_space<hbm>>) target(%arg27 : memref<64x256xf32, #tpu.memory_space<vmem>>) offsets(%dma_start3A_1038 : memref<64xi32, #tpu.memory_space<vmem>>) semaphore(%arg29 : memref<!tpu.dma_semaphore, #tpu.memory_space<semaphore_mem>>)
    %dma_wait3A_1042 = arith.constant 0 : i32
    %dma_wait3A_1043 = tpu.memref_slice %arg4[%add3A_987, %dma_wait3A_1042] : memref<512x2048xi32, #tpu.memory_space<hbm>> -> memref<1x2048xi32, #tpu.memory_space<hbm>>
    %dma_wait3A_1044 = tpu.memref_squeeze %dma_wait3A_1043 : memref<1x2048xi32, #tpu.memory_space<hbm>> -> memref<2048xi32, #tpu.memory_space<hbm>>
    %dma_wait3A_1045 = arith.constant 0 : i32
    %dma_wait3A_1046 = tpu.memref_slice %arg4[%add3A_987, %dma_wait3A_1045] : memref<512x2048xi32, #tpu.memory_space<hbm>> -> memref<1x2048xi32, #tpu.memory_space<hbm>>
    %dma_wait3A_1047 = tpu.memref_squeeze %dma_wait3A_1046 : memref<1x2048xi32, #tpu.memory_space<hbm>> -> memref<2048xi32, #tpu.memory_space<hbm>>
    tpu.wait_dma2 semaphore(%arg32 : memref<!tpu.dma_semaphore, #tpu.memory_space<semaphore_mem>>) src(%dma_wait3A_1047 : memref<2048xi32, #tpu.memory_space<hbm>>) dst(%arg20 : memref<2048xi32, #tpu.memory_space<vmem>>)
    %add3A_1048 = arith.constant 13 : i32
    %add3A_1049 = arith.addi %mul3A_4, %add3A_1048 : i32
    %dma_start3A_1050 = arith.constant 0 : i32
    %dma_start3A_1051 = tpu.memref_slice %arg4[%add3A_1049, %dma_start3A_1050] : memref<512x2048xi32, #tpu.memory_space<hbm>> -> memref<1x2048xi32, #tpu.memory_space<hbm>>
    %dma_start3A_1052 = tpu.memref_squeeze %dma_start3A_1051 : memref<1x2048xi32, #tpu.memory_space<hbm>> -> memref<2048xi32, #tpu.memory_space<hbm>>
    %dma_start3A_1053 = arith.constant 0 : i32
    %dma_start3A_1054 = tpu.memref_slice %arg4[%add3A_1049, %dma_start3A_1053] : memref<512x2048xi32, #tpu.memory_space<hbm>> -> memref<1x2048xi32, #tpu.memory_space<hbm>>
    %dma_start3A_1055 = tpu.memref_squeeze %dma_start3A_1054 : memref<1x2048xi32, #tpu.memory_space<hbm>> -> memref<2048xi32, #tpu.memory_space<hbm>>
    tpu.enqueue_dma source(%dma_start3A_1055 : memref<2048xi32, #tpu.memory_space<hbm>>) target(%arg21 : memref<2048xi32, #tpu.memory_space<vmem>>) target_semaphore(%arg33 : memref<!tpu.dma_semaphore, #tpu.memory_space<semaphore_mem>>)
    %dma_wait3A_1056 = arith.constant 0 : i32
    %dma_wait3A_1057 = tpu.memref_slice %arg8[%add3A_945, %dma_wait3A_1056] : memref<512x18432xf32, #tpu.memory_space<hbm>> -> memref<1x18432xf32, #tpu.memory_space<hbm>>
    %dma_wait3A_1058 = tpu.memref_squeeze %dma_wait3A_1057 : memref<1x18432xf32, #tpu.memory_space<hbm>> -> memref<18432xf32, #tpu.memory_space<hbm>>
    %dma_wait3A_1059 = arith.constant 0 : i32
    %dma_wait3A_1060 = tpu.memref_slice %arg8[%add3A_945, %dma_wait3A_1059] : memref<512x18432xf32, #tpu.memory_space<hbm>> -> memref<1x18432xf32, #tpu.memory_space<hbm>>
    %dma_wait3A_1061 = tpu.memref_squeeze %dma_wait3A_1060 : memref<1x18432xf32, #tpu.memory_space<hbm>> -> memref<18432xf32, #tpu.memory_space<hbm>>
    tpu.wait_dma2 semaphore(%arg34 : memref<!tpu.dma_semaphore, #tpu.memory_space<semaphore_mem>>) src(%arg22 : memref<18432xf32, #tpu.memory_space<vmem>>) dst(%dma_wait3A_1061 : memref<18432xf32, #tpu.memory_space<hbm>>)
    %scan3A_1062 = arith.constant 0 : i32
    %scan3A_1063 = arith.constant 0 : i32
    %scan3A_1064 = arith.constant 128 : i32
    %scan3A_1065 = arith.addi %scan3A_1063, %scan3A_1064 : i32
    %scan3A_1066 = arith.constant 1 : i32
    scf.for %scan3A_1280 = %scan3A_1063 to %scan3A_1065 step %scan3A_1066  : i32 {
      %mul3A_1281 = arith.constant 16 : i32
      %mul3A_1282 = arith.muli %scan3A_1280, %mul3A_1281 : i32
      %get3A_1283 = arith.index_cast %mul3A_1282 : i32 to index
      %get3A_1284 = tpu.vector_load %arg20[%get3A_1283] {strides = array<i32>} : memref<2048xi32, #tpu.memory_space<vmem>>, vector<16xi32>,
      %gather3A = tpu.vector_load_idx %arg11[%get3A_1284] : memref<2048xf32, #tpu.memory_space<vmem>>[vector<16xi32>], vector<16xf32>,
      %add3A_1285 = arith.constant 16384 : i32
      %add3A_1286 = arith.addi %add3A_1285, %mul3A_1282 : i32
      %swap3A_1287 = arith.index_cast %add3A_1286 : i32 to index
      %swap3A_1288 = tpu.vector_load %arg22[%swap3A_1287] {strides = array<i32>} : memref<18432xf32, #tpu.memory_space<vmem>>, vector<16xf32>,
      tpu.vector_store %arg22[%swap3A_1287], %gather3A {strides = array<i32>} : memref<18432xf32, #tpu.memory_space<vmem>>, vector<16xf32>,
      %gather3A_1289 = tpu.vector_load_idx %arg12[%get3A_1284] : memref<2048xf32, #tpu.memory_space<vmem>>[vector<16xi32>], vector<16xf32>,
      %add3A_1290 = arith.constant 0 : i32
      %add3A_1291 = arith.addi %add3A_1290, %mul3A_1282 : i32
      %swap3A_1292 = arith.index_cast %add3A_1291 : i32 to index
      %swap3A_1293 = tpu.vector_load %arg22[%swap3A_1292] {strides = array<i32>} : memref<18432xf32, #tpu.memory_space<vmem>>, vector<16xf32>,
      tpu.vector_store %arg22[%swap3A_1292], %gather3A_1289 {strides = array<i32>} : memref<18432xf32, #tpu.memory_space<vmem>>, vector<16xf32>,
      %gather3A_1294 = tpu.vector_load_idx %arg13[%get3A_1284] : memref<2048xf32, #tpu.memory_space<vmem>>[vector<16xi32>], vector<16xf32>,
      %add3A_1295 = arith.constant 2048 : i32
      %add3A_1296 = arith.addi %add3A_1295, %mul3A_1282 : i32
      %swap3A_1297 = arith.index_cast %add3A_1296 : i32 to index
      %swap3A_1298 = tpu.vector_load %arg22[%swap3A_1297] {strides = array<i32>} : memref<18432xf32, #tpu.memory_space<vmem>>, vector<16xf32>,
      tpu.vector_store %arg22[%swap3A_1297], %gather3A_1294 {strides = array<i32>} : memref<18432xf32, #tpu.memory_space<vmem>>, vector<16xf32>,
      %gather3A_1299 = tpu.vector_load_idx %arg14[%get3A_1284] : memref<2048xf32, #tpu.memory_space<vmem>>[vector<16xi32>], vector<16xf32>,
      %add3A_1300 = arith.constant 4096 : i32
      %add3A_1301 = arith.addi %add3A_1300, %mul3A_1282 : i32
      %swap3A_1302 = arith.index_cast %add3A_1301 : i32 to index
      %swap3A_1303 = tpu.vector_load %arg22[%swap3A_1302] {strides = array<i32>} : memref<18432xf32, #tpu.memory_space<vmem>>, vector<16xf32>,
      tpu.vector_store %arg22[%swap3A_1302], %gather3A_1299 {strides = array<i32>} : memref<18432xf32, #tpu.memory_space<vmem>>, vector<16xf32>,
      %gather3A_1304 = tpu.vector_load_idx %arg15[%get3A_1284] : memref<2048xf32, #tpu.memory_space<vmem>>[vector<16xi32>], vector<16xf32>,
      %add3A_1305 = arith.constant 6144 : i32
      %add3A_1306 = arith.addi %add3A_1305, %mul3A_1282 : i32
      %swap3A_1307 = arith.index_cast %add3A_1306 : i32 to index
      %swap3A_1308 = tpu.vector_load %arg22[%swap3A_1307] {strides = array<i32>} : memref<18432xf32, #tpu.memory_space<vmem>>, vector<16xf32>,
      tpu.vector_store %arg22[%swap3A_1307], %gather3A_1304 {strides = array<i32>} : memref<18432xf32, #tpu.memory_space<vmem>>, vector<16xf32>,
      %gather3A_1309 = tpu.vector_load_idx %arg16[%get3A_1284] : memref<2048xf32, #tpu.memory_space<vmem>>[vector<16xi32>], vector<16xf32>,
      %add3A_1310 = arith.constant 8192 : i32
      %add3A_1311 = arith.addi %add3A_1310, %mul3A_1282 : i32
      %swap3A_1312 = arith.index_cast %add3A_1311 : i32 to index
      %swap3A_1313 = tpu.vector_load %arg22[%swap3A_1312] {strides = array<i32>} : memref<18432xf32, #tpu.memory_space<vmem>>, vector<16xf32>,
      tpu.vector_store %arg22[%swap3A_1312], %gather3A_1309 {strides = array<i32>} : memref<18432xf32, #tpu.memory_space<vmem>>, vector<16xf32>,
      %gather3A_1314 = tpu.vector_load_idx %arg17[%get3A_1284] : memref<2048xf32, #tpu.memory_space<vmem>>[vector<16xi32>], vector<16xf32>,
      %add3A_1315 = arith.constant 10240 : i32
      %add3A_1316 = arith.addi %add3A_1315, %mul3A_1282 : i32
      %swap3A_1317 = arith.index_cast %add3A_1316 : i32 to index
      %swap3A_1318 = tpu.vector_load %arg22[%swap3A_1317] {strides = array<i32>} : memref<18432xf32, #tpu.memory_space<vmem>>, vector<16xf32>,
      tpu.vector_store %arg22[%swap3A_1317], %gather3A_1314 {strides = array<i32>} : memref<18432xf32, #tpu.memory_space<vmem>>, vector<16xf32>,
      %gather3A_1319 = tpu.vector_load_idx %arg18[%get3A_1284] : memref<2048xf32, #tpu.memory_space<vmem>>[vector<16xi32>], vector<16xf32>,
      %add3A_1320 = arith.constant 12288 : i32
      %add3A_1321 = arith.addi %add3A_1320, %mul3A_1282 : i32
      %swap3A_1322 = arith.index_cast %add3A_1321 : i32 to index
      %swap3A_1323 = tpu.vector_load %arg22[%swap3A_1322] {strides = array<i32>} : memref<18432xf32, #tpu.memory_space<vmem>>, vector<16xf32>,
      tpu.vector_store %arg22[%swap3A_1322], %gather3A_1319 {strides = array<i32>} : memref<18432xf32, #tpu.memory_space<vmem>>, vector<16xf32>,
      %gather3A_1324 = tpu.vector_load_idx %arg19[%get3A_1284] : memref<2048xf32, #tpu.memory_space<vmem>>[vector<16xi32>], vector<16xf32>,
      %add3A_1325 = arith.constant 14336 : i32
      %add3A_1326 = arith.addi %add3A_1325, %mul3A_1282 : i32
      %swap3A_1327 = arith.index_cast %add3A_1326 : i32 to index
      %swap3A_1328 = tpu.vector_load %arg22[%swap3A_1327] {strides = array<i32>} : memref<18432xf32, #tpu.memory_space<vmem>>, vector<16xf32>,
      tpu.vector_store %arg22[%swap3A_1327], %gather3A_1324 {strides = array<i32>} : memref<18432xf32, #tpu.memory_space<vmem>>, vector<16xf32>,
    }
    %scan3A_1067 = arith.constant 128 : i32
    %add3A_1068 = arith.constant 12 : i32
    %add3A_1069 = arith.addi %mul3A_4, %add3A_1068 : i32
    %dma_start3A_1070 = arith.constant 0 : i32
    %dma_start3A_1071 = tpu.memref_slice %arg8[%add3A_1069, %dma_start3A_1070] : memref<512x18432xf32, #tpu.memory_space<hbm>> -> memref<1x18432xf32, #tpu.memory_space<hbm>>
    %dma_start3A_1072 = tpu.memref_squeeze %dma_start3A_1071 : memref<1x18432xf32, #tpu.memory_space<hbm>> -> memref<18432xf32, #tpu.memory_space<hbm>>
    %dma_start3A_1073 = arith.constant 0 : i32
    %dma_start3A_1074 = tpu.memref_slice %arg8[%add3A_1069, %dma_start3A_1073] : memref<512x18432xf32, #tpu.memory_space<hbm>> -> memref<1x18432xf32, #tpu.memory_space<hbm>>
    %dma_start3A_1075 = tpu.memref_squeeze %dma_start3A_1074 : memref<1x18432xf32, #tpu.memory_space<hbm>> -> memref<18432xf32, #tpu.memory_space<hbm>>
    tpu.enqueue_dma source(%arg22 : memref<18432xf32, #tpu.memory_space<vmem>>) target(%dma_start3A_1075 : memref<18432xf32, #tpu.memory_space<hbm>>) target_semaphore(%arg34 : memref<!tpu.dma_semaphore, #tpu.memory_space<semaphore_mem>>)
    %dma_wait3A_1076 = arith.constant 6 : i32
    %dma_wait3A_1077 = arith.constant 0 : i32
    %dma_wait3A_1078 = tpu.memref_slice %arg25[%dma_wait3A_1076, %dma_wait3A_1077] : memref<8x64xi32, #tpu.memory_space<vmem>> -> memref<1x64xi32, #tpu.memory_space<vmem>>
    %dma_wait3A_1079 = tpu.memref_squeeze %dma_wait3A_1078 : memref<1x64xi32, #tpu.memory_space<vmem>> -> memref<64xi32, #tpu.memory_space<vmem>>
    %dma_wait3A_1080 = arith.constant 0 : i32
    %dma_wait3A_1081 = arith.constant 0 : i32
    %dma_wait3A_1082 = tpu.memref_slice %arg5[%dma_wait3A_1080, %dma_wait3A_1081] : memref<4096x256xf32, #tpu.memory_space<hbm>> -> memref<4096x256xf32, #tpu.memory_space<hbm>>
    tpu.wait_indirect_dma semaphore(%arg28 : memref<!tpu.dma_semaphore, #tpu.memory_space<semaphore_mem>>) src(%dma_wait3A_1082 : memref<4096x256xf32, #tpu.memory_space<hbm>>) dst(%arg26 : memref<64x256xf32, #tpu.memory_space<vmem>>)
    %dma_start3A_1083 = arith.constant 6 : i32
    %dma_start3A_1084 = arith.constant 0 : i32
    %dma_start3A_1085 = tpu.memref_slice %arg9[%dma_start3A_1083, %mul3A_2, %dma_start3A_1084] : memref<8x2048x256xf32, #tpu.memory_space<hbm>> -> memref<1x64x256xf32, #tpu.memory_space<hbm>>
    %dma_start3A_1086 = tpu.memref_squeeze %dma_start3A_1085 : memref<1x64x256xf32, #tpu.memory_space<hbm>> -> memref<64x256xf32, #tpu.memory_space<hbm>>
    %dma_start3A_1087 = arith.constant 0 : i32
    %dma_start3A_1088 = tpu.memref_slice %arg9[%dma_start3A_1083, %mul3A_2, %dma_start3A_1087] : memref<8x2048x256xf32, #tpu.memory_space<hbm>> -> memref<1x64x256xf32, #tpu.memory_space<hbm>>
    %dma_start3A_1089 = tpu.memref_squeeze %dma_start3A_1088 : memref<1x64x256xf32, #tpu.memory_space<hbm>> -> memref<64x256xf32, #tpu.memory_space<hbm>>
    tpu.enqueue_dma source(%arg26 : memref<64x256xf32, #tpu.memory_space<vmem>>) target(%dma_start3A_1089 : memref<64x256xf32, #tpu.memory_space<hbm>>) target_semaphore(%arg30 : memref<!tpu.dma_semaphore, #tpu.memory_space<semaphore_mem>>)
    %dma_wait3A_1090 = arith.constant 6 : i32
    %dma_wait3A_1091 = arith.constant 0 : i32
    %dma_wait3A_1092 = tpu.memref_slice %arg9[%dma_wait3A_1090, %mul3A_2, %dma_wait3A_1091] : memref<8x2048x256xf32, #tpu.memory_space<hbm>> -> memref<1x64x256xf32, #tpu.memory_space<hbm>>
    %dma_wait3A_1093 = tpu.memref_squeeze %dma_wait3A_1092 : memref<1x64x256xf32, #tpu.memory_space<hbm>> -> memref<64x256xf32, #tpu.memory_space<hbm>>
    %dma_wait3A_1094 = arith.constant 0 : i32
    %dma_wait3A_1095 = tpu.memref_slice %arg9[%dma_wait3A_1090, %mul3A_2, %dma_wait3A_1094] : memref<8x2048x256xf32, #tpu.memory_space<hbm>> -> memref<1x64x256xf32, #tpu.memory_space<hbm>>
    %dma_wait3A_1096 = tpu.memref_squeeze %dma_wait3A_1095 : memref<1x64x256xf32, #tpu.memory_space<hbm>> -> memref<64x256xf32, #tpu.memory_space<hbm>>
    tpu.wait_dma2 semaphore(%arg30 : memref<!tpu.dma_semaphore, #tpu.memory_space<semaphore_mem>>) src(%arg26 : memref<64x256xf32, #tpu.memory_space<vmem>>) dst(%dma_wait3A_1096 : memref<64x256xf32, #tpu.memory_space<hbm>>)
    %dma_start3A_1097 = arith.constant 7 : i32
    %dma_start3A_1098 = arith.constant 0 : i32
    %dma_start3A_1099 = tpu.memref_slice %arg25[%dma_start3A_1097, %dma_start3A_1098] : memref<8x64xi32, #tpu.memory_space<vmem>> -> memref<1x64xi32, #tpu.memory_space<vmem>>
    %dma_start3A_1100 = tpu.memref_squeeze %dma_start3A_1099 : memref<1x64xi32, #tpu.memory_space<vmem>> -> memref<64xi32, #tpu.memory_space<vmem>>
    %dma_start3A_1101 = arith.constant 0 : i32
    %dma_start3A_1102 = arith.constant 0 : i32
    %dma_start3A_1103 = tpu.memref_slice %arg5[%dma_start3A_1101, %dma_start3A_1102] : memref<4096x256xf32, #tpu.memory_space<hbm>> -> memref<4096x256xf32, #tpu.memory_space<hbm>>
    tpu.enqueue_indirect_dma source(%dma_start3A_1103 : memref<4096x256xf32, #tpu.memory_space<hbm>>) target(%arg26 : memref<64x256xf32, #tpu.memory_space<vmem>>) offsets(%dma_start3A_1100 : memref<64xi32, #tpu.memory_space<vmem>>) semaphore(%arg28 : memref<!tpu.dma_semaphore, #tpu.memory_space<semaphore_mem>>)
    %dma_wait3A_1104 = arith.constant 0 : i32
    %dma_wait3A_1105 = tpu.memref_slice %arg4[%add3A_1049, %dma_wait3A_1104] : memref<512x2048xi32, #tpu.memory_space<hbm>> -> memref<1x2048xi32, #tpu.memory_space<hbm>>
    %dma_wait3A_1106 = tpu.memref_squeeze %dma_wait3A_1105 : memref<1x2048xi32, #tpu.memory_space<hbm>> -> memref<2048xi32, #tpu.memory_space<hbm>>
    %dma_wait3A_1107 = arith.constant 0 : i32
    %dma_wait3A_1108 = tpu.memref_slice %arg4[%add3A_1049, %dma_wait3A_1107] : memref<512x2048xi32, #tpu.memory_space<hbm>> -> memref<1x2048xi32, #tpu.memory_space<hbm>>
    %dma_wait3A_1109 = tpu.memref_squeeze %dma_wait3A_1108 : memref<1x2048xi32, #tpu.memory_space<hbm>> -> memref<2048xi32, #tpu.memory_space<hbm>>
    tpu.wait_dma2 semaphore(%arg33 : memref<!tpu.dma_semaphore, #tpu.memory_space<semaphore_mem>>) src(%dma_wait3A_1109 : memref<2048xi32, #tpu.memory_space<hbm>>) dst(%arg21 : memref<2048xi32, #tpu.memory_space<vmem>>)
    %add3A_1110 = arith.constant 14 : i32
    %add3A_1111 = arith.addi %mul3A_4, %add3A_1110 : i32
    %dma_start3A_1112 = arith.constant 0 : i32
    %dma_start3A_1113 = tpu.memref_slice %arg4[%add3A_1111, %dma_start3A_1112] : memref<512x2048xi32, #tpu.memory_space<hbm>> -> memref<1x2048xi32, #tpu.memory_space<hbm>>
    %dma_start3A_1114 = tpu.memref_squeeze %dma_start3A_1113 : memref<1x2048xi32, #tpu.memory_space<hbm>> -> memref<2048xi32, #tpu.memory_space<hbm>>
    %dma_start3A_1115 = arith.constant 0 : i32
    %dma_start3A_1116 = tpu.memref_slice %arg4[%add3A_1111, %dma_start3A_1115] : memref<512x2048xi32, #tpu.memory_space<hbm>> -> memref<1x2048xi32, #tpu.memory_space<hbm>>
    %dma_start3A_1117 = tpu.memref_squeeze %dma_start3A_1116 : memref<1x2048xi32, #tpu.memory_space<hbm>> -> memref<2048xi32, #tpu.memory_space<hbm>>
    tpu.enqueue_dma source(%dma_start3A_1117 : memref<2048xi32, #tpu.memory_space<hbm>>) target(%arg20 : memref<2048xi32, #tpu.memory_space<vmem>>) target_semaphore(%arg32 : memref<!tpu.dma_semaphore, #tpu.memory_space<semaphore_mem>>)
    %dma_wait3A_1118 = arith.constant 0 : i32
    %dma_wait3A_1119 = tpu.memref_slice %arg8[%add3A_1007, %dma_wait3A_1118] : memref<512x18432xf32, #tpu.memory_space<hbm>> -> memref<1x18432xf32, #tpu.memory_space<hbm>>
    %dma_wait3A_1120 = tpu.memref_squeeze %dma_wait3A_1119 : memref<1x18432xf32, #tpu.memory_space<hbm>> -> memref<18432xf32, #tpu.memory_space<hbm>>
    %dma_wait3A_1121 = arith.constant 0 : i32
    %dma_wait3A_1122 = tpu.memref_slice %arg8[%add3A_1007, %dma_wait3A_1121] : memref<512x18432xf32, #tpu.memory_space<hbm>> -> memref<1x18432xf32, #tpu.memory_space<hbm>>
    %dma_wait3A_1123 = tpu.memref_squeeze %dma_wait3A_1122 : memref<1x18432xf32, #tpu.memory_space<hbm>> -> memref<18432xf32, #tpu.memory_space<hbm>>
    tpu.wait_dma2 semaphore(%arg35 : memref<!tpu.dma_semaphore, #tpu.memory_space<semaphore_mem>>) src(%arg23 : memref<18432xf32, #tpu.memory_space<vmem>>) dst(%dma_wait3A_1123 : memref<18432xf32, #tpu.memory_space<hbm>>)
    %scan3A_1124 = arith.constant 0 : i32
    %scan3A_1125 = arith.constant 0 : i32
    %scan3A_1126 = arith.constant 128 : i32
    %scan3A_1127 = arith.addi %scan3A_1125, %scan3A_1126 : i32
    %scan3A_1128 = arith.constant 1 : i32
    scf.for %scan3A_1280 = %scan3A_1125 to %scan3A_1127 step %scan3A_1128  : i32 {
      %mul3A_1281 = arith.constant 16 : i32
      %mul3A_1282 = arith.muli %scan3A_1280, %mul3A_1281 : i32
      %get3A_1283 = arith.index_cast %mul3A_1282 : i32 to index
      %get3A_1284 = tpu.vector_load %arg21[%get3A_1283] {strides = array<i32>} : memref<2048xi32, #tpu.memory_space<vmem>>, vector<16xi32>,
      %gather3A = tpu.vector_load_idx %arg11[%get3A_1284] : memref<2048xf32, #tpu.memory_space<vmem>>[vector<16xi32>], vector<16xf32>,
      %add3A_1285 = arith.constant 16384 : i32
      %add3A_1286 = arith.addi %add3A_1285, %mul3A_1282 : i32
      %swap3A_1287 = arith.index_cast %add3A_1286 : i32 to index
      %swap3A_1288 = tpu.vector_load %arg23[%swap3A_1287] {strides = array<i32>} : memref<18432xf32, #tpu.memory_space<vmem>>, vector<16xf32>,
      tpu.vector_store %arg23[%swap3A_1287], %gather3A {strides = array<i32>} : memref<18432xf32, #tpu.memory_space<vmem>>, vector<16xf32>,
      %gather3A_1289 = tpu.vector_load_idx %arg12[%get3A_1284] : memref<2048xf32, #tpu.memory_space<vmem>>[vector<16xi32>], vector<16xf32>,
      %add3A_1290 = arith.constant 0 : i32
      %add3A_1291 = arith.addi %add3A_1290, %mul3A_1282 : i32
      %swap3A_1292 = arith.index_cast %add3A_1291 : i32 to index
      %swap3A_1293 = tpu.vector_load %arg23[%swap3A_1292] {strides = array<i32>} : memref<18432xf32, #tpu.memory_space<vmem>>, vector<16xf32>,
      tpu.vector_store %arg23[%swap3A_1292], %gather3A_1289 {strides = array<i32>} : memref<18432xf32, #tpu.memory_space<vmem>>, vector<16xf32>,
      %gather3A_1294 = tpu.vector_load_idx %arg13[%get3A_1284] : memref<2048xf32, #tpu.memory_space<vmem>>[vector<16xi32>], vector<16xf32>,
      %add3A_1295 = arith.constant 2048 : i32
      %add3A_1296 = arith.addi %add3A_1295, %mul3A_1282 : i32
      %swap3A_1297 = arith.index_cast %add3A_1296 : i32 to index
      %swap3A_1298 = tpu.vector_load %arg23[%swap3A_1297] {strides = array<i32>} : memref<18432xf32, #tpu.memory_space<vmem>>, vector<16xf32>,
      tpu.vector_store %arg23[%swap3A_1297], %gather3A_1294 {strides = array<i32>} : memref<18432xf32, #tpu.memory_space<vmem>>, vector<16xf32>,
      %gather3A_1299 = tpu.vector_load_idx %arg14[%get3A_1284] : memref<2048xf32, #tpu.memory_space<vmem>>[vector<16xi32>], vector<16xf32>,
      %add3A_1300 = arith.constant 4096 : i32
      %add3A_1301 = arith.addi %add3A_1300, %mul3A_1282 : i32
      %swap3A_1302 = arith.index_cast %add3A_1301 : i32 to index
      %swap3A_1303 = tpu.vector_load %arg23[%swap3A_1302] {strides = array<i32>} : memref<18432xf32, #tpu.memory_space<vmem>>, vector<16xf32>,
      tpu.vector_store %arg23[%swap3A_1302], %gather3A_1299 {strides = array<i32>} : memref<18432xf32, #tpu.memory_space<vmem>>, vector<16xf32>,
      %gather3A_1304 = tpu.vector_load_idx %arg15[%get3A_1284] : memref<2048xf32, #tpu.memory_space<vmem>>[vector<16xi32>], vector<16xf32>,
      %add3A_1305 = arith.constant 6144 : i32
      %add3A_1306 = arith.addi %add3A_1305, %mul3A_1282 : i32
      %swap3A_1307 = arith.index_cast %add3A_1306 : i32 to index
      %swap3A_1308 = tpu.vector_load %arg23[%swap3A_1307] {strides = array<i32>} : memref<18432xf32, #tpu.memory_space<vmem>>, vector<16xf32>,
      tpu.vector_store %arg23[%swap3A_1307], %gather3A_1304 {strides = array<i32>} : memref<18432xf32, #tpu.memory_space<vmem>>, vector<16xf32>,
      %gather3A_1309 = tpu.vector_load_idx %arg16[%get3A_1284] : memref<2048xf32, #tpu.memory_space<vmem>>[vector<16xi32>], vector<16xf32>,
      %add3A_1310 = arith.constant 8192 : i32
      %add3A_1311 = arith.addi %add3A_1310, %mul3A_1282 : i32
      %swap3A_1312 = arith.index_cast %add3A_1311 : i32 to index
      %swap3A_1313 = tpu.vector_load %arg23[%swap3A_1312] {strides = array<i32>} : memref<18432xf32, #tpu.memory_space<vmem>>, vector<16xf32>,
      tpu.vector_store %arg23[%swap3A_1312], %gather3A_1309 {strides = array<i32>} : memref<18432xf32, #tpu.memory_space<vmem>>, vector<16xf32>,
      %gather3A_1314 = tpu.vector_load_idx %arg17[%get3A_1284] : memref<2048xf32, #tpu.memory_space<vmem>>[vector<16xi32>], vector<16xf32>,
      %add3A_1315 = arith.constant 10240 : i32
      %add3A_1316 = arith.addi %add3A_1315, %mul3A_1282 : i32
      %swap3A_1317 = arith.index_cast %add3A_1316 : i32 to index
      %swap3A_1318 = tpu.vector_load %arg23[%swap3A_1317] {strides = array<i32>} : memref<18432xf32, #tpu.memory_space<vmem>>, vector<16xf32>,
      tpu.vector_store %arg23[%swap3A_1317], %gather3A_1314 {strides = array<i32>} : memref<18432xf32, #tpu.memory_space<vmem>>, vector<16xf32>,
      %gather3A_1319 = tpu.vector_load_idx %arg18[%get3A_1284] : memref<2048xf32, #tpu.memory_space<vmem>>[vector<16xi32>], vector<16xf32>,
      %add3A_1320 = arith.constant 12288 : i32
      %add3A_1321 = arith.addi %add3A_1320, %mul3A_1282 : i32
      %swap3A_1322 = arith.index_cast %add3A_1321 : i32 to index
      %swap3A_1323 = tpu.vector_load %arg23[%swap3A_1322] {strides = array<i32>} : memref<18432xf32, #tpu.memory_space<vmem>>, vector<16xf32>,
      tpu.vector_store %arg23[%swap3A_1322], %gather3A_1319 {strides = array<i32>} : memref<18432xf32, #tpu.memory_space<vmem>>, vector<16xf32>,
      %gather3A_1324 = tpu.vector_load_idx %arg19[%get3A_1284] : memref<2048xf32, #tpu.memory_space<vmem>>[vector<16xi32>], vector<16xf32>,
      %add3A_1325 = arith.constant 14336 : i32
      %add3A_1326 = arith.addi %add3A_1325, %mul3A_1282 : i32
      %swap3A_1327 = arith.index_cast %add3A_1326 : i32 to index
      %swap3A_1328 = tpu.vector_load %arg23[%swap3A_1327] {strides = array<i32>} : memref<18432xf32, #tpu.memory_space<vmem>>, vector<16xf32>,
      tpu.vector_store %arg23[%swap3A_1327], %gather3A_1324 {strides = array<i32>} : memref<18432xf32, #tpu.memory_space<vmem>>, vector<16xf32>,
    }
    %scan3A_1129 = arith.constant 128 : i32
    %add3A_1130 = arith.constant 13 : i32
    %add3A_1131 = arith.addi %mul3A_4, %add3A_1130 : i32
    %dma_start3A_1132 = arith.constant 0 : i32
    %dma_start3A_1133 = tpu.memref_slice %arg8[%add3A_1131, %dma_start3A_1132] : memref<512x18432xf32, #tpu.memory_space<hbm>> -> memref<1x18432xf32, #tpu.memory_space<hbm>>
    %dma_start3A_1134 = tpu.memref_squeeze %dma_start3A_1133 : memref<1x18432xf32, #tpu.memory_space<hbm>> -> memref<18432xf32, #tpu.memory_space<hbm>>
    %dma_start3A_1135 = arith.constant 0 : i32
    %dma_start3A_1136 = tpu.memref_slice %arg8[%add3A_1131, %dma_start3A_1135] : memref<512x18432xf32, #tpu.memory_space<hbm>> -> memref<1x18432xf32, #tpu.memory_space<hbm>>
    %dma_start3A_1137 = tpu.memref_squeeze %dma_start3A_1136 : memref<1x18432xf32, #tpu.memory_space<hbm>> -> memref<18432xf32, #tpu.memory_space<hbm>>
    tpu.enqueue_dma source(%arg23 : memref<18432xf32, #tpu.memory_space<vmem>>) target(%dma_start3A_1137 : memref<18432xf32, #tpu.memory_space<hbm>>) target_semaphore(%arg35 : memref<!tpu.dma_semaphore, #tpu.memory_space<semaphore_mem>>)
    %dma_wait3A_1138 = arith.constant 6 : i32
    %dma_wait3A_1139 = arith.constant 0 : i32
    %dma_wait3A_1140 = tpu.memref_slice %arg25[%dma_wait3A_1138, %dma_wait3A_1139] : memref<8x64xi32, #tpu.memory_space<vmem>> -> memref<1x64xi32, #tpu.memory_space<vmem>>
    %dma_wait3A_1141 = tpu.memref_squeeze %dma_wait3A_1140 : memref<1x64xi32, #tpu.memory_space<vmem>> -> memref<64xi32, #tpu.memory_space<vmem>>
    %dma_wait3A_1142 = arith.constant 0 : i32
    %dma_wait3A_1143 = arith.constant 0 : i32
    %dma_wait3A_1144 = tpu.memref_slice %arg6[%dma_wait3A_1142, %dma_wait3A_1143] : memref<4096x256xf32, #tpu.memory_space<hbm>> -> memref<4096x256xf32, #tpu.memory_space<hbm>>
    tpu.wait_indirect_dma semaphore(%arg29 : memref<!tpu.dma_semaphore, #tpu.memory_space<semaphore_mem>>) src(%dma_wait3A_1144 : memref<4096x256xf32, #tpu.memory_space<hbm>>) dst(%arg27 : memref<64x256xf32, #tpu.memory_space<vmem>>)
    %dma_start3A_1145 = arith.constant 6 : i32
    %dma_start3A_1146 = arith.constant 0 : i32
    %dma_start3A_1147 = tpu.memref_slice %arg10[%dma_start3A_1145, %mul3A_2, %dma_start3A_1146] : memref<8x2048x256xf32, #tpu.memory_space<hbm>> -> memref<1x64x256xf32, #tpu.memory_space<hbm>>
    %dma_start3A_1148 = tpu.memref_squeeze %dma_start3A_1147 : memref<1x64x256xf32, #tpu.memory_space<hbm>> -> memref<64x256xf32, #tpu.memory_space<hbm>>
    %dma_start3A_1149 = arith.constant 0 : i32
    %dma_start3A_1150 = tpu.memref_slice %arg10[%dma_start3A_1145, %mul3A_2, %dma_start3A_1149] : memref<8x2048x256xf32, #tpu.memory_space<hbm>> -> memref<1x64x256xf32, #tpu.memory_space<hbm>>
    %dma_start3A_1151 = tpu.memref_squeeze %dma_start3A_1150 : memref<1x64x256xf32, #tpu.memory_space<hbm>> -> memref<64x256xf32, #tpu.memory_space<hbm>>
    tpu.enqueue_dma source(%arg27 : memref<64x256xf32, #tpu.memory_space<vmem>>) target(%dma_start3A_1151 : memref<64x256xf32, #tpu.memory_space<hbm>>) target_semaphore(%arg31 : memref<!tpu.dma_semaphore, #tpu.memory_space<semaphore_mem>>)
    %dma_wait3A_1152 = arith.constant 6 : i32
    %dma_wait3A_1153 = arith.constant 0 : i32
    %dma_wait3A_1154 = tpu.memref_slice %arg10[%dma_wait3A_1152, %mul3A_2, %dma_wait3A_1153] : memref<8x2048x256xf32, #tpu.memory_space<hbm>> -> memref<1x64x256xf32, #tpu.memory_space<hbm>>
    %dma_wait3A_1155 = tpu.memref_squeeze %dma_wait3A_1154 : memref<1x64x256xf32, #tpu.memory_space<hbm>> -> memref<64x256xf32, #tpu.memory_space<hbm>>
    %dma_wait3A_1156 = arith.constant 0 : i32
    %dma_wait3A_1157 = tpu.memref_slice %arg10[%dma_wait3A_1152, %mul3A_2, %dma_wait3A_1156] : memref<8x2048x256xf32, #tpu.memory_space<hbm>> -> memref<1x64x256xf32, #tpu.memory_space<hbm>>
    %dma_wait3A_1158 = tpu.memref_squeeze %dma_wait3A_1157 : memref<1x64x256xf32, #tpu.memory_space<hbm>> -> memref<64x256xf32, #tpu.memory_space<hbm>>
    tpu.wait_dma2 semaphore(%arg31 : memref<!tpu.dma_semaphore, #tpu.memory_space<semaphore_mem>>) src(%arg27 : memref<64x256xf32, #tpu.memory_space<vmem>>) dst(%dma_wait3A_1158 : memref<64x256xf32, #tpu.memory_space<hbm>>)
    %dma_start3A_1159 = arith.constant 7 : i32
    %dma_start3A_1160 = arith.constant 0 : i32
    %dma_start3A_1161 = tpu.memref_slice %arg25[%dma_start3A_1159, %dma_start3A_1160] : memref<8x64xi32, #tpu.memory_space<vmem>> -> memref<1x64xi32, #tpu.memory_space<vmem>>
    %dma_start3A_1162 = tpu.memref_squeeze %dma_start3A_1161 : memref<1x64xi32, #tpu.memory_space<vmem>> -> memref<64xi32, #tpu.memory_space<vmem>>
    %dma_start3A_1163 = arith.constant 0 : i32
    %dma_start3A_1164 = arith.constant 0 : i32
    %dma_start3A_1165 = tpu.memref_slice %arg6[%dma_start3A_1163, %dma_start3A_1164] : memref<4096x256xf32, #tpu.memory_space<hbm>> -> memref<4096x256xf32, #tpu.memory_space<hbm>>
    tpu.enqueue_indirect_dma source(%dma_start3A_1165 : memref<4096x256xf32, #tpu.memory_space<hbm>>) target(%arg27 : memref<64x256xf32, #tpu.memory_space<vmem>>) offsets(%dma_start3A_1162 : memref<64xi32, #tpu.memory_space<vmem>>) semaphore(%arg29 : memref<!tpu.dma_semaphore, #tpu.memory_space<semaphore_mem>>)
    %dma_wait3A_1166 = arith.constant 0 : i32
    %dma_wait3A_1167 = tpu.memref_slice %arg4[%add3A_1111, %dma_wait3A_1166] : memref<512x2048xi32, #tpu.memory_space<hbm>> -> memref<1x2048xi32, #tpu.memory_space<hbm>>
    %dma_wait3A_1168 = tpu.memref_squeeze %dma_wait3A_1167 : memref<1x2048xi32, #tpu.memory_space<hbm>> -> memref<2048xi32, #tpu.memory_space<hbm>>
    %dma_wait3A_1169 = arith.constant 0 : i32
    %dma_wait3A_1170 = tpu.memref_slice %arg4[%add3A_1111, %dma_wait3A_1169] : memref<512x2048xi32, #tpu.memory_space<hbm>> -> memref<1x2048xi32, #tpu.memory_space<hbm>>
    %dma_wait3A_1171 = tpu.memref_squeeze %dma_wait3A_1170 : memref<1x2048xi32, #tpu.memory_space<hbm>> -> memref<2048xi32, #tpu.memory_space<hbm>>
    tpu.wait_dma2 semaphore(%arg32 : memref<!tpu.dma_semaphore, #tpu.memory_space<semaphore_mem>>) src(%dma_wait3A_1171 : memref<2048xi32, #tpu.memory_space<hbm>>) dst(%arg20 : memref<2048xi32, #tpu.memory_space<vmem>>)
    %add3A_1172 = arith.constant 15 : i32
    %add3A_1173 = arith.addi %mul3A_4, %add3A_1172 : i32
    %dma_start3A_1174 = arith.constant 0 : i32
    %dma_start3A_1175 = tpu.memref_slice %arg4[%add3A_1173, %dma_start3A_1174] : memref<512x2048xi32, #tpu.memory_space<hbm>> -> memref<1x2048xi32, #tpu.memory_space<hbm>>
    %dma_start3A_1176 = tpu.memref_squeeze %dma_start3A_1175 : memref<1x2048xi32, #tpu.memory_space<hbm>> -> memref<2048xi32, #tpu.memory_space<hbm>>
    %dma_start3A_1177 = arith.constant 0 : i32
    %dma_start3A_1178 = tpu.memref_slice %arg4[%add3A_1173, %dma_start3A_1177] : memref<512x2048xi32, #tpu.memory_space<hbm>> -> memref<1x2048xi32, #tpu.memory_space<hbm>>
    %dma_start3A_1179 = tpu.memref_squeeze %dma_start3A_1178 : memref<1x2048xi32, #tpu.memory_space<hbm>> -> memref<2048xi32, #tpu.memory_space<hbm>>
    tpu.enqueue_dma source(%dma_start3A_1179 : memref<2048xi32, #tpu.memory_space<hbm>>) target(%arg21 : memref<2048xi32, #tpu.memory_space<vmem>>) target_semaphore(%arg33 : memref<!tpu.dma_semaphore, #tpu.memory_space<semaphore_mem>>)
    %dma_wait3A_1180 = arith.constant 0 : i32
    %dma_wait3A_1181 = tpu.memref_slice %arg8[%add3A_1069, %dma_wait3A_1180] : memref<512x18432xf32, #tpu.memory_space<hbm>> -> memref<1x18432xf32, #tpu.memory_space<hbm>>
    %dma_wait3A_1182 = tpu.memref_squeeze %dma_wait3A_1181 : memref<1x18432xf32, #tpu.memory_space<hbm>> -> memref<18432xf32, #tpu.memory_space<hbm>>
    %dma_wait3A_1183 = arith.constant 0 : i32
    %dma_wait3A_1184 = tpu.memref_slice %arg8[%add3A_1069, %dma_wait3A_1183] : memref<512x18432xf32, #tpu.memory_space<hbm>> -> memref<1x18432xf32, #tpu.memory_space<hbm>>
    %dma_wait3A_1185 = tpu.memref_squeeze %dma_wait3A_1184 : memref<1x18432xf32, #tpu.memory_space<hbm>> -> memref<18432xf32, #tpu.memory_space<hbm>>
    tpu.wait_dma2 semaphore(%arg34 : memref<!tpu.dma_semaphore, #tpu.memory_space<semaphore_mem>>) src(%arg22 : memref<18432xf32, #tpu.memory_space<vmem>>) dst(%dma_wait3A_1185 : memref<18432xf32, #tpu.memory_space<hbm>>)
    %scan3A_1186 = arith.constant 0 : i32
    %scan3A_1187 = arith.constant 0 : i32
    %scan3A_1188 = arith.constant 128 : i32
    %scan3A_1189 = arith.addi %scan3A_1187, %scan3A_1188 : i32
    %scan3A_1190 = arith.constant 1 : i32
    scf.for %scan3A_1280 = %scan3A_1187 to %scan3A_1189 step %scan3A_1190  : i32 {
      %mul3A_1281 = arith.constant 16 : i32
      %mul3A_1282 = arith.muli %scan3A_1280, %mul3A_1281 : i32
      %get3A_1283 = arith.index_cast %mul3A_1282 : i32 to index
      %get3A_1284 = tpu.vector_load %arg20[%get3A_1283] {strides = array<i32>} : memref<2048xi32, #tpu.memory_space<vmem>>, vector<16xi32>,
      %gather3A = tpu.vector_load_idx %arg11[%get3A_1284] : memref<2048xf32, #tpu.memory_space<vmem>>[vector<16xi32>], vector<16xf32>,
      %add3A_1285 = arith.constant 16384 : i32
      %add3A_1286 = arith.addi %add3A_1285, %mul3A_1282 : i32
      %swap3A_1287 = arith.index_cast %add3A_1286 : i32 to index
      %swap3A_1288 = tpu.vector_load %arg22[%swap3A_1287] {strides = array<i32>} : memref<18432xf32, #tpu.memory_space<vmem>>, vector<16xf32>,
      tpu.vector_store %arg22[%swap3A_1287], %gather3A {strides = array<i32>} : memref<18432xf32, #tpu.memory_space<vmem>>, vector<16xf32>,
      %gather3A_1289 = tpu.vector_load_idx %arg12[%get3A_1284] : memref<2048xf32, #tpu.memory_space<vmem>>[vector<16xi32>], vector<16xf32>,
      %add3A_1290 = arith.constant 0 : i32
      %add3A_1291 = arith.addi %add3A_1290, %mul3A_1282 : i32
      %swap3A_1292 = arith.index_cast %add3A_1291 : i32 to index
      %swap3A_1293 = tpu.vector_load %arg22[%swap3A_1292] {strides = array<i32>} : memref<18432xf32, #tpu.memory_space<vmem>>, vector<16xf32>,
      tpu.vector_store %arg22[%swap3A_1292], %gather3A_1289 {strides = array<i32>} : memref<18432xf32, #tpu.memory_space<vmem>>, vector<16xf32>,
      %gather3A_1294 = tpu.vector_load_idx %arg13[%get3A_1284] : memref<2048xf32, #tpu.memory_space<vmem>>[vector<16xi32>], vector<16xf32>,
      %add3A_1295 = arith.constant 2048 : i32
      %add3A_1296 = arith.addi %add3A_1295, %mul3A_1282 : i32
      %swap3A_1297 = arith.index_cast %add3A_1296 : i32 to index
      %swap3A_1298 = tpu.vector_load %arg22[%swap3A_1297] {strides = array<i32>} : memref<18432xf32, #tpu.memory_space<vmem>>, vector<16xf32>,
      tpu.vector_store %arg22[%swap3A_1297], %gather3A_1294 {strides = array<i32>} : memref<18432xf32, #tpu.memory_space<vmem>>, vector<16xf32>,
      %gather3A_1299 = tpu.vector_load_idx %arg14[%get3A_1284] : memref<2048xf32, #tpu.memory_space<vmem>>[vector<16xi32>], vector<16xf32>,
      %add3A_1300 = arith.constant 4096 : i32
      %add3A_1301 = arith.addi %add3A_1300, %mul3A_1282 : i32
      %swap3A_1302 = arith.index_cast %add3A_1301 : i32 to index
      %swap3A_1303 = tpu.vector_load %arg22[%swap3A_1302] {strides = array<i32>} : memref<18432xf32, #tpu.memory_space<vmem>>, vector<16xf32>,
      tpu.vector_store %arg22[%swap3A_1302], %gather3A_1299 {strides = array<i32>} : memref<18432xf32, #tpu.memory_space<vmem>>, vector<16xf32>,
      %gather3A_1304 = tpu.vector_load_idx %arg15[%get3A_1284] : memref<2048xf32, #tpu.memory_space<vmem>>[vector<16xi32>], vector<16xf32>,
      %add3A_1305 = arith.constant 6144 : i32
      %add3A_1306 = arith.addi %add3A_1305, %mul3A_1282 : i32
      %swap3A_1307 = arith.index_cast %add3A_1306 : i32 to index
      %swap3A_1308 = tpu.vector_load %arg22[%swap3A_1307] {strides = array<i32>} : memref<18432xf32, #tpu.memory_space<vmem>>, vector<16xf32>,
      tpu.vector_store %arg22[%swap3A_1307], %gather3A_1304 {strides = array<i32>} : memref<18432xf32, #tpu.memory_space<vmem>>, vector<16xf32>,
      %gather3A_1309 = tpu.vector_load_idx %arg16[%get3A_1284] : memref<2048xf32, #tpu.memory_space<vmem>>[vector<16xi32>], vector<16xf32>,
      %add3A_1310 = arith.constant 8192 : i32
      %add3A_1311 = arith.addi %add3A_1310, %mul3A_1282 : i32
      %swap3A_1312 = arith.index_cast %add3A_1311 : i32 to index
      %swap3A_1313 = tpu.vector_load %arg22[%swap3A_1312] {strides = array<i32>} : memref<18432xf32, #tpu.memory_space<vmem>>, vector<16xf32>,
      tpu.vector_store %arg22[%swap3A_1312], %gather3A_1309 {strides = array<i32>} : memref<18432xf32, #tpu.memory_space<vmem>>, vector<16xf32>,
      %gather3A_1314 = tpu.vector_load_idx %arg17[%get3A_1284] : memref<2048xf32, #tpu.memory_space<vmem>>[vector<16xi32>], vector<16xf32>,
      %add3A_1315 = arith.constant 10240 : i32
      %add3A_1316 = arith.addi %add3A_1315, %mul3A_1282 : i32
      %swap3A_1317 = arith.index_cast %add3A_1316 : i32 to index
      %swap3A_1318 = tpu.vector_load %arg22[%swap3A_1317] {strides = array<i32>} : memref<18432xf32, #tpu.memory_space<vmem>>, vector<16xf32>,
      tpu.vector_store %arg22[%swap3A_1317], %gather3A_1314 {strides = array<i32>} : memref<18432xf32, #tpu.memory_space<vmem>>, vector<16xf32>,
      %gather3A_1319 = tpu.vector_load_idx %arg18[%get3A_1284] : memref<2048xf32, #tpu.memory_space<vmem>>[vector<16xi32>], vector<16xf32>,
      %add3A_1320 = arith.constant 12288 : i32
      %add3A_1321 = arith.addi %add3A_1320, %mul3A_1282 : i32
      %swap3A_1322 = arith.index_cast %add3A_1321 : i32 to index
      %swap3A_1323 = tpu.vector_load %arg22[%swap3A_1322] {strides = array<i32>} : memref<18432xf32, #tpu.memory_space<vmem>>, vector<16xf32>,
      tpu.vector_store %arg22[%swap3A_1322], %gather3A_1319 {strides = array<i32>} : memref<18432xf32, #tpu.memory_space<vmem>>, vector<16xf32>,
      %gather3A_1324 = tpu.vector_load_idx %arg19[%get3A_1284] : memref<2048xf32, #tpu.memory_space<vmem>>[vector<16xi32>], vector<16xf32>,
      %add3A_1325 = arith.constant 14336 : i32
      %add3A_1326 = arith.addi %add3A_1325, %mul3A_1282 : i32
      %swap3A_1327 = arith.index_cast %add3A_1326 : i32 to index
      %swap3A_1328 = tpu.vector_load %arg22[%swap3A_1327] {strides = array<i32>} : memref<18432xf32, #tpu.memory_space<vmem>>, vector<16xf32>,
      tpu.vector_store %arg22[%swap3A_1327], %gather3A_1324 {strides = array<i32>} : memref<18432xf32, #tpu.memory_space<vmem>>, vector<16xf32>,
    }
    %scan3A_1191 = arith.constant 128 : i32
    %add3A_1192 = arith.constant 14 : i32
    %add3A_1193 = arith.addi %mul3A_4, %add3A_1192 : i32
    %dma_start3A_1194 = arith.constant 0 : i32
    %dma_start3A_1195 = tpu.memref_slice %arg8[%add3A_1193, %dma_start3A_1194] : memref<512x18432xf32, #tpu.memory_space<hbm>> -> memref<1x18432xf32, #tpu.memory_space<hbm>>
    %dma_start3A_1196 = tpu.memref_squeeze %dma_start3A_1195 : memref<1x18432xf32, #tpu.memory_space<hbm>> -> memref<18432xf32, #tpu.memory_space<hbm>>
    %dma_start3A_1197 = arith.constant 0 : i32
    %dma_start3A_1198 = tpu.memref_slice %arg8[%add3A_1193, %dma_start3A_1197] : memref<512x18432xf32, #tpu.memory_space<hbm>> -> memref<1x18432xf32, #tpu.memory_space<hbm>>
    %dma_start3A_1199 = tpu.memref_squeeze %dma_start3A_1198 : memref<1x18432xf32, #tpu.memory_space<hbm>> -> memref<18432xf32, #tpu.memory_space<hbm>>
    tpu.enqueue_dma source(%arg22 : memref<18432xf32, #tpu.memory_space<vmem>>) target(%dma_start3A_1199 : memref<18432xf32, #tpu.memory_space<hbm>>) target_semaphore(%arg34 : memref<!tpu.dma_semaphore, #tpu.memory_space<semaphore_mem>>)
    %dma_wait3A_1200 = arith.constant 7 : i32
    %dma_wait3A_1201 = arith.constant 0 : i32
    %dma_wait3A_1202 = tpu.memref_slice %arg25[%dma_wait3A_1200, %dma_wait3A_1201] : memref<8x64xi32, #tpu.memory_space<vmem>> -> memref<1x64xi32, #tpu.memory_space<vmem>>
    %dma_wait3A_1203 = tpu.memref_squeeze %dma_wait3A_1202 : memref<1x64xi32, #tpu.memory_space<vmem>> -> memref<64xi32, #tpu.memory_space<vmem>>
    %dma_wait3A_1204 = arith.constant 0 : i32
    %dma_wait3A_1205 = arith.constant 0 : i32
    %dma_wait3A_1206 = tpu.memref_slice %arg5[%dma_wait3A_1204, %dma_wait3A_1205] : memref<4096x256xf32, #tpu.memory_space<hbm>> -> memref<4096x256xf32, #tpu.memory_space<hbm>>
    tpu.wait_indirect_dma semaphore(%arg28 : memref<!tpu.dma_semaphore, #tpu.memory_space<semaphore_mem>>) src(%dma_wait3A_1206 : memref<4096x256xf32, #tpu.memory_space<hbm>>) dst(%arg26 : memref<64x256xf32, #tpu.memory_space<vmem>>)
    %dma_start3A_1207 = arith.constant 7 : i32
    %dma_start3A_1208 = arith.constant 0 : i32
    %dma_start3A_1209 = tpu.memref_slice %arg9[%dma_start3A_1207, %mul3A_2, %dma_start3A_1208] : memref<8x2048x256xf32, #tpu.memory_space<hbm>> -> memref<1x64x256xf32, #tpu.memory_space<hbm>>
    %dma_start3A_1210 = tpu.memref_squeeze %dma_start3A_1209 : memref<1x64x256xf32, #tpu.memory_space<hbm>> -> memref<64x256xf32, #tpu.memory_space<hbm>>
    %dma_start3A_1211 = arith.constant 0 : i32
    %dma_start3A_1212 = tpu.memref_slice %arg9[%dma_start3A_1207, %mul3A_2, %dma_start3A_1211] : memref<8x2048x256xf32, #tpu.memory_space<hbm>> -> memref<1x64x256xf32, #tpu.memory_space<hbm>>
    %dma_start3A_1213 = tpu.memref_squeeze %dma_start3A_1212 : memref<1x64x256xf32, #tpu.memory_space<hbm>> -> memref<64x256xf32, #tpu.memory_space<hbm>>
    tpu.enqueue_dma source(%arg26 : memref<64x256xf32, #tpu.memory_space<vmem>>) target(%dma_start3A_1213 : memref<64x256xf32, #tpu.memory_space<hbm>>) target_semaphore(%arg30 : memref<!tpu.dma_semaphore, #tpu.memory_space<semaphore_mem>>)
    %dma_wait3A_1214 = arith.constant 0 : i32
    %dma_wait3A_1215 = tpu.memref_slice %arg4[%add3A_1173, %dma_wait3A_1214] : memref<512x2048xi32, #tpu.memory_space<hbm>> -> memref<1x2048xi32, #tpu.memory_space<hbm>>
    %dma_wait3A_1216 = tpu.memref_squeeze %dma_wait3A_1215 : memref<1x2048xi32, #tpu.memory_space<hbm>> -> memref<2048xi32, #tpu.memory_space<hbm>>
    %dma_wait3A_1217 = arith.constant 0 : i32
    %dma_wait3A_1218 = tpu.memref_slice %arg4[%add3A_1173, %dma_wait3A_1217] : memref<512x2048xi32, #tpu.memory_space<hbm>> -> memref<1x2048xi32, #tpu.memory_space<hbm>>
    %dma_wait3A_1219 = tpu.memref_squeeze %dma_wait3A_1218 : memref<1x2048xi32, #tpu.memory_space<hbm>> -> memref<2048xi32, #tpu.memory_space<hbm>>
    tpu.wait_dma2 semaphore(%arg33 : memref<!tpu.dma_semaphore, #tpu.memory_space<semaphore_mem>>) src(%dma_wait3A_1219 : memref<2048xi32, #tpu.memory_space<hbm>>) dst(%arg21 : memref<2048xi32, #tpu.memory_space<vmem>>)
    %dma_wait3A_1220 = arith.constant 0 : i32
    %dma_wait3A_1221 = tpu.memref_slice %arg8[%add3A_1131, %dma_wait3A_1220] : memref<512x18432xf32, #tpu.memory_space<hbm>> -> memref<1x18432xf32, #tpu.memory_space<hbm>>
    %dma_wait3A_1222 = tpu.memref_squeeze %dma_wait3A_1221 : memref<1x18432xf32, #tpu.memory_space<hbm>> -> memref<18432xf32, #tpu.memory_space<hbm>>
    %dma_wait3A_1223 = arith.constant 0 : i32
    %dma_wait3A_1224 = tpu.memref_slice %arg8[%add3A_1131, %dma_wait3A_1223] : memref<512x18432xf32, #tpu.memory_space<hbm>> -> memref<1x18432xf32, #tpu.memory_space<hbm>>
    %dma_wait3A_1225 = tpu.memref_squeeze %dma_wait3A_1224 : memref<1x18432xf32, #tpu.memory_space<hbm>> -> memref<18432xf32, #tpu.memory_space<hbm>>
    tpu.wait_dma2 semaphore(%arg35 : memref<!tpu.dma_semaphore, #tpu.memory_space<semaphore_mem>>) src(%arg23 : memref<18432xf32, #tpu.memory_space<vmem>>) dst(%dma_wait3A_1225 : memref<18432xf32, #tpu.memory_space<hbm>>)
    %scan3A_1226 = arith.constant 0 : i32
    %scan3A_1227 = arith.constant 0 : i32
    %scan3A_1228 = arith.constant 128 : i32
    %scan3A_1229 = arith.addi %scan3A_1227, %scan3A_1228 : i32
    %scan3A_1230 = arith.constant 1 : i32
    scf.for %scan3A_1280 = %scan3A_1227 to %scan3A_1229 step %scan3A_1230  : i32 {
      %mul3A_1281 = arith.constant 16 : i32
      %mul3A_1282 = arith.muli %scan3A_1280, %mul3A_1281 : i32
      %get3A_1283 = arith.index_cast %mul3A_1282 : i32 to index
      %get3A_1284 = tpu.vector_load %arg21[%get3A_1283] {strides = array<i32>} : memref<2048xi32, #tpu.memory_space<vmem>>, vector<16xi32>,
      %gather3A = tpu.vector_load_idx %arg11[%get3A_1284] : memref<2048xf32, #tpu.memory_space<vmem>>[vector<16xi32>], vector<16xf32>,
      %add3A_1285 = arith.constant 16384 : i32
      %add3A_1286 = arith.addi %add3A_1285, %mul3A_1282 : i32
      %swap3A_1287 = arith.index_cast %add3A_1286 : i32 to index
      %swap3A_1288 = tpu.vector_load %arg23[%swap3A_1287] {strides = array<i32>} : memref<18432xf32, #tpu.memory_space<vmem>>, vector<16xf32>,
      tpu.vector_store %arg23[%swap3A_1287], %gather3A {strides = array<i32>} : memref<18432xf32, #tpu.memory_space<vmem>>, vector<16xf32>,
      %gather3A_1289 = tpu.vector_load_idx %arg12[%get3A_1284] : memref<2048xf32, #tpu.memory_space<vmem>>[vector<16xi32>], vector<16xf32>,
      %add3A_1290 = arith.constant 0 : i32
      %add3A_1291 = arith.addi %add3A_1290, %mul3A_1282 : i32
      %swap3A_1292 = arith.index_cast %add3A_1291 : i32 to index
      %swap3A_1293 = tpu.vector_load %arg23[%swap3A_1292] {strides = array<i32>} : memref<18432xf32, #tpu.memory_space<vmem>>, vector<16xf32>,
      tpu.vector_store %arg23[%swap3A_1292], %gather3A_1289 {strides = array<i32>} : memref<18432xf32, #tpu.memory_space<vmem>>, vector<16xf32>,
      %gather3A_1294 = tpu.vector_load_idx %arg13[%get3A_1284] : memref<2048xf32, #tpu.memory_space<vmem>>[vector<16xi32>], vector<16xf32>,
      %add3A_1295 = arith.constant 2048 : i32
      %add3A_1296 = arith.addi %add3A_1295, %mul3A_1282 : i32
      %swap3A_1297 = arith.index_cast %add3A_1296 : i32 to index
      %swap3A_1298 = tpu.vector_load %arg23[%swap3A_1297] {strides = array<i32>} : memref<18432xf32, #tpu.memory_space<vmem>>, vector<16xf32>,
      tpu.vector_store %arg23[%swap3A_1297], %gather3A_1294 {strides = array<i32>} : memref<18432xf32, #tpu.memory_space<vmem>>, vector<16xf32>,
      %gather3A_1299 = tpu.vector_load_idx %arg14[%get3A_1284] : memref<2048xf32, #tpu.memory_space<vmem>>[vector<16xi32>], vector<16xf32>,
      %add3A_1300 = arith.constant 4096 : i32
      %add3A_1301 = arith.addi %add3A_1300, %mul3A_1282 : i32
      %swap3A_1302 = arith.index_cast %add3A_1301 : i32 to index
      %swap3A_1303 = tpu.vector_load %arg23[%swap3A_1302] {strides = array<i32>} : memref<18432xf32, #tpu.memory_space<vmem>>, vector<16xf32>,
      tpu.vector_store %arg23[%swap3A_1302], %gather3A_1299 {strides = array<i32>} : memref<18432xf32, #tpu.memory_space<vmem>>, vector<16xf32>,
      %gather3A_1304 = tpu.vector_load_idx %arg15[%get3A_1284] : memref<2048xf32, #tpu.memory_space<vmem>>[vector<16xi32>], vector<16xf32>,
      %add3A_1305 = arith.constant 6144 : i32
      %add3A_1306 = arith.addi %add3A_1305, %mul3A_1282 : i32
      %swap3A_1307 = arith.index_cast %add3A_1306 : i32 to index
      %swap3A_1308 = tpu.vector_load %arg23[%swap3A_1307] {strides = array<i32>} : memref<18432xf32, #tpu.memory_space<vmem>>, vector<16xf32>,
      tpu.vector_store %arg23[%swap3A_1307], %gather3A_1304 {strides = array<i32>} : memref<18432xf32, #tpu.memory_space<vmem>>, vector<16xf32>,
      %gather3A_1309 = tpu.vector_load_idx %arg16[%get3A_1284] : memref<2048xf32, #tpu.memory_space<vmem>>[vector<16xi32>], vector<16xf32>,
      %add3A_1310 = arith.constant 8192 : i32
      %add3A_1311 = arith.addi %add3A_1310, %mul3A_1282 : i32
      %swap3A_1312 = arith.index_cast %add3A_1311 : i32 to index
      %swap3A_1313 = tpu.vector_load %arg23[%swap3A_1312] {strides = array<i32>} : memref<18432xf32, #tpu.memory_space<vmem>>, vector<16xf32>,
      tpu.vector_store %arg23[%swap3A_1312], %gather3A_1309 {strides = array<i32>} : memref<18432xf32, #tpu.memory_space<vmem>>, vector<16xf32>,
      %gather3A_1314 = tpu.vector_load_idx %arg17[%get3A_1284] : memref<2048xf32, #tpu.memory_space<vmem>>[vector<16xi32>], vector<16xf32>,
      %add3A_1315 = arith.constant 10240 : i32
      %add3A_1316 = arith.addi %add3A_1315, %mul3A_1282 : i32
      %swap3A_1317 = arith.index_cast %add3A_1316 : i32 to index
      %swap3A_1318 = tpu.vector_load %arg23[%swap3A_1317] {strides = array<i32>} : memref<18432xf32, #tpu.memory_space<vmem>>, vector<16xf32>,
      tpu.vector_store %arg23[%swap3A_1317], %gather3A_1314 {strides = array<i32>} : memref<18432xf32, #tpu.memory_space<vmem>>, vector<16xf32>,
      %gather3A_1319 = tpu.vector_load_idx %arg18[%get3A_1284] : memref<2048xf32, #tpu.memory_space<vmem>>[vector<16xi32>], vector<16xf32>,
      %add3A_1320 = arith.constant 12288 : i32
      %add3A_1321 = arith.addi %add3A_1320, %mul3A_1282 : i32
      %swap3A_1322 = arith.index_cast %add3A_1321 : i32 to index
      %swap3A_1323 = tpu.vector_load %arg23[%swap3A_1322] {strides = array<i32>} : memref<18432xf32, #tpu.memory_space<vmem>>, vector<16xf32>,
      tpu.vector_store %arg23[%swap3A_1322], %gather3A_1319 {strides = array<i32>} : memref<18432xf32, #tpu.memory_space<vmem>>, vector<16xf32>,
      %gather3A_1324 = tpu.vector_load_idx %arg19[%get3A_1284] : memref<2048xf32, #tpu.memory_space<vmem>>[vector<16xi32>], vector<16xf32>,
      %add3A_1325 = arith.constant 14336 : i32
      %add3A_1326 = arith.addi %add3A_1325, %mul3A_1282 : i32
      %swap3A_1327 = arith.index_cast %add3A_1326 : i32 to index
      %swap3A_1328 = tpu.vector_load %arg23[%swap3A_1327] {strides = array<i32>} : memref<18432xf32, #tpu.memory_space<vmem>>, vector<16xf32>,
      tpu.vector_store %arg23[%swap3A_1327], %gather3A_1324 {strides = array<i32>} : memref<18432xf32, #tpu.memory_space<vmem>>, vector<16xf32>,
    }
    %scan3A_1231 = arith.constant 128 : i32
    %add3A_1232 = arith.constant 15 : i32
    %add3A_1233 = arith.addi %mul3A_4, %add3A_1232 : i32
    %dma_start3A_1234 = arith.constant 0 : i32
    %dma_start3A_1235 = tpu.memref_slice %arg8[%add3A_1233, %dma_start3A_1234] : memref<512x18432xf32, #tpu.memory_space<hbm>> -> memref<1x18432xf32, #tpu.memory_space<hbm>>
    %dma_start3A_1236 = tpu.memref_squeeze %dma_start3A_1235 : memref<1x18432xf32, #tpu.memory_space<hbm>> -> memref<18432xf32, #tpu.memory_space<hbm>>
    %dma_start3A_1237 = arith.constant 0 : i32
    %dma_start3A_1238 = tpu.memref_slice %arg8[%add3A_1233, %dma_start3A_1237] : memref<512x18432xf32, #tpu.memory_space<hbm>> -> memref<1x18432xf32, #tpu.memory_space<hbm>>
    %dma_start3A_1239 = tpu.memref_squeeze %dma_start3A_1238 : memref<1x18432xf32, #tpu.memory_space<hbm>> -> memref<18432xf32, #tpu.memory_space<hbm>>
    tpu.enqueue_dma source(%arg23 : memref<18432xf32, #tpu.memory_space<vmem>>) target(%dma_start3A_1239 : memref<18432xf32, #tpu.memory_space<hbm>>) target_semaphore(%arg35 : memref<!tpu.dma_semaphore, #tpu.memory_space<semaphore_mem>>)
    %dma_wait3A_1240 = arith.constant 7 : i32
    %dma_wait3A_1241 = arith.constant 0 : i32
    %dma_wait3A_1242 = tpu.memref_slice %arg25[%dma_wait3A_1240, %dma_wait3A_1241] : memref<8x64xi32, #tpu.memory_space<vmem>> -> memref<1x64xi32, #tpu.memory_space<vmem>>
    %dma_wait3A_1243 = tpu.memref_squeeze %dma_wait3A_1242 : memref<1x64xi32, #tpu.memory_space<vmem>> -> memref<64xi32, #tpu.memory_space<vmem>>
    %dma_wait3A_1244 = arith.constant 0 : i32
    %dma_wait3A_1245 = arith.constant 0 : i32
    %dma_wait3A_1246 = tpu.memref_slice %arg6[%dma_wait3A_1244, %dma_wait3A_1245] : memref<4096x256xf32, #tpu.memory_space<hbm>> -> memref<4096x256xf32, #tpu.memory_space<hbm>>
    tpu.wait_indirect_dma semaphore(%arg29 : memref<!tpu.dma_semaphore, #tpu.memory_space<semaphore_mem>>) src(%dma_wait3A_1246 : memref<4096x256xf32, #tpu.memory_space<hbm>>) dst(%arg27 : memref<64x256xf32, #tpu.memory_space<vmem>>)
    %dma_start3A_1247 = arith.constant 7 : i32
    %dma_start3A_1248 = arith.constant 0 : i32
    %dma_start3A_1249 = tpu.memref_slice %arg10[%dma_start3A_1247, %mul3A_2, %dma_start3A_1248] : memref<8x2048x256xf32, #tpu.memory_space<hbm>> -> memref<1x64x256xf32, #tpu.memory_space<hbm>>
    %dma_start3A_1250 = tpu.memref_squeeze %dma_start3A_1249 : memref<1x64x256xf32, #tpu.memory_space<hbm>> -> memref<64x256xf32, #tpu.memory_space<hbm>>
    %dma_start3A_1251 = arith.constant 0 : i32
    %dma_start3A_1252 = tpu.memref_slice %arg10[%dma_start3A_1247, %mul3A_2, %dma_start3A_1251] : memref<8x2048x256xf32, #tpu.memory_space<hbm>> -> memref<1x64x256xf32, #tpu.memory_space<hbm>>
    %dma_start3A_1253 = tpu.memref_squeeze %dma_start3A_1252 : memref<1x64x256xf32, #tpu.memory_space<hbm>> -> memref<64x256xf32, #tpu.memory_space<hbm>>
    tpu.enqueue_dma source(%arg27 : memref<64x256xf32, #tpu.memory_space<vmem>>) target(%dma_start3A_1253 : memref<64x256xf32, #tpu.memory_space<hbm>>) target_semaphore(%arg31 : memref<!tpu.dma_semaphore, #tpu.memory_space<semaphore_mem>>)
    %dma_wait3A_1254 = arith.constant 0 : i32
    %dma_wait3A_1255 = tpu.memref_slice %arg8[%add3A_1193, %dma_wait3A_1254] : memref<512x18432xf32, #tpu.memory_space<hbm>> -> memref<1x18432xf32, #tpu.memory_space<hbm>>
    %dma_wait3A_1256 = tpu.memref_squeeze %dma_wait3A_1255 : memref<1x18432xf32, #tpu.memory_space<hbm>> -> memref<18432xf32, #tpu.memory_space<hbm>>
    %dma_wait3A_1257 = arith.constant 0 : i32
    %dma_wait3A_1258 = tpu.memref_slice %arg8[%add3A_1193, %dma_wait3A_1257] : memref<512x18432xf32, #tpu.memory_space<hbm>> -> memref<1x18432xf32, #tpu.memory_space<hbm>>
    %dma_wait3A_1259 = tpu.memref_squeeze %dma_wait3A_1258 : memref<1x18432xf32, #tpu.memory_space<hbm>> -> memref<18432xf32, #tpu.memory_space<hbm>>
    tpu.wait_dma2 semaphore(%arg34 : memref<!tpu.dma_semaphore, #tpu.memory_space<semaphore_mem>>) src(%arg22 : memref<18432xf32, #tpu.memory_space<vmem>>) dst(%dma_wait3A_1259 : memref<18432xf32, #tpu.memory_space<hbm>>)
    %dma_wait3A_1260 = arith.constant 0 : i32
    %dma_wait3A_1261 = tpu.memref_slice %arg8[%add3A_1233, %dma_wait3A_1260] : memref<512x18432xf32, #tpu.memory_space<hbm>> -> memref<1x18432xf32, #tpu.memory_space<hbm>>
    %dma_wait3A_1262 = tpu.memref_squeeze %dma_wait3A_1261 : memref<1x18432xf32, #tpu.memory_space<hbm>> -> memref<18432xf32, #tpu.memory_space<hbm>>
    %dma_wait3A_1263 = arith.constant 0 : i32
    %dma_wait3A_1264 = tpu.memref_slice %arg8[%add3A_1233, %dma_wait3A_1263] : memref<512x18432xf32, #tpu.memory_space<hbm>> -> memref<1x18432xf32, #tpu.memory_space<hbm>>
    %dma_wait3A_1265 = tpu.memref_squeeze %dma_wait3A_1264 : memref<1x18432xf32, #tpu.memory_space<hbm>> -> memref<18432xf32, #tpu.memory_space<hbm>>
    tpu.wait_dma2 semaphore(%arg35 : memref<!tpu.dma_semaphore, #tpu.memory_space<semaphore_mem>>) src(%arg23 : memref<18432xf32, #tpu.memory_space<vmem>>) dst(%dma_wait3A_1265 : memref<18432xf32, #tpu.memory_space<hbm>>)
    %dma_wait3A_1266 = arith.constant 7 : i32
    %dma_wait3A_1267 = arith.constant 0 : i32
    %dma_wait3A_1268 = tpu.memref_slice %arg9[%dma_wait3A_1266, %mul3A_2, %dma_wait3A_1267] : memref<8x2048x256xf32, #tpu.memory_space<hbm>> -> memref<1x64x256xf32, #tpu.memory_space<hbm>>
    %dma_wait3A_1269 = tpu.memref_squeeze %dma_wait3A_1268 : memref<1x64x256xf32, #tpu.memory_space<hbm>> -> memref<64x256xf32, #tpu.memory_space<hbm>>
    %dma_wait3A_1270 = arith.constant 0 : i32
    %dma_wait3A_1271 = tpu.memref_slice %arg9[%dma_wait3A_1266, %mul3A_2, %dma_wait3A_1270] : memref<8x2048x256xf32, #tpu.memory_space<hbm>> -> memref<1x64x256xf32, #tpu.memory_space<hbm>>
    %dma_wait3A_1272 = tpu.memref_squeeze %dma_wait3A_1271 : memref<1x64x256xf32, #tpu.memory_space<hbm>> -> memref<64x256xf32, #tpu.memory_space<hbm>>
    tpu.wait_dma2 semaphore(%arg30 : memref<!tpu.dma_semaphore, #tpu.memory_space<semaphore_mem>>) src(%arg26 : memref<64x256xf32, #tpu.memory_space<vmem>>) dst(%dma_wait3A_1272 : memref<64x256xf32, #tpu.memory_space<hbm>>)
    %dma_wait3A_1273 = arith.constant 7 : i32
    %dma_wait3A_1274 = arith.constant 0 : i32
    %dma_wait3A_1275 = tpu.memref_slice %arg10[%dma_wait3A_1273, %mul3A_2, %dma_wait3A_1274] : memref<8x2048x256xf32, #tpu.memory_space<hbm>> -> memref<1x64x256xf32, #tpu.memory_space<hbm>>
    %dma_wait3A_1276 = tpu.memref_squeeze %dma_wait3A_1275 : memref<1x64x256xf32, #tpu.memory_space<hbm>> -> memref<64x256xf32, #tpu.memory_space<hbm>>
    %dma_wait3A_1277 = arith.constant 0 : i32
    %dma_wait3A_1278 = tpu.memref_slice %arg10[%dma_wait3A_1273, %mul3A_2, %dma_wait3A_1277] : memref<8x2048x256xf32, #tpu.memory_space<hbm>> -> memref<1x64x256xf32, #tpu.memory_space<hbm>>
    %dma_wait3A_1279 = tpu.memref_squeeze %dma_wait3A_1278 : memref<1x64x256xf32, #tpu.memory_space<hbm>> -> memref<64x256xf32, #tpu.memory_space<hbm>>
    tpu.wait_dma2 semaphore(%arg31 : memref<!tpu.dma_semaphore, #tpu.memory_space<semaphore_mem>>) src(%arg27 : memref<64x256xf32, #tpu.memory_space<vmem>>) dst(%dma_wait3A_1279 : memref<64x256xf32, #tpu.memory_space<hbm>>)
    return
  }
}

module attributes {stable_mosaic.version = 14 : i64} {
  func.func @_proj_kernel(%arg0: i32, %arg1: i32, %arg2: memref<1x1x512x128xf32, #tpu.memory_space<vmem>>, %arg3: memref<1x1x128x128xf32, #tpu.memory_space<vmem>>, %arg4: memref<1x1x128xf32, #tpu.memory_space<vmem>>, %arg5: memref<1x1x512x128xf32, #tpu.memory_space<vmem>>) attributes {dimension_semantics = [#tpu.dimension_semantics<arbitrary>, #tpu.dimension_semantics<arbitrary>], iteration_bounds = array<i64: 3, 9>, scalar_prefetch = 0 : i64, scratch_operands = 0 : i64, tpu.core_type = #tpu.core_type<tc>, window_params = [{transform_indices = @transform_0, window_bounds = array<i64: 1, 1, 512, 128>}, {transform_indices = @transform_1, window_bounds = array<i64: 1, 1, 128, 128>}, {transform_indices = @transform_2, window_bounds = array<i64: 1, 1, 128>}, {transform_indices = @transform_3, window_bounds = array<i64: 1, 1, 512, 128>}]} {
    %get3A = arith.constant 0 : index
    %get3A_0 = arith.constant 0 : index
    %get3A_1 = arith.constant 0 : index
    %get3A_2 = arith.constant 0 : index
    %get3A_3 = vector.load %arg2[%get3A, %get3A_0, %get3A_1, %get3A_2] : memref<1x1x512x128xf32, #tpu.memory_space<vmem>>, vector<1x1x512x128xf32>
    %get3A_4 = vector.shape_cast %get3A_3 : vector<1x1x512x128xf32> to vector<512x128xf32>
    %get3A_5 = arith.constant 0 : index
    %get3A_6 = arith.constant 0 : index
    %get3A_7 = arith.constant 0 : index
    %get3A_8 = arith.constant 0 : index
    %get3A_9 = vector.load %arg3[%get3A_5, %get3A_6, %get3A_7, %get3A_8] : memref<1x1x128x128xf32, #tpu.memory_space<vmem>>, vector<1x1x128x128xf32>
    %get3A_10 = vector.shape_cast %get3A_9 : vector<1x1x128x128xf32> to vector<128x128xf32>
    %dot_general3A = arith.constant dense<0.000000e+00> : vector<512x128xf32>
    %dot_general3A_11 = tpu.matmul %get3A_4, %get3A_10, %dot_general3A {dimension_numbers = #tpu.dot_dimension_numbers<[1], [0], [0], [1], [0, 0, 1, 1], [], []>, transpose_lhs_hint = false} : vector<512x128xf32>, vector<128x128xf32>, vector<512x128xf32> -> vector<512x128xf32>
    %eq3A = arith.constant 0 : i32
    %eq3A_12 = arith.cmpi eq, %arg1, %eq3A : i32
    %get3A_13 = arith.constant 0 : index
    %get3A_14 = arith.constant 0 : index
    %get3A_15 = arith.constant 0 : index
    %get3A_16 = vector.load %arg4[%get3A_13, %get3A_14, %get3A_15] : memref<1x1x128xf32, #tpu.memory_space<vmem>>, vector<1x1x128xf32>
    %get3A_17 = vector.shape_cast %get3A_16 : vector<1x1x128xf32> to vector<128xf32>
    %broadcast_in_dim3A = vector.shape_cast %get3A_17 : vector<128xf32> to vector<1x128xf32>
    %add3A = vector.broadcast %broadcast_in_dim3A : vector<1x128xf32> to vector<512x128xf32>
    %add3A_18 = arith.addf %dot_general3A_11, %add3A : vector<512x128xf32>
    %select_n3A = arith.select %eq3A_12, %add3A_18, %dot_general3A_11 : vector<512x128xf32>
    %swap3A = arith.constant 0 : index
    %swap3A_19 = arith.constant 0 : index
    %swap3A_20 = arith.constant 0 : index
    %swap3A_21 = arith.constant 0 : index
    %swap3A_22 = vector.load %arg5[%swap3A, %swap3A_19, %swap3A_20, %swap3A_21] : memref<1x1x512x128xf32, #tpu.memory_space<vmem>>, vector<1x1x512x128xf32>
    %swap3A_23 = vector.shape_cast %swap3A_22 : vector<1x1x512x128xf32> to vector<512x128xf32>
    %swap3A_24 = vector.shape_cast %select_n3A : vector<512x128xf32> to vector<1x1x512x128xf32>
    tpu.vector_store %arg5[%swap3A, %swap3A_19, %swap3A_20, %swap3A_21], %swap3A_24 {strides = array<i32>} : memref<1x1x512x128xf32, #tpu.memory_space<vmem>>, vector<1x1x512x128xf32>,
    return
  }
  func.func @transform_0(%arg0: i32, %arg1: i32) -> (i32, i32, i32, i32) {
    %c0_i32 = arith.constant 0 : i32
    %c0_i32_0 = arith.constant 0 : i32
    %c0_i32_1 = arith.constant 0 : i32
    return %arg0, %arg1, %c0_i32, %c0_i32_0 : i32, i32, i32, i32
  }
  func.func @transform_1(%arg0: i32, %arg1: i32) -> (i32, i32, i32, i32) {
    %c0_i32 = arith.constant 0 : i32
    %c0_i32_0 = arith.constant 0 : i32
    %c0_i32_1 = arith.constant 0 : i32
    return %arg0, %arg1, %c0_i32, %c0_i32_0 : i32, i32, i32, i32
  }
  func.func @transform_2(%arg0: i32, %arg1: i32) -> (i32, i32, i32) {
    %c0_i32 = arith.constant 0 : i32
    %c0_i32_0 = arith.constant 0 : i32
    %c0_i32_1 = arith.constant 0 : i32
    return %arg0, %c0_i32, %c0_i32_0 : i32, i32, i32
  }
  func.func @transform_3(%arg0: i32, %arg1: i32) -> (i32, i32, i32, i32) {
    %c0_i32 = arith.constant 0 : i32
    %c0_i32_0 = arith.constant 0 : i32
    %c0_i32_1 = arith.constant 0 : i32
    return %arg0, %arg1, %c0_i32, %c0_i32_0 : i32, i32, i32, i32
  }
}

module attributes {stable_mosaic.version = 14 : i64} {
  func.func @_attn_kernel(%arg0: i32, %arg1: i32, %arg2: memref<1x512x256xf32, #tpu.memory_space<vmem>>, %arg3: memref<1x2048x256xf32, #tpu.memory_space<vmem>>, %arg4: memref<1x2048x256xf32, #tpu.memory_space<vmem>>, %arg5: memref<512x2048xf32, #tpu.memory_space<vmem>>, %arg6: memref<512x2048xf32, #tpu.memory_space<vmem>>, %arg7: memref<1x2048xi32, #tpu.memory_space<vmem>>, %arg8: memref<1x512x256xf32, #tpu.memory_space<vmem>>) attributes {dimension_semantics = [#tpu.dimension_semantics<arbitrary>, #tpu.dimension_semantics<arbitrary>], iteration_bounds = array<i64: 1, 8>, scalar_prefetch = 0 : i64, scratch_operands = 0 : i64, tpu.core_type = #tpu.core_type<tc>, window_params = [{transform_indices = @transform_0, window_bounds = array<i64: 1, 512, 256>}, {transform_indices = @transform_1, window_bounds = array<i64: 1, 2048, 256>}, {transform_indices = @transform_2, window_bounds = array<i64: 1, 2048, 256>}, {transform_indices = @transform_3, window_bounds = array<i64: 512, 2048>}, {transform_indices = @transform_4, window_bounds = array<i64: 512, 2048>}, {pipeline_mode = #tpu.pipeline_mode<synchronous>, transform_indices = @transform_5, window_bounds = array<i64: 1, 2048>}, {transform_indices = @transform_6, window_bounds = array<i64: 1, 512, 256>}]} {
    %get3A = arith.constant 0 : index
    %get3A_0 = arith.constant 0 : index
    %get3A_1 = arith.constant 0 : index
    %get3A_2 = vector.load %arg2[%get3A, %get3A_0, %get3A_1] : memref<1x512x256xf32, #tpu.memory_space<vmem>>, vector<1x512x256xf32>
    %get3A_3 = vector.shape_cast %get3A_2 : vector<1x512x256xf32> to vector<512x256xf32>
    %mul3A = arith.constant 0.144337565 : f32
    %mul3A_4 = vector.broadcast %mul3A : f32 to vector<512x256xf32>
    %mul3A_5 = arith.mulf %get3A_3, %mul3A_4 : vector<512x256xf32>
    %get3A_6 = arith.constant 0 : index
    %get3A_7 = arith.constant 0 : index
    %get3A_8 = arith.constant 0 : index
    %get3A_9 = vector.load %arg3[%get3A_6, %get3A_7, %get3A_8] : memref<1x2048x256xf32, #tpu.memory_space<vmem>>, vector<1x2048x256xf32>
    %get3A_10 = vector.shape_cast %get3A_9 : vector<1x2048x256xf32> to vector<2048x256xf32>
    %dot_general3A = arith.constant dense<0.000000e+00> : vector<512x2048xf32>
    %dot_general3A_11 = tpu.matmul %mul3A_5, %get3A_10, %dot_general3A {dimension_numbers = #tpu.dot_dimension_numbers<[1], [1], [0], [0], [0, 0, 1, 0], [], []>, transpose_lhs_hint = false} : vector<512x256xf32>, vector<2048x256xf32>, vector<512x2048xf32> -> vector<512x2048xf32>
    %get3A_12 = arith.constant 0 : index
    %get3A_13 = arith.constant 0 : index
    %get3A_14 = vector.load %arg5[%get3A_12, %get3A_13] : memref<512x2048xf32, #tpu.memory_space<vmem>>, vector<512x2048xf32>
    %add3A = arith.addf %dot_general3A_11, %get3A_14 : vector<512x2048xf32>
    %reduce_max3A = arith.constant dense<0xFF800000> : vector<512xf32>
    %reduce_max3A_15 = vector.multi_reduction <maximumf>, %add3A, %reduce_max3A [1] : vector<512x2048xf32> to vector<512xf32>
    %broadcast_in_dim3A = vector.shape_cast %reduce_max3A_15 : vector<512xf32> to vector<512x1xf32>
    %get3A_16 = arith.constant 0 : index
    %get3A_17 = arith.constant 0 : index
    %get3A_18 = vector.load %arg6[%get3A_16, %get3A_17] : memref<512x2048xf32, #tpu.memory_space<vmem>>, vector<512x2048xf32>
    %sub3A = vector.broadcast %broadcast_in_dim3A : vector<512x1xf32> to vector<512x2048xf32>
    %sub3A_19 = arith.subf %add3A, %sub3A : vector<512x2048xf32>
    %exp3A = math.exp %sub3A_19 : vector<512x2048xf32>
    %mul3A_20 = arith.mulf %exp3A, %get3A_18 : vector<512x2048xf32>
    %get3A_21 = arith.constant 0 : index
    %get3A_22 = arith.constant 0 : index
    %get3A_23 = vector.load %arg7[%get3A_21, %get3A_22] : memref<1x2048xi32, #tpu.memory_space<vmem>>, vector<1x2048xi32>
    %iota3A = tpu.iota {dimensions = array<i32: 0>} : vector<8x2048xi32>
    %eq3A = vector.broadcast %get3A_23 : vector<1x2048xi32> to vector<8x2048xi32>
    %eq3A_24 = arith.cmpi eq, %iota3A, %eq3A : vector<8x2048xi32>
    %convert_element_type3A = arith.extui %eq3A_24 : vector<8x2048xi1> to vector<8x2048xi32>
    %convert_element_type3A_25 = arith.sitofp %convert_element_type3A : vector<8x2048xi32> to vector<8x2048xf32>
    %convert_element_type3A_26 = arith.truncf %mul3A_20 : vector<512x2048xf32> to vector<512x2048xbf16>
    %convert_element_type3A_27 = arith.extf %convert_element_type3A_26 : vector<512x2048xbf16> to vector<512x2048xf32>
    %sub3A_28 = arith.subf %mul3A_20, %convert_element_type3A_27 : vector<512x2048xf32>
    %dot_general3A_29 = arith.constant dense<0.000000e+00> : vector<512x8xf32>
    %dot_general3A_30 = tpu.matmul %convert_element_type3A_27, %convert_element_type3A_25, %dot_general3A_29 {dimension_numbers = #tpu.dot_dimension_numbers<[1], [1], [0], [0], [0, 0, 1, 0], [], []>, transpose_lhs_hint = false} : vector<512x2048xf32>, vector<8x2048xf32>, vector<512x8xf32> -> vector<512x8xf32>
    %dot_general3A_31 = arith.constant dense<0.000000e+00> : vector<512x8xf32>
    %dot_general3A_32 = tpu.matmul %sub3A_28, %convert_element_type3A_25, %dot_general3A_31 {dimension_numbers = #tpu.dot_dimension_numbers<[1], [1], [0], [0], [0, 0, 1, 0], [], []>, transpose_lhs_hint = false} : vector<512x2048xf32>, vector<8x2048xf32>, vector<512x8xf32> -> vector<512x8xf32>
    %add3A_33 = arith.addf %dot_general3A_30, %dot_general3A_32 : vector<512x8xf32>
    %add3A_34 = arith.constant 1.000000e-16 : f32
    %add3A_35 = vector.broadcast %add3A_34 : f32 to vector<512x8xf32>
    %add3A_36 = arith.addf %add3A_33, %add3A_35 : vector<512x8xf32>
    %div3A = arith.constant 1.000000e+00 : f32
    %div3A_37 = vector.broadcast %div3A : f32 to vector<512x8xf32>
    %div3A_38 = arith.divf %div3A_37, %add3A_36 : vector<512x8xf32>
    %convert_element_type3A_39 = arith.truncf %div3A_38 : vector<512x8xf32> to vector<512x8xbf16>
    %convert_element_type3A_40 = arith.extf %convert_element_type3A_39 : vector<512x8xbf16> to vector<512x8xf32>
    %sub3A_41 = arith.subf %div3A_38, %convert_element_type3A_40 : vector<512x8xf32>
    %dot_general3A_42 = arith.constant dense<0.000000e+00> : vector<512x2048xf32>
    %dot_general3A_43 = tpu.matmul %convert_element_type3A_40, %convert_element_type3A_25, %dot_general3A_42 {dimension_numbers = #tpu.dot_dimension_numbers<[1], [0], [0], [1], [0, 0, 1, 1], [], []>, transpose_lhs_hint = false} : vector<512x8xf32>, vector<8x2048xf32>, vector<512x2048xf32> -> vector<512x2048xf32>
    %dot_general3A_44 = arith.constant dense<0.000000e+00> : vector<512x2048xf32>
    %dot_general3A_45 = tpu.matmul %sub3A_41, %convert_element_type3A_25, %dot_general3A_44 {dimension_numbers = #tpu.dot_dimension_numbers<[1], [0], [0], [1], [0, 0, 1, 1], [], []>, transpose_lhs_hint = false} : vector<512x8xf32>, vector<8x2048xf32>, vector<512x2048xf32> -> vector<512x2048xf32>
    %add3A_46 = arith.addf %dot_general3A_43, %dot_general3A_45 : vector<512x2048xf32>
    %mul3A_47 = arith.mulf %mul3A_20, %get3A_18 : vector<512x2048xf32>
    %mul3A_48 = arith.mulf %mul3A_47, %add3A_46 : vector<512x2048xf32>
    %get3A_49 = arith.constant 0 : index
    %get3A_50 = arith.constant 0 : index
    %get3A_51 = arith.constant 0 : index
    %get3A_52 = vector.load %arg4[%get3A_49, %get3A_50, %get3A_51] : memref<1x2048x256xf32, #tpu.memory_space<vmem>>, vector<1x2048x256xf32>
    %get3A_53 = vector.shape_cast %get3A_52 : vector<1x2048x256xf32> to vector<2048x256xf32>
    %dot_general3A_54 = arith.constant dense<0.000000e+00> : vector<512x256xf32>
    %dot_general3A_55 = tpu.matmul %mul3A_48, %get3A_53, %dot_general3A_54 {dimension_numbers = #tpu.dot_dimension_numbers<[1], [0], [0], [1], [0, 0, 1, 1], [], []>, transpose_lhs_hint = false} : vector<512x2048xf32>, vector<2048x256xf32>, vector<512x256xf32> -> vector<512x256xf32>
    %swap3A = arith.constant 0 : index
    %swap3A_56 = arith.constant 0 : index
    %swap3A_57 = arith.constant 0 : index
    %swap3A_58 = vector.load %arg8[%swap3A, %swap3A_56, %swap3A_57] : memref<1x512x256xf32, #tpu.memory_space<vmem>>, vector<1x512x256xf32>
    %swap3A_59 = vector.shape_cast %swap3A_58 : vector<1x512x256xf32> to vector<512x256xf32>
    %swap3A_60 = vector.shape_cast %dot_general3A_55 : vector<512x256xf32> to vector<1x512x256xf32>
    tpu.vector_store %arg8[%swap3A, %swap3A_56, %swap3A_57], %swap3A_60 {strides = array<i32>} : memref<1x512x256xf32, #tpu.memory_space<vmem>>, vector<1x512x256xf32>,
    return
  }
  func.func @transform_0(%arg0: i32, %arg1: i32) -> (i32, i32, i32) {
    %c0_i32 = arith.constant 0 : i32
    %c0_i32_0 = arith.constant 0 : i32
    return %arg1, %arg0, %c0_i32 : i32, i32, i32
  }
  func.func @transform_1(%arg0: i32, %arg1: i32) -> (i32, i32, i32) {
    %c0_i32 = arith.constant 0 : i32
    %c0_i32_0 = arith.constant 0 : i32
    %c0_i32_1 = arith.constant 0 : i32
    return %arg1, %c0_i32, %c0_i32_0 : i32, i32, i32
  }
  func.func @transform_2(%arg0: i32, %arg1: i32) -> (i32, i32, i32) {
    %c0_i32 = arith.constant 0 : i32
    %c0_i32_0 = arith.constant 0 : i32
    %c0_i32_1 = arith.constant 0 : i32
    return %arg1, %c0_i32, %c0_i32_0 : i32, i32, i32
  }
  func.func @transform_3(%arg0: i32, %arg1: i32) -> (i32, i32) {
    %c0_i32 = arith.constant 0 : i32
    return %arg0, %arg1 : i32, i32
  }
  func.func @transform_4(%arg0: i32, %arg1: i32) -> (i32, i32) {
    %c8_i32 = arith.constant 8 : i32
    %c0_i32 = arith.constant 0 : i32
    return %arg0, %c8_i32 : i32, i32
  }
  func.func @transform_5(%arg0: i32, %arg1: i32) -> (i32, i32) {
    %c0_i32 = arith.constant 0 : i32
    %c0_i32_0 = arith.constant 0 : i32
    %c0_i32_1 = arith.constant 0 : i32
    return %c0_i32, %c0_i32_0 : i32, i32
  }
  func.func @transform_6(%arg0: i32, %arg1: i32) -> (i32, i32, i32) {
    %c0_i32 = arith.constant 0 : i32
    %c0_i32_0 = arith.constant 0 : i32
    return %arg1, %arg0, %c0_i32 : i32, i32, i32
  }
}

module attributes {stable_mosaic.version = 14 : i64} {
  func.func @_out_kernel(%arg0: memref<9x512x128xf32, #tpu.memory_space<vmem>>, %arg1: memref<9x128x128xf32, #tpu.memory_space<vmem>>, %arg2: memref<1x128xf32, #tpu.memory_space<vmem>>, %arg3: memref<1x128xf32, #tpu.memory_space<vmem>>, %arg4: memref<1x128xf32, #tpu.memory_space<vmem>>, %arg5: memref<2x128xf32, #tpu.memory_space<vmem>>, %arg6: memref<9x512x128xf32, #tpu.memory_space<vmem>>) attributes {dimension_semantics = [], scalar_prefetch = 0 : i64, scratch_operands = 0 : i64, tpu.core_type = #tpu.core_type<tc>} {
    %get3A = arith.constant 0 : index
    %get3A_0 = arith.constant 0 : index
    %get3A_1 = arith.constant 0 : index
    %get3A_2 = vector.load %arg0[%get3A, %get3A_0, %get3A_1] : memref<9x512x128xf32, #tpu.memory_space<vmem>>, vector<1x512x128xf32>
    %get3A_3 = vector.shape_cast %get3A_2 : vector<1x512x128xf32> to vector<512x128xf32>
    %reduce_sum3A = arith.constant dense<0.000000e+00> : vector<512xf32>
    %reduce_sum3A_4 = vector.multi_reduction <add>, %get3A_3, %reduce_sum3A [1] : vector<512x128xf32> to vector<512xf32>
    %broadcast_in_dim3A = vector.shape_cast %reduce_sum3A_4 : vector<512xf32> to vector<512x1xf32>
    %div3A = arith.constant 1.280000e+02 : f32
    %div3A_5 = vector.broadcast %div3A : f32 to vector<512x1xf32>
    %div3A_6 = arith.divf %broadcast_in_dim3A, %div3A_5 : vector<512x1xf32>
    %sub3A = vector.broadcast %div3A_6 : vector<512x1xf32> to vector<512x128xf32>
    %sub3A_7 = arith.subf %get3A_3, %sub3A : vector<512x128xf32>
    %mul3A = arith.mulf %sub3A_7, %sub3A_7 : vector<512x128xf32>
    %reduce_sum3A_8 = arith.constant dense<0.000000e+00> : vector<512xf32>
    %reduce_sum3A_9 = vector.multi_reduction <add>, %mul3A, %reduce_sum3A_8 [1] : vector<512x128xf32> to vector<512xf32>
    %broadcast_in_dim3A_10 = vector.shape_cast %reduce_sum3A_9 : vector<512xf32> to vector<512x1xf32>
    %div3A_11 = arith.constant 1.280000e+02 : f32
    %div3A_12 = vector.broadcast %div3A_11 : f32 to vector<512x1xf32>
    %div3A_13 = arith.divf %broadcast_in_dim3A_10, %div3A_12 : vector<512x1xf32>
    %add3A = arith.constant 1.000000e-07 : f32
    %add3A_14 = vector.broadcast %add3A : f32 to vector<512x1xf32>
    %add3A_15 = arith.addf %div3A_13, %add3A_14 : vector<512x1xf32>
    %rsqrt3A = math.rsqrt %add3A_15 : vector<512x1xf32>
    %mul3A_16 = vector.broadcast %rsqrt3A : vector<512x1xf32> to vector<512x128xf32>
    %mul3A_17 = arith.mulf %sub3A_7, %mul3A_16 : vector<512x128xf32>
    %get3A_18 = arith.constant 0 : index
    %get3A_19 = arith.constant 0 : index
    %get3A_20 = vector.load %arg3[%get3A_18, %get3A_19] : memref<1x128xf32, #tpu.memory_space<vmem>>, vector<1x128xf32>
    %get3A_21 = vector.shape_cast %get3A_20 : vector<1x128xf32> to vector<128xf32>
    %broadcast_in_dim3A_22 = vector.shape_cast %get3A_21 : vector<128xf32> to vector<1x128xf32>
    %mul3A_23 = vector.broadcast %broadcast_in_dim3A_22 : vector<1x128xf32> to vector<512x128xf32>
    %mul3A_24 = arith.mulf %mul3A_17, %mul3A_23 : vector<512x128xf32>
    %get3A_25 = arith.constant 0 : index
    %get3A_26 = arith.constant 0 : index
    %get3A_27 = vector.load %arg4[%get3A_25, %get3A_26] : memref<1x128xf32, #tpu.memory_space<vmem>>, vector<1x128xf32>
    %get3A_28 = vector.shape_cast %get3A_27 : vector<1x128xf32> to vector<128xf32>
    %broadcast_in_dim3A_29 = vector.shape_cast %get3A_28 : vector<128xf32> to vector<1x128xf32>
    %add3A_30 = vector.broadcast %broadcast_in_dim3A_29 : vector<1x128xf32> to vector<512x128xf32>
    %add3A_31 = arith.addf %mul3A_24, %add3A_30 : vector<512x128xf32>
    %get3A_32 = arith.constant 0 : index
    %get3A_33 = arith.constant 0 : index
    %get3A_34 = arith.constant 0 : index
    %get3A_35 = vector.load %arg1[%get3A_32, %get3A_33, %get3A_34] : memref<9x128x128xf32, #tpu.memory_space<vmem>>, vector<1x128x128xf32>
    %get3A_36 = vector.shape_cast %get3A_35 : vector<1x128x128xf32> to vector<128x128xf32>
    %dot_general3A = arith.constant dense<0.000000e+00> : vector<512x128xf32>
    %dot_general3A_37 = tpu.matmul %add3A_31, %get3A_36, %dot_general3A {dimension_numbers = #tpu.dot_dimension_numbers<[1], [0], [0], [1], [0, 0, 1, 1], [], []>, transpose_lhs_hint = false} : vector<512x128xf32>, vector<128x128xf32>, vector<512x128xf32> -> vector<512x128xf32>
    %get3A_38 = arith.constant 0 : index
    %get3A_39 = arith.constant 0 : index
    %get3A_40 = vector.load %arg2[%get3A_38, %get3A_39] : memref<1x128xf32, #tpu.memory_space<vmem>>, vector<1x128xf32>
    %get3A_41 = vector.shape_cast %get3A_40 : vector<1x128xf32> to vector<128xf32>
    %broadcast_in_dim3A_42 = vector.shape_cast %get3A_41 : vector<128xf32> to vector<1x128xf32>
    %add3A_43 = vector.broadcast %broadcast_in_dim3A_42 : vector<1x128xf32> to vector<512x128xf32>
    %add3A_44 = arith.addf %dot_general3A_37, %add3A_43 : vector<512x128xf32>
    %swap3A = arith.constant 0 : index
    %swap3A_45 = arith.constant 0 : index
    %swap3A_46 = arith.constant 0 : index
    %swap3A_47 = vector.load %arg6[%swap3A, %swap3A_45, %swap3A_46] : memref<9x512x128xf32, #tpu.memory_space<vmem>>, vector<1x512x128xf32>
    %swap3A_48 = vector.shape_cast %swap3A_47 : vector<1x512x128xf32> to vector<512x128xf32>
    %swap3A_49 = vector.shape_cast %add3A_44 : vector<512x128xf32> to vector<1x512x128xf32>
    tpu.vector_store %arg6[%swap3A, %swap3A_45, %swap3A_46], %swap3A_49 {strides = array<i32>} : memref<9x512x128xf32, #tpu.memory_space<vmem>>, vector<1x512x128xf32>,
    %get3A_50 = arith.constant 1 : index
    %get3A_51 = arith.constant 0 : index
    %get3A_52 = arith.constant 0 : index
    %get3A_53 = vector.load %arg0[%get3A_50, %get3A_51, %get3A_52] : memref<9x512x128xf32, #tpu.memory_space<vmem>>, vector<1x512x128xf32>
    %get3A_54 = vector.shape_cast %get3A_53 : vector<1x512x128xf32> to vector<512x128xf32>
    %get3A_55 = arith.constant 2 : index
    %get3A_56 = arith.constant 0 : index
    %get3A_57 = arith.constant 0 : index
    %get3A_58 = vector.load %arg0[%get3A_55, %get3A_56, %get3A_57] : memref<9x512x128xf32, #tpu.memory_space<vmem>>, vector<1x512x128xf32>
    %get3A_59 = vector.shape_cast %get3A_58 : vector<1x512x128xf32> to vector<512x128xf32>
    %get3A_60 = arith.constant 3 : index
    %get3A_61 = arith.constant 0 : index
    %get3A_62 = arith.constant 0 : index
    %get3A_63 = vector.load %arg0[%get3A_60, %get3A_61, %get3A_62] : memref<9x512x128xf32, #tpu.memory_space<vmem>>, vector<1x512x128xf32>
    %get3A_64 = vector.shape_cast %get3A_63 : vector<1x512x128xf32> to vector<512x128xf32>
    %mul3A_65 = arith.mulf %get3A_54, %get3A_54 : vector<512x128xf32>
    %add3A_66 = arith.constant 0.000000e+00 : f32
    %add3A_67 = vector.broadcast %add3A_66 : f32 to vector<512x128xf32>
    %add3A_68 = arith.addf %add3A_67, %mul3A_65 : vector<512x128xf32>
    %mul3A_69 = arith.mulf %get3A_59, %get3A_59 : vector<512x128xf32>
    %add3A_70 = arith.addf %add3A_68, %mul3A_69 : vector<512x128xf32>
    %mul3A_71 = arith.mulf %get3A_64, %get3A_64 : vector<512x128xf32>
    %add3A_72 = arith.addf %add3A_70, %mul3A_71 : vector<512x128xf32>
    %reduce_sum3A_73 = arith.constant dense<0.000000e+00> : vector<512xf32>
    %reduce_sum3A_74 = vector.multi_reduction <add>, %add3A_72, %reduce_sum3A_73 [1] : vector<512x128xf32> to vector<512xf32>
    %broadcast_in_dim3A_75 = vector.shape_cast %reduce_sum3A_74 : vector<512xf32> to vector<512x1xf32>
    %div3A_76 = arith.constant 1.280000e+02 : f32
    %div3A_77 = vector.broadcast %div3A_76 : f32 to vector<512x1xf32>
    %div3A_78 = arith.divf %broadcast_in_dim3A_75, %div3A_77 : vector<512x1xf32>
    %add3A_79 = arith.constant 1.000000e-07 : f32
    %add3A_80 = vector.broadcast %add3A_79 : f32 to vector<512x1xf32>
    %add3A_81 = arith.addf %div3A_78, %add3A_80 : vector<512x1xf32>
    %rsqrt3A_82 = math.rsqrt %add3A_81 : vector<512x1xf32>
    %get3A_83 = arith.constant 0 : index
    %get3A_84 = arith.constant 0 : index
    %get3A_85 = vector.load %arg5[%get3A_83, %get3A_84] : memref<2x128xf32, #tpu.memory_space<vmem>>, vector<1x128xf32>
    %get3A_86 = vector.shape_cast %get3A_85 : vector<1x128xf32> to vector<128xf32>
    %broadcast_in_dim3A_87 = vector.shape_cast %get3A_86 : vector<128xf32> to vector<1x128xf32>
    %mul3A_88 = vector.broadcast %rsqrt3A_82 : vector<512x1xf32> to vector<512x128xf32>
    %mul3A_89 = vector.broadcast %broadcast_in_dim3A_87 : vector<1x128xf32> to vector<512x128xf32>
    %mul3A_90 = arith.mulf %mul3A_88, %mul3A_89 : vector<512x128xf32>
    %get3A_91 = arith.constant 1 : index
    %get3A_92 = arith.constant 0 : index
    %get3A_93 = arith.constant 0 : index
    %get3A_94 = vector.load %arg0[%get3A_91, %get3A_92, %get3A_93] : memref<9x512x128xf32, #tpu.memory_space<vmem>>, vector<1x512x128xf32>
    %get3A_95 = vector.shape_cast %get3A_94 : vector<1x512x128xf32> to vector<512x128xf32>
    %mul3A_96 = arith.mulf %get3A_95, %mul3A_90 : vector<512x128xf32>
    %get3A_97 = arith.constant 1 : index
    %get3A_98 = arith.constant 0 : index
    %get3A_99 = arith.constant 0 : index
    %get3A_100 = vector.load %arg1[%get3A_97, %get3A_98, %get3A_99] : memref<9x128x128xf32, #tpu.memory_space<vmem>>, vector<1x128x128xf32>
    %get3A_101 = vector.shape_cast %get3A_100 : vector<1x128x128xf32> to vector<128x128xf32>
    %dot_general3A_102 = arith.constant dense<0.000000e+00> : vector<512x128xf32>
    %dot_general3A_103 = tpu.matmul %mul3A_96, %get3A_101, %dot_general3A_102 {dimension_numbers = #tpu.dot_dimension_numbers<[1], [0], [0], [1], [0, 0, 1, 1], [], []>, transpose_lhs_hint = false} : vector<512x128xf32>, vector<128x128xf32>, vector<512x128xf32> -> vector<512x128xf32>
    %swap3A_104 = arith.constant 1 : index
    %swap3A_105 = arith.constant 0 : index
    %swap3A_106 = arith.constant 0 : index
    %swap3A_107 = vector.load %arg6[%swap3A_104, %swap3A_105, %swap3A_106] : memref<9x512x128xf32, #tpu.memory_space<vmem>>, vector<1x512x128xf32>
    %swap3A_108 = vector.shape_cast %swap3A_107 : vector<1x512x128xf32> to vector<512x128xf32>
    %swap3A_109 = vector.shape_cast %dot_general3A_103 : vector<512x128xf32> to vector<1x512x128xf32>
    tpu.vector_store %arg6[%swap3A_104, %swap3A_105, %swap3A_106], %swap3A_109 {strides = array<i32>} : memref<9x512x128xf32, #tpu.memory_space<vmem>>, vector<1x512x128xf32>,
    %get3A_110 = arith.constant 2 : index
    %get3A_111 = arith.constant 0 : index
    %get3A_112 = arith.constant 0 : index
    %get3A_113 = vector.load %arg0[%get3A_110, %get3A_111, %get3A_112] : memref<9x512x128xf32, #tpu.memory_space<vmem>>, vector<1x512x128xf32>
    %get3A_114 = vector.shape_cast %get3A_113 : vector<1x512x128xf32> to vector<512x128xf32>
    %mul3A_115 = arith.mulf %get3A_114, %mul3A_90 : vector<512x128xf32>
    %get3A_116 = arith.constant 2 : index
    %get3A_117 = arith.constant 0 : index
    %get3A_118 = arith.constant 0 : index
    %get3A_119 = vector.load %arg1[%get3A_116, %get3A_117, %get3A_118] : memref<9x128x128xf32, #tpu.memory_space<vmem>>, vector<1x128x128xf32>
    %get3A_120 = vector.shape_cast %get3A_119 : vector<1x128x128xf32> to vector<128x128xf32>
    %dot_general3A_121 = arith.constant dense<0.000000e+00> : vector<512x128xf32>
    %dot_general3A_122 = tpu.matmul %mul3A_115, %get3A_120, %dot_general3A_121 {dimension_numbers = #tpu.dot_dimension_numbers<[1], [0], [0], [1], [0, 0, 1, 1], [], []>, transpose_lhs_hint = false} : vector<512x128xf32>, vector<128x128xf32>, vector<512x128xf32> -> vector<512x128xf32>
    %swap3A_123 = arith.constant 2 : index
    %swap3A_124 = arith.constant 0 : index
    %swap3A_125 = arith.constant 0 : index
    %swap3A_126 = vector.load %arg6[%swap3A_123, %swap3A_124, %swap3A_125] : memref<9x512x128xf32, #tpu.memory_space<vmem>>, vector<1x512x128xf32>
    %swap3A_127 = vector.shape_cast %swap3A_126 : vector<1x512x128xf32> to vector<512x128xf32>
    %swap3A_128 = vector.shape_cast %dot_general3A_122 : vector<512x128xf32> to vector<1x512x128xf32>
    tpu.vector_store %arg6[%swap3A_123, %swap3A_124, %swap3A_125], %swap3A_128 {strides = array<i32>} : memref<9x512x128xf32, #tpu.memory_space<vmem>>, vector<1x512x128xf32>,
    %get3A_129 = arith.constant 3 : index
    %get3A_130 = arith.constant 0 : index
    %get3A_131 = arith.constant 0 : index
    %get3A_132 = vector.load %arg0[%get3A_129, %get3A_130, %get3A_131] : memref<9x512x128xf32, #tpu.memory_space<vmem>>, vector<1x512x128xf32>
    %get3A_133 = vector.shape_cast %get3A_132 : vector<1x512x128xf32> to vector<512x128xf32>
    %mul3A_134 = arith.mulf %get3A_133, %mul3A_90 : vector<512x128xf32>
    %get3A_135 = arith.constant 3 : index
    %get3A_136 = arith.constant 0 : index
    %get3A_137 = arith.constant 0 : index
    %get3A_138 = vector.load %arg1[%get3A_135, %get3A_136, %get3A_137] : memref<9x128x128xf32, #tpu.memory_space<vmem>>, vector<1x128x128xf32>
    %get3A_139 = vector.shape_cast %get3A_138 : vector<1x128x128xf32> to vector<128x128xf32>
    %dot_general3A_140 = arith.constant dense<0.000000e+00> : vector<512x128xf32>
    %dot_general3A_141 = tpu.matmul %mul3A_134, %get3A_139, %dot_general3A_140 {dimension_numbers = #tpu.dot_dimension_numbers<[1], [0], [0], [1], [0, 0, 1, 1], [], []>, transpose_lhs_hint = false} : vector<512x128xf32>, vector<128x128xf32>, vector<512x128xf32> -> vector<512x128xf32>
    %swap3A_142 = arith.constant 3 : index
    %swap3A_143 = arith.constant 0 : index
    %swap3A_144 = arith.constant 0 : index
    %swap3A_145 = vector.load %arg6[%swap3A_142, %swap3A_143, %swap3A_144] : memref<9x512x128xf32, #tpu.memory_space<vmem>>, vector<1x512x128xf32>
    %swap3A_146 = vector.shape_cast %swap3A_145 : vector<1x512x128xf32> to vector<512x128xf32>
    %swap3A_147 = vector.shape_cast %dot_general3A_141 : vector<512x128xf32> to vector<1x512x128xf32>
    tpu.vector_store %arg6[%swap3A_142, %swap3A_143, %swap3A_144], %swap3A_147 {strides = array<i32>} : memref<9x512x128xf32, #tpu.memory_space<vmem>>, vector<1x512x128xf32>,
    %get3A_148 = arith.constant 4 : index
    %get3A_149 = arith.constant 0 : index
    %get3A_150 = arith.constant 0 : index
    %get3A_151 = vector.load %arg0[%get3A_148, %get3A_149, %get3A_150] : memref<9x512x128xf32, #tpu.memory_space<vmem>>, vector<1x512x128xf32>
    %get3A_152 = vector.shape_cast %get3A_151 : vector<1x512x128xf32> to vector<512x128xf32>
    %get3A_153 = arith.constant 5 : index
    %get3A_154 = arith.constant 0 : index
    %get3A_155 = arith.constant 0 : index
    %get3A_156 = vector.load %arg0[%get3A_153, %get3A_154, %get3A_155] : memref<9x512x128xf32, #tpu.memory_space<vmem>>, vector<1x512x128xf32>
    %get3A_157 = vector.shape_cast %get3A_156 : vector<1x512x128xf32> to vector<512x128xf32>
    %get3A_158 = arith.constant 6 : index
    %get3A_159 = arith.constant 0 : index
    %get3A_160 = arith.constant 0 : index
    %get3A_161 = vector.load %arg0[%get3A_158, %get3A_159, %get3A_160] : memref<9x512x128xf32, #tpu.memory_space<vmem>>, vector<1x512x128xf32>
    %get3A_162 = vector.shape_cast %get3A_161 : vector<1x512x128xf32> to vector<512x128xf32>
    %get3A_163 = arith.constant 7 : index
    %get3A_164 = arith.constant 0 : index
    %get3A_165 = arith.constant 0 : index
    %get3A_166 = vector.load %arg0[%get3A_163, %get3A_164, %get3A_165] : memref<9x512x128xf32, #tpu.memory_space<vmem>>, vector<1x512x128xf32>
    %get3A_167 = vector.shape_cast %get3A_166 : vector<1x512x128xf32> to vector<512x128xf32>
    %get3A_168 = arith.constant 8 : index
    %get3A_169 = arith.constant 0 : index
    %get3A_170 = arith.constant 0 : index
    %get3A_171 = vector.load %arg0[%get3A_168, %get3A_169, %get3A_170] : memref<9x512x128xf32, #tpu.memory_space<vmem>>, vector<1x512x128xf32>
    %get3A_172 = vector.shape_cast %get3A_171 : vector<1x512x128xf32> to vector<512x128xf32>
    %mul3A_173 = arith.mulf %get3A_152, %get3A_152 : vector<512x128xf32>
    %add3A_174 = arith.constant 0.000000e+00 : f32
    %add3A_175 = vector.broadcast %add3A_174 : f32 to vector<512x128xf32>
    %add3A_176 = arith.addf %add3A_175, %mul3A_173 : vector<512x128xf32>
    %mul3A_177 = arith.mulf %get3A_157, %get3A_157 : vector<512x128xf32>
    %add3A_178 = arith.addf %add3A_176, %mul3A_177 : vector<512x128xf32>
    %mul3A_179 = arith.mulf %get3A_162, %get3A_162 : vector<512x128xf32>
    %add3A_180 = arith.addf %add3A_178, %mul3A_179 : vector<512x128xf32>
    %mul3A_181 = arith.mulf %get3A_167, %get3A_167 : vector<512x128xf32>
    %add3A_182 = arith.addf %add3A_180, %mul3A_181 : vector<512x128xf32>
    %mul3A_183 = arith.mulf %get3A_172, %get3A_172 : vector<512x128xf32>
    %add3A_184 = arith.addf %add3A_182, %mul3A_183 : vector<512x128xf32>
    %reduce_sum3A_185 = arith.constant dense<0.000000e+00> : vector<512xf32>
    %reduce_sum3A_186 = vector.multi_reduction <add>, %add3A_184, %reduce_sum3A_185 [1] : vector<512x128xf32> to vector<512xf32>
    %broadcast_in_dim3A_187 = vector.shape_cast %reduce_sum3A_186 : vector<512xf32> to vector<512x1xf32>
    %div3A_188 = arith.constant 1.280000e+02 : f32
    %div3A_189 = vector.broadcast %div3A_188 : f32 to vector<512x1xf32>
    %div3A_190 = arith.divf %broadcast_in_dim3A_187, %div3A_189 : vector<512x1xf32>
    %add3A_191 = arith.constant 1.000000e-07 : f32
    %add3A_192 = vector.broadcast %add3A_191 : f32 to vector<512x1xf32>
    %add3A_193 = arith.addf %div3A_190, %add3A_192 : vector<512x1xf32>
    %rsqrt3A_194 = math.rsqrt %add3A_193 : vector<512x1xf32>
    %get3A_195 = arith.constant 1 : index
    %get3A_196 = arith.constant 0 : index
    %get3A_197 = vector.load %arg5[%get3A_195, %get3A_196] : memref<2x128xf32, #tpu.memory_space<vmem>>, vector<1x128xf32>
    %get3A_198 = vector.shape_cast %get3A_197 : vector<1x128xf32> to vector<128xf32>
    %broadcast_in_dim3A_199 = vector.shape_cast %get3A_198 : vector<128xf32> to vector<1x128xf32>
    %mul3A_200 = vector.broadcast %rsqrt3A_194 : vector<512x1xf32> to vector<512x128xf32>
    %mul3A_201 = vector.broadcast %broadcast_in_dim3A_199 : vector<1x128xf32> to vector<512x128xf32>
    %mul3A_202 = arith.mulf %mul3A_200, %mul3A_201 : vector<512x128xf32>
    %get3A_203 = arith.constant 4 : index
    %get3A_204 = arith.constant 0 : index
    %get3A_205 = arith.constant 0 : index
    %get3A_206 = vector.load %arg0[%get3A_203, %get3A_204, %get3A_205] : memref<9x512x128xf32, #tpu.memory_space<vmem>>, vector<1x512x128xf32>
    %get3A_207 = vector.shape_cast %get3A_206 : vector<1x512x128xf32> to vector<512x128xf32>
    %mul3A_208 = arith.mulf %get3A_207, %mul3A_202 : vector<512x128xf32>
    %get3A_209 = arith.constant 4 : index
    %get3A_210 = arith.constant 0 : index
    %get3A_211 = arith.constant 0 : index
    %get3A_212 = vector.load %arg1[%get3A_209, %get3A_210, %get3A_211] : memref<9x128x128xf32, #tpu.memory_space<vmem>>, vector<1x128x128xf32>
    %get3A_213 = vector.shape_cast %get3A_212 : vector<1x128x128xf32> to vector<128x128xf32>
    %dot_general3A_214 = arith.constant dense<0.000000e+00> : vector<512x128xf32>
    %dot_general3A_215 = tpu.matmul %mul3A_208, %get3A_213, %dot_general3A_214 {dimension_numbers = #tpu.dot_dimension_numbers<[1], [0], [0], [1], [0, 0, 1, 1], [], []>, transpose_lhs_hint = false} : vector<512x128xf32>, vector<128x128xf32>, vector<512x128xf32> -> vector<512x128xf32>
    %swap3A_216 = arith.constant 4 : index
    %swap3A_217 = arith.constant 0 : index
    %swap3A_218 = arith.constant 0 : index
    %swap3A_219 = vector.load %arg6[%swap3A_216, %swap3A_217, %swap3A_218] : memref<9x512x128xf32, #tpu.memory_space<vmem>>, vector<1x512x128xf32>
    %swap3A_220 = vector.shape_cast %swap3A_219 : vector<1x512x128xf32> to vector<512x128xf32>
    %swap3A_221 = vector.shape_cast %dot_general3A_215 : vector<512x128xf32> to vector<1x512x128xf32>
    tpu.vector_store %arg6[%swap3A_216, %swap3A_217, %swap3A_218], %swap3A_221 {strides = array<i32>} : memref<9x512x128xf32, #tpu.memory_space<vmem>>, vector<1x512x128xf32>,
    %get3A_222 = arith.constant 5 : index
    %get3A_223 = arith.constant 0 : index
    %get3A_224 = arith.constant 0 : index
    %get3A_225 = vector.load %arg0[%get3A_222, %get3A_223, %get3A_224] : memref<9x512x128xf32, #tpu.memory_space<vmem>>, vector<1x512x128xf32>
    %get3A_226 = vector.shape_cast %get3A_225 : vector<1x512x128xf32> to vector<512x128xf32>
    %mul3A_227 = arith.mulf %get3A_226, %mul3A_202 : vector<512x128xf32>
    %get3A_228 = arith.constant 5 : index
    %get3A_229 = arith.constant 0 : index
    %get3A_230 = arith.constant 0 : index
    %get3A_231 = vector.load %arg1[%get3A_228, %get3A_229, %get3A_230] : memref<9x128x128xf32, #tpu.memory_space<vmem>>, vector<1x128x128xf32>
    %get3A_232 = vector.shape_cast %get3A_231 : vector<1x128x128xf32> to vector<128x128xf32>
    %dot_general3A_233 = arith.constant dense<0.000000e+00> : vector<512x128xf32>
    %dot_general3A_234 = tpu.matmul %mul3A_227, %get3A_232, %dot_general3A_233 {dimension_numbers = #tpu.dot_dimension_numbers<[1], [0], [0], [1], [0, 0, 1, 1], [], []>, transpose_lhs_hint = false} : vector<512x128xf32>, vector<128x128xf32>, vector<512x128xf32> -> vector<512x128xf32>
    %swap3A_235 = arith.constant 5 : index
    %swap3A_236 = arith.constant 0 : index
    %swap3A_237 = arith.constant 0 : index
    %swap3A_238 = vector.load %arg6[%swap3A_235, %swap3A_236, %swap3A_237] : memref<9x512x128xf32, #tpu.memory_space<vmem>>, vector<1x512x128xf32>
    %swap3A_239 = vector.shape_cast %swap3A_238 : vector<1x512x128xf32> to vector<512x128xf32>
    %swap3A_240 = vector.shape_cast %dot_general3A_234 : vector<512x128xf32> to vector<1x512x128xf32>
    tpu.vector_store %arg6[%swap3A_235, %swap3A_236, %swap3A_237], %swap3A_240 {strides = array<i32>} : memref<9x512x128xf32, #tpu.memory_space<vmem>>, vector<1x512x128xf32>,
    %get3A_241 = arith.constant 6 : index
    %get3A_242 = arith.constant 0 : index
    %get3A_243 = arith.constant 0 : index
    %get3A_244 = vector.load %arg0[%get3A_241, %get3A_242, %get3A_243] : memref<9x512x128xf32, #tpu.memory_space<vmem>>, vector<1x512x128xf32>
    %get3A_245 = vector.shape_cast %get3A_244 : vector<1x512x128xf32> to vector<512x128xf32>
    %mul3A_246 = arith.mulf %get3A_245, %mul3A_202 : vector<512x128xf32>
    %get3A_247 = arith.constant 6 : index
    %get3A_248 = arith.constant 0 : index
    %get3A_249 = arith.constant 0 : index
    %get3A_250 = vector.load %arg1[%get3A_247, %get3A_248, %get3A_249] : memref<9x128x128xf32, #tpu.memory_space<vmem>>, vector<1x128x128xf32>
    %get3A_251 = vector.shape_cast %get3A_250 : vector<1x128x128xf32> to vector<128x128xf32>
    %dot_general3A_252 = arith.constant dense<0.000000e+00> : vector<512x128xf32>
    %dot_general3A_253 = tpu.matmul %mul3A_246, %get3A_251, %dot_general3A_252 {dimension_numbers = #tpu.dot_dimension_numbers<[1], [0], [0], [1], [0, 0, 1, 1], [], []>, transpose_lhs_hint = false} : vector<512x128xf32>, vector<128x128xf32>, vector<512x128xf32> -> vector<512x128xf32>
    %swap3A_254 = arith.constant 6 : index
    %swap3A_255 = arith.constant 0 : index
    %swap3A_256 = arith.constant 0 : index
    %swap3A_257 = vector.load %arg6[%swap3A_254, %swap3A_255, %swap3A_256] : memref<9x512x128xf32, #tpu.memory_space<vmem>>, vector<1x512x128xf32>
    %swap3A_258 = vector.shape_cast %swap3A_257 : vector<1x512x128xf32> to vector<512x128xf32>
    %swap3A_259 = vector.shape_cast %dot_general3A_253 : vector<512x128xf32> to vector<1x512x128xf32>
    tpu.vector_store %arg6[%swap3A_254, %swap3A_255, %swap3A_256], %swap3A_259 {strides = array<i32>} : memref<9x512x128xf32, #tpu.memory_space<vmem>>, vector<1x512x128xf32>,
    %get3A_260 = arith.constant 7 : index
    %get3A_261 = arith.constant 0 : index
    %get3A_262 = arith.constant 0 : index
    %get3A_263 = vector.load %arg0[%get3A_260, %get3A_261, %get3A_262] : memref<9x512x128xf32, #tpu.memory_space<vmem>>, vector<1x512x128xf32>
    %get3A_264 = vector.shape_cast %get3A_263 : vector<1x512x128xf32> to vector<512x128xf32>
    %mul3A_265 = arith.mulf %get3A_264, %mul3A_202 : vector<512x128xf32>
    %get3A_266 = arith.constant 7 : index
    %get3A_267 = arith.constant 0 : index
    %get3A_268 = arith.constant 0 : index
    %get3A_269 = vector.load %arg1[%get3A_266, %get3A_267, %get3A_268] : memref<9x128x128xf32, #tpu.memory_space<vmem>>, vector<1x128x128xf32>
    %get3A_270 = vector.shape_cast %get3A_269 : vector<1x128x128xf32> to vector<128x128xf32>
    %dot_general3A_271 = arith.constant dense<0.000000e+00> : vector<512x128xf32>
    %dot_general3A_272 = tpu.matmul %mul3A_265, %get3A_270, %dot_general3A_271 {dimension_numbers = #tpu.dot_dimension_numbers<[1], [0], [0], [1], [0, 0, 1, 1], [], []>, transpose_lhs_hint = false} : vector<512x128xf32>, vector<128x128xf32>, vector<512x128xf32> -> vector<512x128xf32>
    %swap3A_273 = arith.constant 7 : index
    %swap3A_274 = arith.constant 0 : index
    %swap3A_275 = arith.constant 0 : index
    %swap3A_276 = vector.load %arg6[%swap3A_273, %swap3A_274, %swap3A_275] : memref<9x512x128xf32, #tpu.memory_space<vmem>>, vector<1x512x128xf32>
    %swap3A_277 = vector.shape_cast %swap3A_276 : vector<1x512x128xf32> to vector<512x128xf32>
    %swap3A_278 = vector.shape_cast %dot_general3A_272 : vector<512x128xf32> to vector<1x512x128xf32>
    tpu.vector_store %arg6[%swap3A_273, %swap3A_274, %swap3A_275], %swap3A_278 {strides = array<i32>} : memref<9x512x128xf32, #tpu.memory_space<vmem>>, vector<1x512x128xf32>,
    %get3A_279 = arith.constant 8 : index
    %get3A_280 = arith.constant 0 : index
    %get3A_281 = arith.constant 0 : index
    %get3A_282 = vector.load %arg0[%get3A_279, %get3A_280, %get3A_281] : memref<9x512x128xf32, #tpu.memory_space<vmem>>, vector<1x512x128xf32>
    %get3A_283 = vector.shape_cast %get3A_282 : vector<1x512x128xf32> to vector<512x128xf32>
    %mul3A_284 = arith.mulf %get3A_283, %mul3A_202 : vector<512x128xf32>
    %get3A_285 = arith.constant 8 : index
    %get3A_286 = arith.constant 0 : index
    %get3A_287 = arith.constant 0 : index
    %get3A_288 = vector.load %arg1[%get3A_285, %get3A_286, %get3A_287] : memref<9x128x128xf32, #tpu.memory_space<vmem>>, vector<1x128x128xf32>
    %get3A_289 = vector.shape_cast %get3A_288 : vector<1x128x128xf32> to vector<128x128xf32>
    %dot_general3A_290 = arith.constant dense<0.000000e+00> : vector<512x128xf32>
    %dot_general3A_291 = tpu.matmul %mul3A_284, %get3A_289, %dot_general3A_290 {dimension_numbers = #tpu.dot_dimension_numbers<[1], [0], [0], [1], [0, 0, 1, 1], [], []>, transpose_lhs_hint = false} : vector<512x128xf32>, vector<128x128xf32>, vector<512x128xf32> -> vector<512x128xf32>
    %swap3A_292 = arith.constant 8 : index
    %swap3A_293 = arith.constant 0 : index
    %swap3A_294 = arith.constant 0 : index
    %swap3A_295 = vector.load %arg6[%swap3A_292, %swap3A_293, %swap3A_294] : memref<9x512x128xf32, #tpu.memory_space<vmem>>, vector<1x512x128xf32>
    %swap3A_296 = vector.shape_cast %swap3A_295 : vector<1x512x128xf32> to vector<512x128xf32>
    %swap3A_297 = vector.shape_cast %dot_general3A_291 : vector<512x128xf32> to vector<1x512x128xf32>
    tpu.vector_store %arg6[%swap3A_292, %swap3A_293, %swap3A_294], %swap3A_297 {strides = array<i32>} : memref<9x512x128xf32, #tpu.memory_space<vmem>>, vector<1x512x128xf32>,
    return
  }
}

</mosaic_0001>

<sc_bundles>
// kernel: kernel.6.cloned.1.call-start
scs
__scs_entry_jumppad:
0x0: {  	(pc) =	sbr.rel $0x88, $3  }
0x1: {  	(tag) =	ssettag $0x0;
	lr =	simm.s32 $0x1  }
0x2: {  	[smem:$0x3F8E] =	sst lr;
	_ =	strace $0xD0000000  }
0x3: {  	_ = 	snop  }
0x4: {  	_ = 	snop  }
0x5: {  	_ = 	snop  }
0x6: {  	_ = 	snop  }
0x7: {  	_ = 	snop  }
__scs_overlays_trampoline_lowered:
0x8: {  	[smem:$0x3F9D] =	sst s0  }
0x9: {  	[smem:$0x3F9E] =	sst s1  }
0xa: {  	[smem:$0x3F9F] =	sst s2  }
0xb: {  	[smem:$0x3FA0] =	sst s3  }
0xc: {  	[smem:$0x3FA1] =	sst s4  }
0xd: {  	[smem:$0x3FA2] =	sst s5  }
0xe: {  	[smem:$0x3FA3] =	sst s6  }
0xf: {  	[smem:$0x3FA4] =	sst s7  }
0x10: {  	[smem:$0x3FA5] =	sst s8  }
0x11: {  	[smem:$0x3FA6] =	sst s9;
	s0 =	simm.s32 @!p0 $0x0  }
0x12: {  	s1 =	sld [smem:$0x3F8C];
	s0 =	simm.s32 @p0 $0x1  }
0x13: {  	[smem:$0x3FA7] =	sst s0;
	s0 =	simm.s32 @!p1 $0x0  }
0x14: {  	s2 =	sld [smem:$0x3F8B];
	s0 =	simm.s32 @p1 $0x1  }
0x15: {  	[smem:$0x3FA8] =	sst s0;
	s0 =	simm.s32 @!p2 $0x0  }
0x16: {  	s3 =	sld [smem:$0x3FDB];
	s0 =	simm.s32 @p2 $0x1  }
0x17: {  	s4 =	simm.s32 $0x1BF5;
	[smem:$0x3FAA] =	sst s0  }
0x18: {  	s0 =	sld [smem:$0x3F8D];
	_ =	swait.ge [sflag:s4], $0x0  }
0x19: {  	s7 =	sld [smem:$0x3F8E]  }
0x1a: {  	s8 =	sadd.s32 $0xFFFFE003, lr  }
0x1b: {  	s9 =	sadd.s32 $0xFFFFFEF7, lr;
	s5 =	simm.s32 $0xFFFFFFFF;
	p2 =	slt.u32 s8, $0xFFFFF086  }
0x1c: {  	p1 =	slt.u32 s9, $0xF7A;
	s5 =	simm.s32 @!p2 $0x0  }
0x1d: {  	s5 =	simm.s32 @p1 $0x1;
	p0 =	seq.s32 s7, s2  }
0x1e: {  	s7 =	smul.u32 @!p0 $0xF7A, s2;
	p2 =	seq.s32 @!p0 s5, $0x0  }
0x1f: {  	s9 =	smul.u32 $0xF7A, s1;
	s8 =	simm.s32 @!p0 $0x1BF5;
	p2 =	por !p2, p0  }
0x20: {  	[sflag:s8] =	ssyncset.s32 @!p0 $0xFFFFF086;
	s6 =	sadd.s32 @!p0 s3, s7;
	s7 =	simm.s32 @!p0 $0x108  }
0x21: {  	s3 =	sadd.s32 s3, s9;
	s6 =	sadd.s32 @!p0 $0x88, s6;
	s7 =	simm.s32 @p2 $0x1082  }
0x22: {  	[simem:s7], [sflag:s8] =	dma.local @!p0 [hbm:s6], $0xF7A  }
0x23: {  	s9 =	sor.u32 $0xD0000000, s2;
	s6 =	simm.s32 $0x108;
	_ =	swait.ge @!p0 [sflag:s8], $0x0  }
0x24: {  	s3 =	sadd.s32 $0x88, s3;
	s6 =	simm.s32 @!p1 $0x1082;
	[sflag:s4] =	ssyncset.s32 $0xFFFFF086  }
0x25: {  	[simem:s6], [sflag:s4] =	dma.local [hbm:s3], $0xF7A  }
0x26: {  	[smem:$0x3F8E] =	sst s1;
	(tag) =	ssettag s2;
	_ =	strace s9  }
0x27: {  	s1 =	sld [smem:$0x3F9E]  }
0x28: {  	s2 =	sld [smem:$0x3F9F]  }
0x29: {  	s4 =	sld [smem:$0x3FA1]  }
0x2a: {  	p0 =	seq.s32 s5, $0x0;
	s5 =	sld [smem:$0x3FA2]  }
0x2b: {  	s6 =	sld [smem:$0x3FA3]  }
0x2c: {  	s7 =	sld [smem:$0x3FA4]  }
0x2d: {  	s3 =	simm.s32 $0x108;
	s8 =	sld [smem:$0x3FA5]  }
0x2e: {  	s3 =	simm.s32 @!p0 $0x1082;
	s9 =	sld [smem:$0x3FA6]  }
0x2f: {  	lr =	sadd.s32 s0, s3;
	s0 =	sld [smem:$0x3F9D]  }
0x30: {  	s3 =	sld [smem:$0x3FA0]  }
0x31: {  	[smem:$0x3FA9] =	sst s10  }
0x32: {  	s10 =	sld [smem:$0x3FA7];
	_ =	sdelay $0x3  }
0x33: {  	p0 =	seq.s32 s10, $0x1;
	s10 =	sld [smem:$0x3FA9];
	_ =	sdelay $0x3  }
0x34: {  	[smem:$0x3FA9] =	sst s10  }
0x35: {  	s10 =	sld [smem:$0x3FA8];
	_ =	sdelay $0x3  }
0x36: {  	p1 =	seq.s32 s10, $0x1;
	s10 =	sld [smem:$0x3FA9];
	_ =	sdelay $0x3  }
0x37: {  	[smem:$0x3FA9] =	sst s10  }
0x38: {  	s10 =	sld [smem:$0x3FAA]  }
0x39: {  	_ = 	snop;
	(pc) =	sbr.ind lr, $3  }
0x3a: {  	_ = 	snop  }
0x3b: {  	_ = 	snop  }
0x3c: {  	p2 =	seq.s32 s10, $0x1;
	s10 =	sld [smem:$0x3FA9]  }
0x3d: {  	_ =	shalt  }
0x3e: {  	_ =	shalt  }
0x3f: {  	_ =	shalt  }
0x40: {  	_ =	shalt  }
0x41: {  	_ =	shalt  }
0x42: {  	_ =	shalt  }
0x43: {  	_ =	shalt  }
0x44: {  	_ =	shalt  }
0x45: {  	_ =	shalt  }
0x46: {  	_ =	shalt  }
0x47: {  	_ =	shalt  }
0x48: {  	_ =	shalt  }
0x49: {  	_ =	shalt  }
0x4a: {  	_ =	shalt  }
0x4b: {  	_ =	shalt  }
0x4c: {  	_ =	shalt  }
0x4d: {  	_ =	shalt  }
0x4e: {  	_ =	shalt  }
0x4f: {  	_ =	shalt  }
0x50: {  	_ =	shalt  }
0x51: {  	_ =	shalt  }
0x52: {  	_ =	shalt  }
0x53: {  	_ =	shalt  }
0x54: {  	_ =	shalt  }
0x55: {  	_ =	shalt  }
0x56: {  	_ =	shalt  }
0x57: {  	_ =	shalt  }
0x58: {  	_ =	shalt  }
0x59: {  	_ =	shalt  }
0x5a: {  	_ =	shalt  }
0x5b: {  	_ =	shalt  }
0x5c: {  	_ =	shalt  }
0x5d: {  	_ =	shalt  }
0x5e: {  	_ =	shalt  }
0x5f: {  	_ =	shalt  }
0x60: {  	_ =	shalt  }
0x61: {  	_ =	shalt  }
0x62: {  	_ =	shalt  }
0x63: {  	_ =	shalt  }
0x64: {  	_ =	shalt  }
0x65: {  	_ =	shalt  }
0x66: {  	_ =	shalt  }
0x67: {  	_ =	shalt  }
0x68: {  	_ =	shalt  }
0x69: {  	_ =	shalt  }
0x6a: {  	_ =	shalt  }
0x6b: {  	_ =	shalt  }
0x6c: {  	_ =	shalt  }
0x6d: {  	_ =	shalt  }
0x6e: {  	_ =	shalt  }
0x6f: {  	_ =	shalt  }
0x70: {  	_ =	shalt  }
0x71: {  	_ =	shalt  }
0x72: {  	_ =	shalt  }
0x73: {  	_ =	shalt  }
0x74: {  	_ =	shalt  }
0x75: {  	_ =	shalt  }
0x76: {  	_ =	shalt  }
0x77: {  	_ =	shalt  }
0x78: {  	_ =	shalt  }
0x79: {  	_ =	shalt  }
0x7a: {  	_ =	shalt  }
0x7b: {  	_ =	shalt  }
0x7c: {  	_ =	shalt  }
0x7d: {  	_ =	shalt  }
0x7e: {  	_ =	shalt  }
0x7f: {  	_ =	shalt  }
0x80: {  	_ =	shalt  }
0x81: {  	_ =	shalt  }
0x82: {  	_ =	shalt  }
0x83: {  	_ =	shalt  }
0x84: {  	_ =	shalt  }
0x85: {  	_ =	shalt  }
0x86: {  	_ =	shalt  }
0x87: {  	_ =	shalt  }
.Lfunc_end0:
.L_simem_size_0:
called_computation_lowered:
.L_overlay_start_0:
0x88: {  	s2 =	sld [smem:$0x3FD9]  }
0x89: {  	s3 =	sld [smem:$0x3FFE];
	_ =	sdelay $0x1  }
0x8a: {  	s1 =	srdreg.scid  }
0x8b: {  	s0 =	sand.u32 $0x1, s1  }
0x8c: {  	s17 =	sshll.u32 s0, $0xA;
	s2 =	sadd.s32 s3, s2  }
0x8d: {  	s2 =	sadd.s32 s2, s17  }
0x8e: {  	[smem:$0x3FB5] =	sst s2  }
0x8f: {  	_ = 	snop  }
0x90: {  	s2 =	sld [smem:$0x3FC6]  }
0x91: {  	s18 =	sld [smem:$0x3FC4]  }
0x92: {  	s4 =	sld [smem:$0x3FC2]  }
0x93: {  	s5 =	sld [smem:$0x3FD0];
	(tm) =	ssettm $0x1  }
0x94: {  	s6 =	sld [smem:$0x3FFB];
	_ =	sdelay $0x3  }
0x95: {  	_ =	strace s6  }
0x96: {  	s6 =	sld [smem:$0x3FFC];
	_ =	sdelay $0x3  }
0x97: {  	_ =	strace s6  }
0x98: {  	s6 =	sld [smem:$0x3FFD];
	_ =	sdelay $0x3  }
0x99: {  	_ =	strace s6  }
0x9a: {  	_ =	strace $0x8FFFFFFF  }
0x9b: {  	s19 =	sld [smem:$0x3FDB];
	_ =	sdelay $0x1  }
0x9c: {  	s7 =	simm.s32 $_scs_section_size  }
0x9d: {  	s8 =	simm.s32 $_size__tile_overlayer_lowered;
	s9 =	simm.s32 $_tile_overlayer_lowered  }
0x9e: {  	s22 =	simm.s32 $0x1BFF;
	s21 =	sshll.u32 s9, $0x1;
	s6 =	sadd.s32 s7, s19  }
0x9f: {  	s10 =	simm.s32 $0x0;
	s20 =	sshll.u32 s8, $0x1;
	s8 =	sadd.s32 s21, s6  }
0xa0: {  	[timem:s10], [sflag:s22] =	dma.local [hbm:s8], s20  }
0xa1: {  	_ =	swait.ge [sflag:s22], s20  }
0xa2: {  	s7 =	ssub.s32 $0x0, s20;
	[sflag:s22] =	ssyncset.done $0x0  }
0xa3: {  	[sflag:s22] =	ssyncadd.s32 s7;
	_ =	sdelay $0x1  }
0xa4: {  	s23 =	simm.s32 $0x1B8B  }
0xa5: {  	_ =	swait.ge [sflag:s23], $0x1  }
0xa6: {  	[sflag:s23] =	ssyncset.done $0x0  }
0xa7: {  	s25 =	simm.s32 $0x1B8E;
	s24 =	sld [smem:$0x3FFE];
	[sflag:s23] =	ssyncadd.s32 $0xFFFFFFFF  }
0xa8: {  	s26 =	simm.s32 $execute0_lowered;
	[smem:$0x3FD2] =	sst s25  }
0xa9: {  	s8 =	sshll.u32 s26, $0x1;
	_ =	strace $0x80000046;
	[dreg:$0x1] =	wrdreg $0xFFFFFFFF  }
0xaa: {  	s28 =	simm.s32 $_size_execute0_lowered;
	s6 =	sadd.s32 s6, s8;
	[dreg:$0x0] =	wrdreg $0x0  }
0xab: {  	s8 =	sshll.u32 s28, $0x1;
	[dreg:$0x2] =	wrdreg s6  }
0xac: {  	[dreg:$0x3] =	wrdreg s8  }
0xad: {  	[dreg:$0x4] =	wrdreg $0xC0  }
0xae: {  	_ =	task [dreg:s10], $0x5FFFF  }
0xaf: {  	[dreg:$0x1] =	wrdreg $0xFFFFFFFF  }
0xb0: {  	[dreg:$0x0] =	wrdreg $0x60  }
0xb1: {  	[dreg:$0x2] =	wrdreg s2  }
0xb2: {  	[dreg:$0x3] =	wrdreg s5  }
0xb3: {  	[dreg:$0x4] =	wrdreg s4  }
0xb4: {  	[dreg:$0x5] =	wrdreg s24  }
0xb5: {  	[dreg:$0x6] =	wrdreg s18  }
0xb6: {  	[dreg:$0x7] =	wrdreg $0x9  }
0xb7: {  	_ =	task.clear_ibuf [dreg:s10], $0x8FFFF;
	_ =	strace $0x90000046  }
0xb8: {  	s29 =	simm.s32 $0x9;
	_ =	strace $0x80000048  }
0xb9: {  	_ =	swait.ge [sflag:s29], $0x1  }
0xba: {  	[sflag:s29] =	ssyncadd.s32 $0xFFFFFFFF  }
0xbb: {  	_ =	strace $0x90000048  }
0xbc: {  	_ =	sfence  }
0xbd: {  	s30 =	sld [smem:$0x0];
	_ =	sdelay $0x2  }
0xbe: {  	s31 =	sshll.u32 s1, $0xD;
	s1 =	sshrl.u32 s1, $0x2  }
0xbf: {  	s3 =	sand.u32 $0x4000, s31;
	s1 =	sadd.s32 s1, s30  }
0xc0: {  	s0 =	sor.u32 s3, s0;
	s1 =	sshll.u32 s1, $0x11  }
0xc1: {  	s0 =	sor.u32 s1, s0  }
0xc2: {  	s0 =	sadd.s32 $0x8F2B, s0  }
0xc3: {  	[sflag:s0] =	ssyncadd.remote.s32 $0x1  }
0xc4: {  	_ =	sfence.sel $0xFFFF  }
0xc5: {  	[dreg:$0x0] =	wrdreg $0xFFFFFFFF;
	(pc) =	sbr.abs _section_cstart, $3  }
0xc6: {  	[dreg:$0x1] =	wrdreg $0xFFFFFFFF  }
0xc7: {  	_ =	task.clear_ibuf [dreg:s10], $0x2FFFF;
	_ =	strace $0x9FFFFFFF  }
0xc8: {  	(tm) =	ssettm $0x7FFFFFFF  }
0xc9: {  	_ =	shalt  }
tec
execute0_lowered:
.L_overlay_start_1:
0x0: {  	(tag) =	ssettag $0x1  }
0x1: {  	s0 =	srdreg.scid  }
0x2: {  	s2 =	rddreg [dreg:$0x2];
	s4 =	stileid.u32  }
0x3: {  	s5 =	rddreg [dreg:$0x4];
	s1 =	sand.u32 $0x1, s0;
	s4 =	sshll.u32 s4, $0x1  }
0x4: {  	s0 =	rddreg [dreg:$0x3];
	s3 =	ssub.s32 $0x2, s1;
	s4 =	sor.u32 s1, s4  }
0x5: {  	s26 =	sadd.s32 $0x10, s2;
	s6 =	sshrl.u32 s3, $0x1;
	s23 =	sshll.u32 s4, $0x3  }
0x6: {  	s24 =	sshll.u32 s4, $0xC;
	s1 =	ssub.s32 s3, s6;
	s3 =	sadd.s32 s5, s23  }
0x7: {  	s8 =	sadd.s32 $0x20, s2;
	s25 =	sadd.s32 s2, s24;
	[dreg:$0x6] =	wrdreg s3  }
0x8: {  	s17 =	sadd.s32 $0x30, s2;
	s9 =	sadd.s32 s24, s26;
	[dreg:$0x7] =	wrdreg s25  }
0x9: {  	s10 =	sadd.s32 $0x40, s2;
	s16 =	sadd.s32 s24, s8;
	[dreg:$0x8] =	wrdreg s9  }
0xa: {  	s11 =	sadd.s32 $0x50, s2;
	s12 =	sadd.s32 s24, s17;
	[dreg:$0xa] =	wrdreg s16  }
0xb: {  	s13 =	sadd.s32 $0x70, s2;
	s18 =	sadd.s32 s24, s10;
	[dreg:$0xb] =	wrdreg s12  }
0xc: {  	s14 =	sshllo.u32 s4, $0x1;
	s19 =	sadd.s32 s24, s11;
	[dreg:$0xc] =	wrdreg s18  }
0xd: {  	s21 =	sshll.u32 s14, $0xB;
	[dreg:$0xd] =	wrdreg s19;
	s3 =	sadd.s32 s24, s13  }
0xe: {  	s20 =	sadd.s32 $0x60, s2;
	s2 =	sadd.s32 s2, s21;
	[dreg:$0xf] =	wrdreg s3  }
0xf: {  	s22 =	sadd.s32 s21, s26;
	[dreg:$0x10] =	wrdreg s2  }
0x10: {  	s23 =	sadd.s32 s21, s8;
	[dreg:$0x11] =	wrdreg s22  }
0x11: {  	s25 =	sadd.s32 s21, s10;
	[dreg:$0x12] =	wrdreg s23  }
0x12: {  	s26 =	sadd.s32 s21, s11;
	[dreg:$0x14] =	wrdreg s25  }
0x13: {  	s5 =	smul.u32 $0x9000, s4;
	s6 =	sadd.s32 s21, s20;
	[dreg:$0x15] =	wrdreg s26  }
0x14: {  	s7 =	sadd.s32 $0x42800, s0;
	s8 =	sadd.s32 s21, s13;
	[dreg:$0x16] =	wrdreg s6  }
0x15: {  	s9 =	sadd.s32 $0x42810, s0;
	s15 =	sadd.s32 s7, s5;
	[dreg:$0x17] =	wrdreg s8  }
0x16: {  	s12 =	smul.u32 $0x4800, s14;
	s14 =	sadd.s32 s5, s9;
	[dreg:$0x9] =	wrdreg s15  }
0x17: {  	s3 =	simm.s32 $0x0;
	[dreg:$0x18] =	wrdreg s14  }
0x18: {  	s15 =	sadd.s32 s24, s20;
	[smem:$0x7FF] =	sst s3  }
0x19: {  	s18 =	sadd.s32 $0x42840, s0;
	s24 =	sadd.s32 s21, s17;
	[dreg:$0xe] =	wrdreg s15  }
0x1a: {  	s23 =	sadd.s32 $0x42860, s0;
	s20 =	sadd.s32 s5, s18;
	[dreg:$0x13] =	wrdreg s24  }
0x1b: {  	s25 =	sadd.s32 s5, s23;
	[dreg:$0x1b] =	wrdreg s20  }
0x1c: {  	s26 =	sadd.s32 s7, s12;
	[dreg:$0x1d] =	wrdreg s25  }
0x1d: {  	s2 =	sadd.s32 s12, s9;
	[dreg:$0x1f] =	wrdreg s26  }
0x1e: {  	s17 =	sadd.s32 $0x42830, s0;
	s13 =	sadd.s32 s12, s18;
	[smem:$0x7DF] =	sst s2  }
0x1f: {  	s21 =	sadd.s32 $0x42850, s0;
	s19 =	sadd.s32 s5, s17;
	[smem:$0x7E2] =	sst s13  }
0x20: {  	s22 =	sadd.s32 s5, s21;
	[dreg:$0x1a] =	wrdreg s19  }
0x21: {  	s8 =	sadd.s32 s12, s17;
	[dreg:$0x1c] =	wrdreg s22  }
0x22: {  	s14 =	sadd.s32 s12, s21;
	[smem:$0x7E1] =	sst s8  }
0x23: {  	s31 =	simm.s32 $0x9;
	s15 =	sadd.s32 $0x42820, s0;
	[smem:$0x7E3] =	sst s14  }
0x24: {  	s24 =	sadd.s32 $0x42870, s0;
	s16 =	sadd.s32 s5, s15;
	s14 =	rddreg [dreg:$0x1]  }
0x25: {  	s28 =	simm.s32 $0x80;
	s5 =	sadd.s32 s5, s24;
	[dreg:$0x19] =	wrdreg s16  }
0x26: {  	s18 =	sadd.s32 $0x162800, s0;
	s7 =	sadd.s32 s12, s15;
	[dreg:$0x1e] =	wrdreg s5  }
0x27: {  	s17 =	sshll.u32 s4, $0xB;
	s15 =	sadd.s32 s12, s23;
	[smem:$0x7E0] =	sst s7  }
0x28: {  	s19 =	sor.u32 $0x10000, s17;
	[smem:$0x7E4] =	sst s15;
	s16 =	sadd.s32 s12, s24  }
0x29: {  	s20 =	sadd.s32 $0x1E2800, s0;
	s21 =	sadd.s32 s18, s19;
	[smem:$0x7E5] =	sst s16  }
0x2a: {  	s22 =	sor.u32 $0x20000, s17;
	s5 =	sadd.s32 s20, s19;
	[smem:$0x7E6] =	sst s21  }
0x2b: {  	s29 =	simm.s32 $0x400;
	s23 =	sadd.s32 s18, s22;
	[smem:$0x7E7] =	sst s5  }
0x2c: {  	s26 =	sor.u32 $0x40000, s17;
	s7 =	sadd.s32 s20, s22;
	[smem:$0x7E8] =	sst s23  }
0x2d: {  	s9 =	sor.u32 $0x50000, s17;
	s8 =	sadd.s32 s18, s26;
	[smem:$0x7E9] =	sst s7  }
0x2e: {  	s11 =	sor.u32 $0x60000, s17;
	s10 =	sadd.s32 s18, s9;
	[smem:$0x7EC] =	sst s8  }
0x2f: {  	s30 =	simm.s32 $0x5;
	s12 =	sadd.s32 s18, s11;
	[smem:$0x7EE] =	sst s10  }
0x30: {  	s6 =	simm.s32 $0x6;
	s13 =	sadd.s32 s20, s11;
	[smem:$0x7F0] =	sst s12  }
0x31: {  	s2 =	sor.u32 $0x70000, s17;
	s15 =	sadd.s32 s18, s17;
	[smem:$0x7F1] =	sst s13  }
0x32: {  	s24 =	sor.u32 $0x30000, s17;
	s4 =	sadd.s32 s18, s2;
	[smem:$0x7F2] =	sst s15  }
0x33: {  	s2 =	sadd.s32 s20, s2;
	s19 =	sadd.s32 $0x200, s14;
	[smem:$0x7F4] =	sst s4  }
0x34: {  	s22 =	sadd.s32 $0x300, s14;
	s25 =	sadd.s32 s18, s24;
	[smem:$0x7F5] =	sst s2  }
0x35: {  	s11 =	simm.s32 $0x4;
	s5 =	sadd.s32 s20, s24;
	[smem:$0x7EA] =	sst s25  }
0x36: {  	s7 =	sadd.s32 s20, s26;
	s16 =	sadd.s32 s20, s17;
	[smem:$0x7EB] =	sst s5  }
0x37: {  	s21 =	sadd.s32 $0x22800, s0;
	s17 =	smax.u32 s1, $0x1;
	[smem:$0x7ED] =	sst s7  }
0x38: {  	s18 =	sadd.s32 $0x100, s14;
	s5 =	sadd.s32 s20, s9;
	[smem:$0x7F3] =	sst s16  }
0x39: {  	s23 =	sadd.s32 $0x400, s14;
	s24 =	sadd.s32 $0x500, s14;
	[smem:$0x7EF] =	sst s5  }
0x3a: {  	s26 =	sadd.s32 $0x700, s14;
	_ =	strace $0x80000047;
	[smem:$0x7F6] =	sst s17  }
0x3b: {  	s2 =	simm.s32 $0x5800;
	s4 =	simm.s32 $0x1;
	[smem:$0x7F7] =	sst s18  }
0x3c: {  	s10 =	simm.s32 $0x2;
	s12 =	simm.s32 $0x7;
	[smem:$0x7F8] =	sst s19  }
0x3d: {  	s13 =	simm.s32 $0x8;
	s20 =	sadd.s32 $0x2800, s0;
	[smem:$0x7F9] =	sst s22  }
0x3e: {  	s25 =	sadd.s32 $0x600, s14;
	s0 =	simm.s32 $0xEC80;
	[smem:$0x7FA] =	sst s23  }
0x3f: {  	s9 =	simm.s32 $0x12C80;
	s7 =	simm.s32 $0x4800;
	[smem:$0x7FB] =	sst s24  }
0x40: {  	s14 =	simm.s32 $0x0;
	s5 =	simm.s32 $0x3;
	[smem:$0x7FC] =	sst s25  }
0x41: {  	v2 =	vlaneseq.u32;
	[smem:$0x7FD] =	sst s26;
	s17 =	simm.s32 $0x800;
	s18 =	simm.s32 $0x1000  }
0x42: {  	vm0 =	vmmov $0xffff;
	v1 =	vshrl.u32 v2, $0x3;
	s19 =	simm.s32 $0x1800;
	s22 =	simm.s32 $0x2000;
	s23 =	simm.s32 $0x2800  }
0x43: {  	v0 =	vand.u32 $0x7, v2;
	v2 =	vor.u32 $0x8, v2;
	v1 =	vmul.u32 $0x8, v1;
	s24 =	simm.s32 $0x3000;
	s25 =	simm.s32 $0x3800;
	s26 =	simm.s32 $0x4000  }
.LBB2_1:
0x44: {  	s1 =	rddreg [dreg:$0x6];
	s8 =	simm.s32 $0xE800  }
0x45: {  	[tilespmem:s8], [sflag:$0x9] =	stream.linear.gather [hbm4b:s1+s3], $0x40, $0x38;
	[tilespmem:$0x16C80] =	vst v63  }
0x46: {  	_ =	swait.ge [sflag:s31], $0x40  }
0x47: {  	[sflag:s31] =	ssyncset.done $0x0  }
0x48: {  	[sflag:s31] =	ssyncadd.s32 $0xFFFFFFC0  }
0x49: {  	v3 =	vld [tilespmem:$0xE800]  }
0x4a: {  	v4 =	vld [tilespmem:$0xE810]  }
0x4b: {  	v5 =	vld [tilespmem:$0xE820]  }
0x4c: {  	v6 =	vld [tilespmem:$0xE830]  }
0x4d: {  	v7 =	vld [tilespmem:$0xE800]  }
0x4e: {  	v8 =	vld [tilespmem:$0xE810]  }
0x4f: {  	v9 =	vld [tilespmem:$0xE820];
	[tilespmem:$0xE880] =	vst v3  }
0x50: {  	[tilespmem:$0xE890] =	vst v4;
	v4 =	vld [tilespmem:$0xE830]  }
0x51: {  	[tilespmem:$0xE8A0] =	vst v5;
	v5 =	vld [tilespmem:$0xE800]  }
0x52: {  	v43 =	vld [tilespmem:$0xE810];
	[tilespmem:$0xE8B0] =	vst v6;
	v42 =	vadd.s32 $0x200, v7  }
0x53: {  	v45 =	vld [tilespmem:$0xE820];
	v44 =	vadd.s32 $0x200, v8;
	[tilespmem:$0xE900] =	vst v42  }
0x54: {  	v47 =	vld [tilespmem:$0xE830];
	v46 =	vadd.s32 $0x200, v9;
	[tilespmem:$0xE910] =	vst v44  }
0x55: {  	v48 =	vld [tilespmem:$0xE800];
	[tilespmem:$0xE920] =	vst v46;
	v4 =	vadd.s32 $0x200, v4  }
0x56: {  	[tilespmem:$0xE930] =	vst v4;
	v4 =	vadd.s32 $0x400, v5;
	v5 =	vld [tilespmem:$0xE810]  }
0x57: {  	v49 =	vld [tilespmem:$0xE820];
	[tilespmem:$0xE980] =	vst v4;
	v4 =	vadd.s32 $0x400, v43  }
0x58: {  	v50 =	vld [tilespmem:$0xE830];
	[tilespmem:$0xE990] =	vst v4;
	v4 =	vadd.s32 $0x400, v45  }
0x59: {  	v51 =	vld [tilespmem:$0xE800];
	[tilespmem:$0xE9A0] =	vst v4;
	v4 =	vadd.s32 $0x400, v47  }
0x5a: {  	v52 =	vld [tilespmem:$0xE810];
	[tilespmem:$0xE9B0] =	vst v4;
	v4 =	vadd.s32 $0x600, v48  }
0x5b: {  	[tilespmem:$0xEA00] =	vst v4;
	v4 =	vadd.s32 $0x600, v5;
	v5 =	vld [tilespmem:$0xE820]  }
0x5c: {  	v53 =	vld [tilespmem:$0xE830];
	[tilespmem:$0xEA10] =	vst v4;
	v4 =	vadd.s32 $0x600, v49  }
0x5d: {  	v54 =	vld [tilespmem:$0xE800];
	[tilespmem:$0xEA20] =	vst v4;
	v4 =	vadd.s32 $0x600, v50  }
0x5e: {  	v55 =	vld [tilespmem:$0xE810];
	[tilespmem:$0xEA30] =	vst v4;
	v4 =	vadd.s32 $0x800, v51  }
0x5f: {  	v56 =	vld [tilespmem:$0xE820];
	[tilespmem:$0xEA80] =	vst v4;
	v4 =	vadd.s32 $0x800, v52  }
0x60: {  	[tilespmem:$0xEA90] =	vst v4;
	v4 =	vadd.s32 $0x800, v5;
	v5 =	vld [tilespmem:$0xE830]  }
0x61: {  	v57 =	vld [tilespmem:$0xE800];
	[tilespmem:$0xEAA0] =	vst v4;
	v4 =	vadd.s32 $0x800, v53  }
0x62: {  	v58 =	vld [tilespmem:$0xE810];
	[tilespmem:$0xEAB0] =	vst v4;
	v4 =	vadd.s32 $0xA00, v54  }
0x63: {  	v59 =	vld [tilespmem:$0xE820];
	[tilespmem:$0xEB00] =	vst v4;
	v4 =	vadd.s32 $0xA00, v55  }
0x64: {  	v60 =	vld [tilespmem:$0xE830];
	[tilespmem:$0xEB10] =	vst v4;
	v4 =	vadd.s32 $0xA00, v56  }
0x65: {  	v10 =	vshll.u32 v3, $0x1;
	[tilespmem:$0xEB20] =	vst v4;
	v4 =	vadd.s32 $0xA00, v5;
	v5 =	vld [tilespmem:$0xE800]  }
0x66: {  	v61 =	vld [tilespmem:$0xE810];
	v3 =	vand.u32 $0x7, v3;
	v10 =	vand.u32 $0xFFFFFFF0, v10;
	[tilespmem:$0xEB30] =	vst v4;
	v4 =	vadd.s32 $0xC00, v57  }
0x67: {  	v62 =	vld [tilespmem:$0xE820];
	v3 =	vor.u32 v3, v10;
	[tilespmem:$0xEB80] =	vst v4;
	v4 =	vadd.s32 $0xC00, v58  }
0x68: {  	v63 =	vld [tilespmem:$0xE830];
	v10 =	vperm.xlane v3, v0;
	[tilespmem:$0xEB90] =	vst v4;
	v4 =	vadd.s32 $0xC00, v59  }
0x69: {  	[tilespmem:$0xEBA0] =	vst v4;
	v4 =	vadd.s32 $0xC00, v60  }
0x6a: {  	v3 =	vperm.xlane v3, v2;
	[tilespmem:$0xEBB0] =	vst v4;
	v4 =	vadd.s32 $0xE00, v5;
	v5 =	vadd.s32 v1, v10  }
0x6b: {  	[tilespmem:$0xEC00] =	vst v4;
	v4 =	vadd.s32 $0xE00, v61  }
0x6c: {  	v3 =	vadd.s32 v1, v3;
	[tilespmem:$0xEC10] =	vst v4;
	v4 =	vadd.s32 $0xE00, v62  }
0x6d: {  	[tilespmem:$0xEC20] =	vst v4;
	v4 =	vadd.s32 $0xE00, v63  }
0x6e: {  	[tilespmem:$0xEC30] =	vst v4  }
0x6f: {  	[tilespmem:s0], [sflag:$0x1] =	stream.indirect_vreg.gather [hbm4b:s20+s3], $0x80, v5, vm0, $0xb8;
	[tilespmem:$0x16C80] =	vst v63  }
0x70: {  	s15 =	simm.s32 $0xF480  }
0x71: {  	[tilespmem:s15], [sflag:$0x1] =	stream.indirect_vreg.gather [hbm4b:s20+s3], $0x80, v3, vm0, $0xb8;
	[tilespmem:$0x16C80] =	vst v63  }
0x72: {  	v3 =	vld [tilespmem:$0xE890];
	_ =	sdelay $0x4  }
0x73: {  	v4 =	vshll.u32 v3, $0x1  }
0x74: {  	v3 =	vand.u32 $0x7, v3;
	v4 =	vand.u32 $0xFFFFFFF0, v4  }
0x75: {  	v3 =	vor.u32 v3, v4  }
0x76: {  	v4 =	vperm.xlane v3, v0;
	_ =	sdelay $0x1  }
0x77: {  	v3 =	vperm.xlane v3, v2;
	v4 =	vadd.s32 v1, v4;
	_ =	sdelay $0x1  }
0x78: {  	v3 =	vadd.s32 v1, v3;
	_ =	sdelay $0x1  }
0x79: {  	s16 =	simm.s32 $0xFC80  }
0x7a: {  	[tilespmem:s16], [sflag:$0x1] =	stream.indirect_vreg.gather [hbm4b:s20+s3], $0x80, v4, vm0, $0xb8;
	[tilespmem:$0x16C80] =	vst v63  }
0x7b: {  	s8 =	simm.s32 $0x10480  }
0x7c: {  	[tilespmem:s8], [sflag:$0x1] =	stream.indirect_vreg.gather [hbm4b:s20+s3], $0x80, v3, vm0, $0xb8;
	[tilespmem:$0x16C80] =	vst v63  }
0x7d: {  	v3 =	vld [tilespmem:$0xE8A0];
	_ =	sdelay $0x4  }
0x7e: {  	v4 =	vshll.u32 v3, $0x1  }
0x7f: {  	v3 =	vand.u32 $0x7, v3;
	v4 =	vand.u32 $0xFFFFFFF0, v4  }
0x80: {  	v3 =	vor.u32 v3, v4  }
0x81: {  	v4 =	vperm.xlane v3, v0;
	_ =	sdelay $0x1  }
0x82: {  	v3 =	vperm.xlane v3, v2;
	v4 =	vadd.s32 v1, v4;
	_ =	sdelay $0x1  }
0x83: {  	v3 =	vadd.s32 v1, v3;
	_ =	sdelay $0x1  }
0x84: {  	s15 =	simm.s32 $0x10C80  }
0x85: {  	[tilespmem:s15], [sflag:$0x1] =	stream.indirect_vreg.gather [hbm4b:s20+s3], $0x80, v4, vm0, $0xb8;
	[tilespmem:$0x16C80] =	vst v63  }
0x86: {  	s16 =	simm.s32 $0x11480  }
0x87: {  	[tilespmem:s16], [sflag:$0x1] =	stream.indirect_vreg.gather [hbm4b:s20+s3], $0x80, v3, vm0, $0xb8;
	[tilespmem:$0x16C80] =	vst v63  }
0x88: {  	v3 =	vld [tilespmem:$0xE8B0];
	_ =	sdelay $0x4  }
0x89: {  	v4 =	vshll.u32 v3, $0x1  }
0x8a: {  	v3 =	vand.u32 $0x7, v3;
	v4 =	vand.u32 $0xFFFFFFF0, v4  }
0x8b: {  	v3 =	vor.u32 v3, v4  }
0x8c: {  	v4 =	vperm.xlane v3, v0;
	_ =	sdelay $0x1  }
0x8d: {  	v3 =	vperm.xlane v3, v2;
	v4 =	vadd.s32 v1, v4;
	_ =	sdelay $0x1  }
0x8e: {  	v3 =	vadd.s32 v1, v3;
	_ =	sdelay $0x1  }
0x8f: {  	s8 =	simm.s32 $0x11C80  }
0x90: {  	[tilespmem:s8], [sflag:$0x1] =	stream.indirect_vreg.gather [hbm4b:s20+s3], $0x80, v4, vm0, $0xb8;
	[tilespmem:$0x16C80] =	vst v63  }
0x91: {  	s15 =	simm.s32 $0x12480  }
0x92: {  	[tilespmem:s15], [sflag:$0x1] =	stream.indirect_vreg.gather [hbm4b:s20+s3], $0x80, v3, vm0, $0xb8;
	[tilespmem:$0x16C80] =	vst v63  }
0x93: {  	v3 =	vld [tilespmem:$0xE880];
	_ =	sdelay $0x4  }
0x94: {  	v4 =	vshll.u32 v3, $0x1  }
0x95: {  	v3 =	vand.u32 $0x7, v3;
	v4 =	vand.u32 $0xFFFFFFF0, v4  }
0x96: {  	v3 =	vor.u32 v3, v4  }
0x97: {  	v4 =	vperm.xlane v3, v0;
	_ =	sdelay $0x1  }
0x98: {  	v3 =	vperm.xlane v3, v2;
	v4 =	vadd.s32 v1, v4;
	_ =	sdelay $0x1  }
0x99: {  	v3 =	vadd.s32 v1, v3;
	_ =	sdelay $0x2  }
0x9a: {  	[tilespmem:s9], [sflag:$0x2] =	stream.indirect_vreg.gather [hbm4b:s21+s3], $0x80, v4, vm0, $0xb8;
	[tilespmem:$0x16C80] =	vst v63  }
0x9b: {  	s16 =	simm.s32 $0x13480  }
0x9c: {  	[tilespmem:s16], [sflag:$0x2] =	stream.indirect_vreg.gather [hbm4b:s21+s3], $0x80, v3, vm0, $0xb8;
	[tilespmem:$0x16C80] =	vst v63  }
0x9d: {  	v3 =	vld [tilespmem:$0xE890];
	_ =	sdelay $0x4  }
0x9e: {  	v4 =	vshll.u32 v3, $0x1  }
0x9f: {  	v3 =	vand.u32 $0x7, v3;
	v4 =	vand.u32 $0xFFFFFFF0, v4  }
0xa0: {  	v3 =	vor.u32 v3, v4  }
0xa1: {  	v4 =	vperm.xlane v3, v0;
	_ =	sdelay $0x1  }
0xa2: {  	v3 =	vperm.xlane v3, v2;
	v4 =	vadd.s32 v1, v4;
	_ =	sdelay $0x1  }
0xa3: {  	v3 =	vadd.s32 v1, v3;
	_ =	sdelay $0x1  }
0xa4: {  	s8 =	simm.s32 $0x13C80  }
0xa5: {  	[tilespmem:s8], [sflag:$0x2] =	stream.indirect_vreg.gather [hbm4b:s21+s3], $0x80, v4, vm0, $0xb8;
	[tilespmem:$0x16C80] =	vst v63  }
0xa6: {  	s15 =	simm.s32 $0x14480  }
0xa7: {  	[tilespmem:s15], [sflag:$0x2] =	stream.indirect_vreg.gather [hbm4b:s21+s3], $0x80, v3, vm0, $0xb8;
	[tilespmem:$0x16C80] =	vst v63  }
0xa8: {  	v3 =	vld [tilespmem:$0xE8A0];
	_ =	sdelay $0x4  }
0xa9: {  	v4 =	vshll.u32 v3, $0x1  }
0xaa: {  	v3 =	vand.u32 $0x7, v3;
	v4 =	vand.u32 $0xFFFFFFF0, v4  }
0xab: {  	v3 =	vor.u32 v3, v4  }
0xac: {  	v4 =	vperm.xlane v3, v0;
	_ =	sdelay $0x1  }
0xad: {  	v3 =	vperm.xlane v3, v2;
	v4 =	vadd.s32 v1, v4;
	_ =	sdelay $0x1  }
0xae: {  	v3 =	vadd.s32 v1, v3;
	_ =	sdelay $0x1  }
0xaf: {  	s16 =	simm.s32 $0x14C80  }
0xb0: {  	[tilespmem:s16], [sflag:$0x2] =	stream.indirect_vreg.gather [hbm4b:s21+s3], $0x80, v4, vm0, $0xb8;
	[tilespmem:$0x16C80] =	vst v63  }
0xb1: {  	s8 =	simm.s32 $0x15480  }
0xb2: {  	[tilespmem:s8], [sflag:$0x2] =	stream.indirect_vreg.gather [hbm4b:s21+s3], $0x80, v3, vm0, $0xb8;
	[tilespmem:$0x16C80] =	vst v63  }
0xb3: {  	v3 =	vld [tilespmem:$0xE8B0];
	_ =	sdelay $0x4  }
0xb4: {  	v4 =	vshll.u32 v3, $0x1  }
0xb5: {  	v3 =	vand.u32 $0x7, v3;
	v4 =	vand.u32 $0xFFFFFFF0, v4  }
0xb6: {  	v3 =	vor.u32 v3, v4  }
0xb7: {  	v4 =	vperm.xlane v3, v0;
	_ =	sdelay $0x1  }
0xb8: {  	v3 =	vperm.xlane v3, v2;
	v4 =	vadd.s32 v1, v4;
	_ =	sdelay $0x1  }
0xb9: {  	v3 =	vadd.s32 v1, v3;
	_ =	sdelay $0x1  }
0xba: {  	s15 =	simm.s32 $0x15C80  }
0xbb: {  	[tilespmem:s15], [sflag:$0x2] =	stream.indirect_vreg.gather [hbm4b:s21+s3], $0x80, v4, vm0, $0xb8;
	[tilespmem:$0x16C80] =	vst v63  }
0xbc: {  	s16 =	simm.s32 $0x16480  }
0xbd: {  	[tilespmem:s16], [sflag:$0x2] =	stream.indirect_vreg.gather [hbm4b:s21+s3], $0x80, v3, vm0, $0xb8;
	[tilespmem:$0x16C80] =	vst v63  }
0xbe: {  	s8 =	rddreg [dreg:$0x0]  }
0xbf: {  	[tilespmem:s3], [sflag:$0x9] =	stream.linear.gather [hbm4b:s8+s3], $0x800, $0x38;
	[tilespmem:$0x16C80] =	vst v63  }
0xc0: {  	_ =	swait.ge [sflag:s31], $0x800  }
0xc1: {  	[sflag:s31] =	ssyncset.done $0x0  }
0xc2: {  	[sflag:s31] =	ssyncadd.s32 $0xFFFFF800  }
0xc3: {  	s15 =	rddreg [dreg:$0x1]  }
0xc4: {  	[tilespmem:s17], [sflag:$0x9] =	stream.linear.gather [hbm4b:s15+s3], $0x800, $0x38;
	[tilespmem:$0x16C80] =	vst v63  }
0xc5: {  	_ =	swait.ge [sflag:s31], $0x800  }
0xc6: {  	s16 =	sld [smem:$0x7F7]  }
0xc7: {  	[sflag:s31] =	ssyncset.done $0x0  }
0xc8: {  	[sflag:s31] =	ssyncadd.s32 $0xFFFFF800  }
0xc9: {  	[tilespmem:s18], [sflag:$0x9] =	stream.linear.gather [hbm4b:s16+s3], $0x800, $0x38;
	[tilespmem:$0x16C80] =	vst v63  }
0xca: {  	_ =	swait.ge [sflag:s31], $0x800  }
0xcb: {  	s8 =	sld [smem:$0x7F8]  }
0xcc: {  	[sflag:s31] =	ssyncset.done $0x0  }
0xcd: {  	[sflag:s31] =	ssyncadd.s32 $0xFFFFF800  }
0xce: {  	[tilespmem:s19], [sflag:$0x9] =	stream.linear.gather [hbm4b:s8+s3], $0x800, $0x38;
	[tilespmem:$0x16C80] =	vst v63  }
0xcf: {  	_ =	swait.ge [sflag:s31], $0x800  }
0xd0: {  	s15 =	sld [smem:$0x7F9]  }
0xd1: {  	[sflag:s31] =	ssyncset.done $0x0  }
0xd2: {  	[sflag:s31] =	ssyncadd.s32 $0xFFFFF800  }
0xd3: {  	[tilespmem:s22], [sflag:$0x9] =	stream.linear.gather [hbm4b:s15+s3], $0x800, $0x38;
	[tilespmem:$0x16C80] =	vst v63  }
0xd4: {  	_ =	swait.ge [sflag:s31], $0x800  }
0xd5: {  	s16 =	sld [smem:$0x7FA]  }
0xd6: {  	[sflag:s31] =	ssyncset.done $0x0  }
0xd7: {  	[sflag:s31] =	ssyncadd.s32 $0xFFFFF800  }
0xd8: {  	[tilespmem:s23], [sflag:$0x9] =	stream.linear.gather [hbm4b:s16+s3], $0x800, $0x38;
	[tilespmem:$0x16C80] =	vst v63  }
0xd9: {  	_ =	swait.ge [sflag:s31], $0x800  }
0xda: {  	s8 =	sld [smem:$0x7FB]  }
0xdb: {  	[sflag:s31] =	ssyncset.done $0x0  }
0xdc: {  	[sflag:s31] =	ssyncadd.s32 $0xFFFFF800  }
0xdd: {  	[tilespmem:s24], [sflag:$0x9] =	stream.linear.gather [hbm4b:s8+s3], $0x800, $0x38;
	[tilespmem:$0x16C80] =	vst v63  }
0xde: {  	_ =	swait.ge [sflag:s31], $0x800  }
0xdf: {  	s15 =	sld [smem:$0x7FC]  }
0xe0: {  	[sflag:s31] =	ssyncset.done $0x0  }
0xe1: {  	[sflag:s31] =	ssyncadd.s32 $0xFFFFF800  }
0xe2: {  	[tilespmem:s25], [sflag:$0x9] =	stream.linear.gather [hbm4b:s15+s3], $0x800, $0x38;
	[tilespmem:$0x16C80] =	vst v63  }
0xe3: {  	_ =	swait.ge [sflag:s31], $0x800  }
0xe4: {  	s16 =	sld [smem:$0x7FD]  }
0xe5: {  	[sflag:s31] =	ssyncset.done $0x0  }
0xe6: {  	[sflag:s31] =	ssyncadd.s32 $0xFFFFF800  }
0xe7: {  	[tilespmem:s26], [sflag:$0x9] =	stream.linear.gather [hbm4b:s16+s3], $0x800, $0x38;
	[tilespmem:$0x16C80] =	vst v63  }
0xe8: {  	_ =	swait.ge [sflag:s31], $0x800  }
0xe9: {  	[sflag:s31] =	ssyncset.done $0x0  }
0xea: {  	s8 =	rddreg [dreg:$0x7];
	[sflag:s31] =	ssyncadd.s32 $0xFFFFF800  }
0xeb: {  	[tilespmem:s7], [sflag:$0x5] =	stream.strided.gather [hbm4b:s8+s28], $0x800, s29, s28, $0x38;
	[tilespmem:$0x16C80] =	vst v63  }
0xec: {  	_ =	swait.ge [sflag:s30], $0x800  }
0xed: {  	[sflag:s30] =	ssyncset.done $0x0  }
0xee: {  	s16 =	simm.s32 $0x5000;
	s15 =	rddreg [dreg:$0x8];
	[sflag:s30] =	ssyncadd.s32 $0xFFFFF800  }
0xef: {  	[tilespmem:s16], [sflag:$0x6] =	stream.strided.gather [hbm4b:s15+s28], $0x800, s29, s28, $0x38;
	[tilespmem:$0x16C80] =	vst v63  }
0xf0: {  	v3 =	vld [tilespmem:s7+$0x0];
	_ =	sdelay $0x7  }
0xf1: {  	v4 =	vld.idx.msk [tilespmem:v3+s3+$0x0], $0xffff;
	_ =	sdelay $0x3  }
0xf2: {  	s8 =	sand.u32 $0x7F0, s3  }
0xf3: {  	[tilespmem:s8+$0x9800] =	vst v4  }
0xf4: {  	v4 =	vld.idx.msk [tilespmem:v3+s17+$0x0], $0xffff;
	_ =	sdelay $0x4  }
0xf5: {  	[tilespmem:s2+$0x0] =	vst v4  }
0xf6: {  	v4 =	vld.idx.msk [tilespmem:v3+s18+$0x0], $0xffff;
	_ =	sdelay $0x4  }
0xf7: {  	[tilespmem:s8+$0x6000] =	vst v4  }
0xf8: {  	v4 =	vld.idx.msk [tilespmem:v3+s19+$0x0], $0xffff;
	_ =	sdelay $0x4  }
0xf9: {  	[tilespmem:s8+$0x6800] =	vst v4  }
0xfa: {  	v4 =	vld.idx.msk [tilespmem:v3+s22+$0x0], $0xffff;
	_ =	sdelay $0x4  }
0xfb: {  	[tilespmem:s8+$0x7000] =	vst v4  }
0xfc: {  	v4 =	vld.idx.msk [tilespmem:v3+s23+$0x0], $0xffff;
	_ =	sdelay $0x4  }
0xfd: {  	[tilespmem:s8+$0x7800] =	vst v4  }
0xfe: {  	v4 =	vld.idx.msk [tilespmem:v3+s24+$0x0], $0xffff;
	_ =	sdelay $0x4  }
0xff: {  	[tilespmem:s8+$0x8000] =	vst v4  }
0x100: {  	v4 =	vld.idx.msk [tilespmem:v3+s25+$0x0], $0xffff;
	_ =	sdelay $0x4  }
0x101: {  	[tilespmem:s8+$0x8800] =	vst v4  }
0x102: {  	s1 =	simm.s32 $0x5800;
	s15 =	simm.s32 $0x10;
	s16 =	simm.s32 $0x4800;
	v3 =	vld.idx.msk [tilespmem:v3+s26+$0x0], $0xffff  }
.LBB2_2:
0x103: {  	_ =	sdelay $0x3  }
0x104: {  	p0 =	sne.s32 s15, $0x7F0;
	s16 =	sadd.s32 $0x10, s16;
	s1 =	sadd.s32 $0x10, s1;
	[tilespmem:s8+$0x9000] =	vst v3  }
0x105: {  	s8 =	smov.u32 s15;
	s15 =	sadd.s32 $0x10, s15;
	v3 =	vld [tilespmem:s16+$0x0];
	_ =	sdelay $0x7  }
0x106: {  	v4 =	vld.idx.msk [tilespmem:v3+s3+$0x0], $0xffff;
	_ =	sdelay $0x4  }
0x107: {  	s8 =	sand.u32 $0x7F0, s8  }
0x108: {  	[tilespmem:s8+$0x9800] =	vst v4  }
0x109: {  	v4 =	vld.idx.msk [tilespmem:v3+s17+$0x0], $0xffff;
	_ =	sdelay $0x5  }
0x10a: {  	[tilespmem:s1+$0x0] =	vst v4  }
0x10b: {  	v4 =	vld.idx.msk [tilespmem:v3+s18+$0x0], $0xffff;
	_ =	sdelay $0x5  }
0x10c: {  	[tilespmem:s8+$0x6000] =	vst v4  }
0x10d: {  	v4 =	vld.idx.msk [tilespmem:v3+s19+$0x0], $0xffff;
	_ =	sdelay $0x5  }
0x10e: {  	[tilespmem:s8+$0x6800] =	vst v4  }
0x10f: {  	v4 =	vld.idx.msk [tilespmem:v3+s22+$0x0], $0xffff;
	_ =	sdelay $0x5  }
0x110: {  	[tilespmem:s8+$0x7000] =	vst v4  }
0x111: {  	v4 =	vld.idx.msk [tilespmem:v3+s23+$0x0], $0xffff;
	_ =	sdelay $0x5  }
0x112: {  	[tilespmem:s8+$0x7800] =	vst v4  }
0x113: {  	v4 =	vld.idx.msk [tilespmem:v3+s24+$0x0], $0xffff;
	_ =	sdelay $0x5  }
0x114: {  	[tilespmem:s8+$0x8000] =	vst v4  }
0x115: {  	v4 =	vld.idx.msk [tilespmem:v3+s25+$0x0], $0xffff;
	_ =	sdelay $0x2  }
.Ltmp0:
0x116: {  	(pc) =	sbr.rel @p0 .LBB2_2-.Ltmp0, $3  }
0x117: {  	_ =	sdelay $0x1  }
0x118: {  	[tilespmem:s8+$0x8800] =	vst v4  }
0x119: {  	v3 =	vld.idx.msk [tilespmem:v3+s26+$0x0], $0xffff  }
0x11a: {  	_ =	sdelay $0x3  }
0x11b: {  	s1 =	rddreg [dreg:$0x9];
	[tilespmem:s8+$0x9000] =	vst v3  }
0x11c: {  	[hbm4b:s1+s28] =	stream.strided.scatter [tilespmem:s2], [sflag:$0x7], $0x4800, s29, s28, $0x38;
	[tilespmem:$0x16C80] =	vst v63  }
0x11d: {  	_ =	swait.ge [sflag:s4], $0x4000  }
0x11e: {  	s16 =	sld [smem:$0x7F2]  }
0x11f: {  	[sflag:s4] =	ssyncset.done $0x0  }
0x120: {  	s1 =	simm.s32 $0x0;
	[sflag:s4] =	ssyncadd.s32 $0xFFFFC000  }
0x121: {  	[hbm4b:s16+s1] =	stream.linear.scatter [tilespmem:s0], [sflag:$0x3], $0x4000, $0x38;
	[tilespmem:$0x16C80] =	vst v63  }
0x122: {  	_ =	swait.ge [sflag:s5], $0x4000  }
0x123: {  	[sflag:s5] =	ssyncset.done $0x0  }
0x124: {  	[sflag:s5] =	ssyncadd.s32 $0xFFFFC000  }
0x125: {  	v3 =	vld [tilespmem:$0xE900];
	_ =	sdelay $0x4  }
0x126: {  	v4 =	vshll.u32 v3, $0x1  }
0x127: {  	v3 =	vand.u32 $0x7, v3;
	v4 =	vand.u32 $0xFFFFFFF0, v4  }
0x128: {  	v3 =	vor.u32 v3, v4  }
0x129: {  	v4 =	vperm.xlane v3, v0;
	_ =	sdelay $0x1  }
0x12a: {  	v3 =	vperm.xlane v3, v2;
	v4 =	vadd.s32 v1, v4;
	_ =	sdelay $0x1  }
0x12b: {  	v3 =	vadd.s32 v1, v3;
	_ =	sdelay $0x2  }
0x12c: {  	[tilespmem:s0], [sflag:$0x1] =	stream.indirect_vreg.gather [hbm4b:s20+s1], $0x80, v4, vm0, $0xb8;
	[tilespmem:$0x16C80] =	vst v63  }
0x12d: {  	s15 =	simm.s32 $0xF480  }
0x12e: {  	[tilespmem:s15], [sflag:$0x1] =	stream.indirect_vreg.gather [hbm4b:s20+s1], $0x80, v3, vm0, $0xb8;
	[tilespmem:$0x16C80] =	vst v63  }
0x12f: {  	v3 =	vld [tilespmem:$0xE910];
	_ =	sdelay $0x4  }
0x130: {  	v4 =	vshll.u32 v3, $0x1  }
0x131: {  	v3 =	vand.u32 $0x7, v3;
	v4 =	vand.u32 $0xFFFFFFF0, v4  }
0x132: {  	v3 =	vor.u32 v3, v4  }
0x133: {  	v4 =	vperm.xlane v3, v0;
	_ =	sdelay $0x1  }
0x134: {  	v3 =	vperm.xlane v3, v2;
	v4 =	vadd.s32 v1, v4;
	_ =	sdelay $0x1  }
0x135: {  	v3 =	vadd.s32 v1, v3;
	_ =	sdelay $0x1  }
0x136: {  	s16 =	simm.s32 $0xFC80  }
0x137: {  	[tilespmem:s16], [sflag:$0x1] =	stream.indirect_vreg.gather [hbm4b:s20+s1], $0x80, v4, vm0, $0xb8;
	[tilespmem:$0x16C80] =	vst v63  }
0x138: {  	s15 =	simm.s32 $0x10480  }
0x139: {  	[tilespmem:s15], [sflag:$0x1] =	stream.indirect_vreg.gather [hbm4b:s20+s1], $0x80, v3, vm0, $0xb8;
	[tilespmem:$0x16C80] =	vst v63  }
0x13a: {  	v3 =	vld [tilespmem:$0xE920];
	_ =	sdelay $0x4  }
0x13b: {  	v4 =	vshll.u32 v3, $0x1  }
0x13c: {  	v3 =	vand.u32 $0x7, v3;
	v4 =	vand.u32 $0xFFFFFFF0, v4  }
0x13d: {  	v3 =	vor.u32 v3, v4  }
0x13e: {  	v4 =	vperm.xlane v3, v0;
	_ =	sdelay $0x1  }
0x13f: {  	v3 =	vperm.xlane v3, v2;
	v4 =	vadd.s32 v1, v4;
	_ =	sdelay $0x1  }
0x140: {  	v3 =	vadd.s32 v1, v3;
	_ =	sdelay $0x1  }
0x141: {  	s16 =	simm.s32 $0x10C80  }
0x142: {  	[tilespmem:s16], [sflag:$0x1] =	stream.indirect_vreg.gather [hbm4b:s20+s1], $0x80, v4, vm0, $0xb8;
	[tilespmem:$0x16C80] =	vst v63  }
0x143: {  	s15 =	simm.s32 $0x11480  }
0x144: {  	[tilespmem:s15], [sflag:$0x1] =	stream.indirect_vreg.gather [hbm4b:s20+s1], $0x80, v3, vm0, $0xb8;
	[tilespmem:$0x16C80] =	vst v63  }
0x145: {  	v3 =	vld [tilespmem:$0xE930];
	_ =	sdelay $0x4  }
0x146: {  	v4 =	vshll.u32 v3, $0x1  }
0x147: {  	v3 =	vand.u32 $0x7, v3;
	v4 =	vand.u32 $0xFFFFFFF0, v4  }
0x148: {  	v3 =	vor.u32 v3, v4  }
0x149: {  	v4 =	vperm.xlane v3, v0;
	_ =	sdelay $0x1  }
0x14a: {  	v3 =	vperm.xlane v3, v2;
	v4 =	vadd.s32 v1, v4;
	_ =	sdelay $0x1  }
0x14b: {  	v3 =	vadd.s32 v1, v3;
	_ =	sdelay $0x1  }
0x14c: {  	s16 =	simm.s32 $0x11C80  }
0x14d: {  	[tilespmem:s16], [sflag:$0x1] =	stream.indirect_vreg.gather [hbm4b:s20+s1], $0x80, v4, vm0, $0xb8;
	[tilespmem:$0x16C80] =	vst v63  }
0x14e: {  	s15 =	simm.s32 $0x12480  }
0x14f: {  	[tilespmem:s15], [sflag:$0x1] =	stream.indirect_vreg.gather [hbm4b:s20+s1], $0x80, v3, vm0, $0xb8;
	[tilespmem:$0x16C80] =	vst v63  }
0x150: {  	_ =	swait.ge [sflag:s6], $0x800  }
0x151: {  	[sflag:s6] =	ssyncset.done $0x0  }
0x152: {  	s15 =	simm.s32 $0x5000;
	s16 =	rddreg [dreg:$0xa];
	[sflag:s6] =	ssyncadd.s32 $0xFFFFF800  }
0x153: {  	[tilespmem:s7], [sflag:$0x5] =	stream.strided.gather [hbm4b:s16+s28], $0x800, s29, s28, $0x38;
	[tilespmem:$0x16C80] =	vst v63  }
0x154: {  	v3 =	vld [tilespmem:s15+$0x0];
	_ =	sdelay $0x7  }
0x155: {  	v4 =	vld.idx.msk [tilespmem:v3+s3+$0x0], $0xffff;
	_ =	sdelay $0x3  }
0x156: {  	s8 =	sand.u32 $0x7F0, s1  }
0x157: {  	[tilespmem:s8+$0xE000] =	vst v4  }
0x158: {  	v4 =	vld.idx.msk [tilespmem:v3+s17+$0x0], $0xffff;
	_ =	sdelay $0x3  }
0x159: {  	s16 =	simm.s32 $0xA000  }
0x15a: {  	[tilespmem:s16+$0x0] =	vst v4  }
0x15b: {  	v4 =	vld.idx.msk [tilespmem:v3+s18+$0x0], $0xffff;
	_ =	sdelay $0x4  }
0x15c: {  	[tilespmem:s8+$0xA800] =	vst v4  }
0x15d: {  	v4 =	vld.idx.msk [tilespmem:v3+s19+$0x0], $0xffff;
	_ =	sdelay $0x4  }
0x15e: {  	[tilespmem:s8+$0xB000] =	vst v4  }
0x15f: {  	v4 =	vld.idx.msk [tilespmem:v3+s22+$0x0], $0xffff;
	_ =	sdelay $0x4  }
0x160: {  	[tilespmem:s8+$0xB800] =	vst v4  }
0x161: {  	v4 =	vld.idx.msk [tilespmem:v3+s23+$0x0], $0xffff;
	_ =	sdelay $0x4  }
0x162: {  	[tilespmem:s8+$0xC000] =	vst v4  }
0x163: {  	v4 =	vld.idx.msk [tilespmem:v3+s24+$0x0], $0xffff;
	_ =	sdelay $0x4  }
0x164: {  	[tilespmem:s8+$0xC800] =	vst v4  }
0x165: {  	v4 =	vld.idx.msk [tilespmem:v3+s25+$0x0], $0xffff;
	_ =	sdelay $0x4  }
0x166: {  	[tilespmem:s8+$0xD000] =	vst v4  }
0x167: {  	s1 =	simm.s32 $0x10;
	v3 =	vld.idx.msk [tilespmem:v3+s26+$0x0], $0xffff  }
.LBB2_4:
0x168: {  	_ =	sdelay $0x3  }
0x169: {  	p0 =	sne.s32 s1, $0x7F0;
	s15 =	sadd.s32 $0x10, s15;
	s16 =	sadd.s32 $0x10, s16;
	[tilespmem:s8+$0xD800] =	vst v3  }
0x16a: {  	s8 =	smov.u32 s1;
	s1 =	sadd.s32 $0x10, s1;
	v3 =	vld [tilespmem:s15+$0x0];
	_ =	sdelay $0x7  }
0x16b: {  	v4 =	vld.idx.msk [tilespmem:v3+s3+$0x0], $0xffff;
	_ =	sdelay $0x4  }
0x16c: {  	s8 =	sand.u32 $0x7F0, s8  }
0x16d: {  	[tilespmem:s8+$0xE000] =	vst v4  }
0x16e: {  	v4 =	vld.idx.msk [tilespmem:v3+s17+$0x0], $0xffff;
	_ =	sdelay $0x5  }
0x16f: {  	[tilespmem:s16+$0x0] =	vst v4  }
0x170: {  	v4 =	vld.idx.msk [tilespmem:v3+s18+$0x0], $0xffff;
	_ =	sdelay $0x5  }
0x171: {  	[tilespmem:s8+$0xA800] =	vst v4  }
0x172: {  	v4 =	vld.idx.msk [tilespmem:v3+s19+$0x0], $0xffff;
	_ =	sdelay $0x5  }
0x173: {  	[tilespmem:s8+$0xB000] =	vst v4  }
0x174: {  	v4 =	vld.idx.msk [tilespmem:v3+s22+$0x0], $0xffff;
	_ =	sdelay $0x5  }
0x175: {  	[tilespmem:s8+$0xB800] =	vst v4  }
0x176: {  	v4 =	vld.idx.msk [tilespmem:v3+s23+$0x0], $0xffff;
	_ =	sdelay $0x5  }
0x177: {  	[tilespmem:s8+$0xC000] =	vst v4  }
0x178: {  	v4 =	vld.idx.msk [tilespmem:v3+s24+$0x0], $0xffff;
	_ =	sdelay $0x5  }
0x179: {  	[tilespmem:s8+$0xC800] =	vst v4  }
0x17a: {  	v4 =	vld.idx.msk [tilespmem:v3+s25+$0x0], $0xffff;
	_ =	sdelay $0x2  }
.Ltmp1:
0x17b: {  	(pc) =	sbr.rel @p0 .LBB2_4-.Ltmp1, $3  }
0x17c: {  	_ =	sdelay $0x1  }
0x17d: {  	[tilespmem:s8+$0xD000] =	vst v4  }
0x17e: {  	v3 =	vld.idx.msk [tilespmem:v3+s26+$0x0], $0xffff  }
0x17f: {  	_ =	sdelay $0x3  }
0x180: {  	s1 =	rddreg [dreg:$0x18];
	s15 =	simm.s32 $0xA000;
	[tilespmem:s8+$0xD800] =	vst v3  }
0x181: {  	[hbm4b:s1+s28] =	stream.strided.scatter [tilespmem:s15], [sflag:$0x8], $0x4800, s29, s28, $0x38;
	[tilespmem:$0x16C80] =	vst v63  }
0x182: {  	_ =	swait.ge [sflag:s10], $0x4000  }
0x183: {  	s16 =	sld [smem:$0x7F3]  }
0x184: {  	[sflag:s10] =	ssyncset.done $0x0  }
0x185: {  	s1 =	simm.s32 $0x0;
	[sflag:s10] =	ssyncadd.s32 $0xFFFFC000  }
0x186: {  	[hbm4b:s16+s1] =	stream.linear.scatter [tilespmem:s9], [sflag:$0x4], $0x4000, $0x38;
	[tilespmem:$0x16C80] =	vst v63  }
0x187: {  	_ =	swait.ge [sflag:s11], $0x4000  }
0x188: {  	[sflag:s11] =	ssyncset.done $0x0  }
0x189: {  	[sflag:s11] =	ssyncadd.s32 $0xFFFFC000  }
0x18a: {  	v3 =	vld [tilespmem:$0xE900];
	_ =	sdelay $0x4  }
0x18b: {  	v4 =	vshll.u32 v3, $0x1  }
0x18c: {  	v3 =	vand.u32 $0x7, v3;
	v4 =	vand.u32 $0xFFFFFFF0, v4  }
0x18d: {  	v3 =	vor.u32 v3, v4  }
0x18e: {  	v4 =	vperm.xlane v3, v0;
	_ =	sdelay $0x1  }
0x18f: {  	v3 =	vperm.xlane v3, v2;
	v4 =	vadd.s32 v1, v4;
	_ =	sdelay $0x1  }
0x190: {  	v3 =	vadd.s32 v1, v3;
	_ =	sdelay $0x2  }
0x191: {  	[tilespmem:s9], [sflag:$0x2] =	stream.indirect_vreg.gather [hbm4b:s21+s1], $0x80, v4, vm0, $0xb8;
	[tilespmem:$0x16C80] =	vst v63  }
0x192: {  	s15 =	simm.s32 $0x13480  }
0x193: {  	[tilespmem:s15], [sflag:$0x2] =	stream.indirect_vreg.gather [hbm4b:s21+s1], $0x80, v3, vm0, $0xb8;
	[tilespmem:$0x16C80] =	vst v63  }
0x194: {  	v3 =	vld [tilespmem:$0xE910];
	_ =	sdelay $0x4  }
0x195: {  	v4 =	vshll.u32 v3, $0x1  }
0x196: {  	v3 =	vand.u32 $0x7, v3;
	v4 =	vand.u32 $0xFFFFFFF0, v4  }
0x197: {  	v3 =	vor.u32 v3, v4  }
0x198: {  	v4 =	vperm.xlane v3, v0;
	_ =	sdelay $0x1  }
0x199: {  	v3 =	vperm.xlane v3, v2;
	v4 =	vadd.s32 v1, v4;
	_ =	sdelay $0x1  }
0x19a: {  	v3 =	vadd.s32 v1, v3;
	_ =	sdelay $0x1  }
0x19b: {  	s16 =	simm.s32 $0x13C80  }
0x19c: {  	[tilespmem:s16], [sflag:$0x2] =	stream.indirect_vreg.gather [hbm4b:s21+s1], $0x80, v4, vm0, $0xb8;
	[tilespmem:$0x16C80] =	vst v63  }
0x19d: {  	s15 =	simm.s32 $0x14480  }
0x19e: {  	[tilespmem:s15], [sflag:$0x2] =	stream.indirect_vreg.gather [hbm4b:s21+s1], $0x80, v3, vm0, $0xb8;
	[tilespmem:$0x16C80] =	vst v63  }
0x19f: {  	v3 =	vld [tilespmem:$0xE920];
	_ =	sdelay $0x4  }
0x1a0: {  	v4 =	vshll.u32 v3, $0x1  }
0x1a1: {  	v3 =	vand.u32 $0x7, v3;
	v4 =	vand.u32 $0xFFFFFFF0, v4  }
0x1a2: {  	v3 =	vor.u32 v3, v4  }
0x1a3: {  	v4 =	vperm.xlane v3, v0;
	_ =	sdelay $0x1  }
0x1a4: {  	v3 =	vperm.xlane v3, v2;
	v4 =	vadd.s32 v1, v4;
	_ =	sdelay $0x1  }
0x1a5: {  	v3 =	vadd.s32 v1, v3;
	_ =	sdelay $0x1  }
0x1a6: {  	s16 =	simm.s32 $0x14C80  }
0x1a7: {  	[tilespmem:s16], [sflag:$0x2] =	stream.indirect_vreg.gather [hbm4b:s21+s1], $0x80, v4, vm0, $0xb8;
	[tilespmem:$0x16C80] =	vst v63  }
0x1a8: {  	s15 =	simm.s32 $0x15480  }
0x1a9: {  	[tilespmem:s15], [sflag:$0x2] =	stream.indirect_vreg.gather [hbm4b:s21+s1], $0x80, v3, vm0, $0xb8;
	[tilespmem:$0x16C80] =	vst v63  }
0x1aa: {  	v3 =	vld [tilespmem:$0xE930];
	_ =	sdelay $0x4  }
0x1ab: {  	v4 =	vshll.u32 v3, $0x1  }
0x1ac: {  	v3 =	vand.u32 $0x7, v3;
	v4 =	vand.u32 $0xFFFFFFF0, v4  }
0x1ad: {  	v3 =	vor.u32 v3, v4  }
0x1ae: {  	v4 =	vperm.xlane v3, v0;
	_ =	sdelay $0x1  }
0x1af: {  	v3 =	vperm.xlane v3, v2;
	v4 =	vadd.s32 v1, v4;
	_ =	sdelay $0x1  }
0x1b0: {  	v3 =	vadd.s32 v1, v3;
	_ =	sdelay $0x1  }
0x1b1: {  	s16 =	simm.s32 $0x15C80  }
0x1b2: {  	[tilespmem:s16], [sflag:$0x2] =	stream.indirect_vreg.gather [hbm4b:s21+s1], $0x80, v4, vm0, $0xb8;
	[tilespmem:$0x16C80] =	vst v63  }
0x1b3: {  	s15 =	simm.s32 $0x16480  }
0x1b4: {  	[tilespmem:s15], [sflag:$0x2] =	stream.indirect_vreg.gather [hbm4b:s21+s1], $0x80, v3, vm0, $0xb8;
	[tilespmem:$0x16C80] =	vst v63  }
0x1b5: {  	_ =	swait.ge [sflag:s30], $0x800  }
0x1b6: {  	[sflag:s30] =	ssyncset.done $0x0  }
0x1b7: {  	s15 =	simm.s32 $0x5000;
	s16 =	rddreg [dreg:$0xb];
	[sflag:s30] =	ssyncadd.s32 $0xFFFFF800  }
0x1b8: {  	[tilespmem:s15], [sflag:$0x6] =	stream.strided.gather [hbm4b:s16+s28], $0x800, s29, s28, $0x38;
	[tilespmem:$0x16C80] =	vst v63  }
0x1b9: {  	_ =	swait.ge [sflag:s12], $0x4800  }
0x1ba: {  	[sflag:s12] =	ssyncset.done $0x0  }
0x1bb: {  	s15 =	simm.s32 $0x4800;
	[sflag:s12] =	ssyncadd.s32 $0xFFFFB800  }
0x1bc: {  	v3 =	vld [tilespmem:s15+$0x0];
	_ =	sdelay $0x7  }
0x1bd: {  	v4 =	vld.idx.msk [tilespmem:v3+s3+$0x0], $0xffff;
	_ =	sdelay $0x3  }
0x1be: {  	s8 =	sand.u32 $0x7F0, s1  }
0x1bf: {  	[tilespmem:s8+$0x9800] =	vst v4  }
0x1c0: {  	v4 =	vld.idx.msk [tilespmem:v3+s17+$0x0], $0xffff;
	_ =	sdelay $0x3  }
0x1c1: {  	s16 =	simm.s32 $0x5800  }
0x1c2: {  	[tilespmem:s16+$0x0] =	vst v4  }
0x1c3: {  	v4 =	vld.idx.msk [tilespmem:v3+s18+$0x0], $0xffff;
	_ =	sdelay $0x4  }
0x1c4: {  	[tilespmem:s8+$0x6000] =	vst v4  }
0x1c5: {  	v4 =	vld.idx.msk [tilespmem:v3+s19+$0x0], $0xffff;
	_ =	sdelay $0x4  }
0x1c6: {  	[tilespmem:s8+$0x6800] =	vst v4  }
0x1c7: {  	v4 =	vld.idx.msk [tilespmem:v3+s22+$0x0], $0xffff;
	_ =	sdelay $0x4  }
0x1c8: {  	[tilespmem:s8+$0x7000] =	vst v4  }
0x1c9: {  	v4 =	vld.idx.msk [tilespmem:v3+s23+$0x0], $0xffff;
	_ =	sdelay $0x4  }
0x1ca: {  	[tilespmem:s8+$0x7800] =	vst v4  }
0x1cb: {  	v4 =	vld.idx.msk [tilespmem:v3+s24+$0x0], $0xffff;
	_ =	sdelay $0x4  }
0x1cc: {  	[tilespmem:s8+$0x8000] =	vst v4  }
0x1cd: {  	v4 =	vld.idx.msk [tilespmem:v3+s25+$0x0], $0xffff;
	_ =	sdelay $0x4  }
0x1ce: {  	[tilespmem:s8+$0x8800] =	vst v4  }
0x1cf: {  	s1 =	simm.s32 $0x10;
	v3 =	vld.idx.msk [tilespmem:v3+s26+$0x0], $0xffff  }
.LBB2_6:
0x1d0: {  	_ =	sdelay $0x3  }
0x1d1: {  	p0 =	sne.s32 s1, $0x7F0;
	s15 =	sadd.s32 $0x10, s15;
	s16 =	sadd.s32 $0x10, s16;
	[tilespmem:s8+$0x9000] =	vst v3  }
0x1d2: {  	s8 =	smov.u32 s1;
	s1 =	sadd.s32 $0x10, s1;
	v3 =	vld [tilespmem:s15+$0x0];
	_ =	sdelay $0x7  }
0x1d3: {  	v4 =	vld.idx.msk [tilespmem:v3+s3+$0x0], $0xffff;
	_ =	sdelay $0x4  }
0x1d4: {  	s8 =	sand.u32 $0x7F0, s8  }
0x1d5: {  	[tilespmem:s8+$0x9800] =	vst v4  }
0x1d6: {  	v4 =	vld.idx.msk [tilespmem:v3+s17+$0x0], $0xffff;
	_ =	sdelay $0x5  }
0x1d7: {  	[tilespmem:s16+$0x0] =	vst v4  }
0x1d8: {  	v4 =	vld.idx.msk [tilespmem:v3+s18+$0x0], $0xffff;
	_ =	sdelay $0x5  }
0x1d9: {  	[tilespmem:s8+$0x6000] =	vst v4  }
0x1da: {  	v4 =	vld.idx.msk [tilespmem:v3+s19+$0x0], $0xffff;
	_ =	sdelay $0x5  }
0x1db: {  	[tilespmem:s8+$0x6800] =	vst v4  }
0x1dc: {  	v4 =	vld.idx.msk [tilespmem:v3+s22+$0x0], $0xffff;
	_ =	sdelay $0x5  }
0x1dd: {  	[tilespmem:s8+$0x7000] =	vst v4  }
0x1de: {  	v4 =	vld.idx.msk [tilespmem:v3+s23+$0x0], $0xffff;
	_ =	sdelay $0x5  }
0x1df: {  	[tilespmem:s8+$0x7800] =	vst v4  }
0x1e0: {  	v4 =	vld.idx.msk [tilespmem:v3+s24+$0x0], $0xffff;
	_ =	sdelay $0x5  }
0x1e1: {  	[tilespmem:s8+$0x8000] =	vst v4  }
0x1e2: {  	v4 =	vld.idx.msk [tilespmem:v3+s25+$0x0], $0xffff;
	_ =	sdelay $0x2  }
.Ltmp2:
0x1e3: {  	(pc) =	sbr.rel @p0 .LBB2_6-.Ltmp2, $3  }
0x1e4: {  	_ =	sdelay $0x1  }
0x1e5: {  	[tilespmem:s8+$0x8800] =	vst v4  }
0x1e6: {  	v3 =	vld.idx.msk [tilespmem:v3+s26+$0x0], $0xffff  }
0x1e7: {  	_ =	sdelay $0x3  }
0x1e8: {  	s1 =	rddreg [dreg:$0x19];
	[tilespmem:s8+$0x9000] =	vst v3  }
0x1e9: {  	[hbm4b:s1+s28] =	stream.strided.scatter [tilespmem:s2], [sflag:$0x7], $0x4800, s29, s28, $0x38;
	[tilespmem:$0x16C80] =	vst v63  }
0x1ea: {  	_ =	swait.ge [sflag:s4], $0x4000  }
0x1eb: {  	s16 =	sld [smem:$0x7E6]  }
0x1ec: {  	[sflag:s4] =	ssyncset.done $0x0  }
0x1ed: {  	s1 =	simm.s32 $0x0;
	[sflag:s4] =	ssyncadd.s32 $0xFFFFC000  }
0x1ee: {  	[hbm4b:s16+s1] =	stream.linear.scatter [tilespmem:s0], [sflag:$0x3], $0x4000, $0x38;
	[tilespmem:$0x16C80] =	vst v63  }
0x1ef: {  	_ =	swait.ge [sflag:s5], $0x4000  }
0x1f0: {  	[sflag:s5] =	ssyncset.done $0x0  }
0x1f1: {  	[sflag:s5] =	ssyncadd.s32 $0xFFFFC000  }
0x1f2: {  	v3 =	vld [tilespmem:$0xE980];
	_ =	sdelay $0x4  }
0x1f3: {  	v4 =	vshll.u32 v3, $0x1  }
0x1f4: {  	v3 =	vand.u32 $0x7, v3;
	v4 =	vand.u32 $0xFFFFFFF0, v4  }
0x1f5: {  	v3 =	vor.u32 v3, v4  }
0x1f6: {  	v4 =	vperm.xlane v3, v0;
	_ =	sdelay $0x1  }
0x1f7: {  	v3 =	vperm.xlane v3, v2;
	v4 =	vadd.s32 v1, v4;
	_ =	sdelay $0x1  }
0x1f8: {  	v3 =	vadd.s32 v1, v3;
	_ =	sdelay $0x2  }
0x1f9: {  	[tilespmem:s0], [sflag:$0x1] =	stream.indirect_vreg.gather [hbm4b:s20+s1], $0x80, v4, vm0, $0xb8;
	[tilespmem:$0x16C80] =	vst v63  }
0x1fa: {  	s15 =	simm.s32 $0xF480  }
0x1fb: {  	[tilespmem:s15], [sflag:$0x1] =	stream.indirect_vreg.gather [hbm4b:s20+s1], $0x80, v3, vm0, $0xb8;
	[tilespmem:$0x16C80] =	vst v63  }
0x1fc: {  	v3 =	vld [tilespmem:$0xE990];
	_ =	sdelay $0x4  }
0x1fd: {  	v4 =	vshll.u32 v3, $0x1  }
0x1fe: {  	v3 =	vand.u32 $0x7, v3;
	v4 =	vand.u32 $0xFFFFFFF0, v4  }
0x1ff: {  	v3 =	vor.u32 v3, v4  }
0x200: {  	v4 =	vperm.xlane v3, v0;
	_ =	sdelay $0x1  }
0x201: {  	v3 =	vperm.xlane v3, v2;
	v4 =	vadd.s32 v1, v4;
	_ =	sdelay $0x1  }
0x202: {  	v3 =	vadd.s32 v1, v3;
	_ =	sdelay $0x1  }
0x203: {  	s16 =	simm.s32 $0xFC80  }
0x204: {  	[tilespmem:s16], [sflag:$0x1] =	stream.indirect_vreg.gather [hbm4b:s20+s1], $0x80, v4, vm0, $0xb8;
	[tilespmem:$0x16C80] =	vst v63  }
0x205: {  	s15 =	simm.s32 $0x10480  }
0x206: {  	[tilespmem:s15], [sflag:$0x1] =	stream.indirect_vreg.gather [hbm4b:s20+s1], $0x80, v3, vm0, $0xb8;
	[tilespmem:$0x16C80] =	vst v63  }
0x207: {  	v3 =	vld [tilespmem:$0xE9A0];
	_ =	sdelay $0x4  }
0x208: {  	v4 =	vshll.u32 v3, $0x1  }
0x209: {  	v3 =	vand.u32 $0x7, v3;
	v4 =	vand.u32 $0xFFFFFFF0, v4  }
0x20a: {  	v3 =	vor.u32 v3, v4  }
0x20b: {  	v4 =	vperm.xlane v3, v0;
	_ =	sdelay $0x1  }
0x20c: {  	v3 =	vperm.xlane v3, v2;
	v4 =	vadd.s32 v1, v4;
	_ =	sdelay $0x1  }
0x20d: {  	v3 =	vadd.s32 v1, v3;
	_ =	sdelay $0x1  }
0x20e: {  	s16 =	simm.s32 $0x10C80  }
0x20f: {  	[tilespmem:s16], [sflag:$0x1] =	stream.indirect_vreg.gather [hbm4b:s20+s1], $0x80, v4, vm0, $0xb8;
	[tilespmem:$0x16C80] =	vst v63  }
0x210: {  	s15 =	simm.s32 $0x11480  }
0x211: {  	[tilespmem:s15], [sflag:$0x1] =	stream.indirect_vreg.gather [hbm4b:s20+s1], $0x80, v3, vm0, $0xb8;
	[tilespmem:$0x16C80] =	vst v63  }
0x212: {  	v3 =	vld [tilespmem:$0xE9B0];
	_ =	sdelay $0x4  }
0x213: {  	v4 =	vshll.u32 v3, $0x1  }
0x214: {  	v3 =	vand.u32 $0x7, v3;
	v4 =	vand.u32 $0xFFFFFFF0, v4  }
0x215: {  	v3 =	vor.u32 v3, v4  }
0x216: {  	v4 =	vperm.xlane v3, v0;
	_ =	sdelay $0x1  }
0x217: {  	v3 =	vperm.xlane v3, v2;
	v4 =	vadd.s32 v1, v4;
	_ =	sdelay $0x1  }
0x218: {  	v3 =	vadd.s32 v1, v3;
	_ =	sdelay $0x1  }
0x219: {  	s16 =	simm.s32 $0x11C80  }
0x21a: {  	[tilespmem:s16], [sflag:$0x1] =	stream.indirect_vreg.gather [hbm4b:s20+s1], $0x80, v4, vm0, $0xb8;
	[tilespmem:$0x16C80] =	vst v63  }
0x21b: {  	s15 =	simm.s32 $0x12480  }
0x21c: {  	[tilespmem:s15], [sflag:$0x1] =	stream.indirect_vreg.gather [hbm4b:s20+s1], $0x80, v3, vm0, $0xb8;
	[tilespmem:$0x16C80] =	vst v63  }
0x21d: {  	_ =	swait.ge [sflag:s6], $0x800  }
0x21e: {  	[sflag:s6] =	ssyncset.done $0x0  }
0x21f: {  	s16 =	rddreg [dreg:$0xc];
	[sflag:s6] =	ssyncadd.s32 $0xFFFFF800  }
0x220: {  	[tilespmem:s7], [sflag:$0x5] =	stream.strided.gather [hbm4b:s16+s28], $0x800, s29, s28, $0x38;
	[tilespmem:$0x16C80] =	vst v63  }
0x221: {  	_ =	swait.ge [sflag:s13], $0x4800  }
0x222: {  	[sflag:s13] =	ssyncset.done $0x0  }
0x223: {  	s15 =	simm.s32 $0x5000;
	[sflag:s13] =	ssyncadd.s32 $0xFFFFB800  }
0x224: {  	v3 =	vld [tilespmem:s15+$0x0];
	_ =	sdelay $0x7  }
0x225: {  	v4 =	vld.idx.msk [tilespmem:v3+s3+$0x0], $0xffff;
	_ =	sdelay $0x3  }
0x226: {  	s8 =	sand.u32 $0x7F0, s1  }
0x227: {  	[tilespmem:s8+$0xE000] =	vst v4  }
0x228: {  	v4 =	vld.idx.msk [tilespmem:v3+s17+$0x0], $0xffff;
	_ =	sdelay $0x3  }
0x229: {  	s16 =	simm.s32 $0xA000  }
0x22a: {  	[tilespmem:s16+$0x0] =	vst v4  }
0x22b: {  	v4 =	vld.idx.msk [tilespmem:v3+s18+$0x0], $0xffff;
	_ =	sdelay $0x4  }
0x22c: {  	[tilespmem:s8+$0xA800] =	vst v4  }
0x22d: {  	v4 =	vld.idx.msk [tilespmem:v3+s19+$0x0], $0xffff;
	_ =	sdelay $0x4  }
0x22e: {  	[tilespmem:s8+$0xB000] =	vst v4  }
0x22f: {  	v4 =	vld.idx.msk [tilespmem:v3+s22+$0x0], $0xffff;
	_ =	sdelay $0x4  }
0x230: {  	[tilespmem:s8+$0xB800] =	vst v4  }
0x231: {  	v4 =	vld.idx.msk [tilespmem:v3+s23+$0x0], $0xffff;
	_ =	sdelay $0x4  }
0x232: {  	[tilespmem:s8+$0xC000] =	vst v4  }
0x233: {  	v4 =	vld.idx.msk [tilespmem:v3+s24+$0x0], $0xffff;
	_ =	sdelay $0x4  }
0x234: {  	[tilespmem:s8+$0xC800] =	vst v4  }
0x235: {  	v4 =	vld.idx.msk [tilespmem:v3+s25+$0x0], $0xffff;
	_ =	sdelay $0x4  }
0x236: {  	[tilespmem:s8+$0xD000] =	vst v4  }
0x237: {  	s1 =	simm.s32 $0x10;
	v3 =	vld.idx.msk [tilespmem:v3+s26+$0x0], $0xffff  }
.LBB2_8:
0x238: {  	_ =	sdelay $0x3  }
0x239: {  	p0 =	sne.s32 s1, $0x7F0;
	s15 =	sadd.s32 $0x10, s15;
	s16 =	sadd.s32 $0x10, s16;
	[tilespmem:s8+$0xD800] =	vst v3  }
0x23a: {  	s8 =	smov.u32 s1;
	s1 =	sadd.s32 $0x10, s1;
	v3 =	vld [tilespmem:s15+$0x0];
	_ =	sdelay $0x7  }
0x23b: {  	v4 =	vld.idx.msk [tilespmem:v3+s3+$0x0], $0xffff;
	_ =	sdelay $0x4  }
0x23c: {  	s8 =	sand.u32 $0x7F0, s8  }
0x23d: {  	[tilespmem:s8+$0xE000] =	vst v4  }
0x23e: {  	v4 =	vld.idx.msk [tilespmem:v3+s17+$0x0], $0xffff;
	_ =	sdelay $0x5  }
0x23f: {  	[tilespmem:s16+$0x0] =	vst v4  }
0x240: {  	v4 =	vld.idx.msk [tilespmem:v3+s18+$0x0], $0xffff;
	_ =	sdelay $0x5  }
0x241: {  	[tilespmem:s8+$0xA800] =	vst v4  }
0x242: {  	v4 =	vld.idx.msk [tilespmem:v3+s19+$0x0], $0xffff;
	_ =	sdelay $0x5  }
0x243: {  	[tilespmem:s8+$0xB000] =	vst v4  }
0x244: {  	v4 =	vld.idx.msk [tilespmem:v3+s22+$0x0], $0xffff;
	_ =	sdelay $0x5  }
0x245: {  	[tilespmem:s8+$0xB800] =	vst v4  }
0x246: {  	v4 =	vld.idx.msk [tilespmem:v3+s23+$0x0], $0xffff;
	_ =	sdelay $0x5  }
0x247: {  	[tilespmem:s8+$0xC000] =	vst v4  }
0x248: {  	v4 =	vld.idx.msk [tilespmem:v3+s24+$0x0], $0xffff;
	_ =	sdelay $0x5  }
0x249: {  	[tilespmem:s8+$0xC800] =	vst v4  }
0x24a: {  	v4 =	vld.idx.msk [tilespmem:v3+s25+$0x0], $0xffff;
	_ =	sdelay $0x2  }
.Ltmp3:
0x24b: {  	(pc) =	sbr.rel @p0 .LBB2_8-.Ltmp3, $3  }
0x24c: {  	_ =	sdelay $0x1  }
0x24d: {  	[tilespmem:s8+$0xD000] =	vst v4  }
0x24e: {  	v3 =	vld.idx.msk [tilespmem:v3+s26+$0x0], $0xffff  }
0x24f: {  	_ =	sdelay $0x3  }
0x250: {  	s1 =	rddreg [dreg:$0x1a];
	s15 =	simm.s32 $0xA000;
	[tilespmem:s8+$0xD800] =	vst v3  }
0x251: {  	[hbm4b:s1+s28] =	stream.strided.scatter [tilespmem:s15], [sflag:$0x8], $0x4800, s29, s28, $0x38;
	[tilespmem:$0x16C80] =	vst v63  }
0x252: {  	_ =	swait.ge [sflag:s10], $0x4000  }
0x253: {  	s16 =	sld [smem:$0x7E7]  }
0x254: {  	[sflag:s10] =	ssyncset.done $0x0  }
0x255: {  	s1 =	simm.s32 $0x0;
	[sflag:s10] =	ssyncadd.s32 $0xFFFFC000  }
0x256: {  	[hbm4b:s16+s1] =	stream.linear.scatter [tilespmem:s9], [sflag:$0x4], $0x4000, $0x38;
	[tilespmem:$0x16C80] =	vst v63  }
0x257: {  	_ =	swait.ge [sflag:s11], $0x4000  }
0x258: {  	[sflag:s11] =	ssyncset.done $0x0  }
0x259: {  	[sflag:s11] =	ssyncadd.s32 $0xFFFFC000  }
0x25a: {  	v3 =	vld [tilespmem:$0xE980];
	_ =	sdelay $0x4  }
0x25b: {  	v4 =	vshll.u32 v3, $0x1  }
0x25c: {  	v3 =	vand.u32 $0x7, v3;
	v4 =	vand.u32 $0xFFFFFFF0, v4  }
0x25d: {  	v3 =	vor.u32 v3, v4  }
0x25e: {  	v4 =	vperm.xlane v3, v0;
	_ =	sdelay $0x1  }
0x25f: {  	v3 =	vperm.xlane v3, v2;
	v4 =	vadd.s32 v1, v4;
	_ =	sdelay $0x1  }
0x260: {  	v3 =	vadd.s32 v1, v3;
	_ =	sdelay $0x2  }
0x261: {  	[tilespmem:s9], [sflag:$0x2] =	stream.indirect_vreg.gather [hbm4b:s21+s1], $0x80, v4, vm0, $0xb8;
	[tilespmem:$0x16C80] =	vst v63  }
0x262: {  	s15 =	simm.s32 $0x13480  }
0x263: {  	[tilespmem:s15], [sflag:$0x2] =	stream.indirect_vreg.gather [hbm4b:s21+s1], $0x80, v3, vm0, $0xb8;
	[tilespmem:$0x16C80] =	vst v63  }
0x264: {  	v3 =	vld [tilespmem:$0xE990];
	_ =	sdelay $0x4  }
0x265: {  	v4 =	vshll.u32 v3, $0x1  }
0x266: {  	v3 =	vand.u32 $0x7, v3;
	v4 =	vand.u32 $0xFFFFFFF0, v4  }
0x267: {  	v3 =	vor.u32 v3, v4  }
0x268: {  	v4 =	vperm.xlane v3, v0;
	_ =	sdelay $0x1  }
0x269: {  	v3 =	vperm.xlane v3, v2;
	v4 =	vadd.s32 v1, v4;
	_ =	sdelay $0x1  }
0x26a: {  	v3 =	vadd.s32 v1, v3;
	_ =	sdelay $0x1  }
0x26b: {  	s16 =	simm.s32 $0x13C80  }
0x26c: {  	[tilespmem:s16], [sflag:$0x2] =	stream.indirect_vreg.gather [hbm4b:s21+s1], $0x80, v4, vm0, $0xb8;
	[tilespmem:$0x16C80] =	vst v63  }
0x26d: {  	s15 =	simm.s32 $0x14480  }
0x26e: {  	[tilespmem:s15], [sflag:$0x2] =	stream.indirect_vreg.gather [hbm4b:s21+s1], $0x80, v3, vm0, $0xb8;
	[tilespmem:$0x16C80] =	vst v63  }
0x26f: {  	v3 =	vld [tilespmem:$0xE9A0];
	_ =	sdelay $0x4  }
0x270: {  	v4 =	vshll.u32 v3, $0x1  }
0x271: {  	v3 =	vand.u32 $0x7, v3;
	v4 =	vand.u32 $0xFFFFFFF0, v4  }
0x272: {  	v3 =	vor.u32 v3, v4  }
0x273: {  	v4 =	vperm.xlane v3, v0;
	_ =	sdelay $0x1  }
0x274: {  	v3 =	vperm.xlane v3, v2;
	v4 =	vadd.s32 v1, v4;
	_ =	sdelay $0x1  }
0x275: {  	v3 =	vadd.s32 v1, v3;
	_ =	sdelay $0x1  }
0x276: {  	s16 =	simm.s32 $0x14C80  }
0x277: {  	[tilespmem:s16], [sflag:$0x2] =	stream.indirect_vreg.gather [hbm4b:s21+s1], $0x80, v4, vm0, $0xb8;
	[tilespmem:$0x16C80] =	vst v63  }
0x278: {  	s15 =	simm.s32 $0x15480  }
0x279: {  	[tilespmem:s15], [sflag:$0x2] =	stream.indirect_vreg.gather [hbm4b:s21+s1], $0x80, v3, vm0, $0xb8;
	[tilespmem:$0x16C80] =	vst v63  }
0x27a: {  	v3 =	vld [tilespmem:$0xE9B0];
	_ =	sdelay $0x4  }
0x27b: {  	v4 =	vshll.u32 v3, $0x1  }
0x27c: {  	v3 =	vand.u32 $0x7, v3;
	v4 =	vand.u32 $0xFFFFFFF0, v4  }
0x27d: {  	v3 =	vor.u32 v3, v4  }
0x27e: {  	v4 =	vperm.xlane v3, v0;
	_ =	sdelay $0x1  }
0x27f: {  	v3 =	vperm.xlane v3, v2;
	v4 =	vadd.s32 v1, v4;
	_ =	sdelay $0x1  }
0x280: {  	v3 =	vadd.s32 v1, v3;
	_ =	sdelay $0x1  }
0x281: {  	s16 =	simm.s32 $0x15C80  }
0x282: {  	[tilespmem:s16], [sflag:$0x2] =	stream.indirect_vreg.gather [hbm4b:s21+s1], $0x80, v4, vm0, $0xb8;
	[tilespmem:$0x16C80] =	vst v63  }
0x283: {  	s15 =	simm.s32 $0x16480  }
0x284: {  	[tilespmem:s15], [sflag:$0x2] =	stream.indirect_vreg.gather [hbm4b:s21+s1], $0x80, v3, vm0, $0xb8;
	[tilespmem:$0x16C80] =	vst v63  }
0x285: {  	_ =	swait.ge [sflag:s30], $0x800  }
0x286: {  	[sflag:s30] =	ssyncset.done $0x0  }
0x287: {  	s15 =	simm.s32 $0x5000;
	s16 =	rddreg [dreg:$0xd];
	[sflag:s30] =	ssyncadd.s32 $0xFFFFF800  }
0x288: {  	[tilespmem:s15], [sflag:$0x6] =	stream.strided.gather [hbm4b:s16+s28], $0x800, s29, s28, $0x38;
	[tilespmem:$0x16C80] =	vst v63  }
0x289: {  	_ =	swait.ge [sflag:s12], $0x4800  }
0x28a: {  	[sflag:s12] =	ssyncset.done $0x0  }
0x28b: {  	s15 =	simm.s32 $0x4800;
	[sflag:s12] =	ssyncadd.s32 $0xFFFFB800  }
0x28c: {  	v3 =	vld [tilespmem:s15+$0x0];
	_ =	sdelay $0x7  }
0x28d: {  	v4 =	vld.idx.msk [tilespmem:v3+s3+$0x0], $0xffff;
	_ =	sdelay $0x3  }
0x28e: {  	s8 =	sand.u32 $0x7F0, s1  }
0x28f: {  	[tilespmem:s8+$0x9800] =	vst v4  }
0x290: {  	v4 =	vld.idx.msk [tilespmem:v3+s17+$0x0], $0xffff;
	_ =	sdelay $0x3  }
0x291: {  	s16 =	simm.s32 $0x5800  }
0x292: {  	[tilespmem:s16+$0x0] =	vst v4  }
0x293: {  	v4 =	vld.idx.msk [tilespmem:v3+s18+$0x0], $0xffff;
	_ =	sdelay $0x4  }
0x294: {  	[tilespmem:s8+$0x6000] =	vst v4  }
0x295: {  	v4 =	vld.idx.msk [tilespmem:v3+s19+$0x0], $0xffff;
	_ =	sdelay $0x4  }
0x296: {  	[tilespmem:s8+$0x6800] =	vst v4  }
0x297: {  	v4 =	vld.idx.msk [tilespmem:v3+s22+$0x0], $0xffff;
	_ =	sdelay $0x4  }
0x298: {  	[tilespmem:s8+$0x7000] =	vst v4  }
0x299: {  	v4 =	vld.idx.msk [tilespmem:v3+s23+$0x0], $0xffff;
	_ =	sdelay $0x4  }
0x29a: {  	[tilespmem:s8+$0x7800] =	vst v4  }
0x29b: {  	v4 =	vld.idx.msk [tilespmem:v3+s24+$0x0], $0xffff;
	_ =	sdelay $0x4  }
0x29c: {  	[tilespmem:s8+$0x8000] =	vst v4  }
0x29d: {  	v4 =	vld.idx.msk [tilespmem:v3+s25+$0x0], $0xffff;
	_ =	sdelay $0x4  }
0x29e: {  	[tilespmem:s8+$0x8800] =	vst v4  }
0x29f: {  	s1 =	simm.s32 $0x10;
	v3 =	vld.idx.msk [tilespmem:v3+s26+$0x0], $0xffff  }
.LBB2_10:
0x2a0: {  	_ =	sdelay $0x3  }
0x2a1: {  	p0 =	sne.s32 s1, $0x7F0;
	s15 =	sadd.s32 $0x10, s15;
	s16 =	sadd.s32 $0x10, s16;
	[tilespmem:s8+$0x9000] =	vst v3  }
0x2a2: {  	s8 =	smov.u32 s1;
	s1 =	sadd.s32 $0x10, s1;
	v3 =	vld [tilespmem:s15+$0x0];
	_ =	sdelay $0x7  }
0x2a3: {  	v4 =	vld.idx.msk [tilespmem:v3+s3+$0x0], $0xffff;
	_ =	sdelay $0x4  }
0x2a4: {  	s8 =	sand.u32 $0x7F0, s8  }
0x2a5: {  	[tilespmem:s8+$0x9800] =	vst v4  }
0x2a6: {  	v4 =	vld.idx.msk [tilespmem:v3+s17+$0x0], $0xffff;
	_ =	sdelay $0x5  }
0x2a7: {  	[tilespmem:s16+$0x0] =	vst v4  }
0x2a8: {  	v4 =	vld.idx.msk [tilespmem:v3+s18+$0x0], $0xffff;
	_ =	sdelay $0x5  }
0x2a9: {  	[tilespmem:s8+$0x6000] =	vst v4  }
0x2aa: {  	v4 =	vld.idx.msk [tilespmem:v3+s19+$0x0], $0xffff;
	_ =	sdelay $0x5  }
0x2ab: {  	[tilespmem:s8+$0x6800] =	vst v4  }
0x2ac: {  	v4 =	vld.idx.msk [tilespmem:v3+s22+$0x0], $0xffff;
	_ =	sdelay $0x5  }
0x2ad: {  	[tilespmem:s8+$0x7000] =	vst v4  }
0x2ae: {  	v4 =	vld.idx.msk [tilespmem:v3+s23+$0x0], $0xffff;
	_ =	sdelay $0x5  }
0x2af: {  	[tilespmem:s8+$0x7800] =	vst v4  }
0x2b0: {  	v4 =	vld.idx.msk [tilespmem:v3+s24+$0x0], $0xffff;
	_ =	sdelay $0x5  }
0x2b1: {  	[tilespmem:s8+$0x8000] =	vst v4  }
0x2b2: {  	v4 =	vld.idx.msk [tilespmem:v3+s25+$0x0], $0xffff;
	_ =	sdelay $0x2  }
.Ltmp4:
0x2b3: {  	(pc) =	sbr.rel @p0 .LBB2_10-.Ltmp4, $3  }
0x2b4: {  	_ =	sdelay $0x1  }
0x2b5: {  	[tilespmem:s8+$0x8800] =	vst v4  }
0x2b6: {  	v3 =	vld.idx.msk [tilespmem:v3+s26+$0x0], $0xffff  }
0x2b7: {  	_ =	sdelay $0x3  }
0x2b8: {  	s1 =	rddreg [dreg:$0x1b];
	[tilespmem:s8+$0x9000] =	vst v3  }
0x2b9: {  	[hbm4b:s1+s28] =	stream.strided.scatter [tilespmem:s2], [sflag:$0x7], $0x4800, s29, s28, $0x38;
	[tilespmem:$0x16C80] =	vst v63  }
0x2ba: {  	_ =	swait.ge [sflag:s4], $0x4000  }
0x2bb: {  	s16 =	sld [smem:$0x7E8]  }
0x2bc: {  	[sflag:s4] =	ssyncset.done $0x0  }
0x2bd: {  	s1 =	simm.s32 $0x0;
	[sflag:s4] =	ssyncadd.s32 $0xFFFFC000  }
0x2be: {  	[hbm4b:s16+s1] =	stream.linear.scatter [tilespmem:s0], [sflag:$0x3], $0x4000, $0x38;
	[tilespmem:$0x16C80] =	vst v63  }
0x2bf: {  	_ =	swait.ge [sflag:s5], $0x4000  }
0x2c0: {  	[sflag:s5] =	ssyncset.done $0x0  }
0x2c1: {  	[sflag:s5] =	ssyncadd.s32 $0xFFFFC000  }
0x2c2: {  	v3 =	vld [tilespmem:$0xEA00];
	_ =	sdelay $0x4  }
0x2c3: {  	v4 =	vshll.u32 v3, $0x1  }
0x2c4: {  	v3 =	vand.u32 $0x7, v3;
	v4 =	vand.u32 $0xFFFFFFF0, v4  }
0x2c5: {  	v3 =	vor.u32 v3, v4  }
0x2c6: {  	v4 =	vperm.xlane v3, v0;
	_ =	sdelay $0x1  }
0x2c7: {  	v3 =	vperm.xlane v3, v2;
	v4 =	vadd.s32 v1, v4;
	_ =	sdelay $0x1  }
0x2c8: {  	v3 =	vadd.s32 v1, v3;
	_ =	sdelay $0x2  }
0x2c9: {  	[tilespmem:s0], [sflag:$0x1] =	stream.indirect_vreg.gather [hbm4b:s20+s1], $0x80, v4, vm0, $0xb8;
	[tilespmem:$0x16C80] =	vst v63  }
0x2ca: {  	s15 =	simm.s32 $0xF480  }
0x2cb: {  	[tilespmem:s15], [sflag:$0x1] =	stream.indirect_vreg.gather [hbm4b:s20+s1], $0x80, v3, vm0, $0xb8;
	[tilespmem:$0x16C80] =	vst v63  }
0x2cc: {  	v3 =	vld [tilespmem:$0xEA10];
	_ =	sdelay $0x4  }
0x2cd: {  	v4 =	vshll.u32 v3, $0x1  }
0x2ce: {  	v3 =	vand.u32 $0x7, v3;
	v4 =	vand.u32 $0xFFFFFFF0, v4  }
0x2cf: {  	v3 =	vor.u32 v3, v4  }
0x2d0: {  	v4 =	vperm.xlane v3, v0;
	_ =	sdelay $0x1  }
0x2d1: {  	v3 =	vperm.xlane v3, v2;
	v4 =	vadd.s32 v1, v4;
	_ =	sdelay $0x1  }
0x2d2: {  	v3 =	vadd.s32 v1, v3;
	_ =	sdelay $0x1  }
0x2d3: {  	s16 =	simm.s32 $0xFC80  }
0x2d4: {  	[tilespmem:s16], [sflag:$0x1] =	stream.indirect_vreg.gather [hbm4b:s20+s1], $0x80, v4, vm0, $0xb8;
	[tilespmem:$0x16C80] =	vst v63  }
0x2d5: {  	s15 =	simm.s32 $0x10480  }
0x2d6: {  	[tilespmem:s15], [sflag:$0x1] =	stream.indirect_vreg.gather [hbm4b:s20+s1], $0x80, v3, vm0, $0xb8;
	[tilespmem:$0x16C80] =	vst v63  }
0x2d7: {  	v3 =	vld [tilespmem:$0xEA20];
	_ =	sdelay $0x4  }
0x2d8: {  	v4 =	vshll.u32 v3, $0x1  }
0x2d9: {  	v3 =	vand.u32 $0x7, v3;
	v4 =	vand.u32 $0xFFFFFFF0, v4  }
0x2da: {  	v3 =	vor.u32 v3, v4  }
0x2db: {  	v4 =	vperm.xlane v3, v0;
	_ =	sdelay $0x1  }
0x2dc: {  	v3 =	vperm.xlane v3, v2;
	v4 =	vadd.s32 v1, v4;
	_ =	sdelay $0x1  }
0x2dd: {  	v3 =	vadd.s32 v1, v3;
	_ =	sdelay $0x1  }
0x2de: {  	s16 =	simm.s32 $0x10C80  }
0x2df: {  	[tilespmem:s16], [sflag:$0x1] =	stream.indirect_vreg.gather [hbm4b:s20+s1], $0x80, v4, vm0, $0xb8;
	[tilespmem:$0x16C80] =	vst v63  }
0x2e0: {  	s15 =	simm.s32 $0x11480  }
0x2e1: {  	[tilespmem:s15], [sflag:$0x1] =	stream.indirect_vreg.gather [hbm4b:s20+s1], $0x80, v3, vm0, $0xb8;
	[tilespmem:$0x16C80] =	vst v63  }
0x2e2: {  	v3 =	vld [tilespmem:$0xEA30];
	_ =	sdelay $0x4  }
0x2e3: {  	v4 =	vshll.u32 v3, $0x1  }
0x2e4: {  	v3 =	vand.u32 $0x7, v3;
	v4 =	vand.u32 $0xFFFFFFF0, v4  }
0x2e5: {  	v3 =	vor.u32 v3, v4  }
0x2e6: {  	v4 =	vperm.xlane v3, v0;
	_ =	sdelay $0x1  }
0x2e7: {  	v3 =	vperm.xlane v3, v2;
	v4 =	vadd.s32 v1, v4;
	_ =	sdelay $0x1  }
0x2e8: {  	v3 =	vadd.s32 v1, v3;
	_ =	sdelay $0x1  }
0x2e9: {  	s16 =	simm.s32 $0x11C80  }
0x2ea: {  	[tilespmem:s16], [sflag:$0x1] =	stream.indirect_vreg.gather [hbm4b:s20+s1], $0x80, v4, vm0, $0xb8;
	[tilespmem:$0x16C80] =	vst v63  }
0x2eb: {  	s15 =	simm.s32 $0x12480  }
0x2ec: {  	[tilespmem:s15], [sflag:$0x1] =	stream.indirect_vreg.gather [hbm4b:s20+s1], $0x80, v3, vm0, $0xb8;
	[tilespmem:$0x16C80] =	vst v63  }
0x2ed: {  	_ =	swait.ge [sflag:s6], $0x800  }
0x2ee: {  	[sflag:s6] =	ssyncset.done $0x0  }
0x2ef: {  	s16 =	rddreg [dreg:$0xe];
	[sflag:s6] =	ssyncadd.s32 $0xFFFFF800  }
0x2f0: {  	[tilespmem:s7], [sflag:$0x5] =	stream.strided.gather [hbm4b:s16+s28], $0x800, s29, s28, $0x38;
	[tilespmem:$0x16C80] =	vst v63  }
0x2f1: {  	_ =	swait.ge [sflag:s13], $0x4800  }
0x2f2: {  	[sflag:s13] =	ssyncset.done $0x0  }
0x2f3: {  	s15 =	simm.s32 $0x5000;
	[sflag:s13] =	ssyncadd.s32 $0xFFFFB800  }
0x2f4: {  	v3 =	vld [tilespmem:s15+$0x0];
	_ =	sdelay $0x7  }
0x2f5: {  	v4 =	vld.idx.msk [tilespmem:v3+s3+$0x0], $0xffff;
	_ =	sdelay $0x3  }
0x2f6: {  	s8 =	sand.u32 $0x7F0, s1  }
0x2f7: {  	[tilespmem:s8+$0xE000] =	vst v4  }
0x2f8: {  	v4 =	vld.idx.msk [tilespmem:v3+s17+$0x0], $0xffff;
	_ =	sdelay $0x3  }
0x2f9: {  	s16 =	simm.s32 $0xA000  }
0x2fa: {  	[tilespmem:s16+$0x0] =	vst v4  }
0x2fb: {  	v4 =	vld.idx.msk [tilespmem:v3+s18+$0x0], $0xffff;
	_ =	sdelay $0x4  }
0x2fc: {  	[tilespmem:s8+$0xA800] =	vst v4  }
0x2fd: {  	v4 =	vld.idx.msk [tilespmem:v3+s19+$0x0], $0xffff;
	_ =	sdelay $0x4  }
0x2fe: {  	[tilespmem:s8+$0xB000] =	vst v4  }
0x2ff: {  	v4 =	vld.idx.msk [tilespmem:v3+s22+$0x0], $0xffff;
	_ =	sdelay $0x4  }
0x300: {  	[tilespmem:s8+$0xB800] =	vst v4  }
0x301: {  	v4 =	vld.idx.msk [tilespmem:v3+s23+$0x0], $0xffff;
	_ =	sdelay $0x4  }
0x302: {  	[tilespmem:s8+$0xC000] =	vst v4  }
0x303: {  	v4 =	vld.idx.msk [tilespmem:v3+s24+$0x0], $0xffff;
	_ =	sdelay $0x4  }
0x304: {  	[tilespmem:s8+$0xC800] =	vst v4  }
0x305: {  	v4 =	vld.idx.msk [tilespmem:v3+s25+$0x0], $0xffff;
	_ =	sdelay $0x4  }
0x306: {  	[tilespmem:s8+$0xD000] =	vst v4  }
0x307: {  	s1 =	simm.s32 $0x10;
	v3 =	vld.idx.msk [tilespmem:v3+s26+$0x0], $0xffff  }
.LBB2_12:
0x308: {  	_ =	sdelay $0x3  }
0x309: {  	p0 =	sne.s32 s1, $0x7F0;
	s15 =	sadd.s32 $0x10, s15;
	s16 =	sadd.s32 $0x10, s16;
	[tilespmem:s8+$0xD800] =	vst v3  }
0x30a: {  	s8 =	smov.u32 s1;
	s1 =	sadd.s32 $0x10, s1;
	v3 =	vld [tilespmem:s15+$0x0];
	_ =	sdelay $0x7  }
0x30b: {  	v4 =	vld.idx.msk [tilespmem:v3+s3+$0x0], $0xffff;
	_ =	sdelay $0x4  }
0x30c: {  	s8 =	sand.u32 $0x7F0, s8  }
0x30d: {  	[tilespmem:s8+$0xE000] =	vst v4  }
0x30e: {  	v4 =	vld.idx.msk [tilespmem:v3+s17+$0x0], $0xffff;
	_ =	sdelay $0x5  }
0x30f: {  	[tilespmem:s16+$0x0] =	vst v4  }
0x310: {  	v4 =	vld.idx.msk [tilespmem:v3+s18+$0x0], $0xffff;
	_ =	sdelay $0x5  }
0x311: {  	[tilespmem:s8+$0xA800] =	vst v4  }
0x312: {  	v4 =	vld.idx.msk [tilespmem:v3+s19+$0x0], $0xffff;
	_ =	sdelay $0x5  }
0x313: {  	[tilespmem:s8+$0xB000] =	vst v4  }
0x314: {  	v4 =	vld.idx.msk [tilespmem:v3+s22+$0x0], $0xffff;
	_ =	sdelay $0x5  }
0x315: {  	[tilespmem:s8+$0xB800] =	vst v4  }
0x316: {  	v4 =	vld.idx.msk [tilespmem:v3+s23+$0x0], $0xffff;
	_ =	sdelay $0x5  }
0x317: {  	[tilespmem:s8+$0xC000] =	vst v4  }
0x318: {  	v4 =	vld.idx.msk [tilespmem:v3+s24+$0x0], $0xffff;
	_ =	sdelay $0x5  }
0x319: {  	[tilespmem:s8+$0xC800] =	vst v4  }
0x31a: {  	v4 =	vld.idx.msk [tilespmem:v3+s25+$0x0], $0xffff;
	_ =	sdelay $0x2  }
.Ltmp5:
0x31b: {  	(pc) =	sbr.rel @p0 .LBB2_12-.Ltmp5, $3  }
0x31c: {  	_ =	sdelay $0x1  }
0x31d: {  	[tilespmem:s8+$0xD000] =	vst v4  }
0x31e: {  	v3 =	vld.idx.msk [tilespmem:v3+s26+$0x0], $0xffff  }
0x31f: {  	_ =	sdelay $0x3  }
0x320: {  	s1 =	rddreg [dreg:$0x1c];
	s15 =	simm.s32 $0xA000;
	[tilespmem:s8+$0xD800] =	vst v3  }
0x321: {  	[hbm4b:s1+s28] =	stream.strided.scatter [tilespmem:s15], [sflag:$0x8], $0x4800, s29, s28, $0x38;
	[tilespmem:$0x16C80] =	vst v63  }
0x322: {  	_ =	swait.ge [sflag:s10], $0x4000  }
0x323: {  	s16 =	sld [smem:$0x7E9]  }
0x324: {  	[sflag:s10] =	ssyncset.done $0x0  }
0x325: {  	s1 =	simm.s32 $0x0;
	[sflag:s10] =	ssyncadd.s32 $0xFFFFC000  }
0x326: {  	[hbm4b:s16+s1] =	stream.linear.scatter [tilespmem:s9], [sflag:$0x4], $0x4000, $0x38;
	[tilespmem:$0x16C80] =	vst v63  }
0x327: {  	_ =	swait.ge [sflag:s11], $0x4000  }
0x328: {  	[sflag:s11] =	ssyncset.done $0x0  }
0x329: {  	[sflag:s11] =	ssyncadd.s32 $0xFFFFC000  }
0x32a: {  	v3 =	vld [tilespmem:$0xEA00];
	_ =	sdelay $0x4  }
0x32b: {  	v4 =	vshll.u32 v3, $0x1  }
0x32c: {  	v3 =	vand.u32 $0x7, v3;
	v4 =	vand.u32 $0xFFFFFFF0, v4  }
0x32d: {  	v3 =	vor.u32 v3, v4  }
0x32e: {  	v4 =	vperm.xlane v3, v0;
	_ =	sdelay $0x1  }
0x32f: {  	v3 =	vperm.xlane v3, v2;
	v4 =	vadd.s32 v1, v4;
	_ =	sdelay $0x1  }
0x330: {  	v3 =	vadd.s32 v1, v3;
	_ =	sdelay $0x2  }
0x331: {  	[tilespmem:s9], [sflag:$0x2] =	stream.indirect_vreg.gather [hbm4b:s21+s1], $0x80, v4, vm0, $0xb8;
	[tilespmem:$0x16C80] =	vst v63  }
0x332: {  	s15 =	simm.s32 $0x13480  }
0x333: {  	[tilespmem:s15], [sflag:$0x2] =	stream.indirect_vreg.gather [hbm4b:s21+s1], $0x80, v3, vm0, $0xb8;
	[tilespmem:$0x16C80] =	vst v63  }
0x334: {  	v3 =	vld [tilespmem:$0xEA10];
	_ =	sdelay $0x4  }
0x335: {  	v4 =	vshll.u32 v3, $0x1  }
0x336: {  	v3 =	vand.u32 $0x7, v3;
	v4 =	vand.u32 $0xFFFFFFF0, v4  }
0x337: {  	v3 =	vor.u32 v3, v4  }
0x338: {  	v4 =	vperm.xlane v3, v0;
	_ =	sdelay $0x1  }
0x339: {  	v3 =	vperm.xlane v3, v2;
	v4 =	vadd.s32 v1, v4;
	_ =	sdelay $0x1  }
0x33a: {  	v3 =	vadd.s32 v1, v3;
	_ =	sdelay $0x1  }
0x33b: {  	s16 =	simm.s32 $0x13C80  }
0x33c: {  	[tilespmem:s16], [sflag:$0x2] =	stream.indirect_vreg.gather [hbm4b:s21+s1], $0x80, v4, vm0, $0xb8;
	[tilespmem:$0x16C80] =	vst v63  }
0x33d: {  	s15 =	simm.s32 $0x14480  }
0x33e: {  	[tilespmem:s15], [sflag:$0x2] =	stream.indirect_vreg.gather [hbm4b:s21+s1], $0x80, v3, vm0, $0xb8;
	[tilespmem:$0x16C80] =	vst v63  }
0x33f: {  	v3 =	vld [tilespmem:$0xEA20];
	_ =	sdelay $0x4  }
0x340: {  	v4 =	vshll.u32 v3, $0x1  }
0x341: {  	v3 =	vand.u32 $0x7, v3;
	v4 =	vand.u32 $0xFFFFFFF0, v4  }
0x342: {  	v3 =	vor.u32 v3, v4  }
0x343: {  	v4 =	vperm.xlane v3, v0;
	_ =	sdelay $0x1  }
0x344: {  	v3 =	vperm.xlane v3, v2;
	v4 =	vadd.s32 v1, v4;
	_ =	sdelay $0x1  }
0x345: {  	v3 =	vadd.s32 v1, v3;
	_ =	sdelay $0x1  }
0x346: {  	s16 =	simm.s32 $0x14C80  }
0x347: {  	[tilespmem:s16], [sflag:$0x2] =	stream.indirect_vreg.gather [hbm4b:s21+s1], $0x80, v4, vm0, $0xb8;
	[tilespmem:$0x16C80] =	vst v63  }
0x348: {  	s15 =	simm.s32 $0x15480  }
0x349: {  	[tilespmem:s15], [sflag:$0x2] =	stream.indirect_vreg.gather [hbm4b:s21+s1], $0x80, v3, vm0, $0xb8;
	[tilespmem:$0x16C80] =	vst v63  }
0x34a: {  	v3 =	vld [tilespmem:$0xEA30];
	_ =	sdelay $0x4  }
0x34b: {  	v4 =	vshll.u32 v3, $0x1  }
0x34c: {  	v3 =	vand.u32 $0x7, v3;
	v4 =	vand.u32 $0xFFFFFFF0, v4  }
0x34d: {  	v3 =	vor.u32 v3, v4  }
0x34e: {  	v4 =	vperm.xlane v3, v0;
	_ =	sdelay $0x1  }
0x34f: {  	v3 =	vperm.xlane v3, v2;
	v4 =	vadd.s32 v1, v4;
	_ =	sdelay $0x1  }
0x350: {  	v3 =	vadd.s32 v1, v3;
	_ =	sdelay $0x1  }
0x351: {  	s16 =	simm.s32 $0x15C80  }
0x352: {  	[tilespmem:s16], [sflag:$0x2] =	stream.indirect_vreg.gather [hbm4b:s21+s1], $0x80, v4, vm0, $0xb8;
	[tilespmem:$0x16C80] =	vst v63  }
0x353: {  	s15 =	simm.s32 $0x16480  }
0x354: {  	[tilespmem:s15], [sflag:$0x2] =	stream.indirect_vreg.gather [hbm4b:s21+s1], $0x80, v3, vm0, $0xb8;
	[tilespmem:$0x16C80] =	vst v63  }
0x355: {  	_ =	swait.ge [sflag:s30], $0x800  }
0x356: {  	[sflag:s30] =	ssyncset.done $0x0  }
0x357: {  	s15 =	simm.s32 $0x5000;
	s16 =	rddreg [dreg:$0xf];
	[sflag:s30] =	ssyncadd.s32 $0xFFFFF800  }
0x358: {  	[tilespmem:s15], [sflag:$0x6] =	stream.strided.gather [hbm4b:s16+s28], $0x800, s29, s28, $0x38;
	[tilespmem:$0x16C80] =	vst v63  }
0x359: {  	_ =	swait.ge [sflag:s12], $0x4800  }
0x35a: {  	[sflag:s12] =	ssyncset.done $0x0  }
0x35b: {  	s15 =	simm.s32 $0x4800;
	[sflag:s12] =	ssyncadd.s32 $0xFFFFB800  }
0x35c: {  	v3 =	vld [tilespmem:s15+$0x0];
	_ =	sdelay $0x7  }
0x35d: {  	v4 =	vld.idx.msk [tilespmem:v3+s3+$0x0], $0xffff;
	_ =	sdelay $0x3  }
0x35e: {  	s8 =	sand.u32 $0x7F0, s1  }
0x35f: {  	[tilespmem:s8+$0x9800] =	vst v4  }
0x360: {  	v4 =	vld.idx.msk [tilespmem:v3+s17+$0x0], $0xffff;
	_ =	sdelay $0x3  }
0x361: {  	s16 =	simm.s32 $0x5800  }
0x362: {  	[tilespmem:s16+$0x0] =	vst v4  }
0x363: {  	v4 =	vld.idx.msk [tilespmem:v3+s18+$0x0], $0xffff;
	_ =	sdelay $0x4  }
0x364: {  	[tilespmem:s8+$0x6000] =	vst v4  }
0x365: {  	v4 =	vld.idx.msk [tilespmem:v3+s19+$0x0], $0xffff;
	_ =	sdelay $0x4  }
0x366: {  	[tilespmem:s8+$0x6800] =	vst v4  }
0x367: {  	v4 =	vld.idx.msk [tilespmem:v3+s22+$0x0], $0xffff;
	_ =	sdelay $0x4  }
0x368: {  	[tilespmem:s8+$0x7000] =	vst v4  }
0x369: {  	v4 =	vld.idx.msk [tilespmem:v3+s23+$0x0], $0xffff;
	_ =	sdelay $0x4  }
0x36a: {  	[tilespmem:s8+$0x7800] =	vst v4  }
0x36b: {  	v4 =	vld.idx.msk [tilespmem:v3+s24+$0x0], $0xffff;
	_ =	sdelay $0x4  }
0x36c: {  	[tilespmem:s8+$0x8000] =	vst v4  }
0x36d: {  	v4 =	vld.idx.msk [tilespmem:v3+s25+$0x0], $0xffff;
	_ =	sdelay $0x4  }
0x36e: {  	[tilespmem:s8+$0x8800] =	vst v4  }
0x36f: {  	s1 =	simm.s32 $0x10;
	v3 =	vld.idx.msk [tilespmem:v3+s26+$0x0], $0xffff  }
.LBB2_14:
0x370: {  	_ =	sdelay $0x3  }
0x371: {  	p0 =	sne.s32 s1, $0x7F0;
	s15 =	sadd.s32 $0x10, s15;
	s16 =	sadd.s32 $0x10, s16;
	[tilespmem:s8+$0x9000] =	vst v3  }
0x372: {  	s8 =	smov.u32 s1;
	s1 =	sadd.s32 $0x10, s1;
	v3 =	vld [tilespmem:s15+$0x0];
	_ =	sdelay $0x7  }
0x373: {  	v4 =	vld.idx.msk [tilespmem:v3+s3+$0x0], $0xffff;
	_ =	sdelay $0x4  }
0x374: {  	s8 =	sand.u32 $0x7F0, s8  }
0x375: {  	[tilespmem:s8+$0x9800] =	vst v4  }
0x376: {  	v4 =	vld.idx.msk [tilespmem:v3+s17+$0x0], $0xffff;
	_ =	sdelay $0x5  }
0x377: {  	[tilespmem:s16+$0x0] =	vst v4  }
0x378: {  	v4 =	vld.idx.msk [tilespmem:v3+s18+$0x0], $0xffff;
	_ =	sdelay $0x5  }
0x379: {  	[tilespmem:s8+$0x6000] =	vst v4  }
0x37a: {  	v4 =	vld.idx.msk [tilespmem:v3+s19+$0x0], $0xffff;
	_ =	sdelay $0x5  }
0x37b: {  	[tilespmem:s8+$0x6800] =	vst v4  }
0x37c: {  	v4 =	vld.idx.msk [tilespmem:v3+s22+$0x0], $0xffff;
	_ =	sdelay $0x5  }
0x37d: {  	[tilespmem:s8+$0x7000] =	vst v4  }
0x37e: {  	v4 =	vld.idx.msk [tilespmem:v3+s23+$0x0], $0xffff;
	_ =	sdelay $0x5  }
0x37f: {  	[tilespmem:s8+$0x7800] =	vst v4  }
0x380: {  	v4 =	vld.idx.msk [tilespmem:v3+s24+$0x0], $0xffff;
	_ =	sdelay $0x5  }
0x381: {  	[tilespmem:s8+$0x8000] =	vst v4  }
0x382: {  	v4 =	vld.idx.msk [tilespmem:v3+s25+$0x0], $0xffff;
	_ =	sdelay $0x2  }
.Ltmp6:
0x383: {  	(pc) =	sbr.rel @p0 .LBB2_14-.Ltmp6, $3  }
0x384: {  	_ =	sdelay $0x1  }
0x385: {  	[tilespmem:s8+$0x8800] =	vst v4  }
0x386: {  	v3 =	vld.idx.msk [tilespmem:v3+s26+$0x0], $0xffff  }
0x387: {  	_ =	sdelay $0x3  }
0x388: {  	s1 =	rddreg [dreg:$0x1d];
	[tilespmem:s8+$0x9000] =	vst v3  }
0x389: {  	[hbm4b:s1+s28] =	stream.strided.scatter [tilespmem:s2], [sflag:$0x7], $0x4800, s29, s28, $0x38;
	[tilespmem:$0x16C80] =	vst v63  }
0x38a: {  	_ =	swait.ge [sflag:s4], $0x4000  }
0x38b: {  	s16 =	sld [smem:$0x7EA]  }
0x38c: {  	[sflag:s4] =	ssyncset.done $0x0  }
0x38d: {  	s1 =	simm.s32 $0x0;
	[sflag:s4] =	ssyncadd.s32 $0xFFFFC000  }
0x38e: {  	[hbm4b:s16+s1] =	stream.linear.scatter [tilespmem:s0], [sflag:$0x3], $0x4000, $0x38;
	[tilespmem:$0x16C80] =	vst v63  }
0x38f: {  	_ =	swait.ge [sflag:s5], $0x4000  }
0x390: {  	[sflag:s5] =	ssyncset.done $0x0  }
0x391: {  	[sflag:s5] =	ssyncadd.s32 $0xFFFFC000  }
0x392: {  	v3 =	vld [tilespmem:$0xEA80];
	_ =	sdelay $0x4  }
0x393: {  	v4 =	vshll.u32 v3, $0x1  }
0x394: {  	v3 =	vand.u32 $0x7, v3;
	v4 =	vand.u32 $0xFFFFFFF0, v4  }
0x395: {  	v3 =	vor.u32 v3, v4  }
0x396: {  	v4 =	vperm.xlane v3, v0;
	_ =	sdelay $0x1  }
0x397: {  	v3 =	vperm.xlane v3, v2;
	v4 =	vadd.s32 v1, v4;
	_ =	sdelay $0x1  }
0x398: {  	v3 =	vadd.s32 v1, v3;
	_ =	sdelay $0x2  }
0x399: {  	[tilespmem:s0], [sflag:$0x1] =	stream.indirect_vreg.gather [hbm4b:s20+s1], $0x80, v4, vm0, $0xb8;
	[tilespmem:$0x16C80] =	vst v63  }
0x39a: {  	s15 =	simm.s32 $0xF480  }
0x39b: {  	[tilespmem:s15], [sflag:$0x1] =	stream.indirect_vreg.gather [hbm4b:s20+s1], $0x80, v3, vm0, $0xb8;
	[tilespmem:$0x16C80] =	vst v63  }
0x39c: {  	v3 =	vld [tilespmem:$0xEA90];
	_ =	sdelay $0x4  }
0x39d: {  	v4 =	vshll.u32 v3, $0x1  }
0x39e: {  	v3 =	vand.u32 $0x7, v3;
	v4 =	vand.u32 $0xFFFFFFF0, v4  }
0x39f: {  	v3 =	vor.u32 v3, v4  }
0x3a0: {  	v4 =	vperm.xlane v3, v0;
	_ =	sdelay $0x1  }
0x3a1: {  	v3 =	vperm.xlane v3, v2;
	v4 =	vadd.s32 v1, v4;
	_ =	sdelay $0x1  }
0x3a2: {  	v3 =	vadd.s32 v1, v3;
	_ =	sdelay $0x1  }
0x3a3: {  	s16 =	simm.s32 $0xFC80  }
0x3a4: {  	[tilespmem:s16], [sflag:$0x1] =	stream.indirect_vreg.gather [hbm4b:s20+s1], $0x80, v4, vm0, $0xb8;
	[tilespmem:$0x16C80] =	vst v63  }
0x3a5: {  	s15 =	simm.s32 $0x10480  }
0x3a6: {  	[tilespmem:s15], [sflag:$0x1] =	stream.indirect_vreg.gather [hbm4b:s20+s1], $0x80, v3, vm0, $0xb8;
	[tilespmem:$0x16C80] =	vst v63  }
0x3a7: {  	v3 =	vld [tilespmem:$0xEAA0];
	_ =	sdelay $0x4  }
0x3a8: {  	v4 =	vshll.u32 v3, $0x1  }
0x3a9: {  	v3 =	vand.u32 $0x7, v3;
	v4 =	vand.u32 $0xFFFFFFF0, v4  }
0x3aa: {  	v3 =	vor.u32 v3, v4  }
0x3ab: {  	v4 =	vperm.xlane v3, v0;
	_ =	sdelay $0x1  }
0x3ac: {  	v3 =	vperm.xlane v3, v2;
	v4 =	vadd.s32 v1, v4;
	_ =	sdelay $0x1  }
0x3ad: {  	v3 =	vadd.s32 v1, v3;
	_ =	sdelay $0x1  }
0x3ae: {  	s16 =	simm.s32 $0x10C80  }
0x3af: {  	[tilespmem:s16], [sflag:$0x1] =	stream.indirect_vreg.gather [hbm4b:s20+s1], $0x80, v4, vm0, $0xb8;
	[tilespmem:$0x16C80] =	vst v63  }
0x3b0: {  	s15 =	simm.s32 $0x11480  }
0x3b1: {  	[tilespmem:s15], [sflag:$0x1] =	stream.indirect_vreg.gather [hbm4b:s20+s1], $0x80, v3, vm0, $0xb8;
	[tilespmem:$0x16C80] =	vst v63  }
0x3b2: {  	v3 =	vld [tilespmem:$0xEAB0];
	_ =	sdelay $0x4  }
0x3b3: {  	v4 =	vshll.u32 v3, $0x1  }
0x3b4: {  	v3 =	vand.u32 $0x7, v3;
	v4 =	vand.u32 $0xFFFFFFF0, v4  }
0x3b5: {  	v3 =	vor.u32 v3, v4  }
0x3b6: {  	v4 =	vperm.xlane v3, v0;
	_ =	sdelay $0x1  }
0x3b7: {  	v3 =	vperm.xlane v3, v2;
	v4 =	vadd.s32 v1, v4;
	_ =	sdelay $0x1  }
0x3b8: {  	v3 =	vadd.s32 v1, v3;
	_ =	sdelay $0x1  }
0x3b9: {  	s16 =	simm.s32 $0x11C80  }
0x3ba: {  	[tilespmem:s16], [sflag:$0x1] =	stream.indirect_vreg.gather [hbm4b:s20+s1], $0x80, v4, vm0, $0xb8;
	[tilespmem:$0x16C80] =	vst v63  }
0x3bb: {  	s15 =	simm.s32 $0x12480  }
0x3bc: {  	[tilespmem:s15], [sflag:$0x1] =	stream.indirect_vreg.gather [hbm4b:s20+s1], $0x80, v3, vm0, $0xb8;
	[tilespmem:$0x16C80] =	vst v63  }
0x3bd: {  	_ =	swait.ge [sflag:s6], $0x800  }
0x3be: {  	[sflag:s6] =	ssyncset.done $0x0  }
0x3bf: {  	s16 =	rddreg [dreg:$0x10];
	[sflag:s6] =	ssyncadd.s32 $0xFFFFF800  }
0x3c0: {  	[tilespmem:s7], [sflag:$0x5] =	stream.strided.gather [hbm4b:s16+s28], $0x800, s29, s28, $0x38;
	[tilespmem:$0x16C80] =	vst v63  }
0x3c1: {  	_ =	swait.ge [sflag:s13], $0x4800  }
0x3c2: {  	[sflag:s13] =	ssyncset.done $0x0  }
0x3c3: {  	s15 =	simm.s32 $0x5000;
	[sflag:s13] =	ssyncadd.s32 $0xFFFFB800  }
0x3c4: {  	v3 =	vld [tilespmem:s15+$0x0];
	_ =	sdelay $0x7  }
0x3c5: {  	v4 =	vld.idx.msk [tilespmem:v3+s3+$0x0], $0xffff;
	_ =	sdelay $0x3  }
0x3c6: {  	s8 =	sand.u32 $0x7F0, s1  }
0x3c7: {  	[tilespmem:s8+$0xE000] =	vst v4  }
0x3c8: {  	v4 =	vld.idx.msk [tilespmem:v3+s17+$0x0], $0xffff;
	_ =	sdelay $0x3  }
0x3c9: {  	s16 =	simm.s32 $0xA000  }
0x3ca: {  	[tilespmem:s16+$0x0] =	vst v4  }
0x3cb: {  	v4 =	vld.idx.msk [tilespmem:v3+s18+$0x0], $0xffff;
	_ =	sdelay $0x4  }
0x3cc: {  	[tilespmem:s8+$0xA800] =	vst v4  }
0x3cd: {  	v4 =	vld.idx.msk [tilespmem:v3+s19+$0x0], $0xffff;
	_ =	sdelay $0x4  }
0x3ce: {  	[tilespmem:s8+$0xB000] =	vst v4  }
0x3cf: {  	v4 =	vld.idx.msk [tilespmem:v3+s22+$0x0], $0xffff;
	_ =	sdelay $0x4  }
0x3d0: {  	[tilespmem:s8+$0xB800] =	vst v4  }
0x3d1: {  	v4 =	vld.idx.msk [tilespmem:v3+s23+$0x0], $0xffff;
	_ =	sdelay $0x4  }
0x3d2: {  	[tilespmem:s8+$0xC000] =	vst v4  }
0x3d3: {  	v4 =	vld.idx.msk [tilespmem:v3+s24+$0x0], $0xffff;
	_ =	sdelay $0x4  }
0x3d4: {  	[tilespmem:s8+$0xC800] =	vst v4  }
0x3d5: {  	v4 =	vld.idx.msk [tilespmem:v3+s25+$0x0], $0xffff;
	_ =	sdelay $0x4  }
0x3d6: {  	[tilespmem:s8+$0xD000] =	vst v4  }
0x3d7: {  	s1 =	simm.s32 $0x10;
	v3 =	vld.idx.msk [tilespmem:v3+s26+$0x0], $0xffff  }
.LBB2_16:
0x3d8: {  	_ =	sdelay $0x3  }
0x3d9: {  	p0 =	sne.s32 s1, $0x7F0;
	s15 =	sadd.s32 $0x10, s15;
	s16 =	sadd.s32 $0x10, s16;
	[tilespmem:s8+$0xD800] =	vst v3  }
0x3da: {  	s8 =	smov.u32 s1;
	s1 =	sadd.s32 $0x10, s1;
	v3 =	vld [tilespmem:s15+$0x0];
	_ =	sdelay $0x7  }
0x3db: {  	v4 =	vld.idx.msk [tilespmem:v3+s3+$0x0], $0xffff;
	_ =	sdelay $0x4  }
0x3dc: {  	s8 =	sand.u32 $0x7F0, s8  }
0x3dd: {  	[tilespmem:s8+$0xE000] =	vst v4  }
0x3de: {  	v4 =	vld.idx.msk [tilespmem:v3+s17+$0x0], $0xffff;
	_ =	sdelay $0x5  }
0x3df: {  	[tilespmem:s16+$0x0] =	vst v4  }
0x3e0: {  	v4 =	vld.idx.msk [tilespmem:v3+s18+$0x0], $0xffff;
	_ =	sdelay $0x5  }
0x3e1: {  	[tilespmem:s8+$0xA800] =	vst v4  }
0x3e2: {  	v4 =	vld.idx.msk [tilespmem:v3+s19+$0x0], $0xffff;
	_ =	sdelay $0x5  }
0x3e3: {  	[tilespmem:s8+$0xB000] =	vst v4  }
0x3e4: {  	v4 =	vld.idx.msk [tilespmem:v3+s22+$0x0], $0xffff;
	_ =	sdelay $0x5  }
0x3e5: {  	[tilespmem:s8+$0xB800] =	vst v4  }
0x3e6: {  	v4 =	vld.idx.msk [tilespmem:v3+s23+$0x0], $0xffff;
	_ =	sdelay $0x5  }
0x3e7: {  	[tilespmem:s8+$0xC000] =	vst v4  }
0x3e8: {  	v4 =	vld.idx.msk [tilespmem:v3+s24+$0x0], $0xffff;
	_ =	sdelay $0x5  }
0x3e9: {  	[tilespmem:s8+$0xC800] =	vst v4  }
0x3ea: {  	v4 =	vld.idx.msk [tilespmem:v3+s25+$0x0], $0xffff;
	_ =	sdelay $0x2  }
.Ltmp7:
0x3eb: {  	(pc) =	sbr.rel @p0 .LBB2_16-.Ltmp7, $3  }
0x3ec: {  	_ =	sdelay $0x1  }
0x3ed: {  	[tilespmem:s8+$0xD000] =	vst v4  }
0x3ee: {  	v3 =	vld.idx.msk [tilespmem:v3+s26+$0x0], $0xffff  }
0x3ef: {  	_ =	sdelay $0x3  }
0x3f0: {  	s1 =	rddreg [dreg:$0x1e];
	s15 =	simm.s32 $0xA000;
	[tilespmem:s8+$0xD800] =	vst v3  }
0x3f1: {  	[hbm4b:s1+s28] =	stream.strided.scatter [tilespmem:s15], [sflag:$0x8], $0x4800, s29, s28, $0x38;
	[tilespmem:$0x16C80] =	vst v63  }
0x3f2: {  	_ =	swait.ge [sflag:s10], $0x4000  }
0x3f3: {  	s16 =	sld [smem:$0x7EB]  }
0x3f4: {  	[sflag:s10] =	ssyncset.done $0x0  }
0x3f5: {  	s1 =	simm.s32 $0x0;
	[sflag:s10] =	ssyncadd.s32 $0xFFFFC000  }
0x3f6: {  	[hbm4b:s16+s1] =	stream.linear.scatter [tilespmem:s9], [sflag:$0x4], $0x4000, $0x38;
	[tilespmem:$0x16C80] =	vst v63  }
0x3f7: {  	_ =	swait.ge [sflag:s11], $0x4000  }
0x3f8: {  	[sflag:s11] =	ssyncset.done $0x0  }
0x3f9: {  	[sflag:s11] =	ssyncadd.s32 $0xFFFFC000  }
0x3fa: {  	v3 =	vld [tilespmem:$0xEA80];
	_ =	sdelay $0x4  }
0x3fb: {  	v4 =	vshll.u32 v3, $0x1  }
0x3fc: {  	v3 =	vand.u32 $0x7, v3;
	v4 =	vand.u32 $0xFFFFFFF0, v4  }
0x3fd: {  	v3 =	vor.u32 v3, v4  }
0x3fe: {  	v4 =	vperm.xlane v3, v0;
	_ =	sdelay $0x1  }
0x3ff: {  	v3 =	vperm.xlane v3, v2;
	v4 =	vadd.s32 v1, v4;
	_ =	sdelay $0x1  }
0x400: {  	v3 =	vadd.s32 v1, v3;
	_ =	sdelay $0x2  }
0x401: {  	[tilespmem:s9], [sflag:$0x2] =	stream.indirect_vreg.gather [hbm4b:s21+s1], $0x80, v4, vm0, $0xb8;
	[tilespmem:$0x16C80] =	vst v63  }
0x402: {  	s15 =	simm.s32 $0x13480  }
0x403: {  	[tilespmem:s15], [sflag:$0x2] =	stream.indirect_vreg.gather [hbm4b:s21+s1], $0x80, v3, vm0, $0xb8;
	[tilespmem:$0x16C80] =	vst v63  }
0x404: {  	v3 =	vld [tilespmem:$0xEA90];
	_ =	sdelay $0x4  }
0x405: {  	v4 =	vshll.u32 v3, $0x1  }
0x406: {  	v3 =	vand.u32 $0x7, v3;
	v4 =	vand.u32 $0xFFFFFFF0, v4  }
0x407: {  	v3 =	vor.u32 v3, v4  }
0x408: {  	v4 =	vperm.xlane v3, v0;
	_ =	sdelay $0x1  }
0x409: {  	v3 =	vperm.xlane v3, v2;
	v4 =	vadd.s32 v1, v4;
	_ =	sdelay $0x1  }
0x40a: {  	v3 =	vadd.s32 v1, v3;
	_ =	sdelay $0x1  }
0x40b: {  	s16 =	simm.s32 $0x13C80  }
0x40c: {  	[tilespmem:s16], [sflag:$0x2] =	stream.indirect_vreg.gather [hbm4b:s21+s1], $0x80, v4, vm0, $0xb8;
	[tilespmem:$0x16C80] =	vst v63  }
0x40d: {  	s15 =	simm.s32 $0x14480  }
0x40e: {  	[tilespmem:s15], [sflag:$0x2] =	stream.indirect_vreg.gather [hbm4b:s21+s1], $0x80, v3, vm0, $0xb8;
	[tilespmem:$0x16C80] =	vst v63  }
0x40f: {  	v3 =	vld [tilespmem:$0xEAA0];
	_ =	sdelay $0x4  }
0x410: {  	v4 =	vshll.u32 v3, $0x1  }
0x411: {  	v3 =	vand.u32 $0x7, v3;
	v4 =	vand.u32 $0xFFFFFFF0, v4  }
0x412: {  	v3 =	vor.u32 v3, v4  }
0x413: {  	v4 =	vperm.xlane v3, v0;
	_ =	sdelay $0x1  }
0x414: {  	v3 =	vperm.xlane v3, v2;
	v4 =	vadd.s32 v1, v4;
	_ =	sdelay $0x1  }
0x415: {  	v3 =	vadd.s32 v1, v3;
	_ =	sdelay $0x1  }
0x416: {  	s16 =	simm.s32 $0x14C80  }
0x417: {  	[tilespmem:s16], [sflag:$0x2] =	stream.indirect_vreg.gather [hbm4b:s21+s1], $0x80, v4, vm0, $0xb8;
	[tilespmem:$0x16C80] =	vst v63  }
0x418: {  	s15 =	simm.s32 $0x15480  }
0x419: {  	[tilespmem:s15], [sflag:$0x2] =	stream.indirect_vreg.gather [hbm4b:s21+s1], $0x80, v3, vm0, $0xb8;
	[tilespmem:$0x16C80] =	vst v63  }
0x41a: {  	v3 =	vld [tilespmem:$0xEAB0];
	_ =	sdelay $0x4  }
0x41b: {  	v4 =	vshll.u32 v3, $0x1  }
0x41c: {  	v3 =	vand.u32 $0x7, v3;
	v4 =	vand.u32 $0xFFFFFFF0, v4  }
0x41d: {  	v3 =	vor.u32 v3, v4  }
0x41e: {  	v4 =	vperm.xlane v3, v0;
	_ =	sdelay $0x1  }
0x41f: {  	v3 =	vperm.xlane v3, v2;
	v4 =	vadd.s32 v1, v4;
	_ =	sdelay $0x1  }
0x420: {  	v3 =	vadd.s32 v1, v3;
	_ =	sdelay $0x1  }
0x421: {  	s16 =	simm.s32 $0x15C80  }
0x422: {  	[tilespmem:s16], [sflag:$0x2] =	stream.indirect_vreg.gather [hbm4b:s21+s1], $0x80, v4, vm0, $0xb8;
	[tilespmem:$0x16C80] =	vst v63  }
0x423: {  	s15 =	simm.s32 $0x16480  }
0x424: {  	[tilespmem:s15], [sflag:$0x2] =	stream.indirect_vreg.gather [hbm4b:s21+s1], $0x80, v3, vm0, $0xb8;
	[tilespmem:$0x16C80] =	vst v63  }
0x425: {  	_ =	swait.ge [sflag:s30], $0x800  }
0x426: {  	[sflag:s30] =	ssyncset.done $0x0  }
0x427: {  	s15 =	simm.s32 $0x5000;
	s16 =	rddreg [dreg:$0x11];
	[sflag:s30] =	ssyncadd.s32 $0xFFFFF800  }
0x428: {  	[tilespmem:s15], [sflag:$0x6] =	stream.strided.gather [hbm4b:s16+s28], $0x800, s29, s28, $0x38;
	[tilespmem:$0x16C80] =	vst v63  }
0x429: {  	_ =	swait.ge [sflag:s12], $0x4800  }
0x42a: {  	[sflag:s12] =	ssyncset.done $0x0  }
0x42b: {  	s15 =	simm.s32 $0x4800;
	[sflag:s12] =	ssyncadd.s32 $0xFFFFB800  }
0x42c: {  	v3 =	vld [tilespmem:s15+$0x0];
	_ =	sdelay $0x7  }
0x42d: {  	v4 =	vld.idx.msk [tilespmem:v3+s3+$0x0], $0xffff;
	_ =	sdelay $0x3  }
0x42e: {  	s8 =	sand.u32 $0x7F0, s1  }
0x42f: {  	[tilespmem:s8+$0x9800] =	vst v4  }
0x430: {  	v4 =	vld.idx.msk [tilespmem:v3+s17+$0x0], $0xffff;
	_ =	sdelay $0x3  }
0x431: {  	s16 =	simm.s32 $0x5800  }
0x432: {  	[tilespmem:s16+$0x0] =	vst v4  }
0x433: {  	v4 =	vld.idx.msk [tilespmem:v3+s18+$0x0], $0xffff;
	_ =	sdelay $0x4  }
0x434: {  	[tilespmem:s8+$0x6000] =	vst v4  }
0x435: {  	v4 =	vld.idx.msk [tilespmem:v3+s19+$0x0], $0xffff;
	_ =	sdelay $0x4  }
0x436: {  	[tilespmem:s8+$0x6800] =	vst v4  }
0x437: {  	v4 =	vld.idx.msk [tilespmem:v3+s22+$0x0], $0xffff;
	_ =	sdelay $0x4  }
0x438: {  	[tilespmem:s8+$0x7000] =	vst v4  }
0x439: {  	v4 =	vld.idx.msk [tilespmem:v3+s23+$0x0], $0xffff;
	_ =	sdelay $0x4  }
0x43a: {  	[tilespmem:s8+$0x7800] =	vst v4  }
0x43b: {  	v4 =	vld.idx.msk [tilespmem:v3+s24+$0x0], $0xffff;
	_ =	sdelay $0x4  }
0x43c: {  	[tilespmem:s8+$0x8000] =	vst v4  }
0x43d: {  	v4 =	vld.idx.msk [tilespmem:v3+s25+$0x0], $0xffff;
	_ =	sdelay $0x4  }
0x43e: {  	[tilespmem:s8+$0x8800] =	vst v4  }
0x43f: {  	s1 =	simm.s32 $0x10;
	v3 =	vld.idx.msk [tilespmem:v3+s26+$0x0], $0xffff  }
.LBB2_18:
0x440: {  	_ =	sdelay $0x3  }
0x441: {  	p0 =	sne.s32 s1, $0x7F0;
	s15 =	sadd.s32 $0x10, s15;
	s16 =	sadd.s32 $0x10, s16;
	[tilespmem:s8+$0x9000] =	vst v3  }
0x442: {  	s8 =	smov.u32 s1;
	s1 =	sadd.s32 $0x10, s1;
	v3 =	vld [tilespmem:s15+$0x0];
	_ =	sdelay $0x7  }
0x443: {  	v4 =	vld.idx.msk [tilespmem:v3+s3+$0x0], $0xffff;
	_ =	sdelay $0x4  }
0x444: {  	s8 =	sand.u32 $0x7F0, s8  }
0x445: {  	[tilespmem:s8+$0x9800] =	vst v4  }
0x446: {  	v4 =	vld.idx.msk [tilespmem:v3+s17+$0x0], $0xffff;
	_ =	sdelay $0x5  }
0x447: {  	[tilespmem:s16+$0x0] =	vst v4  }
0x448: {  	v4 =	vld.idx.msk [tilespmem:v3+s18+$0x0], $0xffff;
	_ =	sdelay $0x5  }
0x449: {  	[tilespmem:s8+$0x6000] =	vst v4  }
0x44a: {  	v4 =	vld.idx.msk [tilespmem:v3+s19+$0x0], $0xffff;
	_ =	sdelay $0x5  }
0x44b: {  	[tilespmem:s8+$0x6800] =	vst v4  }
0x44c: {  	v4 =	vld.idx.msk [tilespmem:v3+s22+$0x0], $0xffff;
	_ =	sdelay $0x5  }
0x44d: {  	[tilespmem:s8+$0x7000] =	vst v4  }
0x44e: {  	v4 =	vld.idx.msk [tilespmem:v3+s23+$0x0], $0xffff;
	_ =	sdelay $0x5  }
0x44f: {  	[tilespmem:s8+$0x7800] =	vst v4  }
0x450: {  	v4 =	vld.idx.msk [tilespmem:v3+s24+$0x0], $0xffff;
	_ =	sdelay $0x5  }
0x451: {  	[tilespmem:s8+$0x8000] =	vst v4  }
0x452: {  	v4 =	vld.idx.msk [tilespmem:v3+s25+$0x0], $0xffff;
	_ =	sdelay $0x2  }
.Ltmp8:
0x453: {  	(pc) =	sbr.rel @p0 .LBB2_18-.Ltmp8, $3  }
0x454: {  	_ =	sdelay $0x1  }
0x455: {  	[tilespmem:s8+$0x8800] =	vst v4  }
0x456: {  	v3 =	vld.idx.msk [tilespmem:v3+s26+$0x0], $0xffff  }
0x457: {  	_ =	sdelay $0x3  }
0x458: {  	s1 =	rddreg [dreg:$0x1f];
	[tilespmem:s8+$0x9000] =	vst v3  }
0x459: {  	[hbm4b:s1+s28] =	stream.strided.scatter [tilespmem:s2], [sflag:$0x7], $0x4800, s29, s28, $0x38;
	[tilespmem:$0x16C80] =	vst v63  }
0x45a: {  	_ =	swait.ge [sflag:s4], $0x4000  }
0x45b: {  	s16 =	sld [smem:$0x7EC]  }
0x45c: {  	[sflag:s4] =	ssyncset.done $0x0  }
0x45d: {  	s1 =	simm.s32 $0x0;
	[sflag:s4] =	ssyncadd.s32 $0xFFFFC000  }
0x45e: {  	[hbm4b:s16+s1] =	stream.linear.scatter [tilespmem:s0], [sflag:$0x3], $0x4000, $0x38;
	[tilespmem:$0x16C80] =	vst v63  }
0x45f: {  	_ =	swait.ge [sflag:s5], $0x4000  }
0x460: {  	[sflag:s5] =	ssyncset.done $0x0  }
0x461: {  	[sflag:s5] =	ssyncadd.s32 $0xFFFFC000  }
0x462: {  	v3 =	vld [tilespmem:$0xEB00];
	_ =	sdelay $0x4  }
0x463: {  	v4 =	vshll.u32 v3, $0x1  }
0x464: {  	v3 =	vand.u32 $0x7, v3;
	v4 =	vand.u32 $0xFFFFFFF0, v4  }
0x465: {  	v3 =	vor.u32 v3, v4  }
0x466: {  	v4 =	vperm.xlane v3, v0;
	_ =	sdelay $0x1  }
0x467: {  	v3 =	vperm.xlane v3, v2;
	v4 =	vadd.s32 v1, v4;
	_ =	sdelay $0x1  }
0x468: {  	v3 =	vadd.s32 v1, v3;
	_ =	sdelay $0x2  }
0x469: {  	[tilespmem:s0], [sflag:$0x1] =	stream.indirect_vreg.gather [hbm4b:s20+s1], $0x80, v4, vm0, $0xb8;
	[tilespmem:$0x16C80] =	vst v63  }
0x46a: {  	s15 =	simm.s32 $0xF480  }
0x46b: {  	[tilespmem:s15], [sflag:$0x1] =	stream.indirect_vreg.gather [hbm4b:s20+s1], $0x80, v3, vm0, $0xb8;
	[tilespmem:$0x16C80] =	vst v63  }
0x46c: {  	v3 =	vld [tilespmem:$0xEB10];
	_ =	sdelay $0x4  }
0x46d: {  	v4 =	vshll.u32 v3, $0x1  }
0x46e: {  	v3 =	vand.u32 $0x7, v3;
	v4 =	vand.u32 $0xFFFFFFF0, v4  }
0x46f: {  	v3 =	vor.u32 v3, v4  }
0x470: {  	v4 =	vperm.xlane v3, v0;
	_ =	sdelay $0x1  }
0x471: {  	v3 =	vperm.xlane v3, v2;
	v4 =	vadd.s32 v1, v4;
	_ =	sdelay $0x1  }
0x472: {  	v3 =	vadd.s32 v1, v3;
	_ =	sdelay $0x1  }
0x473: {  	s16 =	simm.s32 $0xFC80  }
0x474: {  	[tilespmem:s16], [sflag:$0x1] =	stream.indirect_vreg.gather [hbm4b:s20+s1], $0x80, v4, vm0, $0xb8;
	[tilespmem:$0x16C80] =	vst v63  }
0x475: {  	s15 =	simm.s32 $0x10480  }
0x476: {  	[tilespmem:s15], [sflag:$0x1] =	stream.indirect_vreg.gather [hbm4b:s20+s1], $0x80, v3, vm0, $0xb8;
	[tilespmem:$0x16C80] =	vst v63  }
0x477: {  	v3 =	vld [tilespmem:$0xEB20];
	_ =	sdelay $0x4  }
0x478: {  	v4 =	vshll.u32 v3, $0x1  }
0x479: {  	v3 =	vand.u32 $0x7, v3;
	v4 =	vand.u32 $0xFFFFFFF0, v4  }
0x47a: {  	v3 =	vor.u32 v3, v4  }
0x47b: {  	v4 =	vperm.xlane v3, v0;
	_ =	sdelay $0x1  }
0x47c: {  	v3 =	vperm.xlane v3, v2;
	v4 =	vadd.s32 v1, v4;
	_ =	sdelay $0x1  }
0x47d: {  	v3 =	vadd.s32 v1, v3;
	_ =	sdelay $0x1  }
0x47e: {  	s16 =	simm.s32 $0x10C80  }
0x47f: {  	[tilespmem:s16], [sflag:$0x1] =	stream.indirect_vreg.gather [hbm4b:s20+s1], $0x80, v4, vm0, $0xb8;
	[tilespmem:$0x16C80] =	vst v63  }
0x480: {  	s15 =	simm.s32 $0x11480  }
0x481: {  	[tilespmem:s15], [sflag:$0x1] =	stream.indirect_vreg.gather [hbm4b:s20+s1], $0x80, v3, vm0, $0xb8;
	[tilespmem:$0x16C80] =	vst v63  }
0x482: {  	v3 =	vld [tilespmem:$0xEB30];
	_ =	sdelay $0x4  }
0x483: {  	v4 =	vshll.u32 v3, $0x1  }
0x484: {  	v3 =	vand.u32 $0x7, v3;
	v4 =	vand.u32 $0xFFFFFFF0, v4  }
0x485: {  	v3 =	vor.u32 v3, v4  }
0x486: {  	v4 =	vperm.xlane v3, v0;
	_ =	sdelay $0x1  }
0x487: {  	v3 =	vperm.xlane v3, v2;
	v4 =	vadd.s32 v1, v4;
	_ =	sdelay $0x1  }
0x488: {  	v3 =	vadd.s32 v1, v3;
	_ =	sdelay $0x1  }
0x489: {  	s16 =	simm.s32 $0x11C80  }
0x48a: {  	[tilespmem:s16], [sflag:$0x1] =	stream.indirect_vreg.gather [hbm4b:s20+s1], $0x80, v4, vm0, $0xb8;
	[tilespmem:$0x16C80] =	vst v63  }
0x48b: {  	s15 =	simm.s32 $0x12480  }
0x48c: {  	[tilespmem:s15], [sflag:$0x1] =	stream.indirect_vreg.gather [hbm4b:s20+s1], $0x80, v3, vm0, $0xb8;
	[tilespmem:$0x16C80] =	vst v63  }
0x48d: {  	_ =	swait.ge [sflag:s6], $0x800  }
0x48e: {  	[sflag:s6] =	ssyncset.done $0x0  }
0x48f: {  	s16 =	rddreg [dreg:$0x12];
	[sflag:s6] =	ssyncadd.s32 $0xFFFFF800  }
0x490: {  	[tilespmem:s7], [sflag:$0x5] =	stream.strided.gather [hbm4b:s16+s28], $0x800, s29, s28, $0x38;
	[tilespmem:$0x16C80] =	vst v63  }
0x491: {  	_ =	swait.ge [sflag:s13], $0x4800  }
0x492: {  	[sflag:s13] =	ssyncset.done $0x0  }
0x493: {  	s15 =	simm.s32 $0x5000;
	[sflag:s13] =	ssyncadd.s32 $0xFFFFB800  }
0x494: {  	v3 =	vld [tilespmem:s15+$0x0];
	_ =	sdelay $0x7  }
0x495: {  	v4 =	vld.idx.msk [tilespmem:v3+s3+$0x0], $0xffff;
	_ =	sdelay $0x3  }
0x496: {  	s8 =	sand.u32 $0x7F0, s1  }
0x497: {  	[tilespmem:s8+$0xE000] =	vst v4  }
0x498: {  	v4 =	vld.idx.msk [tilespmem:v3+s17+$0x0], $0xffff;
	_ =	sdelay $0x3  }
0x499: {  	s16 =	simm.s32 $0xA000  }
0x49a: {  	[tilespmem:s16+$0x0] =	vst v4  }
0x49b: {  	v4 =	vld.idx.msk [tilespmem:v3+s18+$0x0], $0xffff;
	_ =	sdelay $0x4  }
0x49c: {  	[tilespmem:s8+$0xA800] =	vst v4  }
0x49d: {  	v4 =	vld.idx.msk [tilespmem:v3+s19+$0x0], $0xffff;
	_ =	sdelay $0x4  }
0x49e: {  	[tilespmem:s8+$0xB000] =	vst v4  }
0x49f: {  	v4 =	vld.idx.msk [tilespmem:v3+s22+$0x0], $0xffff;
	_ =	sdelay $0x4  }
0x4a0: {  	[tilespmem:s8+$0xB800] =	vst v4  }
0x4a1: {  	v4 =	vld.idx.msk [tilespmem:v3+s23+$0x0], $0xffff;
	_ =	sdelay $0x4  }
0x4a2: {  	[tilespmem:s8+$0xC000] =	vst v4  }
0x4a3: {  	v4 =	vld.idx.msk [tilespmem:v3+s24+$0x0], $0xffff;
	_ =	sdelay $0x4  }
0x4a4: {  	[tilespmem:s8+$0xC800] =	vst v4  }
0x4a5: {  	v4 =	vld.idx.msk [tilespmem:v3+s25+$0x0], $0xffff;
	_ =	sdelay $0x4  }
0x4a6: {  	[tilespmem:s8+$0xD000] =	vst v4  }
0x4a7: {  	s1 =	simm.s32 $0x10;
	v3 =	vld.idx.msk [tilespmem:v3+s26+$0x0], $0xffff  }
.LBB2_20:
0x4a8: {  	_ =	sdelay $0x3  }
0x4a9: {  	p0 =	sne.s32 s1, $0x7F0;
	s15 =	sadd.s32 $0x10, s15;
	s16 =	sadd.s32 $0x10, s16;
	[tilespmem:s8+$0xD800] =	vst v3  }
0x4aa: {  	s8 =	smov.u32 s1;
	s1 =	sadd.s32 $0x10, s1;
	v3 =	vld [tilespmem:s15+$0x0];
	_ =	sdelay $0x7  }
0x4ab: {  	v4 =	vld.idx.msk [tilespmem:v3+s3+$0x0], $0xffff;
	_ =	sdelay $0x4  }
0x4ac: {  	s8 =	sand.u32 $0x7F0, s8  }
0x4ad: {  	[tilespmem:s8+$0xE000] =	vst v4  }
0x4ae: {  	v4 =	vld.idx.msk [tilespmem:v3+s17+$0x0], $0xffff;
	_ =	sdelay $0x5  }
0x4af: {  	[tilespmem:s16+$0x0] =	vst v4  }
0x4b0: {  	v4 =	vld.idx.msk [tilespmem:v3+s18+$0x0], $0xffff;
	_ =	sdelay $0x5  }
0x4b1: {  	[tilespmem:s8+$0xA800] =	vst v4  }
0x4b2: {  	v4 =	vld.idx.msk [tilespmem:v3+s19+$0x0], $0xffff;
	_ =	sdelay $0x5  }
0x4b3: {  	[tilespmem:s8+$0xB000] =	vst v4  }
0x4b4: {  	v4 =	vld.idx.msk [tilespmem:v3+s22+$0x0], $0xffff;
	_ =	sdelay $0x5  }
0x4b5: {  	[tilespmem:s8+$0xB800] =	vst v4  }
0x4b6: {  	v4 =	vld.idx.msk [tilespmem:v3+s23+$0x0], $0xffff;
	_ =	sdelay $0x5  }
0x4b7: {  	[tilespmem:s8+$0xC000] =	vst v4  }
0x4b8: {  	v4 =	vld.idx.msk [tilespmem:v3+s24+$0x0], $0xffff;
	_ =	sdelay $0x5  }
0x4b9: {  	[tilespmem:s8+$0xC800] =	vst v4  }
0x4ba: {  	v4 =	vld.idx.msk [tilespmem:v3+s25+$0x0], $0xffff;
	_ =	sdelay $0x2  }
.Ltmp9:
0x4bb: {  	(pc) =	sbr.rel @p0 .LBB2_20-.Ltmp9, $3  }
0x4bc: {  	_ =	sdelay $0x1  }
0x4bd: {  	[tilespmem:s8+$0xD000] =	vst v4  }
0x4be: {  	v3 =	vld.idx.msk [tilespmem:v3+s26+$0x0], $0xffff  }
0x4bf: {  	_ =	sdelay $0x1  }
0x4c0: {  	s1 =	sld [smem:$0x7DF];
	_ =	sdelay $0x1  }
0x4c1: {  	s15 =	simm.s32 $0xA000;
	[tilespmem:s8+$0xD800] =	vst v3  }
0x4c2: {  	[hbm4b:s1+s28] =	stream.strided.scatter [tilespmem:s15], [sflag:$0x8], $0x4800, s29, s28, $0x38;
	[tilespmem:$0x16C80] =	vst v63  }
0x4c3: {  	_ =	swait.ge [sflag:s10], $0x4000  }
0x4c4: {  	s16 =	sld [smem:$0x7ED]  }
0x4c5: {  	[sflag:s10] =	ssyncset.done $0x0  }
0x4c6: {  	s1 =	simm.s32 $0x0;
	[sflag:s10] =	ssyncadd.s32 $0xFFFFC000  }
0x4c7: {  	[hbm4b:s16+s1] =	stream.linear.scatter [tilespmem:s9], [sflag:$0x4], $0x4000, $0x38;
	[tilespmem:$0x16C80] =	vst v63  }
0x4c8: {  	_ =	swait.ge [sflag:s11], $0x4000  }
0x4c9: {  	[sflag:s11] =	ssyncset.done $0x0  }
0x4ca: {  	[sflag:s11] =	ssyncadd.s32 $0xFFFFC000  }
0x4cb: {  	v3 =	vld [tilespmem:$0xEB00];
	_ =	sdelay $0x4  }
0x4cc: {  	v4 =	vshll.u32 v3, $0x1  }
0x4cd: {  	v3 =	vand.u32 $0x7, v3;
	v4 =	vand.u32 $0xFFFFFFF0, v4  }
0x4ce: {  	v3 =	vor.u32 v3, v4  }
0x4cf: {  	v4 =	vperm.xlane v3, v0;
	_ =	sdelay $0x1  }
0x4d0: {  	v3 =	vperm.xlane v3, v2;
	v4 =	vadd.s32 v1, v4;
	_ =	sdelay $0x1  }
0x4d1: {  	v3 =	vadd.s32 v1, v3;
	_ =	sdelay $0x2  }
0x4d2: {  	[tilespmem:s9], [sflag:$0x2] =	stream.indirect_vreg.gather [hbm4b:s21+s1], $0x80, v4, vm0, $0xb8;
	[tilespmem:$0x16C80] =	vst v63  }
0x4d3: {  	s15 =	simm.s32 $0x13480  }
0x4d4: {  	[tilespmem:s15], [sflag:$0x2] =	stream.indirect_vreg.gather [hbm4b:s21+s1], $0x80, v3, vm0, $0xb8;
	[tilespmem:$0x16C80] =	vst v63  }
0x4d5: {  	v3 =	vld [tilespmem:$0xEB10];
	_ =	sdelay $0x4  }
0x4d6: {  	v4 =	vshll.u32 v3, $0x1  }
0x4d7: {  	v3 =	vand.u32 $0x7, v3;
	v4 =	vand.u32 $0xFFFFFFF0, v4  }
0x4d8: {  	v3 =	vor.u32 v3, v4  }
0x4d9: {  	v4 =	vperm.xlane v3, v0;
	_ =	sdelay $0x1  }
0x4da: {  	v3 =	vperm.xlane v3, v2;
	v4 =	vadd.s32 v1, v4;
	_ =	sdelay $0x1  }
0x4db: {  	v3 =	vadd.s32 v1, v3;
	_ =	sdelay $0x1  }
0x4dc: {  	s16 =	simm.s32 $0x13C80  }
0x4dd: {  	[tilespmem:s16], [sflag:$0x2] =	stream.indirect_vreg.gather [hbm4b:s21+s1], $0x80, v4, vm0, $0xb8;
	[tilespmem:$0x16C80] =	vst v63  }
0x4de: {  	s15 =	simm.s32 $0x14480  }
0x4df: {  	[tilespmem:s15], [sflag:$0x2] =	stream.indirect_vreg.gather [hbm4b:s21+s1], $0x80, v3, vm0, $0xb8;
	[tilespmem:$0x16C80] =	vst v63  }
0x4e0: {  	v3 =	vld [tilespmem:$0xEB20];
	_ =	sdelay $0x4  }
0x4e1: {  	v4 =	vshll.u32 v3, $0x1  }
0x4e2: {  	v3 =	vand.u32 $0x7, v3;
	v4 =	vand.u32 $0xFFFFFFF0, v4  }
0x4e3: {  	v3 =	vor.u32 v3, v4  }
0x4e4: {  	v4 =	vperm.xlane v3, v0;
	_ =	sdelay $0x1  }
0x4e5: {  	v3 =	vperm.xlane v3, v2;
	v4 =	vadd.s32 v1, v4;
	_ =	sdelay $0x1  }
0x4e6: {  	v3 =	vadd.s32 v1, v3;
	_ =	sdelay $0x1  }
0x4e7: {  	s16 =	simm.s32 $0x14C80  }
0x4e8: {  	[tilespmem:s16], [sflag:$0x2] =	stream.indirect_vreg.gather [hbm4b:s21+s1], $0x80, v4, vm0, $0xb8;
	[tilespmem:$0x16C80] =	vst v63  }
0x4e9: {  	s15 =	simm.s32 $0x15480  }
0x4ea: {  	[tilespmem:s15], [sflag:$0x2] =	stream.indirect_vreg.gather [hbm4b:s21+s1], $0x80, v3, vm0, $0xb8;
	[tilespmem:$0x16C80] =	vst v63  }
0x4eb: {  	v3 =	vld [tilespmem:$0xEB30];
	_ =	sdelay $0x4  }
0x4ec: {  	v4 =	vshll.u32 v3, $0x1  }
0x4ed: {  	v3 =	vand.u32 $0x7, v3;
	v4 =	vand.u32 $0xFFFFFFF0, v4  }
0x4ee: {  	v3 =	vor.u32 v3, v4  }
0x4ef: {  	v4 =	vperm.xlane v3, v0;
	_ =	sdelay $0x1  }
0x4f0: {  	v3 =	vperm.xlane v3, v2;
	v4 =	vadd.s32 v1, v4;
	_ =	sdelay $0x1  }
0x4f1: {  	v3 =	vadd.s32 v1, v3;
	_ =	sdelay $0x1  }
0x4f2: {  	s16 =	simm.s32 $0x15C80  }
0x4f3: {  	[tilespmem:s16], [sflag:$0x2] =	stream.indirect_vreg.gather [hbm4b:s21+s1], $0x80, v4, vm0, $0xb8;
	[tilespmem:$0x16C80] =	vst v63  }
0x4f4: {  	s15 =	simm.s32 $0x16480  }
0x4f5: {  	[tilespmem:s15], [sflag:$0x2] =	stream.indirect_vreg.gather [hbm4b:s21+s1], $0x80, v3, vm0, $0xb8;
	[tilespmem:$0x16C80] =	vst v63  }
0x4f6: {  	_ =	swait.ge [sflag:s30], $0x800  }
0x4f7: {  	[sflag:s30] =	ssyncset.done $0x0  }
0x4f8: {  	s15 =	simm.s32 $0x5000;
	s16 =	rddreg [dreg:$0x13];
	[sflag:s30] =	ssyncadd.s32 $0xFFFFF800  }
0x4f9: {  	[tilespmem:s15], [sflag:$0x6] =	stream.strided.gather [hbm4b:s16+s28], $0x800, s29, s28, $0x38;
	[tilespmem:$0x16C80] =	vst v63  }
0x4fa: {  	_ =	swait.ge [sflag:s12], $0x4800  }
0x4fb: {  	[sflag:s12] =	ssyncset.done $0x0  }
0x4fc: {  	s15 =	simm.s32 $0x4800;
	[sflag:s12] =	ssyncadd.s32 $0xFFFFB800  }
0x4fd: {  	v3 =	vld [tilespmem:s15+$0x0];
	_ =	sdelay $0x7  }
0x4fe: {  	v4 =	vld.idx.msk [tilespmem:v3+s3+$0x0], $0xffff;
	_ =	sdelay $0x3  }
0x4ff: {  	s8 =	sand.u32 $0x7F0, s1  }
0x500: {  	[tilespmem:s8+$0x9800] =	vst v4  }
0x501: {  	v4 =	vld.idx.msk [tilespmem:v3+s17+$0x0], $0xffff;
	_ =	sdelay $0x3  }
0x502: {  	s16 =	simm.s32 $0x5800  }
0x503: {  	[tilespmem:s16+$0x0] =	vst v4  }
0x504: {  	v4 =	vld.idx.msk [tilespmem:v3+s18+$0x0], $0xffff;
	_ =	sdelay $0x4  }
0x505: {  	[tilespmem:s8+$0x6000] =	vst v4  }
0x506: {  	v4 =	vld.idx.msk [tilespmem:v3+s19+$0x0], $0xffff;
	_ =	sdelay $0x4  }
0x507: {  	[tilespmem:s8+$0x6800] =	vst v4  }
0x508: {  	v4 =	vld.idx.msk [tilespmem:v3+s22+$0x0], $0xffff;
	_ =	sdelay $0x4  }
0x509: {  	[tilespmem:s8+$0x7000] =	vst v4  }
0x50a: {  	v4 =	vld.idx.msk [tilespmem:v3+s23+$0x0], $0xffff;
	_ =	sdelay $0x4  }
0x50b: {  	[tilespmem:s8+$0x7800] =	vst v4  }
0x50c: {  	v4 =	vld.idx.msk [tilespmem:v3+s24+$0x0], $0xffff;
	_ =	sdelay $0x4  }
0x50d: {  	[tilespmem:s8+$0x8000] =	vst v4  }
0x50e: {  	v4 =	vld.idx.msk [tilespmem:v3+s25+$0x0], $0xffff;
	_ =	sdelay $0x4  }
0x50f: {  	[tilespmem:s8+$0x8800] =	vst v4  }
0x510: {  	s1 =	simm.s32 $0x10;
	v3 =	vld.idx.msk [tilespmem:v3+s26+$0x0], $0xffff  }
.LBB2_22:
0x511: {  	_ =	sdelay $0x3  }
0x512: {  	p0 =	sne.s32 s1, $0x7F0;
	s15 =	sadd.s32 $0x10, s15;
	s16 =	sadd.s32 $0x10, s16;
	[tilespmem:s8+$0x9000] =	vst v3  }
0x513: {  	s8 =	smov.u32 s1;
	s1 =	sadd.s32 $0x10, s1;
	v3 =	vld [tilespmem:s15+$0x0];
	_ =	sdelay $0x7  }
0x514: {  	v4 =	vld.idx.msk [tilespmem:v3+s3+$0x0], $0xffff;
	_ =	sdelay $0x4  }
0x515: {  	s8 =	sand.u32 $0x7F0, s8  }
0x516: {  	[tilespmem:s8+$0x9800] =	vst v4  }
0x517: {  	v4 =	vld.idx.msk [tilespmem:v3+s17+$0x0], $0xffff;
	_ =	sdelay $0x5  }
0x518: {  	[tilespmem:s16+$0x0] =	vst v4  }
0x519: {  	v4 =	vld.idx.msk [tilespmem:v3+s18+$0x0], $0xffff;
	_ =	sdelay $0x5  }
0x51a: {  	[tilespmem:s8+$0x6000] =	vst v4  }
0x51b: {  	v4 =	vld.idx.msk [tilespmem:v3+s19+$0x0], $0xffff;
	_ =	sdelay $0x5  }
0x51c: {  	[tilespmem:s8+$0x6800] =	vst v4  }
0x51d: {  	v4 =	vld.idx.msk [tilespmem:v3+s22+$0x0], $0xffff;
	_ =	sdelay $0x5  }
0x51e: {  	[tilespmem:s8+$0x7000] =	vst v4  }
0x51f: {  	v4 =	vld.idx.msk [tilespmem:v3+s23+$0x0], $0xffff;
	_ =	sdelay $0x5  }
0x520: {  	[tilespmem:s8+$0x7800] =	vst v4  }
0x521: {  	v4 =	vld.idx.msk [tilespmem:v3+s24+$0x0], $0xffff;
	_ =	sdelay $0x5  }
0x522: {  	[tilespmem:s8+$0x8000] =	vst v4  }
0x523: {  	v4 =	vld.idx.msk [tilespmem:v3+s25+$0x0], $0xffff;
	_ =	sdelay $0x2  }
.Ltmp10:
0x524: {  	(pc) =	sbr.rel @p0 .LBB2_22-.Ltmp10, $3  }
0x525: {  	_ =	sdelay $0x1  }
0x526: {  	[tilespmem:s8+$0x8800] =	vst v4  }
0x527: {  	v3 =	vld.idx.msk [tilespmem:v3+s26+$0x0], $0xffff  }
0x528: {  	_ =	sdelay $0x1  }
0x529: {  	s1 =	sld [smem:$0x7E0];
	_ =	sdelay $0x1  }
0x52a: {  	[tilespmem:s8+$0x9000] =	vst v3  }
0x52b: {  	[hbm4b:s1+s28] =	stream.strided.scatter [tilespmem:s2], [sflag:$0x7], $0x4800, s29, s28, $0x38;
	[tilespmem:$0x16C80] =	vst v63  }
0x52c: {  	_ =	swait.ge [sflag:s4], $0x4000  }
0x52d: {  	s16 =	sld [smem:$0x7EE]  }
0x52e: {  	[sflag:s4] =	ssyncset.done $0x0  }
0x52f: {  	s1 =	simm.s32 $0x0;
	[sflag:s4] =	ssyncadd.s32 $0xFFFFC000  }
0x530: {  	[hbm4b:s16+s1] =	stream.linear.scatter [tilespmem:s0], [sflag:$0x3], $0x4000, $0x38;
	[tilespmem:$0x16C80] =	vst v63  }
0x531: {  	_ =	swait.ge [sflag:s5], $0x4000  }
0x532: {  	[sflag:s5] =	ssyncset.done $0x0  }
0x533: {  	[sflag:s5] =	ssyncadd.s32 $0xFFFFC000  }
0x534: {  	v3 =	vld [tilespmem:$0xEB80];
	_ =	sdelay $0x4  }
0x535: {  	v4 =	vshll.u32 v3, $0x1  }
0x536: {  	v3 =	vand.u32 $0x7, v3;
	v4 =	vand.u32 $0xFFFFFFF0, v4  }
0x537: {  	v3 =	vor.u32 v3, v4  }
0x538: {  	v4 =	vperm.xlane v3, v0;
	_ =	sdelay $0x1  }
0x539: {  	v3 =	vperm.xlane v3, v2;
	v4 =	vadd.s32 v1, v4;
	_ =	sdelay $0x1  }
0x53a: {  	v3 =	vadd.s32 v1, v3;
	_ =	sdelay $0x2  }
0x53b: {  	[tilespmem:s0], [sflag:$0x1] =	stream.indirect_vreg.gather [hbm4b:s20+s1], $0x80, v4, vm0, $0xb8;
	[tilespmem:$0x16C80] =	vst v63  }
0x53c: {  	s15 =	simm.s32 $0xF480  }
0x53d: {  	[tilespmem:s15], [sflag:$0x1] =	stream.indirect_vreg.gather [hbm4b:s20+s1], $0x80, v3, vm0, $0xb8;
	[tilespmem:$0x16C80] =	vst v63  }
0x53e: {  	v3 =	vld [tilespmem:$0xEB90];
	_ =	sdelay $0x4  }
0x53f: {  	v4 =	vshll.u32 v3, $0x1  }
0x540: {  	v3 =	vand.u32 $0x7, v3;
	v4 =	vand.u32 $0xFFFFFFF0, v4  }
0x541: {  	v3 =	vor.u32 v3, v4  }
0x542: {  	v4 =	vperm.xlane v3, v0;
	_ =	sdelay $0x1  }
0x543: {  	v3 =	vperm.xlane v3, v2;
	v4 =	vadd.s32 v1, v4;
	_ =	sdelay $0x1  }
0x544: {  	v3 =	vadd.s32 v1, v3;
	_ =	sdelay $0x1  }
0x545: {  	s16 =	simm.s32 $0xFC80  }
0x546: {  	[tilespmem:s16], [sflag:$0x1] =	stream.indirect_vreg.gather [hbm4b:s20+s1], $0x80, v4, vm0, $0xb8;
	[tilespmem:$0x16C80] =	vst v63  }
0x547: {  	s15 =	simm.s32 $0x10480  }
0x548: {  	[tilespmem:s15], [sflag:$0x1] =	stream.indirect_vreg.gather [hbm4b:s20+s1], $0x80, v3, vm0, $0xb8;
	[tilespmem:$0x16C80] =	vst v63  }
0x549: {  	v3 =	vld [tilespmem:$0xEBA0];
	_ =	sdelay $0x4  }
0x54a: {  	v4 =	vshll.u32 v3, $0x1  }
0x54b: {  	v3 =	vand.u32 $0x7, v3;
	v4 =	vand.u32 $0xFFFFFFF0, v4  }
0x54c: {  	v3 =	vor.u32 v3, v4  }
0x54d: {  	v4 =	vperm.xlane v3, v0;
	_ =	sdelay $0x1  }
0x54e: {  	v3 =	vperm.xlane v3, v2;
	v4 =	vadd.s32 v1, v4;
	_ =	sdelay $0x1  }
0x54f: {  	v3 =	vadd.s32 v1, v3;
	_ =	sdelay $0x1  }
0x550: {  	s16 =	simm.s32 $0x10C80  }
0x551: {  	[tilespmem:s16], [sflag:$0x1] =	stream.indirect_vreg.gather [hbm4b:s20+s1], $0x80, v4, vm0, $0xb8;
	[tilespmem:$0x16C80] =	vst v63  }
0x552: {  	s15 =	simm.s32 $0x11480  }
0x553: {  	[tilespmem:s15], [sflag:$0x1] =	stream.indirect_vreg.gather [hbm4b:s20+s1], $0x80, v3, vm0, $0xb8;
	[tilespmem:$0x16C80] =	vst v63  }
0x554: {  	v3 =	vld [tilespmem:$0xEBB0];
	_ =	sdelay $0x4  }
0x555: {  	v4 =	vshll.u32 v3, $0x1  }
0x556: {  	v3 =	vand.u32 $0x7, v3;
	v4 =	vand.u32 $0xFFFFFFF0, v4  }
0x557: {  	v3 =	vor.u32 v3, v4  }
0x558: {  	v4 =	vperm.xlane v3, v0;
	_ =	sdelay $0x1  }
0x559: {  	v3 =	vperm.xlane v3, v2;
	v4 =	vadd.s32 v1, v4;
	_ =	sdelay $0x1  }
0x55a: {  	v3 =	vadd.s32 v1, v3;
	_ =	sdelay $0x1  }
0x55b: {  	s16 =	simm.s32 $0x11C80  }
0x55c: {  	[tilespmem:s16], [sflag:$0x1] =	stream.indirect_vreg.gather [hbm4b:s20+s1], $0x80, v4, vm0, $0xb8;
	[tilespmem:$0x16C80] =	vst v63  }
0x55d: {  	s15 =	simm.s32 $0x12480  }
0x55e: {  	[tilespmem:s15], [sflag:$0x1] =	stream.indirect_vreg.gather [hbm4b:s20+s1], $0x80, v3, vm0, $0xb8;
	[tilespmem:$0x16C80] =	vst v63  }
0x55f: {  	_ =	swait.ge [sflag:s6], $0x800  }
0x560: {  	[sflag:s6] =	ssyncset.done $0x0  }
0x561: {  	s16 =	rddreg [dreg:$0x14];
	[sflag:s6] =	ssyncadd.s32 $0xFFFFF800  }
0x562: {  	[tilespmem:s7], [sflag:$0x5] =	stream.strided.gather [hbm4b:s16+s28], $0x800, s29, s28, $0x38;
	[tilespmem:$0x16C80] =	vst v63  }
0x563: {  	_ =	swait.ge [sflag:s13], $0x4800  }
0x564: {  	[sflag:s13] =	ssyncset.done $0x0  }
0x565: {  	s15 =	simm.s32 $0x5000;
	[sflag:s13] =	ssyncadd.s32 $0xFFFFB800  }
0x566: {  	v3 =	vld [tilespmem:s15+$0x0];
	_ =	sdelay $0x7  }
0x567: {  	v4 =	vld.idx.msk [tilespmem:v3+s3+$0x0], $0xffff;
	_ =	sdelay $0x3  }
0x568: {  	s8 =	sand.u32 $0x7F0, s1  }
0x569: {  	[tilespmem:s8+$0xE000] =	vst v4  }
0x56a: {  	v4 =	vld.idx.msk [tilespmem:v3+s17+$0x0], $0xffff;
	_ =	sdelay $0x3  }
0x56b: {  	s16 =	simm.s32 $0xA000  }
0x56c: {  	[tilespmem:s16+$0x0] =	vst v4  }
0x56d: {  	v4 =	vld.idx.msk [tilespmem:v3+s18+$0x0], $0xffff;
	_ =	sdelay $0x4  }
0x56e: {  	[tilespmem:s8+$0xA800] =	vst v4  }
0x56f: {  	v4 =	vld.idx.msk [tilespmem:v3+s19+$0x0], $0xffff;
	_ =	sdelay $0x4  }
0x570: {  	[tilespmem:s8+$0xB000] =	vst v4  }
0x571: {  	v4 =	vld.idx.msk [tilespmem:v3+s22+$0x0], $0xffff;
	_ =	sdelay $0x4  }
0x572: {  	[tilespmem:s8+$0xB800] =	vst v4  }
0x573: {  	v4 =	vld.idx.msk [tilespmem:v3+s23+$0x0], $0xffff;
	_ =	sdelay $0x4  }
0x574: {  	[tilespmem:s8+$0xC000] =	vst v4  }
0x575: {  	v4 =	vld.idx.msk [tilespmem:v3+s24+$0x0], $0xffff;
	_ =	sdelay $0x4  }
0x576: {  	[tilespmem:s8+$0xC800] =	vst v4  }
0x577: {  	v4 =	vld.idx.msk [tilespmem:v3+s25+$0x0], $0xffff;
	_ =	sdelay $0x4  }
0x578: {  	[tilespmem:s8+$0xD000] =	vst v4  }
0x579: {  	s1 =	simm.s32 $0x10;
	v3 =	vld.idx.msk [tilespmem:v3+s26+$0x0], $0xffff  }
.LBB2_24:
0x57a: {  	_ =	sdelay $0x3  }
0x57b: {  	p0 =	sne.s32 s1, $0x7F0;
	s15 =	sadd.s32 $0x10, s15;
	s16 =	sadd.s32 $0x10, s16;
	[tilespmem:s8+$0xD800] =	vst v3  }
0x57c: {  	s8 =	smov.u32 s1;
	s1 =	sadd.s32 $0x10, s1;
	v3 =	vld [tilespmem:s15+$0x0];
	_ =	sdelay $0x7  }
0x57d: {  	v4 =	vld.idx.msk [tilespmem:v3+s3+$0x0], $0xffff;
	_ =	sdelay $0x4  }
0x57e: {  	s8 =	sand.u32 $0x7F0, s8  }
0x57f: {  	[tilespmem:s8+$0xE000] =	vst v4  }
0x580: {  	v4 =	vld.idx.msk [tilespmem:v3+s17+$0x0], $0xffff;
	_ =	sdelay $0x5  }
0x581: {  	[tilespmem:s16+$0x0] =	vst v4  }
0x582: {  	v4 =	vld.idx.msk [tilespmem:v3+s18+$0x0], $0xffff;
	_ =	sdelay $0x5  }
0x583: {  	[tilespmem:s8+$0xA800] =	vst v4  }
0x584: {  	v4 =	vld.idx.msk [tilespmem:v3+s19+$0x0], $0xffff;
	_ =	sdelay $0x5  }
0x585: {  	[tilespmem:s8+$0xB000] =	vst v4  }
0x586: {  	v4 =	vld.idx.msk [tilespmem:v3+s22+$0x0], $0xffff;
	_ =	sdelay $0x5  }
0x587: {  	[tilespmem:s8+$0xB800] =	vst v4  }
0x588: {  	v4 =	vld.idx.msk [tilespmem:v3+s23+$0x0], $0xffff;
	_ =	sdelay $0x5  }
0x589: {  	[tilespmem:s8+$0xC000] =	vst v4  }
0x58a: {  	v4 =	vld.idx.msk [tilespmem:v3+s24+$0x0], $0xffff;
	_ =	sdelay $0x5  }
0x58b: {  	[tilespmem:s8+$0xC800] =	vst v4  }
0x58c: {  	v4 =	vld.idx.msk [tilespmem:v3+s25+$0x0], $0xffff;
	_ =	sdelay $0x2  }
.Ltmp11:
0x58d: {  	(pc) =	sbr.rel @p0 .LBB2_24-.Ltmp11, $3  }
0x58e: {  	_ =	sdelay $0x1  }
0x58f: {  	[tilespmem:s8+$0xD000] =	vst v4  }
0x590: {  	v3 =	vld.idx.msk [tilespmem:v3+s26+$0x0], $0xffff  }
0x591: {  	_ =	sdelay $0x1  }
0x592: {  	s1 =	sld [smem:$0x7E1];
	_ =	sdelay $0x1  }
0x593: {  	s15 =	simm.s32 $0xA000;
	[tilespmem:s8+$0xD800] =	vst v3  }
0x594: {  	[hbm4b:s1+s28] =	stream.strided.scatter [tilespmem:s15], [sflag:$0x8], $0x4800, s29, s28, $0x38;
	[tilespmem:$0x16C80] =	vst v63  }
0x595: {  	_ =	swait.ge [sflag:s10], $0x4000  }
0x596: {  	s16 =	sld [smem:$0x7EF]  }
0x597: {  	[sflag:s10] =	ssyncset.done $0x0  }
0x598: {  	s1 =	simm.s32 $0x0;
	[sflag:s10] =	ssyncadd.s32 $0xFFFFC000  }
0x599: {  	[hbm4b:s16+s1] =	stream.linear.scatter [tilespmem:s9], [sflag:$0x4], $0x4000, $0x38;
	[tilespmem:$0x16C80] =	vst v63  }
0x59a: {  	_ =	swait.ge [sflag:s11], $0x4000  }
0x59b: {  	[sflag:s11] =	ssyncset.done $0x0  }
0x59c: {  	[sflag:s11] =	ssyncadd.s32 $0xFFFFC000  }
0x59d: {  	v3 =	vld [tilespmem:$0xEB80];
	_ =	sdelay $0x4  }
0x59e: {  	v4 =	vshll.u32 v3, $0x1  }
0x59f: {  	v3 =	vand.u32 $0x7, v3;
	v4 =	vand.u32 $0xFFFFFFF0, v4  }
0x5a0: {  	v3 =	vor.u32 v3, v4  }
0x5a1: {  	v4 =	vperm.xlane v3, v0;
	_ =	sdelay $0x1  }
0x5a2: {  	v3 =	vperm.xlane v3, v2;
	v4 =	vadd.s32 v1, v4;
	_ =	sdelay $0x1  }
0x5a3: {  	v3 =	vadd.s32 v1, v3;
	_ =	sdelay $0x2  }
0x5a4: {  	[tilespmem:s9], [sflag:$0x2] =	stream.indirect_vreg.gather [hbm4b:s21+s1], $0x80, v4, vm0, $0xb8;
	[tilespmem:$0x16C80] =	vst v63  }
0x5a5: {  	s15 =	simm.s32 $0x13480  }
0x5a6: {  	[tilespmem:s15], [sflag:$0x2] =	stream.indirect_vreg.gather [hbm4b:s21+s1], $0x80, v3, vm0, $0xb8;
	[tilespmem:$0x16C80] =	vst v63  }
0x5a7: {  	v3 =	vld [tilespmem:$0xEB90];
	_ =	sdelay $0x4  }
0x5a8: {  	v4 =	vshll.u32 v3, $0x1  }
0x5a9: {  	v3 =	vand.u32 $0x7, v3;
	v4 =	vand.u32 $0xFFFFFFF0, v4  }
0x5aa: {  	v3 =	vor.u32 v3, v4  }
0x5ab: {  	v4 =	vperm.xlane v3, v0;
	_ =	sdelay $0x1  }
0x5ac: {  	v3 =	vperm.xlane v3, v2;
	v4 =	vadd.s32 v1, v4;
	_ =	sdelay $0x1  }
0x5ad: {  	v3 =	vadd.s32 v1, v3;
	_ =	sdelay $0x1  }
0x5ae: {  	s16 =	simm.s32 $0x13C80  }
0x5af: {  	[tilespmem:s16], [sflag:$0x2] =	stream.indirect_vreg.gather [hbm4b:s21+s1], $0x80, v4, vm0, $0xb8;
	[tilespmem:$0x16C80] =	vst v63  }
0x5b0: {  	s15 =	simm.s32 $0x14480  }
0x5b1: {  	[tilespmem:s15], [sflag:$0x2] =	stream.indirect_vreg.gather [hbm4b:s21+s1], $0x80, v3, vm0, $0xb8;
	[tilespmem:$0x16C80] =	vst v63  }
0x5b2: {  	v3 =	vld [tilespmem:$0xEBA0];
	_ =	sdelay $0x4  }
0x5b3: {  	v4 =	vshll.u32 v3, $0x1  }
0x5b4: {  	v3 =	vand.u32 $0x7, v3;
	v4 =	vand.u32 $0xFFFFFFF0, v4  }
0x5b5: {  	v3 =	vor.u32 v3, v4  }
0x5b6: {  	v4 =	vperm.xlane v3, v0;
	_ =	sdelay $0x1  }
0x5b7: {  	v3 =	vperm.xlane v3, v2;
	v4 =	vadd.s32 v1, v4;
	_ =	sdelay $0x1  }
0x5b8: {  	v3 =	vadd.s32 v1, v3;
	_ =	sdelay $0x1  }
0x5b9: {  	s16 =	simm.s32 $0x14C80  }
0x5ba: {  	[tilespmem:s16], [sflag:$0x2] =	stream.indirect_vreg.gather [hbm4b:s21+s1], $0x80, v4, vm0, $0xb8;
	[tilespmem:$0x16C80] =	vst v63  }
0x5bb: {  	s15 =	simm.s32 $0x15480  }
0x5bc: {  	[tilespmem:s15], [sflag:$0x2] =	stream.indirect_vreg.gather [hbm4b:s21+s1], $0x80, v3, vm0, $0xb8;
	[tilespmem:$0x16C80] =	vst v63  }
0x5bd: {  	v3 =	vld [tilespmem:$0xEBB0];
	_ =	sdelay $0x4  }
0x5be: {  	v4 =	vshll.u32 v3, $0x1  }
0x5bf: {  	v3 =	vand.u32 $0x7, v3;
	v4 =	vand.u32 $0xFFFFFFF0, v4  }
0x5c0: {  	v3 =	vor.u32 v3, v4  }
0x5c1: {  	v4 =	vperm.xlane v3, v0;
	_ =	sdelay $0x1  }
0x5c2: {  	v3 =	vperm.xlane v3, v2;
	v4 =	vadd.s32 v1, v4;
	_ =	sdelay $0x1  }
0x5c3: {  	v3 =	vadd.s32 v1, v3;
	_ =	sdelay $0x1  }
0x5c4: {  	s16 =	simm.s32 $0x15C80  }
0x5c5: {  	[tilespmem:s16], [sflag:$0x2] =	stream.indirect_vreg.gather [hbm4b:s21+s1], $0x80, v4, vm0, $0xb8;
	[tilespmem:$0x16C80] =	vst v63  }
0x5c6: {  	s15 =	simm.s32 $0x16480  }
0x5c7: {  	[tilespmem:s15], [sflag:$0x2] =	stream.indirect_vreg.gather [hbm4b:s21+s1], $0x80, v3, vm0, $0xb8;
	[tilespmem:$0x16C80] =	vst v63  }
0x5c8: {  	_ =	swait.ge [sflag:s30], $0x800  }
0x5c9: {  	[sflag:s30] =	ssyncset.done $0x0  }
0x5ca: {  	s15 =	simm.s32 $0x5000;
	s16 =	rddreg [dreg:$0x15];
	[sflag:s30] =	ssyncadd.s32 $0xFFFFF800  }
0x5cb: {  	[tilespmem:s15], [sflag:$0x6] =	stream.strided.gather [hbm4b:s16+s28], $0x800, s29, s28, $0x38;
	[tilespmem:$0x16C80] =	vst v63  }
0x5cc: {  	_ =	swait.ge [sflag:s12], $0x4800  }
0x5cd: {  	[sflag:s12] =	ssyncset.done $0x0  }
0x5ce: {  	s15 =	simm.s32 $0x4800;
	[sflag:s12] =	ssyncadd.s32 $0xFFFFB800  }
0x5cf: {  	v3 =	vld [tilespmem:s15+$0x0];
	_ =	sdelay $0x7  }
0x5d0: {  	v4 =	vld.idx.msk [tilespmem:v3+s3+$0x0], $0xffff;
	_ =	sdelay $0x3  }
0x5d1: {  	s8 =	sand.u32 $0x7F0, s1  }
0x5d2: {  	[tilespmem:s8+$0x9800] =	vst v4  }
0x5d3: {  	v4 =	vld.idx.msk [tilespmem:v3+s17+$0x0], $0xffff;
	_ =	sdelay $0x3  }
0x5d4: {  	s16 =	simm.s32 $0x5800  }
0x5d5: {  	[tilespmem:s16+$0x0] =	vst v4  }
0x5d6: {  	v4 =	vld.idx.msk [tilespmem:v3+s18+$0x0], $0xffff;
	_ =	sdelay $0x4  }
0x5d7: {  	[tilespmem:s8+$0x6000] =	vst v4  }
0x5d8: {  	v4 =	vld.idx.msk [tilespmem:v3+s19+$0x0], $0xffff;
	_ =	sdelay $0x4  }
0x5d9: {  	[tilespmem:s8+$0x6800] =	vst v4  }
0x5da: {  	v4 =	vld.idx.msk [tilespmem:v3+s22+$0x0], $0xffff;
	_ =	sdelay $0x4  }
0x5db: {  	[tilespmem:s8+$0x7000] =	vst v4  }
0x5dc: {  	v4 =	vld.idx.msk [tilespmem:v3+s23+$0x0], $0xffff;
	_ =	sdelay $0x4  }
0x5dd: {  	[tilespmem:s8+$0x7800] =	vst v4  }
0x5de: {  	v4 =	vld.idx.msk [tilespmem:v3+s24+$0x0], $0xffff;
	_ =	sdelay $0x4  }
0x5df: {  	[tilespmem:s8+$0x8000] =	vst v4  }
0x5e0: {  	v4 =	vld.idx.msk [tilespmem:v3+s25+$0x0], $0xffff;
	_ =	sdelay $0x4  }
0x5e1: {  	[tilespmem:s8+$0x8800] =	vst v4  }
0x5e2: {  	s1 =	simm.s32 $0x10;
	v3 =	vld.idx.msk [tilespmem:v3+s26+$0x0], $0xffff  }
.LBB2_26:
0x5e3: {  	_ =	sdelay $0x3  }
0x5e4: {  	p0 =	sne.s32 s1, $0x7F0;
	s15 =	sadd.s32 $0x10, s15;
	s16 =	sadd.s32 $0x10, s16;
	[tilespmem:s8+$0x9000] =	vst v3  }
0x5e5: {  	s8 =	smov.u32 s1;
	s1 =	sadd.s32 $0x10, s1;
	v3 =	vld [tilespmem:s15+$0x0];
	_ =	sdelay $0x7  }
0x5e6: {  	v4 =	vld.idx.msk [tilespmem:v3+s3+$0x0], $0xffff;
	_ =	sdelay $0x4  }
0x5e7: {  	s8 =	sand.u32 $0x7F0, s8  }
0x5e8: {  	[tilespmem:s8+$0x9800] =	vst v4  }
0x5e9: {  	v4 =	vld.idx.msk [tilespmem:v3+s17+$0x0], $0xffff;
	_ =	sdelay $0x5  }
0x5ea: {  	[tilespmem:s16+$0x0] =	vst v4  }
0x5eb: {  	v4 =	vld.idx.msk [tilespmem:v3+s18+$0x0], $0xffff;
	_ =	sdelay $0x5  }
0x5ec: {  	[tilespmem:s8+$0x6000] =	vst v4  }
0x5ed: {  	v4 =	vld.idx.msk [tilespmem:v3+s19+$0x0], $0xffff;
	_ =	sdelay $0x5  }
0x5ee: {  	[tilespmem:s8+$0x6800] =	vst v4  }
0x5ef: {  	v4 =	vld.idx.msk [tilespmem:v3+s22+$0x0], $0xffff;
	_ =	sdelay $0x5  }
0x5f0: {  	[tilespmem:s8+$0x7000] =	vst v4  }
0x5f1: {  	v4 =	vld.idx.msk [tilespmem:v3+s23+$0x0], $0xffff;
	_ =	sdelay $0x5  }
0x5f2: {  	[tilespmem:s8+$0x7800] =	vst v4  }
0x5f3: {  	v4 =	vld.idx.msk [tilespmem:v3+s24+$0x0], $0xffff;
	_ =	sdelay $0x5  }
0x5f4: {  	[tilespmem:s8+$0x8000] =	vst v4  }
0x5f5: {  	v4 =	vld.idx.msk [tilespmem:v3+s25+$0x0], $0xffff;
	_ =	sdelay $0x2  }
.Ltmp12:
0x5f6: {  	(pc) =	sbr.rel @p0 .LBB2_26-.Ltmp12, $3  }
0x5f7: {  	_ =	sdelay $0x1  }
0x5f8: {  	[tilespmem:s8+$0x8800] =	vst v4  }
0x5f9: {  	v3 =	vld.idx.msk [tilespmem:v3+s26+$0x0], $0xffff  }
0x5fa: {  	_ =	sdelay $0x1  }
0x5fb: {  	s1 =	sld [smem:$0x7E2];
	_ =	sdelay $0x1  }
0x5fc: {  	[tilespmem:s8+$0x9000] =	vst v3  }
0x5fd: {  	[hbm4b:s1+s28] =	stream.strided.scatter [tilespmem:s2], [sflag:$0x7], $0x4800, s29, s28, $0x38;
	[tilespmem:$0x16C80] =	vst v63  }
0x5fe: {  	_ =	swait.ge [sflag:s4], $0x4000  }
0x5ff: {  	s16 =	sld [smem:$0x7F0]  }
0x600: {  	[sflag:s4] =	ssyncset.done $0x0  }
0x601: {  	s1 =	simm.s32 $0x0;
	[sflag:s4] =	ssyncadd.s32 $0xFFFFC000  }
0x602: {  	[hbm4b:s16+s1] =	stream.linear.scatter [tilespmem:s0], [sflag:$0x3], $0x4000, $0x38;
	[tilespmem:$0x16C80] =	vst v63  }
0x603: {  	_ =	swait.ge [sflag:s5], $0x4000  }
0x604: {  	[sflag:s5] =	ssyncset.done $0x0  }
0x605: {  	[sflag:s5] =	ssyncadd.s32 $0xFFFFC000  }
0x606: {  	v3 =	vld [tilespmem:$0xEC00];
	_ =	sdelay $0x4  }
0x607: {  	v4 =	vshll.u32 v3, $0x1  }
0x608: {  	v3 =	vand.u32 $0x7, v3;
	v4 =	vand.u32 $0xFFFFFFF0, v4  }
0x609: {  	v3 =	vor.u32 v3, v4  }
0x60a: {  	v4 =	vperm.xlane v3, v0;
	_ =	sdelay $0x1  }
0x60b: {  	v3 =	vperm.xlane v3, v2;
	v4 =	vadd.s32 v1, v4;
	_ =	sdelay $0x1  }
0x60c: {  	v3 =	vadd.s32 v1, v3;
	_ =	sdelay $0x2  }
0x60d: {  	[tilespmem:s0], [sflag:$0x1] =	stream.indirect_vreg.gather [hbm4b:s20+s1], $0x80, v4, vm0, $0xb8;
	[tilespmem:$0x16C80] =	vst v63  }
0x60e: {  	s15 =	simm.s32 $0xF480  }
0x60f: {  	[tilespmem:s15], [sflag:$0x1] =	stream.indirect_vreg.gather [hbm4b:s20+s1], $0x80, v3, vm0, $0xb8;
	[tilespmem:$0x16C80] =	vst v63  }
0x610: {  	v3 =	vld [tilespmem:$0xEC10];
	_ =	sdelay $0x4  }
0x611: {  	v4 =	vshll.u32 v3, $0x1  }
0x612: {  	v3 =	vand.u32 $0x7, v3;
	v4 =	vand.u32 $0xFFFFFFF0, v4  }
0x613: {  	v3 =	vor.u32 v3, v4  }
0x614: {  	v4 =	vperm.xlane v3, v0;
	_ =	sdelay $0x1  }
0x615: {  	v3 =	vperm.xlane v3, v2;
	v4 =	vadd.s32 v1, v4;
	_ =	sdelay $0x1  }
0x616: {  	v3 =	vadd.s32 v1, v3;
	_ =	sdelay $0x1  }
0x617: {  	s16 =	simm.s32 $0xFC80  }
0x618: {  	[tilespmem:s16], [sflag:$0x1] =	stream.indirect_vreg.gather [hbm4b:s20+s1], $0x80, v4, vm0, $0xb8;
	[tilespmem:$0x16C80] =	vst v63  }
0x619: {  	s15 =	simm.s32 $0x10480  }
0x61a: {  	[tilespmem:s15], [sflag:$0x1] =	stream.indirect_vreg.gather [hbm4b:s20+s1], $0x80, v3, vm0, $0xb8;
	[tilespmem:$0x16C80] =	vst v63  }
0x61b: {  	v3 =	vld [tilespmem:$0xEC20];
	_ =	sdelay $0x4  }
0x61c: {  	v4 =	vshll.u32 v3, $0x1  }
0x61d: {  	v3 =	vand.u32 $0x7, v3;
	v4 =	vand.u32 $0xFFFFFFF0, v4  }
0x61e: {  	v3 =	vor.u32 v3, v4  }
0x61f: {  	v4 =	vperm.xlane v3, v0;
	_ =	sdelay $0x1  }
0x620: {  	v3 =	vperm.xlane v3, v2;
	v4 =	vadd.s32 v1, v4;
	_ =	sdelay $0x1  }
0x621: {  	v3 =	vadd.s32 v1, v3;
	_ =	sdelay $0x1  }
0x622: {  	s16 =	simm.s32 $0x10C80  }
0x623: {  	[tilespmem:s16], [sflag:$0x1] =	stream.indirect_vreg.gather [hbm4b:s20+s1], $0x80, v4, vm0, $0xb8;
	[tilespmem:$0x16C80] =	vst v63  }
0x624: {  	s15 =	simm.s32 $0x11480  }
0x625: {  	[tilespmem:s15], [sflag:$0x1] =	stream.indirect_vreg.gather [hbm4b:s20+s1], $0x80, v3, vm0, $0xb8;
	[tilespmem:$0x16C80] =	vst v63  }
0x626: {  	v3 =	vld [tilespmem:$0xEC30];
	_ =	sdelay $0x4  }
0x627: {  	v4 =	vshll.u32 v3, $0x1  }
0x628: {  	v3 =	vand.u32 $0x7, v3;
	v4 =	vand.u32 $0xFFFFFFF0, v4  }
0x629: {  	v3 =	vor.u32 v3, v4  }
0x62a: {  	v4 =	vperm.xlane v3, v0;
	_ =	sdelay $0x1  }
0x62b: {  	v3 =	vperm.xlane v3, v2;
	v4 =	vadd.s32 v1, v4;
	_ =	sdelay $0x1  }
0x62c: {  	v3 =	vadd.s32 v1, v3;
	_ =	sdelay $0x1  }
0x62d: {  	s16 =	simm.s32 $0x11C80  }
0x62e: {  	[tilespmem:s16], [sflag:$0x1] =	stream.indirect_vreg.gather [hbm4b:s20+s1], $0x80, v4, vm0, $0xb8;
	[tilespmem:$0x16C80] =	vst v63  }
0x62f: {  	s15 =	simm.s32 $0x12480  }
0x630: {  	[tilespmem:s15], [sflag:$0x1] =	stream.indirect_vreg.gather [hbm4b:s20+s1], $0x80, v3, vm0, $0xb8;
	[tilespmem:$0x16C80] =	vst v63  }
0x631: {  	_ =	swait.ge [sflag:s6], $0x800  }
0x632: {  	[sflag:s6] =	ssyncset.done $0x0  }
0x633: {  	s16 =	rddreg [dreg:$0x16];
	[sflag:s6] =	ssyncadd.s32 $0xFFFFF800  }
0x634: {  	[tilespmem:s7], [sflag:$0x5] =	stream.strided.gather [hbm4b:s16+s28], $0x800, s29, s28, $0x38;
	[tilespmem:$0x16C80] =	vst v63  }
0x635: {  	_ =	swait.ge [sflag:s13], $0x4800  }
0x636: {  	[sflag:s13] =	ssyncset.done $0x0  }
0x637: {  	s15 =	simm.s32 $0x5000;
	[sflag:s13] =	ssyncadd.s32 $0xFFFFB800  }
0x638: {  	v3 =	vld [tilespmem:s15+$0x0];
	_ =	sdelay $0x7  }
0x639: {  	v4 =	vld.idx.msk [tilespmem:v3+s3+$0x0], $0xffff;
	_ =	sdelay $0x3  }
0x63a: {  	s8 =	sand.u32 $0x7F0, s1  }
0x63b: {  	[tilespmem:s8+$0xE000] =	vst v4  }
0x63c: {  	v4 =	vld.idx.msk [tilespmem:v3+s17+$0x0], $0xffff;
	_ =	sdelay $0x3  }
0x63d: {  	s16 =	simm.s32 $0xA000  }
0x63e: {  	[tilespmem:s16+$0x0] =	vst v4  }
0x63f: {  	v4 =	vld.idx.msk [tilespmem:v3+s18+$0x0], $0xffff;
	_ =	sdelay $0x4  }
0x640: {  	[tilespmem:s8+$0xA800] =	vst v4  }
0x641: {  	v4 =	vld.idx.msk [tilespmem:v3+s19+$0x0], $0xffff;
	_ =	sdelay $0x4  }
0x642: {  	[tilespmem:s8+$0xB000] =	vst v4  }
0x643: {  	v4 =	vld.idx.msk [tilespmem:v3+s22+$0x0], $0xffff;
	_ =	sdelay $0x4  }
0x644: {  	[tilespmem:s8+$0xB800] =	vst v4  }
0x645: {  	v4 =	vld.idx.msk [tilespmem:v3+s23+$0x0], $0xffff;
	_ =	sdelay $0x4  }
0x646: {  	[tilespmem:s8+$0xC000] =	vst v4  }
0x647: {  	v4 =	vld.idx.msk [tilespmem:v3+s24+$0x0], $0xffff;
	_ =	sdelay $0x4  }
0x648: {  	[tilespmem:s8+$0xC800] =	vst v4  }
0x649: {  	v4 =	vld.idx.msk [tilespmem:v3+s25+$0x0], $0xffff;
	_ =	sdelay $0x4  }
0x64a: {  	[tilespmem:s8+$0xD000] =	vst v4  }
0x64b: {  	s1 =	simm.s32 $0x10;
	v3 =	vld.idx.msk [tilespmem:v3+s26+$0x0], $0xffff  }
.LBB2_28:
0x64c: {  	_ =	sdelay $0x3  }
0x64d: {  	p0 =	sne.s32 s1, $0x7F0;
	s15 =	sadd.s32 $0x10, s15;
	s16 =	sadd.s32 $0x10, s16;
	[tilespmem:s8+$0xD800] =	vst v3  }
0x64e: {  	s8 =	smov.u32 s1;
	s1 =	sadd.s32 $0x10, s1;
	v3 =	vld [tilespmem:s15+$0x0];
	_ =	sdelay $0x7  }
0x64f: {  	v4 =	vld.idx.msk [tilespmem:v3+s3+$0x0], $0xffff;
	_ =	sdelay $0x4  }
0x650: {  	s8 =	sand.u32 $0x7F0, s8  }
0x651: {  	[tilespmem:s8+$0xE000] =	vst v4  }
0x652: {  	v4 =	vld.idx.msk [tilespmem:v3+s17+$0x0], $0xffff;
	_ =	sdelay $0x5  }
0x653: {  	[tilespmem:s16+$0x0] =	vst v4  }
0x654: {  	v4 =	vld.idx.msk [tilespmem:v3+s18+$0x0], $0xffff;
	_ =	sdelay $0x5  }
0x655: {  	[tilespmem:s8+$0xA800] =	vst v4  }
0x656: {  	v4 =	vld.idx.msk [tilespmem:v3+s19+$0x0], $0xffff;
	_ =	sdelay $0x5  }
0x657: {  	[tilespmem:s8+$0xB000] =	vst v4  }
0x658: {  	v4 =	vld.idx.msk [tilespmem:v3+s22+$0x0], $0xffff;
	_ =	sdelay $0x5  }
0x659: {  	[tilespmem:s8+$0xB800] =	vst v4  }
0x65a: {  	v4 =	vld.idx.msk [tilespmem:v3+s23+$0x0], $0xffff;
	_ =	sdelay $0x5  }
0x65b: {  	[tilespmem:s8+$0xC000] =	vst v4  }
0x65c: {  	v4 =	vld.idx.msk [tilespmem:v3+s24+$0x0], $0xffff;
	_ =	sdelay $0x5  }
0x65d: {  	[tilespmem:s8+$0xC800] =	vst v4  }
0x65e: {  	v4 =	vld.idx.msk [tilespmem:v3+s25+$0x0], $0xffff;
	_ =	sdelay $0x2  }
.Ltmp13:
0x65f: {  	(pc) =	sbr.rel @p0 .LBB2_28-.Ltmp13, $3  }
0x660: {  	_ =	sdelay $0x1  }
0x661: {  	[tilespmem:s8+$0xD000] =	vst v4  }
0x662: {  	v3 =	vld.idx.msk [tilespmem:v3+s26+$0x0], $0xffff  }
0x663: {  	_ =	sdelay $0x1  }
0x664: {  	s1 =	sld [smem:$0x7E3];
	_ =	sdelay $0x1  }
0x665: {  	s15 =	simm.s32 $0xA000;
	[tilespmem:s8+$0xD800] =	vst v3  }
0x666: {  	[hbm4b:s1+s28] =	stream.strided.scatter [tilespmem:s15], [sflag:$0x8], $0x4800, s29, s28, $0x38;
	[tilespmem:$0x16C80] =	vst v63  }
0x667: {  	_ =	swait.ge [sflag:s10], $0x4000  }
0x668: {  	s16 =	sld [smem:$0x7F1]  }
0x669: {  	[sflag:s10] =	ssyncset.done $0x0  }
0x66a: {  	s1 =	simm.s32 $0x0;
	[sflag:s10] =	ssyncadd.s32 $0xFFFFC000  }
0x66b: {  	[hbm4b:s16+s1] =	stream.linear.scatter [tilespmem:s9], [sflag:$0x4], $0x4000, $0x38;
	[tilespmem:$0x16C80] =	vst v63  }
0x66c: {  	_ =	swait.ge [sflag:s11], $0x4000  }
0x66d: {  	[sflag:s11] =	ssyncset.done $0x0  }
0x66e: {  	[sflag:s11] =	ssyncadd.s32 $0xFFFFC000  }
0x66f: {  	v3 =	vld [tilespmem:$0xEC00];
	_ =	sdelay $0x4  }
0x670: {  	v4 =	vshll.u32 v3, $0x1  }
0x671: {  	v3 =	vand.u32 $0x7, v3;
	v4 =	vand.u32 $0xFFFFFFF0, v4  }
0x672: {  	v3 =	vor.u32 v3, v4  }
0x673: {  	v4 =	vperm.xlane v3, v0;
	_ =	sdelay $0x1  }
0x674: {  	v3 =	vperm.xlane v3, v2;
	v4 =	vadd.s32 v1, v4;
	_ =	sdelay $0x1  }
0x675: {  	v3 =	vadd.s32 v1, v3;
	_ =	sdelay $0x2  }
0x676: {  	[tilespmem:s9], [sflag:$0x2] =	stream.indirect_vreg.gather [hbm4b:s21+s1], $0x80, v4, vm0, $0xb8;
	[tilespmem:$0x16C80] =	vst v63  }
0x677: {  	s15 =	simm.s32 $0x13480  }
0x678: {  	[tilespmem:s15], [sflag:$0x2] =	stream.indirect_vreg.gather [hbm4b:s21+s1], $0x80, v3, vm0, $0xb8;
	[tilespmem:$0x16C80] =	vst v63  }
0x679: {  	v3 =	vld [tilespmem:$0xEC10];
	_ =	sdelay $0x4  }
0x67a: {  	v4 =	vshll.u32 v3, $0x1  }
0x67b: {  	v3 =	vand.u32 $0x7, v3;
	v4 =	vand.u32 $0xFFFFFFF0, v4  }
0x67c: {  	v3 =	vor.u32 v3, v4  }
0x67d: {  	v4 =	vperm.xlane v3, v0;
	_ =	sdelay $0x1  }
0x67e: {  	v3 =	vperm.xlane v3, v2;
	v4 =	vadd.s32 v1, v4;
	_ =	sdelay $0x1  }
0x67f: {  	v3 =	vadd.s32 v1, v3;
	_ =	sdelay $0x1  }
0x680: {  	s16 =	simm.s32 $0x13C80  }
0x681: {  	[tilespmem:s16], [sflag:$0x2] =	stream.indirect_vreg.gather [hbm4b:s21+s1], $0x80, v4, vm0, $0xb8;
	[tilespmem:$0x16C80] =	vst v63  }
0x682: {  	s15 =	simm.s32 $0x14480  }
0x683: {  	[tilespmem:s15], [sflag:$0x2] =	stream.indirect_vreg.gather [hbm4b:s21+s1], $0x80, v3, vm0, $0xb8;
	[tilespmem:$0x16C80] =	vst v63  }
0x684: {  	v3 =	vld [tilespmem:$0xEC20];
	_ =	sdelay $0x4  }
0x685: {  	v4 =	vshll.u32 v3, $0x1  }
0x686: {  	v3 =	vand.u32 $0x7, v3;
	v4 =	vand.u32 $0xFFFFFFF0, v4  }
0x687: {  	v3 =	vor.u32 v3, v4  }
0x688: {  	v4 =	vperm.xlane v3, v0;
	_ =	sdelay $0x1  }
0x689: {  	v3 =	vperm.xlane v3, v2;
	v4 =	vadd.s32 v1, v4;
	_ =	sdelay $0x1  }
0x68a: {  	v3 =	vadd.s32 v1, v3;
	_ =	sdelay $0x1  }
0x68b: {  	s16 =	simm.s32 $0x14C80  }
0x68c: {  	[tilespmem:s16], [sflag:$0x2] =	stream.indirect_vreg.gather [hbm4b:s21+s1], $0x80, v4, vm0, $0xb8;
	[tilespmem:$0x16C80] =	vst v63  }
0x68d: {  	s15 =	simm.s32 $0x15480  }
0x68e: {  	[tilespmem:s15], [sflag:$0x2] =	stream.indirect_vreg.gather [hbm4b:s21+s1], $0x80, v3, vm0, $0xb8;
	[tilespmem:$0x16C80] =	vst v63  }
0x68f: {  	v3 =	vld [tilespmem:$0xEC30];
	_ =	sdelay $0x4  }
0x690: {  	v4 =	vshll.u32 v3, $0x1  }
0x691: {  	v3 =	vand.u32 $0x7, v3;
	v4 =	vand.u32 $0xFFFFFFF0, v4  }
0x692: {  	v3 =	vor.u32 v3, v4  }
0x693: {  	v4 =	vperm.xlane v3, v0;
	_ =	sdelay $0x1  }
0x694: {  	v3 =	vperm.xlane v3, v2;
	v4 =	vadd.s32 v1, v4;
	_ =	sdelay $0x1  }
0x695: {  	v3 =	vadd.s32 v1, v3;
	_ =	sdelay $0x1  }
0x696: {  	s16 =	simm.s32 $0x15C80  }
0x697: {  	[tilespmem:s16], [sflag:$0x2] =	stream.indirect_vreg.gather [hbm4b:s21+s1], $0x80, v4, vm0, $0xb8;
	[tilespmem:$0x16C80] =	vst v63  }
0x698: {  	s15 =	simm.s32 $0x16480  }
0x699: {  	[tilespmem:s15], [sflag:$0x2] =	stream.indirect_vreg.gather [hbm4b:s21+s1], $0x80, v3, vm0, $0xb8;
	[tilespmem:$0x16C80] =	vst v63  }
0x69a: {  	_ =	swait.ge [sflag:s30], $0x800  }
0x69b: {  	[sflag:s30] =	ssyncset.done $0x0  }
0x69c: {  	s15 =	simm.s32 $0x5000;
	s16 =	rddreg [dreg:$0x17];
	[sflag:s30] =	ssyncadd.s32 $0xFFFFF800  }
0x69d: {  	[tilespmem:s15], [sflag:$0x6] =	stream.strided.gather [hbm4b:s16+s28], $0x800, s29, s28, $0x38;
	[tilespmem:$0x16C80] =	vst v63  }
0x69e: {  	_ =	swait.ge [sflag:s12], $0x4800  }
0x69f: {  	[sflag:s12] =	ssyncset.done $0x0  }
0x6a0: {  	s15 =	simm.s32 $0x4800;
	[sflag:s12] =	ssyncadd.s32 $0xFFFFB800  }
0x6a1: {  	v3 =	vld [tilespmem:s15+$0x0];
	_ =	sdelay $0x7  }
0x6a2: {  	v4 =	vld.idx.msk [tilespmem:v3+s3+$0x0], $0xffff;
	_ =	sdelay $0x3  }
0x6a3: {  	s8 =	sand.u32 $0x7F0, s1  }
0x6a4: {  	[tilespmem:s8+$0x9800] =	vst v4  }
0x6a5: {  	v4 =	vld.idx.msk [tilespmem:v3+s17+$0x0], $0xffff;
	_ =	sdelay $0x3  }
0x6a6: {  	s16 =	simm.s32 $0x5800  }
0x6a7: {  	[tilespmem:s16+$0x0] =	vst v4  }
0x6a8: {  	v4 =	vld.idx.msk [tilespmem:v3+s18+$0x0], $0xffff;
	_ =	sdelay $0x4  }
0x6a9: {  	[tilespmem:s8+$0x6000] =	vst v4  }
0x6aa: {  	v4 =	vld.idx.msk [tilespmem:v3+s19+$0x0], $0xffff;
	_ =	sdelay $0x4  }
0x6ab: {  	[tilespmem:s8+$0x6800] =	vst v4  }
0x6ac: {  	v4 =	vld.idx.msk [tilespmem:v3+s22+$0x0], $0xffff;
	_ =	sdelay $0x4  }
0x6ad: {  	[tilespmem:s8+$0x7000] =	vst v4  }
0x6ae: {  	v4 =	vld.idx.msk [tilespmem:v3+s23+$0x0], $0xffff;
	_ =	sdelay $0x4  }
0x6af: {  	[tilespmem:s8+$0x7800] =	vst v4  }
0x6b0: {  	v4 =	vld.idx.msk [tilespmem:v3+s24+$0x0], $0xffff;
	_ =	sdelay $0x4  }
0x6b1: {  	[tilespmem:s8+$0x8000] =	vst v4  }
0x6b2: {  	v4 =	vld.idx.msk [tilespmem:v3+s25+$0x0], $0xffff;
	_ =	sdelay $0x4  }
0x6b3: {  	[tilespmem:s8+$0x8800] =	vst v4  }
0x6b4: {  	s1 =	simm.s32 $0x10;
	v3 =	vld.idx.msk [tilespmem:v3+s26+$0x0], $0xffff  }
.LBB2_30:
0x6b5: {  	_ =	sdelay $0x3  }
0x6b6: {  	p0 =	sne.s32 s1, $0x7F0;
	s15 =	sadd.s32 $0x10, s15;
	s16 =	sadd.s32 $0x10, s16;
	[tilespmem:s8+$0x9000] =	vst v3  }
0x6b7: {  	s8 =	smov.u32 s1;
	s1 =	sadd.s32 $0x10, s1;
	v3 =	vld [tilespmem:s15+$0x0];
	_ =	sdelay $0x7  }
0x6b8: {  	v4 =	vld.idx.msk [tilespmem:v3+s3+$0x0], $0xffff;
	_ =	sdelay $0x4  }
0x6b9: {  	s8 =	sand.u32 $0x7F0, s8  }
0x6ba: {  	[tilespmem:s8+$0x9800] =	vst v4  }
0x6bb: {  	v4 =	vld.idx.msk [tilespmem:v3+s17+$0x0], $0xffff;
	_ =	sdelay $0x5  }
0x6bc: {  	[tilespmem:s16+$0x0] =	vst v4  }
0x6bd: {  	v4 =	vld.idx.msk [tilespmem:v3+s18+$0x0], $0xffff;
	_ =	sdelay $0x5  }
0x6be: {  	[tilespmem:s8+$0x6000] =	vst v4  }
0x6bf: {  	v4 =	vld.idx.msk [tilespmem:v3+s19+$0x0], $0xffff;
	_ =	sdelay $0x5  }
0x6c0: {  	[tilespmem:s8+$0x6800] =	vst v4  }
0x6c1: {  	v4 =	vld.idx.msk [tilespmem:v3+s22+$0x0], $0xffff;
	_ =	sdelay $0x5  }
0x6c2: {  	[tilespmem:s8+$0x7000] =	vst v4  }
0x6c3: {  	v4 =	vld.idx.msk [tilespmem:v3+s23+$0x0], $0xffff;
	_ =	sdelay $0x5  }
0x6c4: {  	[tilespmem:s8+$0x7800] =	vst v4  }
0x6c5: {  	v4 =	vld.idx.msk [tilespmem:v3+s24+$0x0], $0xffff;
	_ =	sdelay $0x5  }
0x6c6: {  	[tilespmem:s8+$0x8000] =	vst v4  }
0x6c7: {  	v4 =	vld.idx.msk [tilespmem:v3+s25+$0x0], $0xffff;
	_ =	sdelay $0x2  }
.Ltmp14:
0x6c8: {  	(pc) =	sbr.rel @p0 .LBB2_30-.Ltmp14, $3  }
0x6c9: {  	_ =	sdelay $0x1  }
0x6ca: {  	[tilespmem:s8+$0x8800] =	vst v4  }
0x6cb: {  	v3 =	vld.idx.msk [tilespmem:v3+s26+$0x0], $0xffff  }
0x6cc: {  	_ =	sdelay $0x1  }
0x6cd: {  	s1 =	sld [smem:$0x7E4];
	_ =	sdelay $0x1  }
0x6ce: {  	[tilespmem:s8+$0x9000] =	vst v3  }
0x6cf: {  	[hbm4b:s1+s28] =	stream.strided.scatter [tilespmem:s2], [sflag:$0x7], $0x4800, s29, s28, $0x38;
	[tilespmem:$0x16C80] =	vst v63  }
0x6d0: {  	_ =	swait.ge [sflag:s4], $0x4000  }
0x6d1: {  	s16 =	sld [smem:$0x7F4]  }
0x6d2: {  	[sflag:s4] =	ssyncset.done $0x0  }
0x6d3: {  	s1 =	simm.s32 $0x0;
	[sflag:s4] =	ssyncadd.s32 $0xFFFFC000  }
0x6d4: {  	[hbm4b:s16+s1] =	stream.linear.scatter [tilespmem:s0], [sflag:$0x3], $0x4000, $0x38;
	[tilespmem:$0x16C80] =	vst v63  }
0x6d5: {  	_ =	swait.ge [sflag:s6], $0x800  }
0x6d6: {  	[sflag:s6] =	ssyncset.done $0x0  }
0x6d7: {  	[sflag:s6] =	ssyncadd.s32 $0xFFFFF800  }
0x6d8: {  	_ =	swait.ge [sflag:s13], $0x4800  }
0x6d9: {  	[sflag:s13] =	ssyncset.done $0x0  }
0x6da: {  	s15 =	simm.s32 $0x5000;
	[sflag:s13] =	ssyncadd.s32 $0xFFFFB800  }
0x6db: {  	v3 =	vld [tilespmem:s15+$0x0];
	_ =	sdelay $0x7  }
0x6dc: {  	v4 =	vld.idx.msk [tilespmem:v3+s3+$0x0], $0xffff;
	_ =	sdelay $0x3  }
0x6dd: {  	s8 =	sand.u32 $0x7F0, s1  }
0x6de: {  	[tilespmem:s8+$0xE000] =	vst v4  }
0x6df: {  	v4 =	vld.idx.msk [tilespmem:v3+s17+$0x0], $0xffff;
	_ =	sdelay $0x3  }
0x6e0: {  	s16 =	simm.s32 $0xA000  }
0x6e1: {  	[tilespmem:s16+$0x0] =	vst v4  }
0x6e2: {  	v4 =	vld.idx.msk [tilespmem:v3+s18+$0x0], $0xffff;
	_ =	sdelay $0x4  }
0x6e3: {  	[tilespmem:s8+$0xA800] =	vst v4  }
0x6e4: {  	v4 =	vld.idx.msk [tilespmem:v3+s19+$0x0], $0xffff;
	_ =	sdelay $0x4  }
0x6e5: {  	[tilespmem:s8+$0xB000] =	vst v4  }
0x6e6: {  	v4 =	vld.idx.msk [tilespmem:v3+s22+$0x0], $0xffff;
	_ =	sdelay $0x4  }
0x6e7: {  	[tilespmem:s8+$0xB800] =	vst v4  }
0x6e8: {  	v4 =	vld.idx.msk [tilespmem:v3+s23+$0x0], $0xffff;
	_ =	sdelay $0x4  }
0x6e9: {  	[tilespmem:s8+$0xC000] =	vst v4  }
0x6ea: {  	v4 =	vld.idx.msk [tilespmem:v3+s24+$0x0], $0xffff;
	_ =	sdelay $0x4  }
0x6eb: {  	[tilespmem:s8+$0xC800] =	vst v4  }
0x6ec: {  	v4 =	vld.idx.msk [tilespmem:v3+s25+$0x0], $0xffff;
	_ =	sdelay $0x4  }
0x6ed: {  	[tilespmem:s8+$0xD000] =	vst v4  }
0x6ee: {  	s1 =	simm.s32 $0x10;
	v3 =	vld.idx.msk [tilespmem:v3+s26+$0x0], $0xffff  }
.LBB2_32:
0x6ef: {  	_ =	sdelay $0x3  }
0x6f0: {  	p0 =	sne.s32 s1, $0x7F0;
	s15 =	sadd.s32 $0x10, s15;
	s16 =	sadd.s32 $0x10, s16;
	[tilespmem:s8+$0xD800] =	vst v3  }
0x6f1: {  	s8 =	smov.u32 s1;
	s1 =	sadd.s32 $0x10, s1;
	v3 =	vld [tilespmem:s15+$0x0];
	_ =	sdelay $0x7  }
0x6f2: {  	v4 =	vld.idx.msk [tilespmem:v3+s3+$0x0], $0xffff;
	_ =	sdelay $0x4  }
0x6f3: {  	s8 =	sand.u32 $0x7F0, s8  }
0x6f4: {  	[tilespmem:s8+$0xE000] =	vst v4  }
0x6f5: {  	v4 =	vld.idx.msk [tilespmem:v3+s17+$0x0], $0xffff;
	_ =	sdelay $0x5  }
0x6f6: {  	[tilespmem:s16+$0x0] =	vst v4  }
0x6f7: {  	v4 =	vld.idx.msk [tilespmem:v3+s18+$0x0], $0xffff;
	_ =	sdelay $0x5  }
0x6f8: {  	[tilespmem:s8+$0xA800] =	vst v4  }
0x6f9: {  	v4 =	vld.idx.msk [tilespmem:v3+s19+$0x0], $0xffff;
	_ =	sdelay $0x5  }
0x6fa: {  	[tilespmem:s8+$0xB000] =	vst v4  }
0x6fb: {  	v4 =	vld.idx.msk [tilespmem:v3+s22+$0x0], $0xffff;
	_ =	sdelay $0x5  }
0x6fc: {  	[tilespmem:s8+$0xB800] =	vst v4  }
0x6fd: {  	v4 =	vld.idx.msk [tilespmem:v3+s23+$0x0], $0xffff;
	_ =	sdelay $0x5  }
0x6fe: {  	[tilespmem:s8+$0xC000] =	vst v4  }
0x6ff: {  	v4 =	vld.idx.msk [tilespmem:v3+s24+$0x0], $0xffff;
	_ =	sdelay $0x5  }
0x700: {  	[tilespmem:s8+$0xC800] =	vst v4  }
0x701: {  	v4 =	vld.idx.msk [tilespmem:v3+s25+$0x0], $0xffff;
	_ =	sdelay $0x2  }
.Ltmp15:
0x702: {  	(pc) =	sbr.rel @p0 .LBB2_32-.Ltmp15, $3  }
0x703: {  	_ =	sdelay $0x1  }
0x704: {  	[tilespmem:s8+$0xD000] =	vst v4  }
0x705: {  	v3 =	vld.idx.msk [tilespmem:v3+s26+$0x0], $0xffff  }
0x706: {  	_ =	sdelay $0x1  }
0x707: {  	s1 =	sld [smem:$0x7E5];
	_ =	sdelay $0x1  }
0x708: {  	s16 =	simm.s32 $0xA000;
	[tilespmem:s8+$0xD800] =	vst v3  }
0x709: {  	[hbm4b:s1+s28] =	stream.strided.scatter [tilespmem:s16], [sflag:$0x8], $0x4800, s29, s28, $0x38;
	[tilespmem:$0x16C80] =	vst v63  }
0x70a: {  	_ =	swait.ge [sflag:s10], $0x4000  }
0x70b: {  	s15 =	sld [smem:$0x7F5]  }
0x70c: {  	[sflag:s10] =	ssyncset.done $0x0  }
0x70d: {  	[sflag:s10] =	ssyncadd.s32 $0xFFFFC000  }
0x70e: {  	[hbm4b:s15+s3] =	stream.linear.scatter [tilespmem:s9], [sflag:$0x4], $0x4000, $0x38;
	[tilespmem:$0x16C80] =	vst v63  }
0x70f: {  	_ =	swait.ge [sflag:s12], $0x4800  }
0x710: {  	[sflag:s12] =	ssyncset.done $0x0  }
0x711: {  	[sflag:s12] =	ssyncadd.s32 $0xFFFFB800  }
0x712: {  	_ =	swait.ge [sflag:s13], $0x4800  }
0x713: {  	[sflag:s13] =	ssyncset.done $0x0  }
0x714: {  	[sflag:s13] =	ssyncadd.s32 $0xFFFFB800  }
0x715: {  	_ =	swait.ge [sflag:s5], $0x4000  }
0x716: {  	[sflag:s5] =	ssyncset.done $0x0  }
0x717: {  	[sflag:s5] =	ssyncadd.s32 $0xFFFFC000  }
0x718: {  	_ =	swait.ge [sflag:s11], $0x4000  }
0x719: {  	s16 =	sld [smem:$0x7F6];
	_ =	sdelay $0x1  }
0x71a: {  	s14 =	sadd.s32 $0x1, s14  }
0x71b: {  	p0 =	sne.s32 s14, s16  }
.Ltmp16:
0x71c: {  	_ = 	snop;
	(pc) =	sbr.rel @p0 .LBB2_1-.Ltmp16, $3  }
0x71d: {  	_ =	sdelay $0x1  }
0x71e: {  	[sflag:s11] =	ssyncset.done $0x0  }
0x71f: {  	[sflag:s11] =	ssyncadd.s32 $0xFFFFC000  }
0x720: {  	_ =	sfence.sel $0x180000  }
0x721: {  	[bflag:$0x0] =	sbarrier.arrive $0xFFFF  }
0x722: {  	_ =	strace $0x90000047  }
0x723: {  	s0 =	stileid.u32;
	[bflag:$0x2] =	sbarrier.arrive $0xFFFF  }
0x724: {  	p0 =	sne.s32 s0, $0x0;
	s0 =	rddreg [dreg:$0x5]  }
0x725: {  	s0 =	sadd.s32 @!p0 $0x100000, s0  }
0x726: {  	[sflag:s0] =	ssyncadd.tile.s32 @!p0 $0x1;
	_ =	shalt  }
.Lfunc_end2:
_tile_overlayer_lowered:
.L_overlay_start_2:
0x727: {  	(tag) =	ssettag $0x2  }
0x728: {  	s0 =	rddreg [dreg:$0x0];
	s2 =	stileid.u32  }
0x729: {  	s1 =	rddreg [dreg:$0x1];
	p0 =	sne.s32 s2, $0x0  }
0x72a: {  	s3 =	rddreg [dreg:$0x2];
	[bflag:$0x3] =	sbarrier.arrive $0xFFFF;
	s2 =	simm.s32 @!p0 $0x1C09  }
0x72b: {  	[timem:s3], [sflag:s2] =	dma.local @!p0 [hbm:s0], s1  }
0x72c: {  	s0 =	simm.s32 @!p0 $0x9  }
0x72d: {  	_ =	swait.ge @!p0 [sflag:s0], s1  }
0x72e: {  	s1 =	ssub.s32 @!p0 $0x0, s1;
	[sflag:s0] =	ssyncset.done @!p0 $0x0  }
0x72f: {  	[sflag:s0] =	ssyncadd.s32 @!p0 s1  }
0x730: {  	[bflag:$0x3] =	sbarrier.arrive $0xFFFF  }
0x731: {  	_ =	shalt  }

</sc_bundles>
